<compile_context>
chip_gen: v7x
topology: tpu7x:2x2x1
jax: 0.10.2.dev20260603
libtpu: 0.0.44.dev20260713+nightly
codegen_flags: <defaults>
</compile_context>

<pallas_src>
import functools

import jax
import jax.numpy as jnp
from jax import lax
from jax.experimental import pallas as pl
from jax.experimental.pallas import tpu as pltpu
from jax.experimental.pallas import tpu_sc as plsc

Q = 1024
D = 128
KB = 2176
NPAD = 100096
NBLK = NPAD // KB
GSZ = 128
NG = NPAD // GSZ
GB = KB // GSZ
QB1 = 1024
QB2 = 128
TOPK = 10
R1 = (Q // 8) * NG * 8
BIGI = 2**30
NW = 32
QW = Q // NW
NR = QW * TOPK
INF = float("inf")


def _stage1(x_ref, ksq_ref, qsq_ref, kt_ref, dists_ref, gmin_ref):
    dot = lax.dot_general(x_ref[...], kt_ref[...],
                          (((1,), (1,)), ((), ())),
                          preferred_element_type=jnp.float32)
    dists = qsq_ref[...] - 2.0 * dot + ksq_ref[...]
    d3 = dists.reshape(QB1 // 8, 8, KB)
    for g in range(GB):
        dists_ref[:, g * 8:(g + 1) * 8, :] = d3[:, :, g * GSZ:(g + 1) * GSZ]
        gmin_ref[0, :, g:g + 1] = jnp.min(
            dists[:, g * GSZ:(g + 1) * GSZ], axis=1, keepdims=True)


def _stage2(gmin_ref, ridx_ref, kbase_ref):
    j = pl.program_id(0)
    c = gmin_ref[...]
    lane = lax.broadcasted_iota(jnp.int32, (QB2, NG), 1)
    qrow = lax.broadcasted_iota(jnp.int32, (QB2, 1), 0) + j * QB2
    rbase = (qrow // 8) * (NG * 8) + (qrow % 8)
    gs = []
    for _ in range(TOPK):
        m = jnp.min(c, axis=1, keepdims=True)
        pos = jnp.where(c == m, lane, BIGI)
        g = jnp.min(pos, axis=1, keepdims=True)
        gs.append(g)
        c = jnp.where(lane == g, jnp.inf, c)
    for r in range(TOPK):
        for i in range(r % 2, TOPK - 1, 2):
            a, b = gs[i], gs[i + 1]
            gs[i], gs[i + 1] = jnp.minimum(a, b), jnp.maximum(a, b)
    ridx_ref[...] = jnp.concatenate([rbase + g * 8 for g in gs], axis=1)
    kbase_ref[...] = jnp.concatenate([g * GSZ for g in gs], axis=1)


_GDN = lax.GatherDimensionNumbers(
    offset_dims=(), collapsed_slice_dims=(0,), start_index_map=(0,))


def _perm(v, idx):
    return lax.gather(v, idx[:, None], _GDN, (1,),
                      mode=lax.GatherScatterMode.PROMISE_IN_BOUNDS)


def _stage3(dists_ref, ridx_ref, kbase_ref, dpad_ref, ipad_ref,
            idx_v, kb_v, rows_v, dbuf, ibuf, sem):
    info = plsc.get_sparse_core_info()
    nc = info.num_cores
    wid = lax.axis_index("s") * nc + lax.axis_index("c")
    qlo = wid * QW

    pltpu.sync_copy(ridx_ref.at[pl.ds(qlo * TOPK, NR)], idx_v)
    pltpu.sync_copy(kbase_ref.at[pl.ds(qlo * TOPK, NR)], kb_v)
    copies = []
    for b in range(NR // 80):
        copies.append(pltpu.async_copy(
            dists_ref.at[idx_v.at[pl.ds(b * 80, 80)]],
            rows_v.at[pl.ds(b * 80, 80)], sem))
    for cp in copies:
        cp.wait()

    i16 = lax.broadcasted_iota(jnp.int32, (16,), 0)
    rots = [(i16 + sh) % 16 for sh in (8, 4, 2, 1)]
    lane_iotas = [i16 + u * 16 for u in range(8)]

    def mintree(v):
        for r in rots:
            v = jnp.minimum(v, _perm(v, r))
        return v

    def rowscan(row):
        v = rows_v[row, pl.ds(0, 16)]
        for u in range(1, 8):
            v = jnp.minimum(v, rows_v[row, pl.ds(u * 16, 16)])
        return mintree(v)

    def per_query(i, carry):
        base = i * TOPK
        rowmin = jnp.full((16,), INF, jnp.float32)
        for t in range(TOPK):
            rowmin = jnp.where(i16 == t, rowscan(base + t), rowmin)

        douts = jnp.full((16,), INF, jnp.float32)
        iouts = jnp.zeros((16,), jnp.int32)
        for t in range(TOPK):
            mvec = mintree(rowmin)
            rvec = mintree(jnp.where(rowmin == mvec, i16, 16))
            r = rvec[0]
            row = base + r
            pos = jnp.full((16,), 1024, jnp.int32)
            for u in range(8):
                vu = rows_v[row, pl.ds(u * 16, 16)]
                pos = jnp.minimum(
                    pos, jnp.where(vu == mvec, lane_iotas[u], 1024))
            p = mintree(pos)[0]
            kpos = i * TOPK + r
            kstart = (kpos // 16) * 16
            kvec = kb_v[pl.ds(kstart, 16)]
            kb = _perm(kvec, (i16 + (kpos - kstart)) % 16)[0]
            douts = jnp.where(i16 == t, mvec, douts)
            iouts = jnp.where(i16 == t, kb + p, iouts)
            u0 = (p // 16) * 16
            vold = rows_v[row, pl.ds(u0, 16)]
            vnew = jnp.where(i16 == p - u0, INF, vold)
            rows_v[row, pl.ds(u0, 16)] = vnew
            rowmin = jnp.where(i16 == rvec, rowscan(row), rowmin)
        dbuf[i, :] = douts
        ibuf[i, :] = iouts
        return carry

    lax.fori_loop(0, QW, per_query, 0)
    pltpu.sync_copy(dbuf, dpad_ref.at[pl.ds(qlo, QW)])
    pltpu.sync_copy(ibuf, ipad_ref.at[pl.ds(qlo, QW)])


def kernel(x, keys, k):
    n = keys.shape[0]
    q_sq = jnp.sum(x * x, axis=1, keepdims=True)
    k_sq = jnp.sum(keys * keys, axis=1)[None, :]
    k_sq = jnp.pad(k_sq, ((0, 0), (0, NPAD - n)), constant_values=1e30)
    keys_p = jnp.pad(keys, ((0, NPAD - n), (0, 0)))

    dists3, gmin3 = pl.pallas_call(
        _stage1,
        grid=(Q // QB1, NBLK),
        in_specs=[
            pl.BlockSpec((QB1, D), lambda q, j: (q, 0)),
            pl.BlockSpec((1, KB), lambda q, j: (0, j)),
            pl.BlockSpec((QB1, 1), lambda q, j: (q, 0)),
            pl.BlockSpec((KB, D), lambda q, j: (j, 0)),
        ],
        out_specs=[
            pl.BlockSpec((QB1 // 8, GB * 8, GSZ), lambda q, j: (q, j, 0)),
            pl.BlockSpec((1, QB1, GB), lambda q, j: (j, q, 0)),
        ],
        out_shape=[
            jax.ShapeDtypeStruct((Q // 8, NG * 8, GSZ), jnp.float32),
            jax.ShapeDtypeStruct((NBLK, Q, GB), jnp.float32),
        ],
        compiler_params=pltpu.CompilerParams(
            dimension_semantics=("parallel", "parallel"),
        ),
    )(x, k_sq, q_sq, keys_p)

    gmin = jnp.transpose(gmin3, (1, 0, 2)).reshape(Q, NG)

    ridx, kbase = pl.pallas_call(
        _stage2,
        grid=(Q // QB2,),
        in_specs=[pl.BlockSpec((QB2, NG), lambda j: (j, 0))],
        out_specs=[
            pl.BlockSpec((QB2, TOPK), lambda j: (j, 0)),
            pl.BlockSpec((QB2, TOPK), lambda j: (j, 0)),
        ],
        out_shape=[
            jax.ShapeDtypeStruct((Q, TOPK), jnp.int32),
            jax.ShapeDtypeStruct((Q, TOPK), jnp.int32),
        ],
        compiler_params=pltpu.CompilerParams(
            dimension_semantics=("arbitrary",),
        ),
    )(gmin)

    stage3 = functools.partial(
        pl.kernel,
        out_type=[
            jax.ShapeDtypeStruct((Q, 16), jnp.float32),
            jax.ShapeDtypeStruct((Q, 16), jnp.int32),
        ],
        mesh=plsc.VectorSubcoreMesh(core_axis_name="c", subcore_axis_name="s"),
        scratch_types=[
            pltpu.VMEM((NR,), jnp.int32),
            pltpu.VMEM((NR,), jnp.int32),
            pltpu.VMEM((NR, GSZ), jnp.float32),
            pltpu.VMEM((QW, 16), jnp.float32),
            pltpu.VMEM((QW, 16), jnp.int32),
            pltpu.SemaphoreType.DMA,
        ],
    )(_stage3)
    dpad, ipad = stage3(dists3.reshape(R1, GSZ),
                        ridx.reshape(Q * TOPK),
                        kbase.reshape(Q * TOPK))
    return (dpad[:, :TOPK], ipad[:, :TOPK])

# --- scband reference (transcript-rebuilt; emitter-appended) ---
"""Pipeline reference for scband-retriever-20263655703147 (READ-ONLY COPY).

The authoritative reference and input builder live on the scoring server;
editing this copy changes nothing except your own understanding.
"""

import jax, jax.numpy as jnp
import numpy as np


def setup_inputs(seed: int = 0) -> dict:
    key = jax.random.key(seed)
    k1, k2 = jax.random.split(key)
    x = jax.random.normal(k1, (1024, 128), dtype=jnp.float32)
    keys = jax.random.normal(k2, (100000, 128), dtype=jnp.float32)
    return {"x": x, "keys": keys, "k": 10}


def reference(x, keys, k):
    # Faithful translation of Retriever.forward with faiss IndexFlatL2 search.
    # BertQueryEncoder is external; queries `x` are the pre-encoded query
    # embeddings (xq). faiss IndexFlatL2.search(xq, k) returns the k smallest
    # squared-L2 distances D and their indices I over the stored embeddings.
    xq = x
    q_sq = jnp.sum(xq * xq, axis=1, keepdims=True)            # [Q, 1]
    k_sq = jnp.sum(keys * keys, axis=1)[None, :]              # [1, K]
    dists = q_sq - 2.0 * (xq @ keys.T) + k_sq                 # [Q, K] squared L2
    dists = dists + (k - k)
    neg_vals, I = jax.lax.top_k(-dists, 10)                   # k smallest distances
    D = -neg_vals
    return (D, I)

if __name__ == "__main__":
    import jax
    _d = setup_inputs()
    print(jax.jit(kernel)(*tuple(_d.values())))

</pallas_src>

<mosaic_0001>
#map = affine_map<(d0, d1) -> (0, 0)>
#map1 = affine_map<(d0, d1) -> (0)>
module attributes {stable_mosaic.version = 14 : i64} {
  func.func @_stage3(%arg0: i32, %arg1: i32, %arg2: memref<800768x128xf32, #tpu.memory_space<hbm>>, %arg3: memref<10240xi32, #tpu.memory_space<hbm>>, %arg4: memref<10240xi32, #tpu.memory_space<hbm>>, %arg5: memref<1024x16xf32, #tpu.memory_space<hbm>>, %arg6: memref<1024x16xi32, #tpu.memory_space<hbm>>, %arg7: memref<320xi32, #tpu.memory_space<vmem>>, %arg8: memref<320xi32, #tpu.memory_space<vmem>>, %arg9: memref<320x128xf32, #tpu.memory_space<vmem>>, %arg10: memref<32x16xf32, #tpu.memory_space<vmem>>, %arg11: memref<32x16xi32, #tpu.memory_space<vmem>>, %arg12: memref<!tpu.dma_semaphore, #tpu.memory_space<semaphore_mem>>) attributes {dimension_semantics = [#tpu.dimension_semantics<core_parallel>, #tpu.dimension_semantics<subcore_parallel>], iteration_bounds = array<i64: 2, 16>, scalar_prefetch = 0 : i64, scratch_operands = 6 : i64, tpu.core_type = #tpu.core_type<sc_vector_subcore>, window_params = [{transform_indices = #map}, {transform_indices = #map1}, {transform_indices = #map1}, {transform_indices = #map}, {transform_indices = #map}]} {
    %mul3A = arith.constant 2 : i32
    %mul3A_0 = arith.muli %arg1, %mul3A : i32
    %add3A = arith.addi %mul3A_0, %arg0 : i32
    %mul3A_1 = arith.constant 32 : i32
    %mul3A_2 = arith.muli %add3A, %mul3A_1 : i32
    %mul3A_3 = arith.constant 10 : i32
    %mul3A_4 = arith.muli %mul3A_2, %mul3A_3 : i32
    "tpu.region"() ({
      %run_scoped3A = tpu.sem_alloc : memref<!tpu.dma_semaphore, #tpu.memory_space<semaphore_mem>>
      %dma_start3A_191 = tpu.memref_slice %arg3[%mul3A_4] : memref<10240xi32, #tpu.memory_space<hbm>> -> memref<320xi32, #tpu.memory_space<hbm>>
      %dma_start3A_192 = tpu.memref_slice %arg3[%mul3A_4] : memref<10240xi32, #tpu.memory_space<hbm>> -> memref<320xi32, #tpu.memory_space<hbm>>
      tpu.enqueue_dma source(%dma_start3A_192 : memref<320xi32, #tpu.memory_space<hbm>>) target(%arg7 : memref<320xi32, #tpu.memory_space<vmem>>) target_semaphore(%run_scoped3A : memref<!tpu.dma_semaphore, #tpu.memory_space<semaphore_mem>>)
      %dma_wait3A_193 = tpu.memref_slice %arg3[%mul3A_4] : memref<10240xi32, #tpu.memory_space<hbm>> -> memref<320xi32, #tpu.memory_space<hbm>>
      %dma_wait3A_194 = tpu.memref_slice %arg3[%mul3A_4] : memref<10240xi32, #tpu.memory_space<hbm>> -> memref<320xi32, #tpu.memory_space<hbm>>
      tpu.wait_dma2 semaphore(%run_scoped3A : memref<!tpu.dma_semaphore, #tpu.memory_space<semaphore_mem>>) src(%dma_wait3A_194 : memref<320xi32, #tpu.memory_space<hbm>>) dst(%arg7 : memref<320xi32, #tpu.memory_space<vmem>>)
      tpu.yield
    }) : () -> ()
    %mul3A_5 = arith.constant 10 : i32
    %mul3A_6 = arith.muli %mul3A_2, %mul3A_5 : i32
    "tpu.region"() ({
      %run_scoped3A = tpu.sem_alloc : memref<!tpu.dma_semaphore, #tpu.memory_space<semaphore_mem>>
      %dma_start3A_191 = tpu.memref_slice %arg4[%mul3A_6] : memref<10240xi32, #tpu.memory_space<hbm>> -> memref<320xi32, #tpu.memory_space<hbm>>
      %dma_start3A_192 = tpu.memref_slice %arg4[%mul3A_6] : memref<10240xi32, #tpu.memory_space<hbm>> -> memref<320xi32, #tpu.memory_space<hbm>>
      tpu.enqueue_dma source(%dma_start3A_192 : memref<320xi32, #tpu.memory_space<hbm>>) target(%arg8 : memref<320xi32, #tpu.memory_space<vmem>>) target_semaphore(%run_scoped3A : memref<!tpu.dma_semaphore, #tpu.memory_space<semaphore_mem>>)
      %dma_wait3A_193 = tpu.memref_slice %arg4[%mul3A_6] : memref<10240xi32, #tpu.memory_space<hbm>> -> memref<320xi32, #tpu.memory_space<hbm>>
      %dma_wait3A_194 = tpu.memref_slice %arg4[%mul3A_6] : memref<10240xi32, #tpu.memory_space<hbm>> -> memref<320xi32, #tpu.memory_space<hbm>>
      tpu.wait_dma2 semaphore(%run_scoped3A : memref<!tpu.dma_semaphore, #tpu.memory_space<semaphore_mem>>) src(%dma_wait3A_194 : memref<320xi32, #tpu.memory_space<hbm>>) dst(%arg8 : memref<320xi32, #tpu.memory_space<vmem>>)
      tpu.yield
    }) : () -> ()
    %dma_start3A = arith.constant 0 : i32
    %dma_start3A_7 = arith.constant 0 : i32
    %dma_start3A_8 = tpu.memref_slice %arg9[%dma_start3A, %dma_start3A_7] : memref<320x128xf32, #tpu.memory_space<vmem>> -> memref<80x128xf32, #tpu.memory_space<vmem>>
    %dma_start3A_9 = arith.constant 0 : i32
    %dma_start3A_10 = tpu.memref_slice %arg7[%dma_start3A_9] : memref<320xi32, #tpu.memory_space<vmem>> -> memref<80xi32, #tpu.memory_space<vmem>>
    %dma_start3A_11 = arith.constant 0 : i32
    %dma_start3A_12 = arith.constant 0 : i32
    %dma_start3A_13 = tpu.memref_slice %arg2[%dma_start3A_11, %dma_start3A_12] : memref<800768x128xf32, #tpu.memory_space<hbm>> -> memref<800768x128xf32, #tpu.memory_space<hbm>>
    tpu.enqueue_indirect_dma source(%dma_start3A_13 : memref<800768x128xf32, #tpu.memory_space<hbm>>) target(%dma_start3A_8 : memref<80x128xf32, #tpu.memory_space<vmem>>) offsets(%dma_start3A_10 : memref<80xi32, #tpu.memory_space<vmem>>) semaphore(%arg12 : memref<!tpu.dma_semaphore, #tpu.memory_space<semaphore_mem>>)
    %dma_start3A_14 = arith.constant 80 : i32
    %dma_start3A_15 = arith.constant 0 : i32
    %dma_start3A_16 = tpu.memref_slice %arg9[%dma_start3A_14, %dma_start3A_15] : memref<320x128xf32, #tpu.memory_space<vmem>> -> memref<80x128xf32, #tpu.memory_space<vmem>>
    %dma_start3A_17 = arith.constant 80 : i32
    %dma_start3A_18 = tpu.memref_slice %arg7[%dma_start3A_17] : memref<320xi32, #tpu.memory_space<vmem>> -> memref<80xi32, #tpu.memory_space<vmem>>
    %dma_start3A_19 = arith.constant 0 : i32
    %dma_start3A_20 = arith.constant 0 : i32
    %dma_start3A_21 = tpu.memref_slice %arg2[%dma_start3A_19, %dma_start3A_20] : memref<800768x128xf32, #tpu.memory_space<hbm>> -> memref<800768x128xf32, #tpu.memory_space<hbm>>
    tpu.enqueue_indirect_dma source(%dma_start3A_21 : memref<800768x128xf32, #tpu.memory_space<hbm>>) target(%dma_start3A_16 : memref<80x128xf32, #tpu.memory_space<vmem>>) offsets(%dma_start3A_18 : memref<80xi32, #tpu.memory_space<vmem>>) semaphore(%arg12 : memref<!tpu.dma_semaphore, #tpu.memory_space<semaphore_mem>>)
    %dma_start3A_22 = arith.constant 160 : i32
    %dma_start3A_23 = arith.constant 0 : i32
    %dma_start3A_24 = tpu.memref_slice %arg9[%dma_start3A_22, %dma_start3A_23] : memref<320x128xf32, #tpu.memory_space<vmem>> -> memref<80x128xf32, #tpu.memory_space<vmem>>
    %dma_start3A_25 = arith.constant 160 : i32
    %dma_start3A_26 = tpu.memref_slice %arg7[%dma_start3A_25] : memref<320xi32, #tpu.memory_space<vmem>> -> memref<80xi32, #tpu.memory_space<vmem>>
    %dma_start3A_27 = arith.constant 0 : i32
    %dma_start3A_28 = arith.constant 0 : i32
    %dma_start3A_29 = tpu.memref_slice %arg2[%dma_start3A_27, %dma_start3A_28] : memref<800768x128xf32, #tpu.memory_space<hbm>> -> memref<800768x128xf32, #tpu.memory_space<hbm>>
    tpu.enqueue_indirect_dma source(%dma_start3A_29 : memref<800768x128xf32, #tpu.memory_space<hbm>>) target(%dma_start3A_24 : memref<80x128xf32, #tpu.memory_space<vmem>>) offsets(%dma_start3A_26 : memref<80xi32, #tpu.memory_space<vmem>>) semaphore(%arg12 : memref<!tpu.dma_semaphore, #tpu.memory_space<semaphore_mem>>)
    %dma_start3A_30 = arith.constant 240 : i32
    %dma_start3A_31 = arith.constant 0 : i32
    %dma_start3A_32 = tpu.memref_slice %arg9[%dma_start3A_30, %dma_start3A_31] : memref<320x128xf32, #tpu.memory_space<vmem>> -> memref<80x128xf32, #tpu.memory_space<vmem>>
    %dma_start3A_33 = arith.constant 240 : i32
    %dma_start3A_34 = tpu.memref_slice %arg7[%dma_start3A_33] : memref<320xi32, #tpu.memory_space<vmem>> -> memref<80xi32, #tpu.memory_space<vmem>>
    %dma_start3A_35 = arith.constant 0 : i32
    %dma_start3A_36 = arith.constant 0 : i32
    %dma_start3A_37 = tpu.memref_slice %arg2[%dma_start3A_35, %dma_start3A_36] : memref<800768x128xf32, #tpu.memory_space<hbm>> -> memref<800768x128xf32, #tpu.memory_space<hbm>>
    tpu.enqueue_indirect_dma source(%dma_start3A_37 : memref<800768x128xf32, #tpu.memory_space<hbm>>) target(%dma_start3A_32 : memref<80x128xf32, #tpu.memory_space<vmem>>) offsets(%dma_start3A_34 : memref<80xi32, #tpu.memory_space<vmem>>) semaphore(%arg12 : memref<!tpu.dma_semaphore, #tpu.memory_space<semaphore_mem>>)
    %dma_wait3A = arith.constant 0 : i32
    %dma_wait3A_38 = arith.constant 0 : i32
    %dma_wait3A_39 = tpu.memref_slice %arg9[%dma_wait3A, %dma_wait3A_38] : memref<320x128xf32, #tpu.memory_space<vmem>> -> memref<80x128xf32, #tpu.memory_space<vmem>>
    %dma_wait3A_40 = arith.constant 0 : i32
    %dma_wait3A_41 = tpu.memref_slice %arg7[%dma_wait3A_40] : memref<320xi32, #tpu.memory_space<vmem>> -> memref<80xi32, #tpu.memory_space<vmem>>
    %dma_wait3A_42 = arith.constant 0 : i32
    %dma_wait3A_43 = arith.constant 0 : i32
    %dma_wait3A_44 = tpu.memref_slice %arg2[%dma_wait3A_42, %dma_wait3A_43] : memref<800768x128xf32, #tpu.memory_space<hbm>> -> memref<800768x128xf32, #tpu.memory_space<hbm>>
    tpu.wait_indirect_dma semaphore(%arg12 : memref<!tpu.dma_semaphore, #tpu.memory_space<semaphore_mem>>) src(%dma_wait3A_44 : memref<800768x128xf32, #tpu.memory_space<hbm>>) dst(%dma_wait3A_39 : memref<80x128xf32, #tpu.memory_space<vmem>>)
    %dma_wait3A_45 = arith.constant 80 : i32
    %dma_wait3A_46 = arith.constant 0 : i32
    %dma_wait3A_47 = tpu.memref_slice %arg9[%dma_wait3A_45, %dma_wait3A_46] : memref<320x128xf32, #tpu.memory_space<vmem>> -> memref<80x128xf32, #tpu.memory_space<vmem>>
    %dma_wait3A_48 = arith.constant 80 : i32
    %dma_wait3A_49 = tpu.memref_slice %arg7[%dma_wait3A_48] : memref<320xi32, #tpu.memory_space<vmem>> -> memref<80xi32, #tpu.memory_space<vmem>>
    %dma_wait3A_50 = arith.constant 0 : i32
    %dma_wait3A_51 = arith.constant 0 : i32
    %dma_wait3A_52 = tpu.memref_slice %arg2[%dma_wait3A_50, %dma_wait3A_51] : memref<800768x128xf32, #tpu.memory_space<hbm>> -> memref<800768x128xf32, #tpu.memory_space<hbm>>
    tpu.wait_indirect_dma semaphore(%arg12 : memref<!tpu.dma_semaphore, #tpu.memory_space<semaphore_mem>>) src(%dma_wait3A_52 : memref<800768x128xf32, #tpu.memory_space<hbm>>) dst(%dma_wait3A_47 : memref<80x128xf32, #tpu.memory_space<vmem>>)
    %dma_wait3A_53 = arith.constant 160 : i32
    %dma_wait3A_54 = arith.constant 0 : i32
    %dma_wait3A_55 = tpu.memref_slice %arg9[%dma_wait3A_53, %dma_wait3A_54] : memref<320x128xf32, #tpu.memory_space<vmem>> -> memref<80x128xf32, #tpu.memory_space<vmem>>
    %dma_wait3A_56 = arith.constant 160 : i32
    %dma_wait3A_57 = tpu.memref_slice %arg7[%dma_wait3A_56] : memref<320xi32, #tpu.memory_space<vmem>> -> memref<80xi32, #tpu.memory_space<vmem>>
    %dma_wait3A_58 = arith.constant 0 : i32
    %dma_wait3A_59 = arith.constant 0 : i32
    %dma_wait3A_60 = tpu.memref_slice %arg2[%dma_wait3A_58, %dma_wait3A_59] : memref<800768x128xf32, #tpu.memory_space<hbm>> -> memref<800768x128xf32, #tpu.memory_space<hbm>>
    tpu.wait_indirect_dma semaphore(%arg12 : memref<!tpu.dma_semaphore, #tpu.memory_space<semaphore_mem>>) src(%dma_wait3A_60 : memref<800768x128xf32, #tpu.memory_space<hbm>>) dst(%dma_wait3A_55 : memref<80x128xf32, #tpu.memory_space<vmem>>)
    %dma_wait3A_61 = arith.constant 240 : i32
    %dma_wait3A_62 = arith.constant 0 : i32
    %dma_wait3A_63 = tpu.memref_slice %arg9[%dma_wait3A_61, %dma_wait3A_62] : memref<320x128xf32, #tpu.memory_space<vmem>> -> memref<80x128xf32, #tpu.memory_space<vmem>>
    %dma_wait3A_64 = arith.constant 240 : i32
    %dma_wait3A_65 = tpu.memref_slice %arg7[%dma_wait3A_64] : memref<320xi32, #tpu.memory_space<vmem>> -> memref<80xi32, #tpu.memory_space<vmem>>
    %dma_wait3A_66 = arith.constant 0 : i32
    %dma_wait3A_67 = arith.constant 0 : i32
    %dma_wait3A_68 = tpu.memref_slice %arg2[%dma_wait3A_66, %dma_wait3A_67] : memref<800768x128xf32, #tpu.memory_space<hbm>> -> memref<800768x128xf32, #tpu.memory_space<hbm>>
    tpu.wait_indirect_dma semaphore(%arg12 : memref<!tpu.dma_semaphore, #tpu.memory_space<semaphore_mem>>) src(%dma_wait3A_68 : memref<800768x128xf32, #tpu.memory_space<hbm>>) dst(%dma_wait3A_63 : memref<80x128xf32, #tpu.memory_space<vmem>>)
    %iota3A = tpu.iota {dimensions = array<i32: 0>} : vector<16xi32>
    %add3A_69 = arith.constant 8 : i32
    %add3A_70 = vector.broadcast %add3A_69 : i32 to vector<16xi32>
    %add3A_71 = arith.addi %iota3A, %add3A_70 : vector<16xi32>
    %jit3A = arith.constant 16 : i32
    %eq3A = arith.constant 0 : i32
    %eq3A_72 = arith.cmpi eq, %jit3A, %eq3A : i32
    %jit3A_73 = arith.constant 1 : i32
    %select_n3A = arith.select %eq3A_72, %jit3A_73, %jit3A : i32
    %rem3A = vector.broadcast %select_n3A : i32 to vector<16xi32>
    %rem3A_74 = arith.remsi %add3A_71, %rem3A : vector<16xi32>
    %ne3A = arith.constant 0 : i32
    %ne3A_75 = vector.broadcast %ne3A : i32 to vector<16xi32>
    %ne3A_76 = arith.cmpi ne, %rem3A_74, %ne3A_75 : vector<16xi32>
    %lt3A = arith.constant 0 : i32
    %lt3A_77 = vector.broadcast %lt3A : i32 to vector<16xi32>
    %lt3A_78 = arith.cmpi slt, %rem3A_74, %lt3A_77 : vector<16xi32>
    %lt3A_79 = arith.constant 0 : i32
    %lt3A_80 = arith.cmpi slt, %select_n3A, %lt3A_79 : i32
    %ne3A_81 = vector.broadcast %lt3A_80 : i1 to vector<16xi1>
    %ne3A_82 = vector.broadcast %ne3A_81 : vector<16xi1> to vector<16xi1>
    %ne3A_83 = arith.xori %lt3A_78, %ne3A_82 : vector<16xi1>
    %and3A = arith.andi %ne3A_83, %ne3A_76 : vector<16xi1>
    %add3A_84 = vector.broadcast %select_n3A : i32 to vector<16xi32>
    %add3A_85 = arith.addi %rem3A_74, %add3A_84 : vector<16xi32>
    %select_n3A_86 = arith.select %and3A, %add3A_85, %rem3A_74 : vector<16xi1>, vector<16xi32>
    %add3A_87 = arith.constant 4 : i32
    %add3A_88 = vector.broadcast %add3A_87 : i32 to vector<16xi32>
    %add3A_89 = arith.addi %iota3A, %add3A_88 : vector<16xi32>
    %jit3A_90 = arith.constant 16 : i32
    %eq3A_91 = arith.constant 0 : i32
    %eq3A_92 = arith.cmpi eq, %jit3A_90, %eq3A_91 : i32
    %jit3A_93 = arith.constant 1 : i32
    %select_n3A_94 = arith.select %eq3A_92, %jit3A_93, %jit3A_90 : i32
    %rem3A_95 = vector.broadcast %select_n3A_94 : i32 to vector<16xi32>
    %rem3A_96 = arith.remsi %add3A_89, %rem3A_95 : vector<16xi32>
    %ne3A_97 = arith.constant 0 : i32
    %ne3A_98 = vector.broadcast %ne3A_97 : i32 to vector<16xi32>
    %ne3A_99 = arith.cmpi ne, %rem3A_96, %ne3A_98 : vector<16xi32>
    %lt3A_100 = arith.constant 0 : i32
    %lt3A_101 = vector.broadcast %lt3A_100 : i32 to vector<16xi32>
    %lt3A_102 = arith.cmpi slt, %rem3A_96, %lt3A_101 : vector<16xi32>
    %lt3A_103 = arith.constant 0 : i32
    %lt3A_104 = arith.cmpi slt, %select_n3A_94, %lt3A_103 : i32
    %ne3A_105 = vector.broadcast %lt3A_104 : i1 to vector<16xi1>
    %ne3A_106 = vector.broadcast %ne3A_105 : vector<16xi1> to vector<16xi1>
    %ne3A_107 = arith.xori %lt3A_102, %ne3A_106 : vector<16xi1>
    %and3A_108 = arith.andi %ne3A_107, %ne3A_99 : vector<16xi1>
    %add3A_109 = vector.broadcast %select_n3A_94 : i32 to vector<16xi32>
    %add3A_110 = arith.addi %rem3A_96, %add3A_109 : vector<16xi32>
    %select_n3A_111 = arith.select %and3A_108, %add3A_110, %rem3A_96 : vector<16xi1>, vector<16xi32>
    %add3A_112 = arith.constant 2 : i32
    %add3A_113 = vector.broadcast %add3A_112 : i32 to vector<16xi32>
    %add3A_114 = arith.addi %iota3A, %add3A_113 : vector<16xi32>
    %jit3A_115 = arith.constant 16 : i32
    %eq3A_116 = arith.constant 0 : i32
    %eq3A_117 = arith.cmpi eq, %jit3A_115, %eq3A_116 : i32
    %jit3A_118 = arith.constant 1 : i32
    %select_n3A_119 = arith.select %eq3A_117, %jit3A_118, %jit3A_115 : i32
    %rem3A_120 = vector.broadcast %select_n3A_119 : i32 to vector<16xi32>
    %rem3A_121 = arith.remsi %add3A_114, %rem3A_120 : vector<16xi32>
    %ne3A_122 = arith.constant 0 : i32
    %ne3A_123 = vector.broadcast %ne3A_122 : i32 to vector<16xi32>
    %ne3A_124 = arith.cmpi ne, %rem3A_121, %ne3A_123 : vector<16xi32>
    %lt3A_125 = arith.constant 0 : i32
    %lt3A_126 = vector.broadcast %lt3A_125 : i32 to vector<16xi32>
    %lt3A_127 = arith.cmpi slt, %rem3A_121, %lt3A_126 : vector<16xi32>
    %lt3A_128 = arith.constant 0 : i32
    %lt3A_129 = arith.cmpi slt, %select_n3A_119, %lt3A_128 : i32
    %ne3A_130 = vector.broadcast %lt3A_129 : i1 to vector<16xi1>
    %ne3A_131 = vector.broadcast %ne3A_130 : vector<16xi1> to vector<16xi1>
    %ne3A_132 = arith.xori %lt3A_127, %ne3A_131 : vector<16xi1>
    %and3A_133 = arith.andi %ne3A_132, %ne3A_124 : vector<16xi1>
    %add3A_134 = vector.broadcast %select_n3A_119 : i32 to vector<16xi32>
    %add3A_135 = arith.addi %rem3A_121, %add3A_134 : vector<16xi32>
    %select_n3A_136 = arith.select %and3A_133, %add3A_135, %rem3A_121 : vector<16xi1>, vector<16xi32>
    %add3A_137 = arith.constant 1 : i32
    %add3A_138 = vector.broadcast %add3A_137 : i32 to vector<16xi32>
    %add3A_139 = arith.addi %iota3A, %add3A_138 : vector<16xi32>
    %jit3A_140 = arith.constant 16 : i32
    %eq3A_141 = arith.constant 0 : i32
    %eq3A_142 = arith.cmpi eq, %jit3A_140, %eq3A_141 : i32
    %jit3A_143 = arith.constant 1 : i32
    %select_n3A_144 = arith.select %eq3A_142, %jit3A_143, %jit3A_140 : i32
    %rem3A_145 = vector.broadcast %select_n3A_144 : i32 to vector<16xi32>
    %rem3A_146 = arith.remsi %add3A_139, %rem3A_145 : vector<16xi32>
    %ne3A_147 = arith.constant 0 : i32
    %ne3A_148 = vector.broadcast %ne3A_147 : i32 to vector<16xi32>
    %ne3A_149 = arith.cmpi ne, %rem3A_146, %ne3A_148 : vector<16xi32>
    %lt3A_150 = arith.constant 0 : i32
    %lt3A_151 = vector.broadcast %lt3A_150 : i32 to vector<16xi32>
    %lt3A_152 = arith.cmpi slt, %rem3A_146, %lt3A_151 : vector<16xi32>
    %lt3A_153 = arith.constant 0 : i32
    %lt3A_154 = arith.cmpi slt, %select_n3A_144, %lt3A_153 : i32
    %ne3A_155 = vector.broadcast %lt3A_154 : i1 to vector<16xi1>
    %ne3A_156 = vector.broadcast %ne3A_155 : vector<16xi1> to vector<16xi1>
    %ne3A_157 = arith.xori %lt3A_152, %ne3A_156 : vector<16xi1>
    %and3A_158 = arith.andi %ne3A_157, %ne3A_149 : vector<16xi1>
    %add3A_159 = vector.broadcast %select_n3A_144 : i32 to vector<16xi32>
    %add3A_160 = arith.addi %rem3A_146, %add3A_159 : vector<16xi32>
    %select_n3A_161 = arith.select %and3A_158, %add3A_160, %rem3A_146 : vector<16xi1>, vector<16xi32>
    %add3A_162 = arith.constant 0 : i32
    %add3A_163 = vector.broadcast %add3A_162 : i32 to vector<16xi32>
    %add3A_164 = arith.addi %iota3A, %add3A_163 : vector<16xi32>
    %add3A_165 = arith.constant 16 : i32
    %add3A_166 = vector.broadcast %add3A_165 : i32 to vector<16xi32>
    %add3A_167 = arith.addi %iota3A, %add3A_166 : vector<16xi32>
    %add3A_168 = arith.constant 32 : i32
    %add3A_169 = vector.broadcast %add3A_168 : i32 to vector<16xi32>
    %add3A_170 = arith.addi %iota3A, %add3A_169 : vector<16xi32>
    %add3A_171 = arith.constant 48 : i32
    %add3A_172 = vector.broadcast %add3A_171 : i32 to vector<16xi32>
    %add3A_173 = arith.addi %iota3A, %add3A_172 : vector<16xi32>
    %add3A_174 = arith.constant 64 : i32
    %add3A_175 = vector.broadcast %add3A_174 : i32 to vector<16xi32>
    %add3A_176 = arith.addi %iota3A, %add3A_175 : vector<16xi32>
    %add3A_177 = arith.constant 80 : i32
    %add3A_178 = vector.broadcast %add3A_177 : i32 to vector<16xi32>
    %add3A_179 = arith.addi %iota3A, %add3A_178 : vector<16xi32>
    %add3A_180 = arith.constant 96 : i32
    %add3A_181 = vector.broadcast %add3A_180 : i32 to vector<16xi32>
    %add3A_182 = arith.addi %iota3A, %add3A_181 : vector<16xi32>
    %add3A_183 = arith.constant 112 : i32
    %add3A_184 = vector.broadcast %add3A_183 : i32 to vector<16xi32>
    %add3A_185 = arith.addi %iota3A, %add3A_184 : vector<16xi32>
    %scan3A = arith.constant 0 : i32
    %scan3A_186 = arith.constant 0 : i32
    %scan3A_187 = arith.constant 32 : i32
    %scan3A_188 = arith.addi %scan3A_186, %scan3A_187 : i32
    %scan3A_189 = arith.constant 1 : i32
    scf.for %scan3A_191 = %scan3A_186 to %scan3A_188 step %scan3A_189  : i32 {
      %mul3A_192 = arith.constant 10 : i32
      %mul3A_193 = arith.muli %scan3A_191, %mul3A_192 : i32
      %broadcast_in_dim3A = arith.constant 0x7F800000 : f32
      %broadcast_in_dim3A_194 = vector.broadcast %broadcast_in_dim3A : f32 to vector<16xf32>
      %eq3A_195 = arith.constant 0 : i32
      %eq3A_196 = vector.broadcast %eq3A_195 : i32 to vector<16xi32>
      %eq3A_197 = arith.cmpi eq, %iota3A, %eq3A_196 : vector<16xi32>
      %add3A_198 = arith.constant 0 : i32
      %add3A_199 = arith.addi %mul3A_193, %add3A_198 : i32
      %get3A = arith.index_cast %add3A_199 : i32 to index
      %get3A_200 = arith.constant 0 : index
      %get3A_201 = tpu.vector_load %arg9[%get3A, %get3A_200] {strides = array<i32>} : memref<320x128xf32, #tpu.memory_space<vmem>>, vector<1x16xf32>,
      %get3A_202 = vector.shape_cast %get3A_201 : vector<1x16xf32> to vector<16xf32>
      %get3A_203 = arith.index_cast %add3A_199 : i32 to index
      %get3A_204 = arith.constant 16 : index
      %get3A_205 = tpu.vector_load %arg9[%get3A_203, %get3A_204] {strides = array<i32>} : memref<320x128xf32, #tpu.memory_space<vmem>>, vector<1x16xf32>,
      %get3A_206 = vector.shape_cast %get3A_205 : vector<1x16xf32> to vector<16xf32>
      %min3A = arith.minimumf %get3A_202, %get3A_206 : vector<16xf32>
      %get3A_207 = arith.index_cast %add3A_199 : i32 to index
      %get3A_208 = arith.constant 32 : index
      %get3A_209 = tpu.vector_load %arg9[%get3A_207, %get3A_208] {strides = array<i32>} : memref<320x128xf32, #tpu.memory_space<vmem>>, vector<1x16xf32>,
      %get3A_210 = vector.shape_cast %get3A_209 : vector<1x16xf32> to vector<16xf32>
      %min3A_211 = arith.minimumf %min3A, %get3A_210 : vector<16xf32>
      %get3A_212 = arith.index_cast %add3A_199 : i32 to index
      %get3A_213 = arith.constant 48 : index
      %get3A_214 = tpu.vector_load %arg9[%get3A_212, %get3A_213] {strides = array<i32>} : memref<320x128xf32, #tpu.memory_space<vmem>>, vector<1x16xf32>,
      %get3A_215 = vector.shape_cast %get3A_214 : vector<1x16xf32> to vector<16xf32>
      %min3A_216 = arith.minimumf %min3A_211, %get3A_215 : vector<16xf32>
      %get3A_217 = arith.index_cast %add3A_199 : i32 to index
      %get3A_218 = arith.constant 64 : index
      %get3A_219 = tpu.vector_load %arg9[%get3A_217, %get3A_218] {strides = array<i32>} : memref<320x128xf32, #tpu.memory_space<vmem>>, vector<1x16xf32>,
      %get3A_220 = vector.shape_cast %get3A_219 : vector<1x16xf32> to vector<16xf32>
      %min3A_221 = arith.minimumf %min3A_216, %get3A_220 : vector<16xf32>
      %get3A_222 = arith.index_cast %add3A_199 : i32 to index
      %get3A_223 = arith.constant 80 : index
      %get3A_224 = tpu.vector_load %arg9[%get3A_222, %get3A_223] {strides = array<i32>} : memref<320x128xf32, #tpu.memory_space<vmem>>, vector<1x16xf32>,
      %get3A_225 = vector.shape_cast %get3A_224 : vector<1x16xf32> to vector<16xf32>
      %min3A_226 = arith.minimumf %min3A_221, %get3A_225 : vector<16xf32>
      %get3A_227 = arith.index_cast %add3A_199 : i32 to index
      %get3A_228 = arith.constant 96 : index
      %get3A_229 = tpu.vector_load %arg9[%get3A_227, %get3A_228] {strides = array<i32>} : memref<320x128xf32, #tpu.memory_space<vmem>>, vector<1x16xf32>,
      %get3A_230 = vector.shape_cast %get3A_229 : vector<1x16xf32> to vector<16xf32>
      %min3A_231 = arith.minimumf %min3A_226, %get3A_230 : vector<16xf32>
      %get3A_232 = arith.index_cast %add3A_199 : i32 to index
      %get3A_233 = arith.constant 112 : index
      %get3A_234 = tpu.vector_load %arg9[%get3A_232, %get3A_233] {strides = array<i32>} : memref<320x128xf32, #tpu.memory_space<vmem>>, vector<1x16xf32>,
      %get3A_235 = vector.shape_cast %get3A_234 : vector<1x16xf32> to vector<16xf32>
      %min3A_236 = arith.minimumf %min3A_231, %get3A_235 : vector<16xf32>
      %broadcast_in_dim3A_237 = vector.shape_cast %select_n3A_86 : vector<16xi32> to vector<16x1xi32>
      %gather3A = vector.shape_cast %broadcast_in_dim3A_237 : vector<16x1xi32> to vector<16xi32>
      %gather3A_238 = tpu.dynamic_gather %min3A_236[%gather3A] in [0] : vector<16xf32>, vector<16xi32> -> vector<16xf32>
      %min3A_239 = arith.minimumf %min3A_236, %gather3A_238 : vector<16xf32>
      %broadcast_in_dim3A_240 = vector.shape_cast %select_n3A_111 : vector<16xi32> to vector<16x1xi32>
      %gather3A_241 = vector.shape_cast %broadcast_in_dim3A_240 : vector<16x1xi32> to vector<16xi32>
      %gather3A_242 = tpu.dynamic_gather %min3A_239[%gather3A_241] in [0] : vector<16xf32>, vector<16xi32> -> vector<16xf32>
      %min3A_243 = arith.minimumf %min3A_239, %gather3A_242 : vector<16xf32>
      %broadcast_in_dim3A_244 = vector.shape_cast %select_n3A_136 : vector<16xi32> to vector<16x1xi32>
      %gather3A_245 = vector.shape_cast %broadcast_in_dim3A_244 : vector<16x1xi32> to vector<16xi32>
      %gather3A_246 = tpu.dynamic_gather %min3A_243[%gather3A_245] in [0] : vector<16xf32>, vector<16xi32> -> vector<16xf32>
      %min3A_247 = arith.minimumf %min3A_243, %gather3A_246 : vector<16xf32>
      %broadcast_in_dim3A_248 = vector.shape_cast %select_n3A_161 : vector<16xi32> to vector<16x1xi32>
      %gather3A_249 = vector.shape_cast %broadcast_in_dim3A_248 : vector<16x1xi32> to vector<16xi32>
      %gather3A_250 = tpu.dynamic_gather %min3A_247[%gather3A_249] in [0] : vector<16xf32>, vector<16xi32> -> vector<16xf32>
      %min3A_251 = arith.minimumf %min3A_247, %gather3A_250 : vector<16xf32>
      %select_n3A_252 = arith.select %eq3A_197, %min3A_251, %broadcast_in_dim3A_194 : vector<16xi1>, vector<16xf32>
      %eq3A_253 = arith.constant 1 : i32
      %eq3A_254 = vector.broadcast %eq3A_253 : i32 to vector<16xi32>
      %eq3A_255 = arith.cmpi eq, %iota3A, %eq3A_254 : vector<16xi32>
      %add3A_256 = arith.constant 1 : i32
      %add3A_257 = arith.addi %mul3A_193, %add3A_256 : i32
      %get3A_258 = arith.index_cast %add3A_257 : i32 to index
      %get3A_259 = arith.constant 0 : index
      %get3A_260 = tpu.vector_load %arg9[%get3A_258, %get3A_259] {strides = array<i32>} : memref<320x128xf32, #tpu.memory_space<vmem>>, vector<1x16xf32>,
      %get3A_261 = vector.shape_cast %get3A_260 : vector<1x16xf32> to vector<16xf32>
      %get3A_262 = arith.index_cast %add3A_257 : i32 to index
      %get3A_263 = arith.constant 16 : index
      %get3A_264 = tpu.vector_load %arg9[%get3A_262, %get3A_263] {strides = array<i32>} : memref<320x128xf32, #tpu.memory_space<vmem>>, vector<1x16xf32>,
      %get3A_265 = vector.shape_cast %get3A_264 : vector<1x16xf32> to vector<16xf32>
      %min3A_266 = arith.minimumf %get3A_261, %get3A_265 : vector<16xf32>
      %get3A_267 = arith.index_cast %add3A_257 : i32 to index
      %get3A_268 = arith.constant 32 : index
      %get3A_269 = tpu.vector_load %arg9[%get3A_267, %get3A_268] {strides = array<i32>} : memref<320x128xf32, #tpu.memory_space<vmem>>, vector<1x16xf32>,
      %get3A_270 = vector.shape_cast %get3A_269 : vector<1x16xf32> to vector<16xf32>
      %min3A_271 = arith.minimumf %min3A_266, %get3A_270 : vector<16xf32>
      %get3A_272 = arith.index_cast %add3A_257 : i32 to index
      %get3A_273 = arith.constant 48 : index
      %get3A_274 = tpu.vector_load %arg9[%get3A_272, %get3A_273] {strides = array<i32>} : memref<320x128xf32, #tpu.memory_space<vmem>>, vector<1x16xf32>,
      %get3A_275 = vector.shape_cast %get3A_274 : vector<1x16xf32> to vector<16xf32>
      %min3A_276 = arith.minimumf %min3A_271, %get3A_275 : vector<16xf32>
      %get3A_277 = arith.index_cast %add3A_257 : i32 to index
      %get3A_278 = arith.constant 64 : index
      %get3A_279 = tpu.vector_load %arg9[%get3A_277, %get3A_278] {strides = array<i32>} : memref<320x128xf32, #tpu.memory_space<vmem>>, vector<1x16xf32>,
      %get3A_280 = vector.shape_cast %get3A_279 : vector<1x16xf32> to vector<16xf32>
      %min3A_281 = arith.minimumf %min3A_276, %get3A_280 : vector<16xf32>
      %get3A_282 = arith.index_cast %add3A_257 : i32 to index
      %get3A_283 = arith.constant 80 : index
      %get3A_284 = tpu.vector_load %arg9[%get3A_282, %get3A_283] {strides = array<i32>} : memref<320x128xf32, #tpu.memory_space<vmem>>, vector<1x16xf32>,
      %get3A_285 = vector.shape_cast %get3A_284 : vector<1x16xf32> to vector<16xf32>
      %min3A_286 = arith.minimumf %min3A_281, %get3A_285 : vector<16xf32>
      %get3A_287 = arith.index_cast %add3A_257 : i32 to index
      %get3A_288 = arith.constant 96 : index
      %get3A_289 = tpu.vector_load %arg9[%get3A_287, %get3A_288] {strides = array<i32>} : memref<320x128xf32, #tpu.memory_space<vmem>>, vector<1x16xf32>,
      %get3A_290 = vector.shape_cast %get3A_289 : vector<1x16xf32> to vector<16xf32>
      %min3A_291 = arith.minimumf %min3A_286, %get3A_290 : vector<16xf32>
      %get3A_292 = arith.index_cast %add3A_257 : i32 to index
      %get3A_293 = arith.constant 112 : index
      %get3A_294 = tpu.vector_load %arg9[%get3A_292, %get3A_293] {strides = array<i32>} : memref<320x128xf32, #tpu.memory_space<vmem>>, vector<1x16xf32>,
      %get3A_295 = vector.shape_cast %get3A_294 : vector<1x16xf32> to vector<16xf32>
      %min3A_296 = arith.minimumf %min3A_291, %get3A_295 : vector<16xf32>
      %broadcast_in_dim3A_297 = vector.shape_cast %select_n3A_86 : vector<16xi32> to vector<16x1xi32>
      %gather3A_298 = vector.shape_cast %broadcast_in_dim3A_297 : vector<16x1xi32> to vector<16xi32>
      %gather3A_299 = tpu.dynamic_gather %min3A_296[%gather3A_298] in [0] : vector<16xf32>, vector<16xi32> -> vector<16xf32>
      %min3A_300 = arith.minimumf %min3A_296, %gather3A_299 : vector<16xf32>
      %broadcast_in_dim3A_301 = vector.shape_cast %select_n3A_111 : vector<16xi32> to vector<16x1xi32>
      %gather3A_302 = vector.shape_cast %broadcast_in_dim3A_301 : vector<16x1xi32> to vector<16xi32>
      %gather3A_303 = tpu.dynamic_gather %min3A_300[%gather3A_302] in [0] : vector<16xf32>, vector<16xi32> -> vector<16xf32>
      %min3A_304 = arith.minimumf %min3A_300, %gather3A_303 : vector<16xf32>
      %broadcast_in_dim3A_305 = vector.shape_cast %select_n3A_136 : vector<16xi32> to vector<16x1xi32>
      %gather3A_306 = vector.shape_cast %broadcast_in_dim3A_305 : vector<16x1xi32> to vector<16xi32>
      %gather3A_307 = tpu.dynamic_gather %min3A_304[%gather3A_306] in [0] : vector<16xf32>, vector<16xi32> -> vector<16xf32>
      %min3A_308 = arith.minimumf %min3A_304, %gather3A_307 : vector<16xf32>
      %broadcast_in_dim3A_309 = vector.shape_cast %select_n3A_161 : vector<16xi32> to vector<16x1xi32>
      %gather3A_310 = vector.shape_cast %broadcast_in_dim3A_309 : vector<16x1xi32> to vector<16xi32>
      %gather3A_311 = tpu.dynamic_gather %min3A_308[%gather3A_310] in [0] : vector<16xf32>, vector<16xi32> -> vector<16xf32>
      %min3A_312 = arith.minimumf %min3A_308, %gather3A_311 : vector<16xf32>
      %select_n3A_313 = arith.select %eq3A_255, %min3A_312, %select_n3A_252 : vector<16xi1>, vector<16xf32>
      %eq3A_314 = arith.constant 2 : i32
      %eq3A_315 = vector.broadcast %eq3A_314 : i32 to vector<16xi32>
      %eq3A_316 = arith.cmpi eq, %iota3A, %eq3A_315 : vector<16xi32>
      %add3A_317 = arith.constant 2 : i32
      %add3A_318 = arith.addi %mul3A_193, %add3A_317 : i32
      %get3A_319 = arith.index_cast %add3A_318 : i32 to index
      %get3A_320 = arith.constant 0 : index
      %get3A_321 = tpu.vector_load %arg9[%get3A_319, %get3A_320] {strides = array<i32>} : memref<320x128xf32, #tpu.memory_space<vmem>>, vector<1x16xf32>,
      %get3A_322 = vector.shape_cast %get3A_321 : vector<1x16xf32> to vector<16xf32>
      %get3A_323 = arith.index_cast %add3A_318 : i32 to index
      %get3A_324 = arith.constant 16 : index
      %get3A_325 = tpu.vector_load %arg9[%get3A_323, %get3A_324] {strides = array<i32>} : memref<320x128xf32, #tpu.memory_space<vmem>>, vector<1x16xf32>,
      %get3A_326 = vector.shape_cast %get3A_325 : vector<1x16xf32> to vector<16xf32>
      %min3A_327 = arith.minimumf %get3A_322, %get3A_326 : vector<16xf32>
      %get3A_328 = arith.index_cast %add3A_318 : i32 to index
      %get3A_329 = arith.constant 32 : index
      %get3A_330 = tpu.vector_load %arg9[%get3A_328, %get3A_329] {strides = array<i32>} : memref<320x128xf32, #tpu.memory_space<vmem>>, vector<1x16xf32>,
      %get3A_331 = vector.shape_cast %get3A_330 : vector<1x16xf32> to vector<16xf32>
      %min3A_332 = arith.minimumf %min3A_327, %get3A_331 : vector<16xf32>
      %get3A_333 = arith.index_cast %add3A_318 : i32 to index
      %get3A_334 = arith.constant 48 : index
      %get3A_335 = tpu.vector_load %arg9[%get3A_333, %get3A_334] {strides = array<i32>} : memref<320x128xf32, #tpu.memory_space<vmem>>, vector<1x16xf32>,
      %get3A_336 = vector.shape_cast %get3A_335 : vector<1x16xf32> to vector<16xf32>
      %min3A_337 = arith.minimumf %min3A_332, %get3A_336 : vector<16xf32>
      %get3A_338 = arith.index_cast %add3A_318 : i32 to index
      %get3A_339 = arith.constant 64 : index
      %get3A_340 = tpu.vector_load %arg9[%get3A_338, %get3A_339] {strides = array<i32>} : memref<320x128xf32, #tpu.memory_space<vmem>>, vector<1x16xf32>,
      %get3A_341 = vector.shape_cast %get3A_340 : vector<1x16xf32> to vector<16xf32>
      %min3A_342 = arith.minimumf %min3A_337, %get3A_341 : vector<16xf32>
      %get3A_343 = arith.index_cast %add3A_318 : i32 to index
      %get3A_344 = arith.constant 80 : index
      %get3A_345 = tpu.vector_load %arg9[%get3A_343, %get3A_344] {strides = array<i32>} : memref<320x128xf32, #tpu.memory_space<vmem>>, vector<1x16xf32>,
      %get3A_346 = vector.shape_cast %get3A_345 : vector<1x16xf32> to vector<16xf32>
      %min3A_347 = arith.minimumf %min3A_342, %get3A_346 : vector<16xf32>
      %get3A_348 = arith.index_cast %add3A_318 : i32 to index
      %get3A_349 = arith.constant 96 : index
      %get3A_350 = tpu.vector_load %arg9[%get3A_348, %get3A_349] {strides = array<i32>} : memref<320x128xf32, #tpu.memory_space<vmem>>, vector<1x16xf32>,
      %get3A_351 = vector.shape_cast %get3A_350 : vector<1x16xf32> to vector<16xf32>
      %min3A_352 = arith.minimumf %min3A_347, %get3A_351 : vector<16xf32>
      %get3A_353 = arith.index_cast %add3A_318 : i32 to index
      %get3A_354 = arith.constant 112 : index
      %get3A_355 = tpu.vector_load %arg9[%get3A_353, %get3A_354] {strides = array<i32>} : memref<320x128xf32, #tpu.memory_space<vmem>>, vector<1x16xf32>,
      %get3A_356 = vector.shape_cast %get3A_355 : vector<1x16xf32> to vector<16xf32>
      %min3A_357 = arith.minimumf %min3A_352, %get3A_356 : vector<16xf32>
      %broadcast_in_dim3A_358 = vector.shape_cast %select_n3A_86 : vector<16xi32> to vector<16x1xi32>
      %gather3A_359 = vector.shape_cast %broadcast_in_dim3A_358 : vector<16x1xi32> to vector<16xi32>
      %gather3A_360 = tpu.dynamic_gather %min3A_357[%gather3A_359] in [0] : vector<16xf32>, vector<16xi32> -> vector<16xf32>
      %min3A_361 = arith.minimumf %min3A_357, %gather3A_360 : vector<16xf32>
      %broadcast_in_dim3A_362 = vector.shape_cast %select_n3A_111 : vector<16xi32> to vector<16x1xi32>
      %gather3A_363 = vector.shape_cast %broadcast_in_dim3A_362 : vector<16x1xi32> to vector<16xi32>
      %gather3A_364 = tpu.dynamic_gather %min3A_361[%gather3A_363] in [0] : vector<16xf32>, vector<16xi32> -> vector<16xf32>
      %min3A_365 = arith.minimumf %min3A_361, %gather3A_364 : vector<16xf32>
      %broadcast_in_dim3A_366 = vector.shape_cast %select_n3A_136 : vector<16xi32> to vector<16x1xi32>
      %gather3A_367 = vector.shape_cast %broadcast_in_dim3A_366 : vector<16x1xi32> to vector<16xi32>
      %gather3A_368 = tpu.dynamic_gather %min3A_365[%gather3A_367] in [0] : vector<16xf32>, vector<16xi32> -> vector<16xf32>
      %min3A_369 = arith.minimumf %min3A_365, %gather3A_368 : vector<16xf32>
      %broadcast_in_dim3A_370 = vector.shape_cast %select_n3A_161 : vector<16xi32> to vector<16x1xi32>
      %gather3A_371 = vector.shape_cast %broadcast_in_dim3A_370 : vector<16x1xi32> to vector<16xi32>
      %gather3A_372 = tpu.dynamic_gather %min3A_369[%gather3A_371] in [0] : vector<16xf32>, vector<16xi32> -> vector<16xf32>
      %min3A_373 = arith.minimumf %min3A_369, %gather3A_372 : vector<16xf32>
      %select_n3A_374 = arith.select %eq3A_316, %min3A_373, %select_n3A_313 : vector<16xi1>, vector<16xf32>
      %eq3A_375 = arith.constant 3 : i32
      %eq3A_376 = vector.broadcast %eq3A_375 : i32 to vector<16xi32>
      %eq3A_377 = arith.cmpi eq, %iota3A, %eq3A_376 : vector<16xi32>
      %add3A_378 = arith.constant 3 : i32
      %add3A_379 = arith.addi %mul3A_193, %add3A_378 : i32
      %get3A_380 = arith.index_cast %add3A_379 : i32 to index
      %get3A_381 = arith.constant 0 : index
      %get3A_382 = tpu.vector_load %arg9[%get3A_380, %get3A_381] {strides = array<i32>} : memref<320x128xf32, #tpu.memory_space<vmem>>, vector<1x16xf32>,
      %get3A_383 = vector.shape_cast %get3A_382 : vector<1x16xf32> to vector<16xf32>
      %get3A_384 = arith.index_cast %add3A_379 : i32 to index
      %get3A_385 = arith.constant 16 : index
      %get3A_386 = tpu.vector_load %arg9[%get3A_384, %get3A_385] {strides = array<i32>} : memref<320x128xf32, #tpu.memory_space<vmem>>, vector<1x16xf32>,
      %get3A_387 = vector.shape_cast %get3A_386 : vector<1x16xf32> to vector<16xf32>
      %min3A_388 = arith.minimumf %get3A_383, %get3A_387 : vector<16xf32>
      %get3A_389 = arith.index_cast %add3A_379 : i32 to index
      %get3A_390 = arith.constant 32 : index
      %get3A_391 = tpu.vector_load %arg9[%get3A_389, %get3A_390] {strides = array<i32>} : memref<320x128xf32, #tpu.memory_space<vmem>>, vector<1x16xf32>,
      %get3A_392 = vector.shape_cast %get3A_391 : vector<1x16xf32> to vector<16xf32>
      %min3A_393 = arith.minimumf %min3A_388, %get3A_392 : vector<16xf32>
      %get3A_394 = arith.index_cast %add3A_379 : i32 to index
      %get3A_395 = arith.constant 48 : index
      %get3A_396 = tpu.vector_load %arg9[%get3A_394, %get3A_395] {strides = array<i32>} : memref<320x128xf32, #tpu.memory_space<vmem>>, vector<1x16xf32>,
      %get3A_397 = vector.shape_cast %get3A_396 : vector<1x16xf32> to vector<16xf32>
      %min3A_398 = arith.minimumf %min3A_393, %get3A_397 : vector<16xf32>
      %get3A_399 = arith.index_cast %add3A_379 : i32 to index
      %get3A_400 = arith.constant 64 : index
      %get3A_401 = tpu.vector_load %arg9[%get3A_399, %get3A_400] {strides = array<i32>} : memref<320x128xf32, #tpu.memory_space<vmem>>, vector<1x16xf32>,
      %get3A_402 = vector.shape_cast %get3A_401 : vector<1x16xf32> to vector<16xf32>
      %min3A_403 = arith.minimumf %min3A_398, %get3A_402 : vector<16xf32>
      %get3A_404 = arith.index_cast %add3A_379 : i32 to index
      %get3A_405 = arith.constant 80 : index
      %get3A_406 = tpu.vector_load %arg9[%get3A_404, %get3A_405] {strides = array<i32>} : memref<320x128xf32, #tpu.memory_space<vmem>>, vector<1x16xf32>,
      %get3A_407 = vector.shape_cast %get3A_406 : vector<1x16xf32> to vector<16xf32>
      %min3A_408 = arith.minimumf %min3A_403, %get3A_407 : vector<16xf32>
      %get3A_409 = arith.index_cast %add3A_379 : i32 to index
      %get3A_410 = arith.constant 96 : index
      %get3A_411 = tpu.vector_load %arg9[%get3A_409, %get3A_410] {strides = array<i32>} : memref<320x128xf32, #tpu.memory_space<vmem>>, vector<1x16xf32>,
      %get3A_412 = vector.shape_cast %get3A_411 : vector<1x16xf32> to vector<16xf32>
      %min3A_413 = arith.minimumf %min3A_408, %get3A_412 : vector<16xf32>
      %get3A_414 = arith.index_cast %add3A_379 : i32 to index
      %get3A_415 = arith.constant 112 : index
      %get3A_416 = tpu.vector_load %arg9[%get3A_414, %get3A_415] {strides = array<i32>} : memref<320x128xf32, #tpu.memory_space<vmem>>, vector<1x16xf32>,
      %get3A_417 = vector.shape_cast %get3A_416 : vector<1x16xf32> to vector<16xf32>
      %min3A_418 = arith.minimumf %min3A_413, %get3A_417 : vector<16xf32>
      %broadcast_in_dim3A_419 = vector.shape_cast %select_n3A_86 : vector<16xi32> to vector<16x1xi32>
      %gather3A_420 = vector.shape_cast %broadcast_in_dim3A_419 : vector<16x1xi32> to vector<16xi32>
      %gather3A_421 = tpu.dynamic_gather %min3A_418[%gather3A_420] in [0] : vector<16xf32>, vector<16xi32> -> vector<16xf32>
      %min3A_422 = arith.minimumf %min3A_418, %gather3A_421 : vector<16xf32>
      %broadcast_in_dim3A_423 = vector.shape_cast %select_n3A_111 : vector<16xi32> to vector<16x1xi32>
      %gather3A_424 = vector.shape_cast %broadcast_in_dim3A_423 : vector<16x1xi32> to vector<16xi32>
      %gather3A_425 = tpu.dynamic_gather %min3A_422[%gather3A_424] in [0] : vector<16xf32>, vector<16xi32> -> vector<16xf32>
      %min3A_426 = arith.minimumf %min3A_422, %gather3A_425 : vector<16xf32>
      %broadcast_in_dim3A_427 = vector.shape_cast %select_n3A_136 : vector<16xi32> to vector<16x1xi32>
      %gather3A_428 = vector.shape_cast %broadcast_in_dim3A_427 : vector<16x1xi32> to vector<16xi32>
      %gather3A_429 = tpu.dynamic_gather %min3A_426[%gather3A_428] in [0] : vector<16xf32>, vector<16xi32> -> vector<16xf32>
      %min3A_430 = arith.minimumf %min3A_426, %gather3A_429 : vector<16xf32>
      %broadcast_in_dim3A_431 = vector.shape_cast %select_n3A_161 : vector<16xi32> to vector<16x1xi32>
      %gather3A_432 = vector.shape_cast %broadcast_in_dim3A_431 : vector<16x1xi32> to vector<16xi32>
      %gather3A_433 = tpu.dynamic_gather %min3A_430[%gather3A_432] in [0] : vector<16xf32>, vector<16xi32> -> vector<16xf32>
      %min3A_434 = arith.minimumf %min3A_430, %gather3A_433 : vector<16xf32>
      %select_n3A_435 = arith.select %eq3A_377, %min3A_434, %select_n3A_374 : vector<16xi1>, vector<16xf32>
      %eq3A_436 = arith.constant 4 : i32
      %eq3A_437 = vector.broadcast %eq3A_436 : i32 to vector<16xi32>
      %eq3A_438 = arith.cmpi eq, %iota3A, %eq3A_437 : vector<16xi32>
      %add3A_439 = arith.constant 4 : i32
      %add3A_440 = arith.addi %mul3A_193, %add3A_439 : i32
      %get3A_441 = arith.index_cast %add3A_440 : i32 to index
      %get3A_442 = arith.constant 0 : index
      %get3A_443 = tpu.vector_load %arg9[%get3A_441, %get3A_442] {strides = array<i32>} : memref<320x128xf32, #tpu.memory_space<vmem>>, vector<1x16xf32>,
      %get3A_444 = vector.shape_cast %get3A_443 : vector<1x16xf32> to vector<16xf32>
      %get3A_445 = arith.index_cast %add3A_440 : i32 to index
      %get3A_446 = arith.constant 16 : index
      %get3A_447 = tpu.vector_load %arg9[%get3A_445, %get3A_446] {strides = array<i32>} : memref<320x128xf32, #tpu.memory_space<vmem>>, vector<1x16xf32>,
      %get3A_448 = vector.shape_cast %get3A_447 : vector<1x16xf32> to vector<16xf32>
      %min3A_449 = arith.minimumf %get3A_444, %get3A_448 : vector<16xf32>
      %get3A_450 = arith.index_cast %add3A_440 : i32 to index
      %get3A_451 = arith.constant 32 : index
      %get3A_452 = tpu.vector_load %arg9[%get3A_450, %get3A_451] {strides = array<i32>} : memref<320x128xf32, #tpu.memory_space<vmem>>, vector<1x16xf32>,
      %get3A_453 = vector.shape_cast %get3A_452 : vector<1x16xf32> to vector<16xf32>
      %min3A_454 = arith.minimumf %min3A_449, %get3A_453 : vector<16xf32>
      %get3A_455 = arith.index_cast %add3A_440 : i32 to index
      %get3A_456 = arith.constant 48 : index
      %get3A_457 = tpu.vector_load %arg9[%get3A_455, %get3A_456] {strides = array<i32>} : memref<320x128xf32, #tpu.memory_space<vmem>>, vector<1x16xf32>,
      %get3A_458 = vector.shape_cast %get3A_457 : vector<1x16xf32> to vector<16xf32>
      %min3A_459 = arith.minimumf %min3A_454, %get3A_458 : vector<16xf32>
      %get3A_460 = arith.index_cast %add3A_440 : i32 to index
      %get3A_461 = arith.constant 64 : index
      %get3A_462 = tpu.vector_load %arg9[%get3A_460, %get3A_461] {strides = array<i32>} : memref<320x128xf32, #tpu.memory_space<vmem>>, vector<1x16xf32>,
      %get3A_463 = vector.shape_cast %get3A_462 : vector<1x16xf32> to vector<16xf32>
      %min3A_464 = arith.minimumf %min3A_459, %get3A_463 : vector<16xf32>
      %get3A_465 = arith.index_cast %add3A_440 : i32 to index
      %get3A_466 = arith.constant 80 : index
      %get3A_467 = tpu.vector_load %arg9[%get3A_465, %get3A_466] {strides = array<i32>} : memref<320x128xf32, #tpu.memory_space<vmem>>, vector<1x16xf32>,
      %get3A_468 = vector.shape_cast %get3A_467 : vector<1x16xf32> to vector<16xf32>
      %min3A_469 = arith.minimumf %min3A_464, %get3A_468 : vector<16xf32>
      %get3A_470 = arith.index_cast %add3A_440 : i32 to index
      %get3A_471 = arith.constant 96 : index
      %get3A_472 = tpu.vector_load %arg9[%get3A_470, %get3A_471] {strides = array<i32>} : memref<320x128xf32, #tpu.memory_space<vmem>>, vector<1x16xf32>,
      %get3A_473 = vector.shape_cast %get3A_472 : vector<1x16xf32> to vector<16xf32>
      %min3A_474 = arith.minimumf %min3A_469, %get3A_473 : vector<16xf32>
      %get3A_475 = arith.index_cast %add3A_440 : i32 to index
      %get3A_476 = arith.constant 112 : index
      %get3A_477 = tpu.vector_load %arg9[%get3A_475, %get3A_476] {strides = array<i32>} : memref<320x128xf32, #tpu.memory_space<vmem>>, vector<1x16xf32>,
      %get3A_478 = vector.shape_cast %get3A_477 : vector<1x16xf32> to vector<16xf32>
      %min3A_479 = arith.minimumf %min3A_474, %get3A_478 : vector<16xf32>
      %broadcast_in_dim3A_480 = vector.shape_cast %select_n3A_86 : vector<16xi32> to vector<16x1xi32>
      %gather3A_481 = vector.shape_cast %broadcast_in_dim3A_480 : vector<16x1xi32> to vector<16xi32>
      %gather3A_482 = tpu.dynamic_gather %min3A_479[%gather3A_481] in [0] : vector<16xf32>, vector<16xi32> -> vector<16xf32>
      %min3A_483 = arith.minimumf %min3A_479, %gather3A_482 : vector<16xf32>
      %broadcast_in_dim3A_484 = vector.shape_cast %select_n3A_111 : vector<16xi32> to vector<16x1xi32>
      %gather3A_485 = vector.shape_cast %broadcast_in_dim3A_484 : vector<16x1xi32> to vector<16xi32>
      %gather3A_486 = tpu.dynamic_gather %min3A_483[%gather3A_485] in [0] : vector<16xf32>, vector<16xi32> -> vector<16xf32>
      %min3A_487 = arith.minimumf %min3A_483, %gather3A_486 : vector<16xf32>
      %broadcast_in_dim3A_488 = vector.shape_cast %select_n3A_136 : vector<16xi32> to vector<16x1xi32>
      %gather3A_489 = vector.shape_cast %broadcast_in_dim3A_488 : vector<16x1xi32> to vector<16xi32>
      %gather3A_490 = tpu.dynamic_gather %min3A_487[%gather3A_489] in [0] : vector<16xf32>, vector<16xi32> -> vector<16xf32>
      %min3A_491 = arith.minimumf %min3A_487, %gather3A_490 : vector<16xf32>
      %broadcast_in_dim3A_492 = vector.shape_cast %select_n3A_161 : vector<16xi32> to vector<16x1xi32>
      %gather3A_493 = vector.shape_cast %broadcast_in_dim3A_492 : vector<16x1xi32> to vector<16xi32>
      %gather3A_494 = tpu.dynamic_gather %min3A_491[%gather3A_493] in [0] : vector<16xf32>, vector<16xi32> -> vector<16xf32>
      %min3A_495 = arith.minimumf %min3A_491, %gather3A_494 : vector<16xf32>
      %select_n3A_496 = arith.select %eq3A_438, %min3A_495, %select_n3A_435 : vector<16xi1>, vector<16xf32>
      %eq3A_497 = arith.constant 5 : i32
      %eq3A_498 = vector.broadcast %eq3A_497 : i32 to vector<16xi32>
      %eq3A_499 = arith.cmpi eq, %iota3A, %eq3A_498 : vector<16xi32>
      %add3A_500 = arith.constant 5 : i32
      %add3A_501 = arith.addi %mul3A_193, %add3A_500 : i32
      %get3A_502 = arith.index_cast %add3A_501 : i32 to index
      %get3A_503 = arith.constant 0 : index
      %get3A_504 = tpu.vector_load %arg9[%get3A_502, %get3A_503] {strides = array<i32>} : memref<320x128xf32, #tpu.memory_space<vmem>>, vector<1x16xf32>,
      %get3A_505 = vector.shape_cast %get3A_504 : vector<1x16xf32> to vector<16xf32>
      %get3A_506 = arith.index_cast %add3A_501 : i32 to index
      %get3A_507 = arith.constant 16 : index
      %get3A_508 = tpu.vector_load %arg9[%get3A_506, %get3A_507] {strides = array<i32>} : memref<320x128xf32, #tpu.memory_space<vmem>>, vector<1x16xf32>,
      %get3A_509 = vector.shape_cast %get3A_508 : vector<1x16xf32> to vector<16xf32>
      %min3A_510 = arith.minimumf %get3A_505, %get3A_509 : vector<16xf32>
      %get3A_511 = arith.index_cast %add3A_501 : i32 to index
      %get3A_512 = arith.constant 32 : index
      %get3A_513 = tpu.vector_load %arg9[%get3A_511, %get3A_512] {strides = array<i32>} : memref<320x128xf32, #tpu.memory_space<vmem>>, vector<1x16xf32>,
      %get3A_514 = vector.shape_cast %get3A_513 : vector<1x16xf32> to vector<16xf32>
      %min3A_515 = arith.minimumf %min3A_510, %get3A_514 : vector<16xf32>
      %get3A_516 = arith.index_cast %add3A_501 : i32 to index
      %get3A_517 = arith.constant 48 : index
      %get3A_518 = tpu.vector_load %arg9[%get3A_516, %get3A_517] {strides = array<i32>} : memref<320x128xf32, #tpu.memory_space<vmem>>, vector<1x16xf32>,
      %get3A_519 = vector.shape_cast %get3A_518 : vector<1x16xf32> to vector<16xf32>
      %min3A_520 = arith.minimumf %min3A_515, %get3A_519 : vector<16xf32>
      %get3A_521 = arith.index_cast %add3A_501 : i32 to index
      %get3A_522 = arith.constant 64 : index
      %get3A_523 = tpu.vector_load %arg9[%get3A_521, %get3A_522] {strides = array<i32>} : memref<320x128xf32, #tpu.memory_space<vmem>>, vector<1x16xf32>,
      %get3A_524 = vector.shape_cast %get3A_523 : vector<1x16xf32> to vector<16xf32>
      %min3A_525 = arith.minimumf %min3A_520, %get3A_524 : vector<16xf32>
      %get3A_526 = arith.index_cast %add3A_501 : i32 to index
      %get3A_527 = arith.constant 80 : index
      %get3A_528 = tpu.vector_load %arg9[%get3A_526, %get3A_527] {strides = array<i32>} : memref<320x128xf32, #tpu.memory_space<vmem>>, vector<1x16xf32>,
      %get3A_529 = vector.shape_cast %get3A_528 : vector<1x16xf32> to vector<16xf32>
      %min3A_530 = arith.minimumf %min3A_525, %get3A_529 : vector<16xf32>
      %get3A_531 = arith.index_cast %add3A_501 : i32 to index
      %get3A_532 = arith.constant 96 : index
      %get3A_533 = tpu.vector_load %arg9[%get3A_531, %get3A_532] {strides = array<i32>} : memref<320x128xf32, #tpu.memory_space<vmem>>, vector<1x16xf32>,
      %get3A_534 = vector.shape_cast %get3A_533 : vector<1x16xf32> to vector<16xf32>
      %min3A_535 = arith.minimumf %min3A_530, %get3A_534 : vector<16xf32>
      %get3A_536 = arith.index_cast %add3A_501 : i32 to index
      %get3A_537 = arith.constant 112 : index
      %get3A_538 = tpu.vector_load %arg9[%get3A_536, %get3A_537] {strides = array<i32>} : memref<320x128xf32, #tpu.memory_space<vmem>>, vector<1x16xf32>,
      %get3A_539 = vector.shape_cast %get3A_538 : vector<1x16xf32> to vector<16xf32>
      %min3A_540 = arith.minimumf %min3A_535, %get3A_539 : vector<16xf32>
      %broadcast_in_dim3A_541 = vector.shape_cast %select_n3A_86 : vector<16xi32> to vector<16x1xi32>
      %gather3A_542 = vector.shape_cast %broadcast_in_dim3A_541 : vector<16x1xi32> to vector<16xi32>
      %gather3A_543 = tpu.dynamic_gather %min3A_540[%gather3A_542] in [0] : vector<16xf32>, vector<16xi32> -> vector<16xf32>
      %min3A_544 = arith.minimumf %min3A_540, %gather3A_543 : vector<16xf32>
      %broadcast_in_dim3A_545 = vector.shape_cast %select_n3A_111 : vector<16xi32> to vector<16x1xi32>
      %gather3A_546 = vector.shape_cast %broadcast_in_dim3A_545 : vector<16x1xi32> to vector<16xi32>
      %gather3A_547 = tpu.dynamic_gather %min3A_544[%gather3A_546] in [0] : vector<16xf32>, vector<16xi32> -> vector<16xf32>
      %min3A_548 = arith.minimumf %min3A_544, %gather3A_547 : vector<16xf32>
      %broadcast_in_dim3A_549 = vector.shape_cast %select_n3A_136 : vector<16xi32> to vector<16x1xi32>
      %gather3A_550 = vector.shape_cast %broadcast_in_dim3A_549 : vector<16x1xi32> to vector<16xi32>
      %gather3A_551 = tpu.dynamic_gather %min3A_548[%gather3A_550] in [0] : vector<16xf32>, vector<16xi32> -> vector<16xf32>
      %min3A_552 = arith.minimumf %min3A_548, %gather3A_551 : vector<16xf32>
      %broadcast_in_dim3A_553 = vector.shape_cast %select_n3A_161 : vector<16xi32> to vector<16x1xi32>
      %gather3A_554 = vector.shape_cast %broadcast_in_dim3A_553 : vector<16x1xi32> to vector<16xi32>
      %gather3A_555 = tpu.dynamic_gather %min3A_552[%gather3A_554] in [0] : vector<16xf32>, vector<16xi32> -> vector<16xf32>
      %min3A_556 = arith.minimumf %min3A_552, %gather3A_555 : vector<16xf32>
      %select_n3A_557 = arith.select %eq3A_499, %min3A_556, %select_n3A_496 : vector<16xi1>, vector<16xf32>
      %eq3A_558 = arith.constant 6 : i32
      %eq3A_559 = vector.broadcast %eq3A_558 : i32 to vector<16xi32>
      %eq3A_560 = arith.cmpi eq, %iota3A, %eq3A_559 : vector<16xi32>
      %add3A_561 = arith.constant 6 : i32
      %add3A_562 = arith.addi %mul3A_193, %add3A_561 : i32
      %get3A_563 = arith.index_cast %add3A_562 : i32 to index
      %get3A_564 = arith.constant 0 : index
      %get3A_565 = tpu.vector_load %arg9[%get3A_563, %get3A_564] {strides = array<i32>} : memref<320x128xf32, #tpu.memory_space<vmem>>, vector<1x16xf32>,
      %get3A_566 = vector.shape_cast %get3A_565 : vector<1x16xf32> to vector<16xf32>
      %get3A_567 = arith.index_cast %add3A_562 : i32 to index
      %get3A_568 = arith.constant 16 : index
      %get3A_569 = tpu.vector_load %arg9[%get3A_567, %get3A_568] {strides = array<i32>} : memref<320x128xf32, #tpu.memory_space<vmem>>, vector<1x16xf32>,
      %get3A_570 = vector.shape_cast %get3A_569 : vector<1x16xf32> to vector<16xf32>
      %min3A_571 = arith.minimumf %get3A_566, %get3A_570 : vector<16xf32>
      %get3A_572 = arith.index_cast %add3A_562 : i32 to index
      %get3A_573 = arith.constant 32 : index
      %get3A_574 = tpu.vector_load %arg9[%get3A_572, %get3A_573] {strides = array<i32>} : memref<320x128xf32, #tpu.memory_space<vmem>>, vector<1x16xf32>,
      %get3A_575 = vector.shape_cast %get3A_574 : vector<1x16xf32> to vector<16xf32>
      %min3A_576 = arith.minimumf %min3A_571, %get3A_575 : vector<16xf32>
      %get3A_577 = arith.index_cast %add3A_562 : i32 to index
      %get3A_578 = arith.constant 48 : index
      %get3A_579 = tpu.vector_load %arg9[%get3A_577, %get3A_578] {strides = array<i32>} : memref<320x128xf32, #tpu.memory_space<vmem>>, vector<1x16xf32>,
      %get3A_580 = vector.shape_cast %get3A_579 : vector<1x16xf32> to vector<16xf32>
      %min3A_581 = arith.minimumf %min3A_576, %get3A_580 : vector<16xf32>
      %get3A_582 = arith.index_cast %add3A_562 : i32 to index
      %get3A_583 = arith.constant 64 : index
      %get3A_584 = tpu.vector_load %arg9[%get3A_582, %get3A_583] {strides = array<i32>} : memref<320x128xf32, #tpu.memory_space<vmem>>, vector<1x16xf32>,
      %get3A_585 = vector.shape_cast %get3A_584 : vector<1x16xf32> to vector<16xf32>
      %min3A_586 = arith.minimumf %min3A_581, %get3A_585 : vector<16xf32>
      %get3A_587 = arith.index_cast %add3A_562 : i32 to index
      %get3A_588 = arith.constant 80 : index
      %get3A_589 = tpu.vector_load %arg9[%get3A_587, %get3A_588] {strides = array<i32>} : memref<320x128xf32, #tpu.memory_space<vmem>>, vector<1x16xf32>,
      %get3A_590 = vector.shape_cast %get3A_589 : vector<1x16xf32> to vector<16xf32>
      %min3A_591 = arith.minimumf %min3A_586, %get3A_590 : vector<16xf32>
      %get3A_592 = arith.index_cast %add3A_562 : i32 to index
      %get3A_593 = arith.constant 96 : index
      %get3A_594 = tpu.vector_load %arg9[%get3A_592, %get3A_593] {strides = array<i32>} : memref<320x128xf32, #tpu.memory_space<vmem>>, vector<1x16xf32>,
      %get3A_595 = vector.shape_cast %get3A_594 : vector<1x16xf32> to vector<16xf32>
      %min3A_596 = arith.minimumf %min3A_591, %get3A_595 : vector<16xf32>
      %get3A_597 = arith.index_cast %add3A_562 : i32 to index
      %get3A_598 = arith.constant 112 : index
      %get3A_599 = tpu.vector_load %arg9[%get3A_597, %get3A_598] {strides = array<i32>} : memref<320x128xf32, #tpu.memory_space<vmem>>, vector<1x16xf32>,
      %get3A_600 = vector.shape_cast %get3A_599 : vector<1x16xf32> to vector<16xf32>
      %min3A_601 = arith.minimumf %min3A_596, %get3A_600 : vector<16xf32>
      %broadcast_in_dim3A_602 = vector.shape_cast %select_n3A_86 : vector<16xi32> to vector<16x1xi32>
      %gather3A_603 = vector.shape_cast %broadcast_in_dim3A_602 : vector<16x1xi32> to vector<16xi32>
      %gather3A_604 = tpu.dynamic_gather %min3A_601[%gather3A_603] in [0] : vector<16xf32>, vector<16xi32> -> vector<16xf32>
      %min3A_605 = arith.minimumf %min3A_601, %gather3A_604 : vector<16xf32>
      %broadcast_in_dim3A_606 = vector.shape_cast %select_n3A_111 : vector<16xi32> to vector<16x1xi32>
      %gather3A_607 = vector.shape_cast %broadcast_in_dim3A_606 : vector<16x1xi32> to vector<16xi32>
      %gather3A_608 = tpu.dynamic_gather %min3A_605[%gather3A_607] in [0] : vector<16xf32>, vector<16xi32> -> vector<16xf32>
      %min3A_609 = arith.minimumf %min3A_605, %gather3A_608 : vector<16xf32>
      %broadcast_in_dim3A_610 = vector.shape_cast %select_n3A_136 : vector<16xi32> to vector<16x1xi32>
      %gather3A_611 = vector.shape_cast %broadcast_in_dim3A_610 : vector<16x1xi32> to vector<16xi32>
      %gather3A_612 = tpu.dynamic_gather %min3A_609[%gather3A_611] in [0] : vector<16xf32>, vector<16xi32> -> vector<16xf32>
      %min3A_613 = arith.minimumf %min3A_609, %gather3A_612 : vector<16xf32>
      %broadcast_in_dim3A_614 = vector.shape_cast %select_n3A_161 : vector<16xi32> to vector<16x1xi32>
      %gather3A_615 = vector.shape_cast %broadcast_in_dim3A_614 : vector<16x1xi32> to vector<16xi32>
      %gather3A_616 = tpu.dynamic_gather %min3A_613[%gather3A_615] in [0] : vector<16xf32>, vector<16xi32> -> vector<16xf32>
      %min3A_617 = arith.minimumf %min3A_613, %gather3A_616 : vector<16xf32>
      %select_n3A_618 = arith.select %eq3A_560, %min3A_617, %select_n3A_557 : vector<16xi1>, vector<16xf32>
      %eq3A_619 = arith.constant 7 : i32
      %eq3A_620 = vector.broadcast %eq3A_619 : i32 to vector<16xi32>
      %eq3A_621 = arith.cmpi eq, %iota3A, %eq3A_620 : vector<16xi32>
      %add3A_622 = arith.constant 7 : i32
      %add3A_623 = arith.addi %mul3A_193, %add3A_622 : i32
      %get3A_624 = arith.index_cast %add3A_623 : i32 to index
      %get3A_625 = arith.constant 0 : index
      %get3A_626 = tpu.vector_load %arg9[%get3A_624, %get3A_625] {strides = array<i32>} : memref<320x128xf32, #tpu.memory_space<vmem>>, vector<1x16xf32>,
      %get3A_627 = vector.shape_cast %get3A_626 : vector<1x16xf32> to vector<16xf32>
      %get3A_628 = arith.index_cast %add3A_623 : i32 to index
      %get3A_629 = arith.constant 16 : index
      %get3A_630 = tpu.vector_load %arg9[%get3A_628, %get3A_629] {strides = array<i32>} : memref<320x128xf32, #tpu.memory_space<vmem>>, vector<1x16xf32>,
      %get3A_631 = vector.shape_cast %get3A_630 : vector<1x16xf32> to vector<16xf32>
      %min3A_632 = arith.minimumf %get3A_627, %get3A_631 : vector<16xf32>
      %get3A_633 = arith.index_cast %add3A_623 : i32 to index
      %get3A_634 = arith.constant 32 : index
      %get3A_635 = tpu.vector_load %arg9[%get3A_633, %get3A_634] {strides = array<i32>} : memref<320x128xf32, #tpu.memory_space<vmem>>, vector<1x16xf32>,
      %get3A_636 = vector.shape_cast %get3A_635 : vector<1x16xf32> to vector<16xf32>
      %min3A_637 = arith.minimumf %min3A_632, %get3A_636 : vector<16xf32>
      %get3A_638 = arith.index_cast %add3A_623 : i32 to index
      %get3A_639 = arith.constant 48 : index
      %get3A_640 = tpu.vector_load %arg9[%get3A_638, %get3A_639] {strides = array<i32>} : memref<320x128xf32, #tpu.memory_space<vmem>>, vector<1x16xf32>,
      %get3A_641 = vector.shape_cast %get3A_640 : vector<1x16xf32> to vector<16xf32>
      %min3A_642 = arith.minimumf %min3A_637, %get3A_641 : vector<16xf32>
      %get3A_643 = arith.index_cast %add3A_623 : i32 to index
      %get3A_644 = arith.constant 64 : index
      %get3A_645 = tpu.vector_load %arg9[%get3A_643, %get3A_644] {strides = array<i32>} : memref<320x128xf32, #tpu.memory_space<vmem>>, vector<1x16xf32>,
      %get3A_646 = vector.shape_cast %get3A_645 : vector<1x16xf32> to vector<16xf32>
      %min3A_647 = arith.minimumf %min3A_642, %get3A_646 : vector<16xf32>
      %get3A_648 = arith.index_cast %add3A_623 : i32 to index
      %get3A_649 = arith.constant 80 : index
      %get3A_650 = tpu.vector_load %arg9[%get3A_648, %get3A_649] {strides = array<i32>} : memref<320x128xf32, #tpu.memory_space<vmem>>, vector<1x16xf32>,
      %get3A_651 = vector.shape_cast %get3A_650 : vector<1x16xf32> to vector<16xf32>
      %min3A_652 = arith.minimumf %min3A_647, %get3A_651 : vector<16xf32>
      %get3A_653 = arith.index_cast %add3A_623 : i32 to index
      %get3A_654 = arith.constant 96 : index
      %get3A_655 = tpu.vector_load %arg9[%get3A_653, %get3A_654] {strides = array<i32>} : memref<320x128xf32, #tpu.memory_space<vmem>>, vector<1x16xf32>,
      %get3A_656 = vector.shape_cast %get3A_655 : vector<1x16xf32> to vector<16xf32>
      %min3A_657 = arith.minimumf %min3A_652, %get3A_656 : vector<16xf32>
      %get3A_658 = arith.index_cast %add3A_623 : i32 to index
      %get3A_659 = arith.constant 112 : index
      %get3A_660 = tpu.vector_load %arg9[%get3A_658, %get3A_659] {strides = array<i32>} : memref<320x128xf32, #tpu.memory_space<vmem>>, vector<1x16xf32>,
      %get3A_661 = vector.shape_cast %get3A_660 : vector<1x16xf32> to vector<16xf32>
      %min3A_662 = arith.minimumf %min3A_657, %get3A_661 : vector<16xf32>
      %broadcast_in_dim3A_663 = vector.shape_cast %select_n3A_86 : vector<16xi32> to vector<16x1xi32>
      %gather3A_664 = vector.shape_cast %broadcast_in_dim3A_663 : vector<16x1xi32> to vector<16xi32>
      %gather3A_665 = tpu.dynamic_gather %min3A_662[%gather3A_664] in [0] : vector<16xf32>, vector<16xi32> -> vector<16xf32>
      %min3A_666 = arith.minimumf %min3A_662, %gather3A_665 : vector<16xf32>
      %broadcast_in_dim3A_667 = vector.shape_cast %select_n3A_111 : vector<16xi32> to vector<16x1xi32>
      %gather3A_668 = vector.shape_cast %broadcast_in_dim3A_667 : vector<16x1xi32> to vector<16xi32>
      %gather3A_669 = tpu.dynamic_gather %min3A_666[%gather3A_668] in [0] : vector<16xf32>, vector<16xi32> -> vector<16xf32>
      %min3A_670 = arith.minimumf %min3A_666, %gather3A_669 : vector<16xf32>
      %broadcast_in_dim3A_671 = vector.shape_cast %select_n3A_136 : vector<16xi32> to vector<16x1xi32>
      %gather3A_672 = vector.shape_cast %broadcast_in_dim3A_671 : vector<16x1xi32> to vector<16xi32>
      %gather3A_673 = tpu.dynamic_gather %min3A_670[%gather3A_672] in [0] : vector<16xf32>, vector<16xi32> -> vector<16xf32>
      %min3A_674 = arith.minimumf %min3A_670, %gather3A_673 : vector<16xf32>
      %broadcast_in_dim3A_675 = vector.shape_cast %select_n3A_161 : vector<16xi32> to vector<16x1xi32>
      %gather3A_676 = vector.shape_cast %broadcast_in_dim3A_675 : vector<16x1xi32> to vector<16xi32>
      %gather3A_677 = tpu.dynamic_gather %min3A_674[%gather3A_676] in [0] : vector<16xf32>, vector<16xi32> -> vector<16xf32>
      %min3A_678 = arith.minimumf %min3A_674, %gather3A_677 : vector<16xf32>
      %select_n3A_679 = arith.select %eq3A_621, %min3A_678, %select_n3A_618 : vector<16xi1>, vector<16xf32>
      %eq3A_680 = arith.constant 8 : i32
      %eq3A_681 = vector.broadcast %eq3A_680 : i32 to vector<16xi32>
      %eq3A_682 = arith.cmpi eq, %iota3A, %eq3A_681 : vector<16xi32>
      %add3A_683 = arith.constant 8 : i32
      %add3A_684 = arith.addi %mul3A_193, %add3A_683 : i32
      %get3A_685 = arith.index_cast %add3A_684 : i32 to index
      %get3A_686 = arith.constant 0 : index
      %get3A_687 = tpu.vector_load %arg9[%get3A_685, %get3A_686] {strides = array<i32>} : memref<320x128xf32, #tpu.memory_space<vmem>>, vector<1x16xf32>,
      %get3A_688 = vector.shape_cast %get3A_687 : vector<1x16xf32> to vector<16xf32>
      %get3A_689 = arith.index_cast %add3A_684 : i32 to index
      %get3A_690 = arith.constant 16 : index
      %get3A_691 = tpu.vector_load %arg9[%get3A_689, %get3A_690] {strides = array<i32>} : memref<320x128xf32, #tpu.memory_space<vmem>>, vector<1x16xf32>,
      %get3A_692 = vector.shape_cast %get3A_691 : vector<1x16xf32> to vector<16xf32>
      %min3A_693 = arith.minimumf %get3A_688, %get3A_692 : vector<16xf32>
      %get3A_694 = arith.index_cast %add3A_684 : i32 to index
      %get3A_695 = arith.constant 32 : index
      %get3A_696 = tpu.vector_load %arg9[%get3A_694, %get3A_695] {strides = array<i32>} : memref<320x128xf32, #tpu.memory_space<vmem>>, vector<1x16xf32>,
      %get3A_697 = vector.shape_cast %get3A_696 : vector<1x16xf32> to vector<16xf32>
      %min3A_698 = arith.minimumf %min3A_693, %get3A_697 : vector<16xf32>
      %get3A_699 = arith.index_cast %add3A_684 : i32 to index
      %get3A_700 = arith.constant 48 : index
      %get3A_701 = tpu.vector_load %arg9[%get3A_699, %get3A_700] {strides = array<i32>} : memref<320x128xf32, #tpu.memory_space<vmem>>, vector<1x16xf32>,
      %get3A_702 = vector.shape_cast %get3A_701 : vector<1x16xf32> to vector<16xf32>
      %min3A_703 = arith.minimumf %min3A_698, %get3A_702 : vector<16xf32>
      %get3A_704 = arith.index_cast %add3A_684 : i32 to index
      %get3A_705 = arith.constant 64 : index
      %get3A_706 = tpu.vector_load %arg9[%get3A_704, %get3A_705] {strides = array<i32>} : memref<320x128xf32, #tpu.memory_space<vmem>>, vector<1x16xf32>,
      %get3A_707 = vector.shape_cast %get3A_706 : vector<1x16xf32> to vector<16xf32>
      %min3A_708 = arith.minimumf %min3A_703, %get3A_707 : vector<16xf32>
      %get3A_709 = arith.index_cast %add3A_684 : i32 to index
      %get3A_710 = arith.constant 80 : index
      %get3A_711 = tpu.vector_load %arg9[%get3A_709, %get3A_710] {strides = array<i32>} : memref<320x128xf32, #tpu.memory_space<vmem>>, vector<1x16xf32>,
      %get3A_712 = vector.shape_cast %get3A_711 : vector<1x16xf32> to vector<16xf32>
      %min3A_713 = arith.minimumf %min3A_708, %get3A_712 : vector<16xf32>
      %get3A_714 = arith.index_cast %add3A_684 : i32 to index
      %get3A_715 = arith.constant 96 : index
      %get3A_716 = tpu.vector_load %arg9[%get3A_714, %get3A_715] {strides = array<i32>} : memref<320x128xf32, #tpu.memory_space<vmem>>, vector<1x16xf32>,
      %get3A_717 = vector.shape_cast %get3A_716 : vector<1x16xf32> to vector<16xf32>
      %min3A_718 = arith.minimumf %min3A_713, %get3A_717 : vector<16xf32>
      %get3A_719 = arith.index_cast %add3A_684 : i32 to index
      %get3A_720 = arith.constant 112 : index
      %get3A_721 = tpu.vector_load %arg9[%get3A_719, %get3A_720] {strides = array<i32>} : memref<320x128xf32, #tpu.memory_space<vmem>>, vector<1x16xf32>,
      %get3A_722 = vector.shape_cast %get3A_721 : vector<1x16xf32> to vector<16xf32>
      %min3A_723 = arith.minimumf %min3A_718, %get3A_722 : vector<16xf32>
      %broadcast_in_dim3A_724 = vector.shape_cast %select_n3A_86 : vector<16xi32> to vector<16x1xi32>
      %gather3A_725 = vector.shape_cast %broadcast_in_dim3A_724 : vector<16x1xi32> to vector<16xi32>
      %gather3A_726 = tpu.dynamic_gather %min3A_723[%gather3A_725] in [0] : vector<16xf32>, vector<16xi32> -> vector<16xf32>
      %min3A_727 = arith.minimumf %min3A_723, %gather3A_726 : vector<16xf32>
      %broadcast_in_dim3A_728 = vector.shape_cast %select_n3A_111 : vector<16xi32> to vector<16x1xi32>
      %gather3A_729 = vector.shape_cast %broadcast_in_dim3A_728 : vector<16x1xi32> to vector<16xi32>
      %gather3A_730 = tpu.dynamic_gather %min3A_727[%gather3A_729] in [0] : vector<16xf32>, vector<16xi32> -> vector<16xf32>
      %min3A_731 = arith.minimumf %min3A_727, %gather3A_730 : vector<16xf32>
      %broadcast_in_dim3A_732 = vector.shape_cast %select_n3A_136 : vector<16xi32> to vector<16x1xi32>
      %gather3A_733 = vector.shape_cast %broadcast_in_dim3A_732 : vector<16x1xi32> to vector<16xi32>
      %gather3A_734 = tpu.dynamic_gather %min3A_731[%gather3A_733] in [0] : vector<16xf32>, vector<16xi32> -> vector<16xf32>
      %min3A_735 = arith.minimumf %min3A_731, %gather3A_734 : vector<16xf32>
      %broadcast_in_dim3A_736 = vector.shape_cast %select_n3A_161 : vector<16xi32> to vector<16x1xi32>
      %gather3A_737 = vector.shape_cast %broadcast_in_dim3A_736 : vector<16x1xi32> to vector<16xi32>
      %gather3A_738 = tpu.dynamic_gather %min3A_735[%gather3A_737] in [0] : vector<16xf32>, vector<16xi32> -> vector<16xf32>
      %min3A_739 = arith.minimumf %min3A_735, %gather3A_738 : vector<16xf32>
      %select_n3A_740 = arith.select %eq3A_682, %min3A_739, %select_n3A_679 : vector<16xi1>, vector<16xf32>
      %eq3A_741 = arith.constant 9 : i32
      %eq3A_742 = vector.broadcast %eq3A_741 : i32 to vector<16xi32>
      %eq3A_743 = arith.cmpi eq, %iota3A, %eq3A_742 : vector<16xi32>
      %add3A_744 = arith.constant 9 : i32
      %add3A_745 = arith.addi %mul3A_193, %add3A_744 : i32
      %get3A_746 = arith.index_cast %add3A_745 : i32 to index
      %get3A_747 = arith.constant 0 : index
      %get3A_748 = tpu.vector_load %arg9[%get3A_746, %get3A_747] {strides = array<i32>} : memref<320x128xf32, #tpu.memory_space<vmem>>, vector<1x16xf32>,
      %get3A_749 = vector.shape_cast %get3A_748 : vector<1x16xf32> to vector<16xf32>
      %get3A_750 = arith.index_cast %add3A_745 : i32 to index
      %get3A_751 = arith.constant 16 : index
      %get3A_752 = tpu.vector_load %arg9[%get3A_750, %get3A_751] {strides = array<i32>} : memref<320x128xf32, #tpu.memory_space<vmem>>, vector<1x16xf32>,
      %get3A_753 = vector.shape_cast %get3A_752 : vector<1x16xf32> to vector<16xf32>
      %min3A_754 = arith.minimumf %get3A_749, %get3A_753 : vector<16xf32>
      %get3A_755 = arith.index_cast %add3A_745 : i32 to index
      %get3A_756 = arith.constant 32 : index
      %get3A_757 = tpu.vector_load %arg9[%get3A_755, %get3A_756] {strides = array<i32>} : memref<320x128xf32, #tpu.memory_space<vmem>>, vector<1x16xf32>,
      %get3A_758 = vector.shape_cast %get3A_757 : vector<1x16xf32> to vector<16xf32>
      %min3A_759 = arith.minimumf %min3A_754, %get3A_758 : vector<16xf32>
      %get3A_760 = arith.index_cast %add3A_745 : i32 to index
      %get3A_761 = arith.constant 48 : index
      %get3A_762 = tpu.vector_load %arg9[%get3A_760, %get3A_761] {strides = array<i32>} : memref<320x128xf32, #tpu.memory_space<vmem>>, vector<1x16xf32>,
      %get3A_763 = vector.shape_cast %get3A_762 : vector<1x16xf32> to vector<16xf32>
      %min3A_764 = arith.minimumf %min3A_759, %get3A_763 : vector<16xf32>
      %get3A_765 = arith.index_cast %add3A_745 : i32 to index
      %get3A_766 = arith.constant 64 : index
      %get3A_767 = tpu.vector_load %arg9[%get3A_765, %get3A_766] {strides = array<i32>} : memref<320x128xf32, #tpu.memory_space<vmem>>, vector<1x16xf32>,
      %get3A_768 = vector.shape_cast %get3A_767 : vector<1x16xf32> to vector<16xf32>
      %min3A_769 = arith.minimumf %min3A_764, %get3A_768 : vector<16xf32>
      %get3A_770 = arith.index_cast %add3A_745 : i32 to index
      %get3A_771 = arith.constant 80 : index
      %get3A_772 = tpu.vector_load %arg9[%get3A_770, %get3A_771] {strides = array<i32>} : memref<320x128xf32, #tpu.memory_space<vmem>>, vector<1x16xf32>,
      %get3A_773 = vector.shape_cast %get3A_772 : vector<1x16xf32> to vector<16xf32>
      %min3A_774 = arith.minimumf %min3A_769, %get3A_773 : vector<16xf32>
      %get3A_775 = arith.index_cast %add3A_745 : i32 to index
      %get3A_776 = arith.constant 96 : index
      %get3A_777 = tpu.vector_load %arg9[%get3A_775, %get3A_776] {strides = array<i32>} : memref<320x128xf32, #tpu.memory_space<vmem>>, vector<1x16xf32>,
      %get3A_778 = vector.shape_cast %get3A_777 : vector<1x16xf32> to vector<16xf32>
      %min3A_779 = arith.minimumf %min3A_774, %get3A_778 : vector<16xf32>
      %get3A_780 = arith.index_cast %add3A_745 : i32 to index
      %get3A_781 = arith.constant 112 : index
      %get3A_782 = tpu.vector_load %arg9[%get3A_780, %get3A_781] {strides = array<i32>} : memref<320x128xf32, #tpu.memory_space<vmem>>, vector<1x16xf32>,
      %get3A_783 = vector.shape_cast %get3A_782 : vector<1x16xf32> to vector<16xf32>
      %min3A_784 = arith.minimumf %min3A_779, %get3A_783 : vector<16xf32>
      %broadcast_in_dim3A_785 = vector.shape_cast %select_n3A_86 : vector<16xi32> to vector<16x1xi32>
      %gather3A_786 = vector.shape_cast %broadcast_in_dim3A_785 : vector<16x1xi32> to vector<16xi32>
      %gather3A_787 = tpu.dynamic_gather %min3A_784[%gather3A_786] in [0] : vector<16xf32>, vector<16xi32> -> vector<16xf32>
      %min3A_788 = arith.minimumf %min3A_784, %gather3A_787 : vector<16xf32>
      %broadcast_in_dim3A_789 = vector.shape_cast %select_n3A_111 : vector<16xi32> to vector<16x1xi32>
      %gather3A_790 = vector.shape_cast %broadcast_in_dim3A_789 : vector<16x1xi32> to vector<16xi32>
      %gather3A_791 = tpu.dynamic_gather %min3A_788[%gather3A_790] in [0] : vector<16xf32>, vector<16xi32> -> vector<16xf32>
      %min3A_792 = arith.minimumf %min3A_788, %gather3A_791 : vector<16xf32>
      %broadcast_in_dim3A_793 = vector.shape_cast %select_n3A_136 : vector<16xi32> to vector<16x1xi32>
      %gather3A_794 = vector.shape_cast %broadcast_in_dim3A_793 : vector<16x1xi32> to vector<16xi32>
      %gather3A_795 = tpu.dynamic_gather %min3A_792[%gather3A_794] in [0] : vector<16xf32>, vector<16xi32> -> vector<16xf32>
      %min3A_796 = arith.minimumf %min3A_792, %gather3A_795 : vector<16xf32>
      %broadcast_in_dim3A_797 = vector.shape_cast %select_n3A_161 : vector<16xi32> to vector<16x1xi32>
      %gather3A_798 = vector.shape_cast %broadcast_in_dim3A_797 : vector<16x1xi32> to vector<16xi32>
      %gather3A_799 = tpu.dynamic_gather %min3A_796[%gather3A_798] in [0] : vector<16xf32>, vector<16xi32> -> vector<16xf32>
      %min3A_800 = arith.minimumf %min3A_796, %gather3A_799 : vector<16xf32>
      %select_n3A_801 = arith.select %eq3A_743, %min3A_800, %select_n3A_740 : vector<16xi1>, vector<16xf32>
      %broadcast_in_dim3A_802 = arith.constant 0x7F800000 : f32
      %broadcast_in_dim3A_803 = vector.broadcast %broadcast_in_dim3A_802 : f32 to vector<16xf32>
      %broadcast_in_dim3A_804 = arith.constant 0 : i32
      %broadcast_in_dim3A_805 = vector.broadcast %broadcast_in_dim3A_804 : i32 to vector<16xi32>
      %broadcast_in_dim3A_806 = vector.shape_cast %select_n3A_86 : vector<16xi32> to vector<16x1xi32>
      %gather3A_807 = vector.shape_cast %broadcast_in_dim3A_806 : vector<16x1xi32> to vector<16xi32>
      %gather3A_808 = tpu.dynamic_gather %select_n3A_801[%gather3A_807] in [0] : vector<16xf32>, vector<16xi32> -> vector<16xf32>
      %min3A_809 = arith.minimumf %select_n3A_801, %gather3A_808 : vector<16xf32>
      %broadcast_in_dim3A_810 = vector.shape_cast %select_n3A_111 : vector<16xi32> to vector<16x1xi32>
      %gather3A_811 = vector.shape_cast %broadcast_in_dim3A_810 : vector<16x1xi32> to vector<16xi32>
      %gather3A_812 = tpu.dynamic_gather %min3A_809[%gather3A_811] in [0] : vector<16xf32>, vector<16xi32> -> vector<16xf32>
      %min3A_813 = arith.minimumf %min3A_809, %gather3A_812 : vector<16xf32>
      %broadcast_in_dim3A_814 = vector.shape_cast %select_n3A_136 : vector<16xi32> to vector<16x1xi32>
      %gather3A_815 = vector.shape_cast %broadcast_in_dim3A_814 : vector<16x1xi32> to vector<16xi32>
      %gather3A_816 = tpu.dynamic_gather %min3A_813[%gather3A_815] in [0] : vector<16xf32>, vector<16xi32> -> vector<16xf32>
      %min3A_817 = arith.minimumf %min3A_813, %gather3A_816 : vector<16xf32>
      %broadcast_in_dim3A_818 = vector.shape_cast %select_n3A_161 : vector<16xi32> to vector<16x1xi32>
      %gather3A_819 = vector.shape_cast %broadcast_in_dim3A_818 : vector<16x1xi32> to vector<16xi32>
      %gather3A_820 = tpu.dynamic_gather %min3A_817[%gather3A_819] in [0] : vector<16xf32>, vector<16xi32> -> vector<16xf32>
      %min3A_821 = arith.minimumf %min3A_817, %gather3A_820 : vector<16xf32>
      %eq3A_822 = arith.cmpf oeq, %select_n3A_801, %min3A_821 : vector<16xf32>
      %jit3A_823 = arith.constant 16 : i32
      %broadcast_in_dim3A_824 = vector.broadcast %jit3A_823 : i32 to vector<16xi32>
      %select_n3A_825 = arith.select %eq3A_822, %iota3A, %broadcast_in_dim3A_824 : vector<16xi1>, vector<16xi32>
      %broadcast_in_dim3A_826 = vector.shape_cast %select_n3A_86 : vector<16xi32> to vector<16x1xi32>
      %gather3A_827 = vector.shape_cast %broadcast_in_dim3A_826 : vector<16x1xi32> to vector<16xi32>
      %gather3A_828 = tpu.dynamic_gather %select_n3A_825[%gather3A_827] in [0] : vector<16xi32>, vector<16xi32> -> vector<16xi32>
      %min3A_829 = arith.minsi %select_n3A_825, %gather3A_828 : vector<16xi32>
      %broadcast_in_dim3A_830 = vector.shape_cast %select_n3A_111 : vector<16xi32> to vector<16x1xi32>
      %gather3A_831 = vector.shape_cast %broadcast_in_dim3A_830 : vector<16x1xi32> to vector<16xi32>
      %gather3A_832 = tpu.dynamic_gather %min3A_829[%gather3A_831] in [0] : vector<16xi32>, vector<16xi32> -> vector<16xi32>
      %min3A_833 = arith.minsi %min3A_829, %gather3A_832 : vector<16xi32>
      %broadcast_in_dim3A_834 = vector.shape_cast %select_n3A_136 : vector<16xi32> to vector<16x1xi32>
      %gather3A_835 = vector.shape_cast %broadcast_in_dim3A_834 : vector<16x1xi32> to vector<16xi32>
      %gather3A_836 = tpu.dynamic_gather %min3A_833[%gather3A_835] in [0] : vector<16xi32>, vector<16xi32> -> vector<16xi32>
      %min3A_837 = arith.minsi %min3A_833, %gather3A_836 : vector<16xi32>
      %broadcast_in_dim3A_838 = vector.shape_cast %select_n3A_161 : vector<16xi32> to vector<16x1xi32>
      %gather3A_839 = vector.shape_cast %broadcast_in_dim3A_838 : vector<16x1xi32> to vector<16xi32>
      %gather3A_840 = tpu.dynamic_gather %min3A_837[%gather3A_839] in [0] : vector<16xi32>, vector<16xi32> -> vector<16xi32>
      %min3A_841 = arith.minsi %min3A_837, %gather3A_840 : vector<16xi32>
      %slice3A = vector.extract_strided_slice %min3A_841 {offsets = [0], sizes = [1], strides = [1]} : vector<16xi32> to vector<1xi32>
      %squeeze3A = vector.extract %slice3A[0] : i32 from vector<1xi32>
      %add3A_842 = arith.addi %mul3A_193, %squeeze3A : i32
      %broadcast_in_dim3A_843 = arith.constant 1024 : i32
      %broadcast_in_dim3A_844 = vector.broadcast %broadcast_in_dim3A_843 : i32 to vector<16xi32>
      %get3A_845 = arith.index_cast %add3A_842 : i32 to index
      %get3A_846 = arith.constant 0 : index
      %get3A_847 = tpu.vector_load %arg9[%get3A_845, %get3A_846] {strides = array<i32>} : memref<320x128xf32, #tpu.memory_space<vmem>>, vector<1x16xf32>,
      %get3A_848 = vector.shape_cast %get3A_847 : vector<1x16xf32> to vector<16xf32>
      %eq3A_849 = arith.cmpf oeq, %get3A_848, %min3A_821 : vector<16xf32>
      %jit3A_850 = arith.constant 1024 : i32
      %broadcast_in_dim3A_851 = vector.broadcast %jit3A_850 : i32 to vector<16xi32>
      %select_n3A_852 = arith.select %eq3A_849, %add3A_164, %broadcast_in_dim3A_851 : vector<16xi1>, vector<16xi32>
      %min3A_853 = arith.minsi %broadcast_in_dim3A_844, %select_n3A_852 : vector<16xi32>
      %get3A_854 = arith.index_cast %add3A_842 : i32 to index
      %get3A_855 = arith.constant 16 : index
      %get3A_856 = tpu.vector_load %arg9[%get3A_854, %get3A_855] {strides = array<i32>} : memref<320x128xf32, #tpu.memory_space<vmem>>, vector<1x16xf32>,
      %get3A_857 = vector.shape_cast %get3A_856 : vector<1x16xf32> to vector<16xf32>
      %eq3A_858 = arith.cmpf oeq, %get3A_857, %min3A_821 : vector<16xf32>
      %jit3A_859 = arith.constant 1024 : i32
      %broadcast_in_dim3A_860 = vector.broadcast %jit3A_859 : i32 to vector<16xi32>
      %select_n3A_861 = arith.select %eq3A_858, %add3A_167, %broadcast_in_dim3A_860 : vector<16xi1>, vector<16xi32>
      %min3A_862 = arith.minsi %min3A_853, %select_n3A_861 : vector<16xi32>
      %get3A_863 = arith.index_cast %add3A_842 : i32 to index
      %get3A_864 = arith.constant 32 : index
      %get3A_865 = tpu.vector_load %arg9[%get3A_863, %get3A_864] {strides = array<i32>} : memref<320x128xf32, #tpu.memory_space<vmem>>, vector<1x16xf32>,
      %get3A_866 = vector.shape_cast %get3A_865 : vector<1x16xf32> to vector<16xf32>
      %eq3A_867 = arith.cmpf oeq, %get3A_866, %min3A_821 : vector<16xf32>
      %jit3A_868 = arith.constant 1024 : i32
      %broadcast_in_dim3A_869 = vector.broadcast %jit3A_868 : i32 to vector<16xi32>
      %select_n3A_870 = arith.select %eq3A_867, %add3A_170, %broadcast_in_dim3A_869 : vector<16xi1>, vector<16xi32>
      %min3A_871 = arith.minsi %min3A_862, %select_n3A_870 : vector<16xi32>
      %get3A_872 = arith.index_cast %add3A_842 : i32 to index
      %get3A_873 = arith.constant 48 : index
      %get3A_874 = tpu.vector_load %arg9[%get3A_872, %get3A_873] {strides = array<i32>} : memref<320x128xf32, #tpu.memory_space<vmem>>, vector<1x16xf32>,
      %get3A_875 = vector.shape_cast %get3A_874 : vector<1x16xf32> to vector<16xf32>
      %eq3A_876 = arith.cmpf oeq, %get3A_875, %min3A_821 : vector<16xf32>
      %jit3A_877 = arith.constant 1024 : i32
      %broadcast_in_dim3A_878 = vector.broadcast %jit3A_877 : i32 to vector<16xi32>
      %select_n3A_879 = arith.select %eq3A_876, %add3A_173, %broadcast_in_dim3A_878 : vector<16xi1>, vector<16xi32>
      %min3A_880 = arith.minsi %min3A_871, %select_n3A_879 : vector<16xi32>
      %get3A_881 = arith.index_cast %add3A_842 : i32 to index
      %get3A_882 = arith.constant 64 : index
      %get3A_883 = tpu.vector_load %arg9[%get3A_881, %get3A_882] {strides = array<i32>} : memref<320x128xf32, #tpu.memory_space<vmem>>, vector<1x16xf32>,
      %get3A_884 = vector.shape_cast %get3A_883 : vector<1x16xf32> to vector<16xf32>
      %eq3A_885 = arith.cmpf oeq, %get3A_884, %min3A_821 : vector<16xf32>
      %jit3A_886 = arith.constant 1024 : i32
      %broadcast_in_dim3A_887 = vector.broadcast %jit3A_886 : i32 to vector<16xi32>
      %select_n3A_888 = arith.select %eq3A_885, %add3A_176, %broadcast_in_dim3A_887 : vector<16xi1>, vector<16xi32>
      %min3A_889 = arith.minsi %min3A_880, %select_n3A_888 : vector<16xi32>
      %get3A_890 = arith.index_cast %add3A_842 : i32 to index
      %get3A_891 = arith.constant 80 : index
      %get3A_892 = tpu.vector_load %arg9[%get3A_890, %get3A_891] {strides = array<i32>} : memref<320x128xf32, #tpu.memory_space<vmem>>, vector<1x16xf32>,
      %get3A_893 = vector.shape_cast %get3A_892 : vector<1x16xf32> to vector<16xf32>
      %eq3A_894 = arith.cmpf oeq, %get3A_893, %min3A_821 : vector<16xf32>
      %jit3A_895 = arith.constant 1024 : i32
      %broadcast_in_dim3A_896 = vector.broadcast %jit3A_895 : i32 to vector<16xi32>
      %select_n3A_897 = arith.select %eq3A_894, %add3A_179, %broadcast_in_dim3A_896 : vector<16xi1>, vector<16xi32>
      %min3A_898 = arith.minsi %min3A_889, %select_n3A_897 : vector<16xi32>
      %get3A_899 = arith.index_cast %add3A_842 : i32 to index
      %get3A_900 = arith.constant 96 : index
      %get3A_901 = tpu.vector_load %arg9[%get3A_899, %get3A_900] {strides = array<i32>} : memref<320x128xf32, #tpu.memory_space<vmem>>, vector<1x16xf32>,
      %get3A_902 = vector.shape_cast %get3A_901 : vector<1x16xf32> to vector<16xf32>
      %eq3A_903 = arith.cmpf oeq, %get3A_902, %min3A_821 : vector<16xf32>
      %jit3A_904 = arith.constant 1024 : i32
      %broadcast_in_dim3A_905 = vector.broadcast %jit3A_904 : i32 to vector<16xi32>
      %select_n3A_906 = arith.select %eq3A_903, %add3A_182, %broadcast_in_dim3A_905 : vector<16xi1>, vector<16xi32>
      %min3A_907 = arith.minsi %min3A_898, %select_n3A_906 : vector<16xi32>
      %get3A_908 = arith.index_cast %add3A_842 : i32 to index
      %get3A_909 = arith.constant 112 : index
      %get3A_910 = tpu.vector_load %arg9[%get3A_908, %get3A_909] {strides = array<i32>} : memref<320x128xf32, #tpu.memory_space<vmem>>, vector<1x16xf32>,
      %get3A_911 = vector.shape_cast %get3A_910 : vector<1x16xf32> to vector<16xf32>
      %eq3A_912 = arith.cmpf oeq, %get3A_911, %min3A_821 : vector<16xf32>
      %jit3A_913 = arith.constant 1024 : i32
      %broadcast_in_dim3A_914 = vector.broadcast %jit3A_913 : i32 to vector<16xi32>
      %select_n3A_915 = arith.select %eq3A_912, %add3A_185, %broadcast_in_dim3A_914 : vector<16xi1>, vector<16xi32>
      %min3A_916 = arith.minsi %min3A_907, %select_n3A_915 : vector<16xi32>
      %broadcast_in_dim3A_917 = vector.shape_cast %select_n3A_86 : vector<16xi32> to vector<16x1xi32>
      %gather3A_918 = vector.shape_cast %broadcast_in_dim3A_917 : vector<16x1xi32> to vector<16xi32>
      %gather3A_919 = tpu.dynamic_gather %min3A_916[%gather3A_918] in [0] : vector<16xi32>, vector<16xi32> -> vector<16xi32>
      %min3A_920 = arith.minsi %min3A_916, %gather3A_919 : vector<16xi32>
      %broadcast_in_dim3A_921 = vector.shape_cast %select_n3A_111 : vector<16xi32> to vector<16x1xi32>
      %gather3A_922 = vector.shape_cast %broadcast_in_dim3A_921 : vector<16x1xi32> to vector<16xi32>
      %gather3A_923 = tpu.dynamic_gather %min3A_920[%gather3A_922] in [0] : vector<16xi32>, vector<16xi32> -> vector<16xi32>
      %min3A_924 = arith.minsi %min3A_920, %gather3A_923 : vector<16xi32>
      %broadcast_in_dim3A_925 = vector.shape_cast %select_n3A_136 : vector<16xi32> to vector<16x1xi32>
      %gather3A_926 = vector.shape_cast %broadcast_in_dim3A_925 : vector<16x1xi32> to vector<16xi32>
      %gather3A_927 = tpu.dynamic_gather %min3A_924[%gather3A_926] in [0] : vector<16xi32>, vector<16xi32> -> vector<16xi32>
      %min3A_928 = arith.minsi %min3A_924, %gather3A_927 : vector<16xi32>
      %broadcast_in_dim3A_929 = vector.shape_cast %select_n3A_161 : vector<16xi32> to vector<16x1xi32>
      %gather3A_930 = vector.shape_cast %broadcast_in_dim3A_929 : vector<16x1xi32> to vector<16xi32>
      %gather3A_931 = tpu.dynamic_gather %min3A_928[%gather3A_930] in [0] : vector<16xi32>, vector<16xi32> -> vector<16xi32>
      %min3A_932 = arith.minsi %min3A_928, %gather3A_931 : vector<16xi32>
      %slice3A_933 = vector.extract_strided_slice %min3A_932 {offsets = [0], sizes = [1], strides = [1]} : vector<16xi32> to vector<1xi32>
      %squeeze3A_934 = vector.extract %slice3A_933[0] : i32 from vector<1xi32>
      %mul3A_935 = arith.constant 10 : i32
      %mul3A_936 = arith.muli %scan3A_191, %mul3A_935 : i32
      %add3A_937 = arith.addi %mul3A_936, %squeeze3A : i32
      %jit3A_938 = arith.constant 16 : i32
      %div3A = arith.divsi %add3A_937, %jit3A_938 : i32
      %sign3A = arith.constant 0 : i32
      %sign3A_939 = arith.cmpi sgt, %add3A_937, %sign3A : i32
      %sign3A_940 = arith.extui %sign3A_939 : i1 to i32
      %sign3A_941 = arith.constant 0 : i32
      %sign3A_942 = arith.cmpi slt, %add3A_937, %sign3A_941 : i32
      %sign3A_943 = arith.extui %sign3A_942 : i1 to i32
      %sign3A_944 = arith.subi %sign3A_940, %sign3A_943 : i32
      %sign3A_945 = arith.constant 0 : i32
      %sign3A_946 = arith.cmpi sgt, %jit3A_938, %sign3A_945 : i32
      %sign3A_947 = arith.extui %sign3A_946 : i1 to i32
      %sign3A_948 = arith.constant 0 : i32
      %sign3A_949 = arith.cmpi slt, %jit3A_938, %sign3A_948 : i32
      %sign3A_950 = arith.extui %sign3A_949 : i1 to i32
      %sign3A_951 = arith.subi %sign3A_947, %sign3A_950 : i32
      %ne3A_952 = arith.cmpi ne, %sign3A_944, %sign3A_951 : i32
      %rem3A_953 = arith.remsi %add3A_937, %jit3A_938 : i32
      %ne3A_954 = arith.constant 0 : i32
      %ne3A_955 = arith.cmpi ne, %rem3A_953, %ne3A_954 : i32
      %and3A_956 = arith.andi %ne3A_952, %ne3A_955 : i1
      %sub3A = arith.constant 1 : i32
      %sub3A_957 = arith.subi %div3A, %sub3A : i32
      %select_n3A_958 = arith.select %and3A_956, %sub3A_957, %div3A : i32
      %mul3A_959 = arith.constant 16 : i32
      %mul3A_960 = arith.muli %select_n3A_958, %mul3A_959 : i32
      %get3A_961 = arith.index_cast %mul3A_960 : i32 to index
      %get3A_962 = tpu.vector_load %arg8[%get3A_961] {strides = array<i32>} : memref<320xi32, #tpu.memory_space<vmem>>, vector<16xi32>,
      %get3A_963 = vector.shape_cast %get3A_962 : vector<16xi32> to vector<16xi32>
      %sub3A_964 = arith.subi %add3A_937, %mul3A_960 : i32
      %add3A_965 = vector.broadcast %sub3A_964 : i32 to vector<16xi32>
      %add3A_966 = arith.addi %iota3A, %add3A_965 : vector<16xi32>
      %jit3A_967 = arith.constant 16 : i32
      %eq3A_968 = arith.constant 0 : i32
      %eq3A_969 = arith.cmpi eq, %jit3A_967, %eq3A_968 : i32
      %jit3A_970 = arith.constant 1 : i32
      %select_n3A_971 = arith.select %eq3A_969, %jit3A_970, %jit3A_967 : i32
      %rem3A_972 = vector.broadcast %select_n3A_971 : i32 to vector<16xi32>
      %rem3A_973 = arith.remsi %add3A_966, %rem3A_972 : vector<16xi32>
      %ne3A_974 = arith.constant 0 : i32
      %ne3A_975 = vector.broadcast %ne3A_974 : i32 to vector<16xi32>
      %ne3A_976 = arith.cmpi ne, %rem3A_973, %ne3A_975 : vector<16xi32>
      %lt3A_977 = arith.constant 0 : i32
      %lt3A_978 = vector.broadcast %lt3A_977 : i32 to vector<16xi32>
      %lt3A_979 = arith.cmpi slt, %rem3A_973, %lt3A_978 : vector<16xi32>
      %lt3A_980 = arith.constant 0 : i32
      %lt3A_981 = arith.cmpi slt, %select_n3A_971, %lt3A_980 : i32
      %ne3A_982 = vector.broadcast %lt3A_981 : i1 to vector<16xi1>
      %ne3A_983 = vector.broadcast %ne3A_982 : vector<16xi1> to vector<16xi1>
      %ne3A_984 = arith.xori %lt3A_979, %ne3A_983 : vector<16xi1>
      %and3A_985 = arith.andi %ne3A_984, %ne3A_976 : vector<16xi1>
      %add3A_986 = vector.broadcast %select_n3A_971 : i32 to vector<16xi32>
      %add3A_987 = arith.addi %rem3A_973, %add3A_986 : vector<16xi32>
      %select_n3A_988 = arith.select %and3A_985, %add3A_987, %rem3A_973 : vector<16xi1>, vector<16xi32>
      %broadcast_in_dim3A_989 = vector.shape_cast %select_n3A_988 : vector<16xi32> to vector<16x1xi32>
      %gather3A_990 = vector.shape_cast %broadcast_in_dim3A_989 : vector<16x1xi32> to vector<16xi32>
      %gather3A_991 = tpu.dynamic_gather %get3A_963[%gather3A_990] in [0] : vector<16xi32>, vector<16xi32> -> vector<16xi32>
      %slice3A_992 = vector.extract_strided_slice %gather3A_991 {offsets = [0], sizes = [1], strides = [1]} : vector<16xi32> to vector<1xi32>
      %squeeze3A_993 = vector.extract %slice3A_992[0] : i32 from vector<1xi32>
      %eq3A_994 = arith.constant 0 : i32
      %eq3A_995 = vector.broadcast %eq3A_994 : i32 to vector<16xi32>
      %eq3A_996 = arith.cmpi eq, %iota3A, %eq3A_995 : vector<16xi32>
      %select_n3A_997 = arith.select %eq3A_996, %min3A_821, %broadcast_in_dim3A_803 : vector<16xi1>, vector<16xf32>
      %eq3A_998 = arith.constant 0 : i32
      %eq3A_999 = vector.broadcast %eq3A_998 : i32 to vector<16xi32>
      %eq3A_1000 = arith.cmpi eq, %iota3A, %eq3A_999 : vector<16xi32>
      %add3A_1001 = arith.addi %squeeze3A_993, %squeeze3A_934 : i32
      %broadcast_in_dim3A_1002 = vector.broadcast %add3A_1001 : i32 to vector<16xi32>
      %select_n3A_1003 = arith.select %eq3A_1000, %broadcast_in_dim3A_1002, %broadcast_in_dim3A_805 : vector<16xi1>, vector<16xi32>
      %jit3A_1004 = arith.constant 16 : i32
      %div3A_1005 = arith.divsi %squeeze3A_934, %jit3A_1004 : i32
      %sign3A_1006 = arith.constant 0 : i32
      %sign3A_1007 = arith.cmpi sgt, %squeeze3A_934, %sign3A_1006 : i32
      %sign3A_1008 = arith.extui %sign3A_1007 : i1 to i32
      %sign3A_1009 = arith.constant 0 : i32
      %sign3A_1010 = arith.cmpi slt, %squeeze3A_934, %sign3A_1009 : i32
      %sign3A_1011 = arith.extui %sign3A_1010 : i1 to i32
      %sign3A_1012 = arith.subi %sign3A_1008, %sign3A_1011 : i32
      %sign3A_1013 = arith.constant 0 : i32
      %sign3A_1014 = arith.cmpi sgt, %jit3A_1004, %sign3A_1013 : i32
      %sign3A_1015 = arith.extui %sign3A_1014 : i1 to i32
      %sign3A_1016 = arith.constant 0 : i32
      %sign3A_1017 = arith.cmpi slt, %jit3A_1004, %sign3A_1016 : i32
      %sign3A_1018 = arith.extui %sign3A_1017 : i1 to i32
      %sign3A_1019 = arith.subi %sign3A_1015, %sign3A_1018 : i32
      %ne3A_1020 = arith.cmpi ne, %sign3A_1012, %sign3A_1019 : i32
      %rem3A_1021 = arith.remsi %squeeze3A_934, %jit3A_1004 : i32
      %ne3A_1022 = arith.constant 0 : i32
      %ne3A_1023 = arith.cmpi ne, %rem3A_1021, %ne3A_1022 : i32
      %and3A_1024 = arith.andi %ne3A_1020, %ne3A_1023 : i1
      %sub3A_1025 = arith.constant 1 : i32
      %sub3A_1026 = arith.subi %div3A_1005, %sub3A_1025 : i32
      %select_n3A_1027 = arith.select %and3A_1024, %sub3A_1026, %div3A_1005 : i32
      %mul3A_1028 = arith.constant 16 : i32
      %mul3A_1029 = arith.muli %select_n3A_1027, %mul3A_1028 : i32
      %get3A_1030 = arith.index_cast %add3A_842 : i32 to index
      %get3A_1031 = arith.index_cast %mul3A_1029 : i32 to index
      %get3A_1032 = tpu.vector_load %arg9[%get3A_1030, %get3A_1031] {strides = array<i32>} : memref<320x128xf32, #tpu.memory_space<vmem>>, vector<1x16xf32>,
      %get3A_1033 = vector.shape_cast %get3A_1032 : vector<1x16xf32> to vector<16xf32>
      %sub3A_1034 = arith.subi %squeeze3A_934, %mul3A_1029 : i32
      %eq3A_1035 = vector.broadcast %sub3A_1034 : i32 to vector<16xi32>
      %eq3A_1036 = arith.cmpi eq, %iota3A, %eq3A_1035 : vector<16xi32>
      %jit3A_1037 = arith.constant 0x7F800000 : f32
      %broadcast_in_dim3A_1038 = vector.broadcast %jit3A_1037 : f32 to vector<16xf32>
      %select_n3A_1039 = arith.select %eq3A_1036, %broadcast_in_dim3A_1038, %get3A_1033 : vector<16xi1>, vector<16xf32>
      %swap3A = arith.index_cast %add3A_842 : i32 to index
      %swap3A_1040 = arith.index_cast %mul3A_1029 : i32 to index
      %swap3A_1041 = tpu.vector_load %arg9[%swap3A, %swap3A_1040] {strides = array<i32>} : memref<320x128xf32, #tpu.memory_space<vmem>>, vector<1x16xf32>,
      %swap3A_1042 = vector.shape_cast %swap3A_1041 : vector<1x16xf32> to vector<16xf32>
      %swap3A_1043 = vector.shape_cast %select_n3A_1039 : vector<16xf32> to vector<1x16xf32>
      tpu.vector_store %arg9[%swap3A, %swap3A_1040], %swap3A_1043 {strides = array<i32>} : memref<320x128xf32, #tpu.memory_space<vmem>>, vector<1x16xf32>,
      %eq3A_1044 = arith.cmpi eq, %iota3A, %min3A_841 : vector<16xi32>
      %get3A_1045 = arith.index_cast %add3A_842 : i32 to index
      %get3A_1046 = arith.constant 0 : index
      %get3A_1047 = tpu.vector_load %arg9[%get3A_1045, %get3A_1046] {strides = array<i32>} : memref<320x128xf32, #tpu.memory_space<vmem>>, vector<1x16xf32>,
      %get3A_1048 = vector.shape_cast %get3A_1047 : vector<1x16xf32> to vector<16xf32>
      %get3A_1049 = arith.index_cast %add3A_842 : i32 to index
      %get3A_1050 = arith.constant 16 : index
      %get3A_1051 = tpu.vector_load %arg9[%get3A_1049, %get3A_1050] {strides = array<i32>} : memref<320x128xf32, #tpu.memory_space<vmem>>, vector<1x16xf32>,
      %get3A_1052 = vector.shape_cast %get3A_1051 : vector<1x16xf32> to vector<16xf32>
      %min3A_1053 = arith.minimumf %get3A_1048, %get3A_1052 : vector<16xf32>
      %get3A_1054 = arith.index_cast %add3A_842 : i32 to index
      %get3A_1055 = arith.constant 32 : index
      %get3A_1056 = tpu.vector_load %arg9[%get3A_1054, %get3A_1055] {strides = array<i32>} : memref<320x128xf32, #tpu.memory_space<vmem>>, vector<1x16xf32>,
      %get3A_1057 = vector.shape_cast %get3A_1056 : vector<1x16xf32> to vector<16xf32>
      %min3A_1058 = arith.minimumf %min3A_1053, %get3A_1057 : vector<16xf32>
      %get3A_1059 = arith.index_cast %add3A_842 : i32 to index
      %get3A_1060 = arith.constant 48 : index
      %get3A_1061 = tpu.vector_load %arg9[%get3A_1059, %get3A_1060] {strides = array<i32>} : memref<320x128xf32, #tpu.memory_space<vmem>>, vector<1x16xf32>,
      %get3A_1062 = vector.shape_cast %get3A_1061 : vector<1x16xf32> to vector<16xf32>
      %min3A_1063 = arith.minimumf %min3A_1058, %get3A_1062 : vector<16xf32>
      %get3A_1064 = arith.index_cast %add3A_842 : i32 to index
      %get3A_1065 = arith.constant 64 : index
      %get3A_1066 = tpu.vector_load %arg9[%get3A_1064, %get3A_1065] {strides = array<i32>} : memref<320x128xf32, #tpu.memory_space<vmem>>, vector<1x16xf32>,
      %get3A_1067 = vector.shape_cast %get3A_1066 : vector<1x16xf32> to vector<16xf32>
      %min3A_1068 = arith.minimumf %min3A_1063, %get3A_1067 : vector<16xf32>
      %get3A_1069 = arith.index_cast %add3A_842 : i32 to index
      %get3A_1070 = arith.constant 80 : index
      %get3A_1071 = tpu.vector_load %arg9[%get3A_1069, %get3A_1070] {strides = array<i32>} : memref<320x128xf32, #tpu.memory_space<vmem>>, vector<1x16xf32>,
      %get3A_1072 = vector.shape_cast %get3A_1071 : vector<1x16xf32> to vector<16xf32>
      %min3A_1073 = arith.minimumf %min3A_1068, %get3A_1072 : vector<16xf32>
      %get3A_1074 = arith.index_cast %add3A_842 : i32 to index
      %get3A_1075 = arith.constant 96 : index
      %get3A_1076 = tpu.vector_load %arg9[%get3A_1074, %get3A_1075] {strides = array<i32>} : memref<320x128xf32, #tpu.memory_space<vmem>>, vector<1x16xf32>,
      %get3A_1077 = vector.shape_cast %get3A_1076 : vector<1x16xf32> to vector<16xf32>
      %min3A_1078 = arith.minimumf %min3A_1073, %get3A_1077 : vector<16xf32>
      %get3A_1079 = arith.index_cast %add3A_842 : i32 to index
      %get3A_1080 = arith.constant 112 : index
      %get3A_1081 = tpu.vector_load %arg9[%get3A_1079, %get3A_1080] {strides = array<i32>} : memref<320x128xf32, #tpu.memory_space<vmem>>, vector<1x16xf32>,
      %get3A_1082 = vector.shape_cast %get3A_1081 : vector<1x16xf32> to vector<16xf32>
      %min3A_1083 = arith.minimumf %min3A_1078, %get3A_1082 : vector<16xf32>
      %broadcast_in_dim3A_1084 = vector.shape_cast %select_n3A_86 : vector<16xi32> to vector<16x1xi32>
      %gather3A_1085 = vector.shape_cast %broadcast_in_dim3A_1084 : vector<16x1xi32> to vector<16xi32>
      %gather3A_1086 = tpu.dynamic_gather %min3A_1083[%gather3A_1085] in [0] : vector<16xf32>, vector<16xi32> -> vector<16xf32>
      %min3A_1087 = arith.minimumf %min3A_1083, %gather3A_1086 : vector<16xf32>
      %broadcast_in_dim3A_1088 = vector.shape_cast %select_n3A_111 : vector<16xi32> to vector<16x1xi32>
      %gather3A_1089 = vector.shape_cast %broadcast_in_dim3A_1088 : vector<16x1xi32> to vector<16xi32>
      %gather3A_1090 = tpu.dynamic_gather %min3A_1087[%gather3A_1089] in [0] : vector<16xf32>, vector<16xi32> -> vector<16xf32>
      %min3A_1091 = arith.minimumf %min3A_1087, %gather3A_1090 : vector<16xf32>
      %broadcast_in_dim3A_1092 = vector.shape_cast %select_n3A_136 : vector<16xi32> to vector<16x1xi32>
      %gather3A_1093 = vector.shape_cast %broadcast_in_dim3A_1092 : vector<16x1xi32> to vector<16xi32>
      %gather3A_1094 = tpu.dynamic_gather %min3A_1091[%gather3A_1093] in [0] : vector<16xf32>, vector<16xi32> -> vector<16xf32>
      %min3A_1095 = arith.minimumf %min3A_1091, %gather3A_1094 : vector<16xf32>
      %broadcast_in_dim3A_1096 = vector.shape_cast %select_n3A_161 : vector<16xi32> to vector<16x1xi32>
      %gather3A_1097 = vector.shape_cast %broadcast_in_dim3A_1096 : vector<16x1xi32> to vector<16xi32>
      %gather3A_1098 = tpu.dynamic_gather %min3A_1095[%gather3A_1097] in [0] : vector<16xf32>, vector<16xi32> -> vector<16xf32>
      %min3A_1099 = arith.minimumf %min3A_1095, %gather3A_1098 : vector<16xf32>
      %select_n3A_1100 = arith.select %eq3A_1044, %min3A_1099, %select_n3A_801 : vector<16xi1>, vector<16xf32>
      %broadcast_in_dim3A_1101 = vector.shape_cast %select_n3A_86 : vector<16xi32> to vector<16x1xi32>
      %gather3A_1102 = vector.shape_cast %broadcast_in_dim3A_1101 : vector<16x1xi32> to vector<16xi32>
      %gather3A_1103 = tpu.dynamic_gather %select_n3A_1100[%gather3A_1102] in [0] : vector<16xf32>, vector<16xi32> -> vector<16xf32>
      %min3A_1104 = arith.minimumf %select_n3A_1100, %gather3A_1103 : vector<16xf32>
      %broadcast_in_dim3A_1105 = vector.shape_cast %select_n3A_111 : vector<16xi32> to vector<16x1xi32>
      %gather3A_1106 = vector.shape_cast %broadcast_in_dim3A_1105 : vector<16x1xi32> to vector<16xi32>
      %gather3A_1107 = tpu.dynamic_gather %min3A_1104[%gather3A_1106] in [0] : vector<16xf32>, vector<16xi32> -> vector<16xf32>
      %min3A_1108 = arith.minimumf %min3A_1104, %gather3A_1107 : vector<16xf32>
      %broadcast_in_dim3A_1109 = vector.shape_cast %select_n3A_136 : vector<16xi32> to vector<16x1xi32>
      %gather3A_1110 = vector.shape_cast %broadcast_in_dim3A_1109 : vector<16x1xi32> to vector<16xi32>
      %gather3A_1111 = tpu.dynamic_gather %min3A_1108[%gather3A_1110] in [0] : vector<16xf32>, vector<16xi32> -> vector<16xf32>
      %min3A_1112 = arith.minimumf %min3A_1108, %gather3A_1111 : vector<16xf32>
      %broadcast_in_dim3A_1113 = vector.shape_cast %select_n3A_161 : vector<16xi32> to vector<16x1xi32>
      %gather3A_1114 = vector.shape_cast %broadcast_in_dim3A_1113 : vector<16x1xi32> to vector<16xi32>
      %gather3A_1115 = tpu.dynamic_gather %min3A_1112[%gather3A_1114] in [0] : vector<16xf32>, vector<16xi32> -> vector<16xf32>
      %min3A_1116 = arith.minimumf %min3A_1112, %gather3A_1115 : vector<16xf32>
      %eq3A_1117 = arith.cmpf oeq, %select_n3A_1100, %min3A_1116 : vector<16xf32>
      %jit3A_1118 = arith.constant 16 : i32
      %broadcast_in_dim3A_1119 = vector.broadcast %jit3A_1118 : i32 to vector<16xi32>
      %select_n3A_1120 = arith.select %eq3A_1117, %iota3A, %broadcast_in_dim3A_1119 : vector<16xi1>, vector<16xi32>
      %broadcast_in_dim3A_1121 = vector.shape_cast %select_n3A_86 : vector<16xi32> to vector<16x1xi32>
      %gather3A_1122 = vector.shape_cast %broadcast_in_dim3A_1121 : vector<16x1xi32> to vector<16xi32>
      %gather3A_1123 = tpu.dynamic_gather %select_n3A_1120[%gather3A_1122] in [0] : vector<16xi32>, vector<16xi32> -> vector<16xi32>
      %min3A_1124 = arith.minsi %select_n3A_1120, %gather3A_1123 : vector<16xi32>
      %broadcast_in_dim3A_1125 = vector.shape_cast %select_n3A_111 : vector<16xi32> to vector<16x1xi32>
      %gather3A_1126 = vector.shape_cast %broadcast_in_dim3A_1125 : vector<16x1xi32> to vector<16xi32>
      %gather3A_1127 = tpu.dynamic_gather %min3A_1124[%gather3A_1126] in [0] : vector<16xi32>, vector<16xi32> -> vector<16xi32>
      %min3A_1128 = arith.minsi %min3A_1124, %gather3A_1127 : vector<16xi32>
      %broadcast_in_dim3A_1129 = vector.shape_cast %select_n3A_136 : vector<16xi32> to vector<16x1xi32>
      %gather3A_1130 = vector.shape_cast %broadcast_in_dim3A_1129 : vector<16x1xi32> to vector<16xi32>
      %gather3A_1131 = tpu.dynamic_gather %min3A_1128[%gather3A_1130] in [0] : vector<16xi32>, vector<16xi32> -> vector<16xi32>
      %min3A_1132 = arith.minsi %min3A_1128, %gather3A_1131 : vector<16xi32>
      %broadcast_in_dim3A_1133 = vector.shape_cast %select_n3A_161 : vector<16xi32> to vector<16x1xi32>
      %gather3A_1134 = vector.shape_cast %broadcast_in_dim3A_1133 : vector<16x1xi32> to vector<16xi32>
      %gather3A_1135 = tpu.dynamic_gather %min3A_1132[%gather3A_1134] in [0] : vector<16xi32>, vector<16xi32> -> vector<16xi32>
      %min3A_1136 = arith.minsi %min3A_1132, %gather3A_1135 : vector<16xi32>
      %slice3A_1137 = vector.extract_strided_slice %min3A_1136 {offsets = [0], sizes = [1], strides = [1]} : vector<16xi32> to vector<1xi32>
      %squeeze3A_1138 = vector.extract %slice3A_1137[0] : i32 from vector<1xi32>
      %add3A_1139 = arith.addi %mul3A_193, %squeeze3A_1138 : i32
      %broadcast_in_dim3A_1140 = arith.constant 1024 : i32
      %broadcast_in_dim3A_1141 = vector.broadcast %broadcast_in_dim3A_1140 : i32 to vector<16xi32>
      %get3A_1142 = arith.index_cast %add3A_1139 : i32 to index
      %get3A_1143 = arith.constant 0 : index
      %get3A_1144 = tpu.vector_load %arg9[%get3A_1142, %get3A_1143] {strides = array<i32>} : memref<320x128xf32, #tpu.memory_space<vmem>>, vector<1x16xf32>,
      %get3A_1145 = vector.shape_cast %get3A_1144 : vector<1x16xf32> to vector<16xf32>
      %eq3A_1146 = arith.cmpf oeq, %get3A_1145, %min3A_1116 : vector<16xf32>
      %jit3A_1147 = arith.constant 1024 : i32
      %broadcast_in_dim3A_1148 = vector.broadcast %jit3A_1147 : i32 to vector<16xi32>
      %select_n3A_1149 = arith.select %eq3A_1146, %add3A_164, %broadcast_in_dim3A_1148 : vector<16xi1>, vector<16xi32>
      %min3A_1150 = arith.minsi %broadcast_in_dim3A_1141, %select_n3A_1149 : vector<16xi32>
      %get3A_1151 = arith.index_cast %add3A_1139 : i32 to index
      %get3A_1152 = arith.constant 16 : index
      %get3A_1153 = tpu.vector_load %arg9[%get3A_1151, %get3A_1152] {strides = array<i32>} : memref<320x128xf32, #tpu.memory_space<vmem>>, vector<1x16xf32>,
      %get3A_1154 = vector.shape_cast %get3A_1153 : vector<1x16xf32> to vector<16xf32>
      %eq3A_1155 = arith.cmpf oeq, %get3A_1154, %min3A_1116 : vector<16xf32>
      %jit3A_1156 = arith.constant 1024 : i32
      %broadcast_in_dim3A_1157 = vector.broadcast %jit3A_1156 : i32 to vector<16xi32>
      %select_n3A_1158 = arith.select %eq3A_1155, %add3A_167, %broadcast_in_dim3A_1157 : vector<16xi1>, vector<16xi32>
      %min3A_1159 = arith.minsi %min3A_1150, %select_n3A_1158 : vector<16xi32>
      %get3A_1160 = arith.index_cast %add3A_1139 : i32 to index
      %get3A_1161 = arith.constant 32 : index
      %get3A_1162 = tpu.vector_load %arg9[%get3A_1160, %get3A_1161] {strides = array<i32>} : memref<320x128xf32, #tpu.memory_space<vmem>>, vector<1x16xf32>,
      %get3A_1163 = vector.shape_cast %get3A_1162 : vector<1x16xf32> to vector<16xf32>
      %eq3A_1164 = arith.cmpf oeq, %get3A_1163, %min3A_1116 : vector<16xf32>
      %jit3A_1165 = arith.constant 1024 : i32
      %broadcast_in_dim3A_1166 = vector.broadcast %jit3A_1165 : i32 to vector<16xi32>
      %select_n3A_1167 = arith.select %eq3A_1164, %add3A_170, %broadcast_in_dim3A_1166 : vector<16xi1>, vector<16xi32>
      %min3A_1168 = arith.minsi %min3A_1159, %select_n3A_1167 : vector<16xi32>
      %get3A_1169 = arith.index_cast %add3A_1139 : i32 to index
      %get3A_1170 = arith.constant 48 : index
      %get3A_1171 = tpu.vector_load %arg9[%get3A_1169, %get3A_1170] {strides = array<i32>} : memref<320x128xf32, #tpu.memory_space<vmem>>, vector<1x16xf32>,
      %get3A_1172 = vector.shape_cast %get3A_1171 : vector<1x16xf32> to vector<16xf32>
      %eq3A_1173 = arith.cmpf oeq, %get3A_1172, %min3A_1116 : vector<16xf32>
      %jit3A_1174 = arith.constant 1024 : i32
      %broadcast_in_dim3A_1175 = vector.broadcast %jit3A_1174 : i32 to vector<16xi32>
      %select_n3A_1176 = arith.select %eq3A_1173, %add3A_173, %broadcast_in_dim3A_1175 : vector<16xi1>, vector<16xi32>
      %min3A_1177 = arith.minsi %min3A_1168, %select_n3A_1176 : vector<16xi32>
      %get3A_1178 = arith.index_cast %add3A_1139 : i32 to index
      %get3A_1179 = arith.constant 64 : index
      %get3A_1180 = tpu.vector_load %arg9[%get3A_1178, %get3A_1179] {strides = array<i32>} : memref<320x128xf32, #tpu.memory_space<vmem>>, vector<1x16xf32>,
      %get3A_1181 = vector.shape_cast %get3A_1180 : vector<1x16xf32> to vector<16xf32>
      %eq3A_1182 = arith.cmpf oeq, %get3A_1181, %min3A_1116 : vector<16xf32>
      %jit3A_1183 = arith.constant 1024 : i32
      %broadcast_in_dim3A_1184 = vector.broadcast %jit3A_1183 : i32 to vector<16xi32>
      %select_n3A_1185 = arith.select %eq3A_1182, %add3A_176, %broadcast_in_dim3A_1184 : vector<16xi1>, vector<16xi32>
      %min3A_1186 = arith.minsi %min3A_1177, %select_n3A_1185 : vector<16xi32>
      %get3A_1187 = arith.index_cast %add3A_1139 : i32 to index
      %get3A_1188 = arith.constant 80 : index
      %get3A_1189 = tpu.vector_load %arg9[%get3A_1187, %get3A_1188] {strides = array<i32>} : memref<320x128xf32, #tpu.memory_space<vmem>>, vector<1x16xf32>,
      %get3A_1190 = vector.shape_cast %get3A_1189 : vector<1x16xf32> to vector<16xf32>
      %eq3A_1191 = arith.cmpf oeq, %get3A_1190, %min3A_1116 : vector<16xf32>
      %jit3A_1192 = arith.constant 1024 : i32
      %broadcast_in_dim3A_1193 = vector.broadcast %jit3A_1192 : i32 to vector<16xi32>
      %select_n3A_1194 = arith.select %eq3A_1191, %add3A_179, %broadcast_in_dim3A_1193 : vector<16xi1>, vector<16xi32>
      %min3A_1195 = arith.minsi %min3A_1186, %select_n3A_1194 : vector<16xi32>
      %get3A_1196 = arith.index_cast %add3A_1139 : i32 to index
      %get3A_1197 = arith.constant 96 : index
      %get3A_1198 = tpu.vector_load %arg9[%get3A_1196, %get3A_1197] {strides = array<i32>} : memref<320x128xf32, #tpu.memory_space<vmem>>, vector<1x16xf32>,
      %get3A_1199 = vector.shape_cast %get3A_1198 : vector<1x16xf32> to vector<16xf32>
      %eq3A_1200 = arith.cmpf oeq, %get3A_1199, %min3A_1116 : vector<16xf32>
      %jit3A_1201 = arith.constant 1024 : i32
      %broadcast_in_dim3A_1202 = vector.broadcast %jit3A_1201 : i32 to vector<16xi32>
      %select_n3A_1203 = arith.select %eq3A_1200, %add3A_182, %broadcast_in_dim3A_1202 : vector<16xi1>, vector<16xi32>
      %min3A_1204 = arith.minsi %min3A_1195, %select_n3A_1203 : vector<16xi32>
      %get3A_1205 = arith.index_cast %add3A_1139 : i32 to index
      %get3A_1206 = arith.constant 112 : index
      %get3A_1207 = tpu.vector_load %arg9[%get3A_1205, %get3A_1206] {strides = array<i32>} : memref<320x128xf32, #tpu.memory_space<vmem>>, vector<1x16xf32>,
      %get3A_1208 = vector.shape_cast %get3A_1207 : vector<1x16xf32> to vector<16xf32>
      %eq3A_1209 = arith.cmpf oeq, %get3A_1208, %min3A_1116 : vector<16xf32>
      %jit3A_1210 = arith.constant 1024 : i32
      %broadcast_in_dim3A_1211 = vector.broadcast %jit3A_1210 : i32 to vector<16xi32>
      %select_n3A_1212 = arith.select %eq3A_1209, %add3A_185, %broadcast_in_dim3A_1211 : vector<16xi1>, vector<16xi32>
      %min3A_1213 = arith.minsi %min3A_1204, %select_n3A_1212 : vector<16xi32>
      %broadcast_in_dim3A_1214 = vector.shape_cast %select_n3A_86 : vector<16xi32> to vector<16x1xi32>
      %gather3A_1215 = vector.shape_cast %broadcast_in_dim3A_1214 : vector<16x1xi32> to vector<16xi32>
      %gather3A_1216 = tpu.dynamic_gather %min3A_1213[%gather3A_1215] in [0] : vector<16xi32>, vector<16xi32> -> vector<16xi32>
      %min3A_1217 = arith.minsi %min3A_1213, %gather3A_1216 : vector<16xi32>
      %broadcast_in_dim3A_1218 = vector.shape_cast %select_n3A_111 : vector<16xi32> to vector<16x1xi32>
      %gather3A_1219 = vector.shape_cast %broadcast_in_dim3A_1218 : vector<16x1xi32> to vector<16xi32>
      %gather3A_1220 = tpu.dynamic_gather %min3A_1217[%gather3A_1219] in [0] : vector<16xi32>, vector<16xi32> -> vector<16xi32>
      %min3A_1221 = arith.minsi %min3A_1217, %gather3A_1220 : vector<16xi32>
      %broadcast_in_dim3A_1222 = vector.shape_cast %select_n3A_136 : vector<16xi32> to vector<16x1xi32>
      %gather3A_1223 = vector.shape_cast %broadcast_in_dim3A_1222 : vector<16x1xi32> to vector<16xi32>
      %gather3A_1224 = tpu.dynamic_gather %min3A_1221[%gather3A_1223] in [0] : vector<16xi32>, vector<16xi32> -> vector<16xi32>
      %min3A_1225 = arith.minsi %min3A_1221, %gather3A_1224 : vector<16xi32>
      %broadcast_in_dim3A_1226 = vector.shape_cast %select_n3A_161 : vector<16xi32> to vector<16x1xi32>
      %gather3A_1227 = vector.shape_cast %broadcast_in_dim3A_1226 : vector<16x1xi32> to vector<16xi32>
      %gather3A_1228 = tpu.dynamic_gather %min3A_1225[%gather3A_1227] in [0] : vector<16xi32>, vector<16xi32> -> vector<16xi32>
      %min3A_1229 = arith.minsi %min3A_1225, %gather3A_1228 : vector<16xi32>
      %slice3A_1230 = vector.extract_strided_slice %min3A_1229 {offsets = [0], sizes = [1], strides = [1]} : vector<16xi32> to vector<1xi32>
      %squeeze3A_1231 = vector.extract %slice3A_1230[0] : i32 from vector<1xi32>
      %mul3A_1232 = arith.constant 10 : i32
      %mul3A_1233 = arith.muli %scan3A_191, %mul3A_1232 : i32
      %add3A_1234 = arith.addi %mul3A_1233, %squeeze3A_1138 : i32
      %jit3A_1235 = arith.constant 16 : i32
      %div3A_1236 = arith.divsi %add3A_1234, %jit3A_1235 : i32
      %sign3A_1237 = arith.constant 0 : i32
      %sign3A_1238 = arith.cmpi sgt, %add3A_1234, %sign3A_1237 : i32
      %sign3A_1239 = arith.extui %sign3A_1238 : i1 to i32
      %sign3A_1240 = arith.constant 0 : i32
      %sign3A_1241 = arith.cmpi slt, %add3A_1234, %sign3A_1240 : i32
      %sign3A_1242 = arith.extui %sign3A_1241 : i1 to i32
      %sign3A_1243 = arith.subi %sign3A_1239, %sign3A_1242 : i32
      %sign3A_1244 = arith.constant 0 : i32
      %sign3A_1245 = arith.cmpi sgt, %jit3A_1235, %sign3A_1244 : i32
      %sign3A_1246 = arith.extui %sign3A_1245 : i1 to i32
      %sign3A_1247 = arith.constant 0 : i32
      %sign3A_1248 = arith.cmpi slt, %jit3A_1235, %sign3A_1247 : i32
      %sign3A_1249 = arith.extui %sign3A_1248 : i1 to i32
      %sign3A_1250 = arith.subi %sign3A_1246, %sign3A_1249 : i32
      %ne3A_1251 = arith.cmpi ne, %sign3A_1243, %sign3A_1250 : i32
      %rem3A_1252 = arith.remsi %add3A_1234, %jit3A_1235 : i32
      %ne3A_1253 = arith.constant 0 : i32
      %ne3A_1254 = arith.cmpi ne, %rem3A_1252, %ne3A_1253 : i32
      %and3A_1255 = arith.andi %ne3A_1251, %ne3A_1254 : i1
      %sub3A_1256 = arith.constant 1 : i32
      %sub3A_1257 = arith.subi %div3A_1236, %sub3A_1256 : i32
      %select_n3A_1258 = arith.select %and3A_1255, %sub3A_1257, %div3A_1236 : i32
      %mul3A_1259 = arith.constant 16 : i32
      %mul3A_1260 = arith.muli %select_n3A_1258, %mul3A_1259 : i32
      %get3A_1261 = arith.index_cast %mul3A_1260 : i32 to index
      %get3A_1262 = tpu.vector_load %arg8[%get3A_1261] {strides = array<i32>} : memref<320xi32, #tpu.memory_space<vmem>>, vector<16xi32>,
      %get3A_1263 = vector.shape_cast %get3A_1262 : vector<16xi32> to vector<16xi32>
      %sub3A_1264 = arith.subi %add3A_1234, %mul3A_1260 : i32
      %add3A_1265 = vector.broadcast %sub3A_1264 : i32 to vector<16xi32>
      %add3A_1266 = arith.addi %iota3A, %add3A_1265 : vector<16xi32>
      %jit3A_1267 = arith.constant 16 : i32
      %eq3A_1268 = arith.constant 0 : i32
      %eq3A_1269 = arith.cmpi eq, %jit3A_1267, %eq3A_1268 : i32
      %jit3A_1270 = arith.constant 1 : i32
      %select_n3A_1271 = arith.select %eq3A_1269, %jit3A_1270, %jit3A_1267 : i32
      %rem3A_1272 = vector.broadcast %select_n3A_1271 : i32 to vector<16xi32>
      %rem3A_1273 = arith.remsi %add3A_1266, %rem3A_1272 : vector<16xi32>
      %ne3A_1274 = arith.constant 0 : i32
      %ne3A_1275 = vector.broadcast %ne3A_1274 : i32 to vector<16xi32>
      %ne3A_1276 = arith.cmpi ne, %rem3A_1273, %ne3A_1275 : vector<16xi32>
      %lt3A_1277 = arith.constant 0 : i32
      %lt3A_1278 = vector.broadcast %lt3A_1277 : i32 to vector<16xi32>
      %lt3A_1279 = arith.cmpi slt, %rem3A_1273, %lt3A_1278 : vector<16xi32>
      %lt3A_1280 = arith.constant 0 : i32
      %lt3A_1281 = arith.cmpi slt, %select_n3A_1271, %lt3A_1280 : i32
      %ne3A_1282 = vector.broadcast %lt3A_1281 : i1 to vector<16xi1>
      %ne3A_1283 = vector.broadcast %ne3A_1282 : vector<16xi1> to vector<16xi1>
      %ne3A_1284 = arith.xori %lt3A_1279, %ne3A_1283 : vector<16xi1>
      %and3A_1285 = arith.andi %ne3A_1284, %ne3A_1276 : vector<16xi1>
      %add3A_1286 = vector.broadcast %select_n3A_1271 : i32 to vector<16xi32>
      %add3A_1287 = arith.addi %rem3A_1273, %add3A_1286 : vector<16xi32>
      %select_n3A_1288 = arith.select %and3A_1285, %add3A_1287, %rem3A_1273 : vector<16xi1>, vector<16xi32>
      %broadcast_in_dim3A_1289 = vector.shape_cast %select_n3A_1288 : vector<16xi32> to vector<16x1xi32>
      %gather3A_1290 = vector.shape_cast %broadcast_in_dim3A_1289 : vector<16x1xi32> to vector<16xi32>
      %gather3A_1291 = tpu.dynamic_gather %get3A_1263[%gather3A_1290] in [0] : vector<16xi32>, vector<16xi32> -> vector<16xi32>
      %slice3A_1292 = vector.extract_strided_slice %gather3A_1291 {offsets = [0], sizes = [1], strides = [1]} : vector<16xi32> to vector<1xi32>
      %squeeze3A_1293 = vector.extract %slice3A_1292[0] : i32 from vector<1xi32>
      %eq3A_1294 = arith.constant 1 : i32
      %eq3A_1295 = vector.broadcast %eq3A_1294 : i32 to vector<16xi32>
      %eq3A_1296 = arith.cmpi eq, %iota3A, %eq3A_1295 : vector<16xi32>
      %select_n3A_1297 = arith.select %eq3A_1296, %min3A_1116, %select_n3A_997 : vector<16xi1>, vector<16xf32>
      %eq3A_1298 = arith.constant 1 : i32
      %eq3A_1299 = vector.broadcast %eq3A_1298 : i32 to vector<16xi32>
      %eq3A_1300 = arith.cmpi eq, %iota3A, %eq3A_1299 : vector<16xi32>
      %add3A_1301 = arith.addi %squeeze3A_1293, %squeeze3A_1231 : i32
      %broadcast_in_dim3A_1302 = vector.broadcast %add3A_1301 : i32 to vector<16xi32>
      %select_n3A_1303 = arith.select %eq3A_1300, %broadcast_in_dim3A_1302, %select_n3A_1003 : vector<16xi1>, vector<16xi32>
      %jit3A_1304 = arith.constant 16 : i32
      %div3A_1305 = arith.divsi %squeeze3A_1231, %jit3A_1304 : i32
      %sign3A_1306 = arith.constant 0 : i32
      %sign3A_1307 = arith.cmpi sgt, %squeeze3A_1231, %sign3A_1306 : i32
      %sign3A_1308 = arith.extui %sign3A_1307 : i1 to i32
      %sign3A_1309 = arith.constant 0 : i32
      %sign3A_1310 = arith.cmpi slt, %squeeze3A_1231, %sign3A_1309 : i32
      %sign3A_1311 = arith.extui %sign3A_1310 : i1 to i32
      %sign3A_1312 = arith.subi %sign3A_1308, %sign3A_1311 : i32
      %sign3A_1313 = arith.constant 0 : i32
      %sign3A_1314 = arith.cmpi sgt, %jit3A_1304, %sign3A_1313 : i32
      %sign3A_1315 = arith.extui %sign3A_1314 : i1 to i32
      %sign3A_1316 = arith.constant 0 : i32
      %sign3A_1317 = arith.cmpi slt, %jit3A_1304, %sign3A_1316 : i32
      %sign3A_1318 = arith.extui %sign3A_1317 : i1 to i32
      %sign3A_1319 = arith.subi %sign3A_1315, %sign3A_1318 : i32
      %ne3A_1320 = arith.cmpi ne, %sign3A_1312, %sign3A_1319 : i32
      %rem3A_1321 = arith.remsi %squeeze3A_1231, %jit3A_1304 : i32
      %ne3A_1322 = arith.constant 0 : i32
      %ne3A_1323 = arith.cmpi ne, %rem3A_1321, %ne3A_1322 : i32
      %and3A_1324 = arith.andi %ne3A_1320, %ne3A_1323 : i1
      %sub3A_1325 = arith.constant 1 : i32
      %sub3A_1326 = arith.subi %div3A_1305, %sub3A_1325 : i32
      %select_n3A_1327 = arith.select %and3A_1324, %sub3A_1326, %div3A_1305 : i32
      %mul3A_1328 = arith.constant 16 : i32
      %mul3A_1329 = arith.muli %select_n3A_1327, %mul3A_1328 : i32
      %get3A_1330 = arith.index_cast %add3A_1139 : i32 to index
      %get3A_1331 = arith.index_cast %mul3A_1329 : i32 to index
      %get3A_1332 = tpu.vector_load %arg9[%get3A_1330, %get3A_1331] {strides = array<i32>} : memref<320x128xf32, #tpu.memory_space<vmem>>, vector<1x16xf32>,
      %get3A_1333 = vector.shape_cast %get3A_1332 : vector<1x16xf32> to vector<16xf32>
      %sub3A_1334 = arith.subi %squeeze3A_1231, %mul3A_1329 : i32
      %eq3A_1335 = vector.broadcast %sub3A_1334 : i32 to vector<16xi32>
      %eq3A_1336 = arith.cmpi eq, %iota3A, %eq3A_1335 : vector<16xi32>
      %jit3A_1337 = arith.constant 0x7F800000 : f32
      %broadcast_in_dim3A_1338 = vector.broadcast %jit3A_1337 : f32 to vector<16xf32>
      %select_n3A_1339 = arith.select %eq3A_1336, %broadcast_in_dim3A_1338, %get3A_1333 : vector<16xi1>, vector<16xf32>
      %swap3A_1340 = arith.index_cast %add3A_1139 : i32 to index
      %swap3A_1341 = arith.index_cast %mul3A_1329 : i32 to index
      %swap3A_1342 = tpu.vector_load %arg9[%swap3A_1340, %swap3A_1341] {strides = array<i32>} : memref<320x128xf32, #tpu.memory_space<vmem>>, vector<1x16xf32>,
      %swap3A_1343 = vector.shape_cast %swap3A_1342 : vector<1x16xf32> to vector<16xf32>
      %swap3A_1344 = vector.shape_cast %select_n3A_1339 : vector<16xf32> to vector<1x16xf32>
      tpu.vector_store %arg9[%swap3A_1340, %swap3A_1341], %swap3A_1344 {strides = array<i32>} : memref<320x128xf32, #tpu.memory_space<vmem>>, vector<1x16xf32>,
      %eq3A_1345 = arith.cmpi eq, %iota3A, %min3A_1136 : vector<16xi32>
      %get3A_1346 = arith.index_cast %add3A_1139 : i32 to index
      %get3A_1347 = arith.constant 0 : index
      %get3A_1348 = tpu.vector_load %arg9[%get3A_1346, %get3A_1347] {strides = array<i32>} : memref<320x128xf32, #tpu.memory_space<vmem>>, vector<1x16xf32>,
      %get3A_1349 = vector.shape_cast %get3A_1348 : vector<1x16xf32> to vector<16xf32>
      %get3A_1350 = arith.index_cast %add3A_1139 : i32 to index
      %get3A_1351 = arith.constant 16 : index
      %get3A_1352 = tpu.vector_load %arg9[%get3A_1350, %get3A_1351] {strides = array<i32>} : memref<320x128xf32, #tpu.memory_space<vmem>>, vector<1x16xf32>,
      %get3A_1353 = vector.shape_cast %get3A_1352 : vector<1x16xf32> to vector<16xf32>
      %min3A_1354 = arith.minimumf %get3A_1349, %get3A_1353 : vector<16xf32>
      %get3A_1355 = arith.index_cast %add3A_1139 : i32 to index
      %get3A_1356 = arith.constant 32 : index
      %get3A_1357 = tpu.vector_load %arg9[%get3A_1355, %get3A_1356] {strides = array<i32>} : memref<320x128xf32, #tpu.memory_space<vmem>>, vector<1x16xf32>,
      %get3A_1358 = vector.shape_cast %get3A_1357 : vector<1x16xf32> to vector<16xf32>
      %min3A_1359 = arith.minimumf %min3A_1354, %get3A_1358 : vector<16xf32>
      %get3A_1360 = arith.index_cast %add3A_1139 : i32 to index
      %get3A_1361 = arith.constant 48 : index
      %get3A_1362 = tpu.vector_load %arg9[%get3A_1360, %get3A_1361] {strides = array<i32>} : memref<320x128xf32, #tpu.memory_space<vmem>>, vector<1x16xf32>,
      %get3A_1363 = vector.shape_cast %get3A_1362 : vector<1x16xf32> to vector<16xf32>
      %min3A_1364 = arith.minimumf %min3A_1359, %get3A_1363 : vector<16xf32>
      %get3A_1365 = arith.index_cast %add3A_1139 : i32 to index
      %get3A_1366 = arith.constant 64 : index
      %get3A_1367 = tpu.vector_load %arg9[%get3A_1365, %get3A_1366] {strides = array<i32>} : memref<320x128xf32, #tpu.memory_space<vmem>>, vector<1x16xf32>,
      %get3A_1368 = vector.shape_cast %get3A_1367 : vector<1x16xf32> to vector<16xf32>
      %min3A_1369 = arith.minimumf %min3A_1364, %get3A_1368 : vector<16xf32>
      %get3A_1370 = arith.index_cast %add3A_1139 : i32 to index
      %get3A_1371 = arith.constant 80 : index
      %get3A_1372 = tpu.vector_load %arg9[%get3A_1370, %get3A_1371] {strides = array<i32>} : memref<320x128xf32, #tpu.memory_space<vmem>>, vector<1x16xf32>,
      %get3A_1373 = vector.shape_cast %get3A_1372 : vector<1x16xf32> to vector<16xf32>
      %min3A_1374 = arith.minimumf %min3A_1369, %get3A_1373 : vector<16xf32>
      %get3A_1375 = arith.index_cast %add3A_1139 : i32 to index
      %get3A_1376 = arith.constant 96 : index
      %get3A_1377 = tpu.vector_load %arg9[%get3A_1375, %get3A_1376] {strides = array<i32>} : memref<320x128xf32, #tpu.memory_space<vmem>>, vector<1x16xf32>,
      %get3A_1378 = vector.shape_cast %get3A_1377 : vector<1x16xf32> to vector<16xf32>
      %min3A_1379 = arith.minimumf %min3A_1374, %get3A_1378 : vector<16xf32>
      %get3A_1380 = arith.index_cast %add3A_1139 : i32 to index
      %get3A_1381 = arith.constant 112 : index
      %get3A_1382 = tpu.vector_load %arg9[%get3A_1380, %get3A_1381] {strides = array<i32>} : memref<320x128xf32, #tpu.memory_space<vmem>>, vector<1x16xf32>,
      %get3A_1383 = vector.shape_cast %get3A_1382 : vector<1x16xf32> to vector<16xf32>
      %min3A_1384 = arith.minimumf %min3A_1379, %get3A_1383 : vector<16xf32>
      %broadcast_in_dim3A_1385 = vector.shape_cast %select_n3A_86 : vector<16xi32> to vector<16x1xi32>
      %gather3A_1386 = vector.shape_cast %broadcast_in_dim3A_1385 : vector<16x1xi32> to vector<16xi32>
      %gather3A_1387 = tpu.dynamic_gather %min3A_1384[%gather3A_1386] in [0] : vector<16xf32>, vector<16xi32> -> vector<16xf32>
      %min3A_1388 = arith.minimumf %min3A_1384, %gather3A_1387 : vector<16xf32>
      %broadcast_in_dim3A_1389 = vector.shape_cast %select_n3A_111 : vector<16xi32> to vector<16x1xi32>
      %gather3A_1390 = vector.shape_cast %broadcast_in_dim3A_1389 : vector<16x1xi32> to vector<16xi32>
      %gather3A_1391 = tpu.dynamic_gather %min3A_1388[%gather3A_1390] in [0] : vector<16xf32>, vector<16xi32> -> vector<16xf32>
      %min3A_1392 = arith.minimumf %min3A_1388, %gather3A_1391 : vector<16xf32>
      %broadcast_in_dim3A_1393 = vector.shape_cast %select_n3A_136 : vector<16xi32> to vector<16x1xi32>
      %gather3A_1394 = vector.shape_cast %broadcast_in_dim3A_1393 : vector<16x1xi32> to vector<16xi32>
      %gather3A_1395 = tpu.dynamic_gather %min3A_1392[%gather3A_1394] in [0] : vector<16xf32>, vector<16xi32> -> vector<16xf32>
      %min3A_1396 = arith.minimumf %min3A_1392, %gather3A_1395 : vector<16xf32>
      %broadcast_in_dim3A_1397 = vector.shape_cast %select_n3A_161 : vector<16xi32> to vector<16x1xi32>
      %gather3A_1398 = vector.shape_cast %broadcast_in_dim3A_1397 : vector<16x1xi32> to vector<16xi32>
      %gather3A_1399 = tpu.dynamic_gather %min3A_1396[%gather3A_1398] in [0] : vector<16xf32>, vector<16xi32> -> vector<16xf32>
      %min3A_1400 = arith.minimumf %min3A_1396, %gather3A_1399 : vector<16xf32>
      %select_n3A_1401 = arith.select %eq3A_1345, %min3A_1400, %select_n3A_1100 : vector<16xi1>, vector<16xf32>
      %broadcast_in_dim3A_1402 = vector.shape_cast %select_n3A_86 : vector<16xi32> to vector<16x1xi32>
      %gather3A_1403 = vector.shape_cast %broadcast_in_dim3A_1402 : vector<16x1xi32> to vector<16xi32>
      %gather3A_1404 = tpu.dynamic_gather %select_n3A_1401[%gather3A_1403] in [0] : vector<16xf32>, vector<16xi32> -> vector<16xf32>
      %min3A_1405 = arith.minimumf %select_n3A_1401, %gather3A_1404 : vector<16xf32>
      %broadcast_in_dim3A_1406 = vector.shape_cast %select_n3A_111 : vector<16xi32> to vector<16x1xi32>
      %gather3A_1407 = vector.shape_cast %broadcast_in_dim3A_1406 : vector<16x1xi32> to vector<16xi32>
      %gather3A_1408 = tpu.dynamic_gather %min3A_1405[%gather3A_1407] in [0] : vector<16xf32>, vector<16xi32> -> vector<16xf32>
      %min3A_1409 = arith.minimumf %min3A_1405, %gather3A_1408 : vector<16xf32>
      %broadcast_in_dim3A_1410 = vector.shape_cast %select_n3A_136 : vector<16xi32> to vector<16x1xi32>
      %gather3A_1411 = vector.shape_cast %broadcast_in_dim3A_1410 : vector<16x1xi32> to vector<16xi32>
      %gather3A_1412 = tpu.dynamic_gather %min3A_1409[%gather3A_1411] in [0] : vector<16xf32>, vector<16xi32> -> vector<16xf32>
      %min3A_1413 = arith.minimumf %min3A_1409, %gather3A_1412 : vector<16xf32>
      %broadcast_in_dim3A_1414 = vector.shape_cast %select_n3A_161 : vector<16xi32> to vector<16x1xi32>
      %gather3A_1415 = vector.shape_cast %broadcast_in_dim3A_1414 : vector<16x1xi32> to vector<16xi32>
      %gather3A_1416 = tpu.dynamic_gather %min3A_1413[%gather3A_1415] in [0] : vector<16xf32>, vector<16xi32> -> vector<16xf32>
      %min3A_1417 = arith.minimumf %min3A_1413, %gather3A_1416 : vector<16xf32>
      %eq3A_1418 = arith.cmpf oeq, %select_n3A_1401, %min3A_1417 : vector<16xf32>
      %jit3A_1419 = arith.constant 16 : i32
      %broadcast_in_dim3A_1420 = vector.broadcast %jit3A_1419 : i32 to vector<16xi32>
      %select_n3A_1421 = arith.select %eq3A_1418, %iota3A, %broadcast_in_dim3A_1420 : vector<16xi1>, vector<16xi32>
      %broadcast_in_dim3A_1422 = vector.shape_cast %select_n3A_86 : vector<16xi32> to vector<16x1xi32>
      %gather3A_1423 = vector.shape_cast %broadcast_in_dim3A_1422 : vector<16x1xi32> to vector<16xi32>
      %gather3A_1424 = tpu.dynamic_gather %select_n3A_1421[%gather3A_1423] in [0] : vector<16xi32>, vector<16xi32> -> vector<16xi32>
      %min3A_1425 = arith.minsi %select_n3A_1421, %gather3A_1424 : vector<16xi32>
      %broadcast_in_dim3A_1426 = vector.shape_cast %select_n3A_111 : vector<16xi32> to vector<16x1xi32>
      %gather3A_1427 = vector.shape_cast %broadcast_in_dim3A_1426 : vector<16x1xi32> to vector<16xi32>
      %gather3A_1428 = tpu.dynamic_gather %min3A_1425[%gather3A_1427] in [0] : vector<16xi32>, vector<16xi32> -> vector<16xi32>
      %min3A_1429 = arith.minsi %min3A_1425, %gather3A_1428 : vector<16xi32>
      %broadcast_in_dim3A_1430 = vector.shape_cast %select_n3A_136 : vector<16xi32> to vector<16x1xi32>
      %gather3A_1431 = vector.shape_cast %broadcast_in_dim3A_1430 : vector<16x1xi32> to vector<16xi32>
      %gather3A_1432 = tpu.dynamic_gather %min3A_1429[%gather3A_1431] in [0] : vector<16xi32>, vector<16xi32> -> vector<16xi32>
      %min3A_1433 = arith.minsi %min3A_1429, %gather3A_1432 : vector<16xi32>
      %broadcast_in_dim3A_1434 = vector.shape_cast %select_n3A_161 : vector<16xi32> to vector<16x1xi32>
      %gather3A_1435 = vector.shape_cast %broadcast_in_dim3A_1434 : vector<16x1xi32> to vector<16xi32>
      %gather3A_1436 = tpu.dynamic_gather %min3A_1433[%gather3A_1435] in [0] : vector<16xi32>, vector<16xi32> -> vector<16xi32>
      %min3A_1437 = arith.minsi %min3A_1433, %gather3A_1436 : vector<16xi32>
      %slice3A_1438 = vector.extract_strided_slice %min3A_1437 {offsets = [0], sizes = [1], strides = [1]} : vector<16xi32> to vector<1xi32>
      %squeeze3A_1439 = vector.extract %slice3A_1438[0] : i32 from vector<1xi32>
      %add3A_1440 = arith.addi %mul3A_193, %squeeze3A_1439 : i32
      %broadcast_in_dim3A_1441 = arith.constant 1024 : i32
      %broadcast_in_dim3A_1442 = vector.broadcast %broadcast_in_dim3A_1441 : i32 to vector<16xi32>
      %get3A_1443 = arith.index_cast %add3A_1440 : i32 to index
      %get3A_1444 = arith.constant 0 : index
      %get3A_1445 = tpu.vector_load %arg9[%get3A_1443, %get3A_1444] {strides = array<i32>} : memref<320x128xf32, #tpu.memory_space<vmem>>, vector<1x16xf32>,
      %get3A_1446 = vector.shape_cast %get3A_1445 : vector<1x16xf32> to vector<16xf32>
      %eq3A_1447 = arith.cmpf oeq, %get3A_1446, %min3A_1417 : vector<16xf32>
      %jit3A_1448 = arith.constant 1024 : i32
      %broadcast_in_dim3A_1449 = vector.broadcast %jit3A_1448 : i32 to vector<16xi32>
      %select_n3A_1450 = arith.select %eq3A_1447, %add3A_164, %broadcast_in_dim3A_1449 : vector<16xi1>, vector<16xi32>
      %min3A_1451 = arith.minsi %broadcast_in_dim3A_1442, %select_n3A_1450 : vector<16xi32>
      %get3A_1452 = arith.index_cast %add3A_1440 : i32 to index
      %get3A_1453 = arith.constant 16 : index
      %get3A_1454 = tpu.vector_load %arg9[%get3A_1452, %get3A_1453] {strides = array<i32>} : memref<320x128xf32, #tpu.memory_space<vmem>>, vector<1x16xf32>,
      %get3A_1455 = vector.shape_cast %get3A_1454 : vector<1x16xf32> to vector<16xf32>
      %eq3A_1456 = arith.cmpf oeq, %get3A_1455, %min3A_1417 : vector<16xf32>
      %jit3A_1457 = arith.constant 1024 : i32
      %broadcast_in_dim3A_1458 = vector.broadcast %jit3A_1457 : i32 to vector<16xi32>
      %select_n3A_1459 = arith.select %eq3A_1456, %add3A_167, %broadcast_in_dim3A_1458 : vector<16xi1>, vector<16xi32>
      %min3A_1460 = arith.minsi %min3A_1451, %select_n3A_1459 : vector<16xi32>
      %get3A_1461 = arith.index_cast %add3A_1440 : i32 to index
      %get3A_1462 = arith.constant 32 : index
      %get3A_1463 = tpu.vector_load %arg9[%get3A_1461, %get3A_1462] {strides = array<i32>} : memref<320x128xf32, #tpu.memory_space<vmem>>, vector<1x16xf32>,
      %get3A_1464 = vector.shape_cast %get3A_1463 : vector<1x16xf32> to vector<16xf32>
      %eq3A_1465 = arith.cmpf oeq, %get3A_1464, %min3A_1417 : vector<16xf32>
      %jit3A_1466 = arith.constant 1024 : i32
      %broadcast_in_dim3A_1467 = vector.broadcast %jit3A_1466 : i32 to vector<16xi32>
      %select_n3A_1468 = arith.select %eq3A_1465, %add3A_170, %broadcast_in_dim3A_1467 : vector<16xi1>, vector<16xi32>
      %min3A_1469 = arith.minsi %min3A_1460, %select_n3A_1468 : vector<16xi32>
      %get3A_1470 = arith.index_cast %add3A_1440 : i32 to index
      %get3A_1471 = arith.constant 48 : index
      %get3A_1472 = tpu.vector_load %arg9[%get3A_1470, %get3A_1471] {strides = array<i32>} : memref<320x128xf32, #tpu.memory_space<vmem>>, vector<1x16xf32>,
      %get3A_1473 = vector.shape_cast %get3A_1472 : vector<1x16xf32> to vector<16xf32>
      %eq3A_1474 = arith.cmpf oeq, %get3A_1473, %min3A_1417 : vector<16xf32>
      %jit3A_1475 = arith.constant 1024 : i32
      %broadcast_in_dim3A_1476 = vector.broadcast %jit3A_1475 : i32 to vector<16xi32>
      %select_n3A_1477 = arith.select %eq3A_1474, %add3A_173, %broadcast_in_dim3A_1476 : vector<16xi1>, vector<16xi32>
      %min3A_1478 = arith.minsi %min3A_1469, %select_n3A_1477 : vector<16xi32>
      %get3A_1479 = arith.index_cast %add3A_1440 : i32 to index
      %get3A_1480 = arith.constant 64 : index
      %get3A_1481 = tpu.vector_load %arg9[%get3A_1479, %get3A_1480] {strides = array<i32>} : memref<320x128xf32, #tpu.memory_space<vmem>>, vector<1x16xf32>,
      %get3A_1482 = vector.shape_cast %get3A_1481 : vector<1x16xf32> to vector<16xf32>
      %eq3A_1483 = arith.cmpf oeq, %get3A_1482, %min3A_1417 : vector<16xf32>
      %jit3A_1484 = arith.constant 1024 : i32
      %broadcast_in_dim3A_1485 = vector.broadcast %jit3A_1484 : i32 to vector<16xi32>
      %select_n3A_1486 = arith.select %eq3A_1483, %add3A_176, %broadcast_in_dim3A_1485 : vector<16xi1>, vector<16xi32>
      %min3A_1487 = arith.minsi %min3A_1478, %select_n3A_1486 : vector<16xi32>
      %get3A_1488 = arith.index_cast %add3A_1440 : i32 to index
      %get3A_1489 = arith.constant 80 : index
      %get3A_1490 = tpu.vector_load %arg9[%get3A_1488, %get3A_1489] {strides = array<i32>} : memref<320x128xf32, #tpu.memory_space<vmem>>, vector<1x16xf32>,
      %get3A_1491 = vector.shape_cast %get3A_1490 : vector<1x16xf32> to vector<16xf32>
      %eq3A_1492 = arith.cmpf oeq, %get3A_1491, %min3A_1417 : vector<16xf32>
      %jit3A_1493 = arith.constant 1024 : i32
      %broadcast_in_dim3A_1494 = vector.broadcast %jit3A_1493 : i32 to vector<16xi32>
      %select_n3A_1495 = arith.select %eq3A_1492, %add3A_179, %broadcast_in_dim3A_1494 : vector<16xi1>, vector<16xi32>
      %min3A_1496 = arith.minsi %min3A_1487, %select_n3A_1495 : vector<16xi32>
      %get3A_1497 = arith.index_cast %add3A_1440 : i32 to index
      %get3A_1498 = arith.constant 96 : index
      %get3A_1499 = tpu.vector_load %arg9[%get3A_1497, %get3A_1498] {strides = array<i32>} : memref<320x128xf32, #tpu.memory_space<vmem>>, vector<1x16xf32>,
      %get3A_1500 = vector.shape_cast %get3A_1499 : vector<1x16xf32> to vector<16xf32>
      %eq3A_1501 = arith.cmpf oeq, %get3A_1500, %min3A_1417 : vector<16xf32>
      %jit3A_1502 = arith.constant 1024 : i32
      %broadcast_in_dim3A_1503 = vector.broadcast %jit3A_1502 : i32 to vector<16xi32>
      %select_n3A_1504 = arith.select %eq3A_1501, %add3A_182, %broadcast_in_dim3A_1503 : vector<16xi1>, vector<16xi32>
      %min3A_1505 = arith.minsi %min3A_1496, %select_n3A_1504 : vector<16xi32>
      %get3A_1506 = arith.index_cast %add3A_1440 : i32 to index
      %get3A_1507 = arith.constant 112 : index
      %get3A_1508 = tpu.vector_load %arg9[%get3A_1506, %get3A_1507] {strides = array<i32>} : memref<320x128xf32, #tpu.memory_space<vmem>>, vector<1x16xf32>,
      %get3A_1509 = vector.shape_cast %get3A_1508 : vector<1x16xf32> to vector<16xf32>
      %eq3A_1510 = arith.cmpf oeq, %get3A_1509, %min3A_1417 : vector<16xf32>
      %jit3A_1511 = arith.constant 1024 : i32
      %broadcast_in_dim3A_1512 = vector.broadcast %jit3A_1511 : i32 to vector<16xi32>
      %select_n3A_1513 = arith.select %eq3A_1510, %add3A_185, %broadcast_in_dim3A_1512 : vector<16xi1>, vector<16xi32>
      %min3A_1514 = arith.minsi %min3A_1505, %select_n3A_1513 : vector<16xi32>
      %broadcast_in_dim3A_1515 = vector.shape_cast %select_n3A_86 : vector<16xi32> to vector<16x1xi32>
      %gather3A_1516 = vector.shape_cast %broadcast_in_dim3A_1515 : vector<16x1xi32> to vector<16xi32>
      %gather3A_1517 = tpu.dynamic_gather %min3A_1514[%gather3A_1516] in [0] : vector<16xi32>, vector<16xi32> -> vector<16xi32>
      %min3A_1518 = arith.minsi %min3A_1514, %gather3A_1517 : vector<16xi32>
      %broadcast_in_dim3A_1519 = vector.shape_cast %select_n3A_111 : vector<16xi32> to vector<16x1xi32>
      %gather3A_1520 = vector.shape_cast %broadcast_in_dim3A_1519 : vector<16x1xi32> to vector<16xi32>
      %gather3A_1521 = tpu.dynamic_gather %min3A_1518[%gather3A_1520] in [0] : vector<16xi32>, vector<16xi32> -> vector<16xi32>
      %min3A_1522 = arith.minsi %min3A_1518, %gather3A_1521 : vector<16xi32>
      %broadcast_in_dim3A_1523 = vector.shape_cast %select_n3A_136 : vector<16xi32> to vector<16x1xi32>
      %gather3A_1524 = vector.shape_cast %broadcast_in_dim3A_1523 : vector<16x1xi32> to vector<16xi32>
      %gather3A_1525 = tpu.dynamic_gather %min3A_1522[%gather3A_1524] in [0] : vector<16xi32>, vector<16xi32> -> vector<16xi32>
      %min3A_1526 = arith.minsi %min3A_1522, %gather3A_1525 : vector<16xi32>
      %broadcast_in_dim3A_1527 = vector.shape_cast %select_n3A_161 : vector<16xi32> to vector<16x1xi32>
      %gather3A_1528 = vector.shape_cast %broadcast_in_dim3A_1527 : vector<16x1xi32> to vector<16xi32>
      %gather3A_1529 = tpu.dynamic_gather %min3A_1526[%gather3A_1528] in [0] : vector<16xi32>, vector<16xi32> -> vector<16xi32>
      %min3A_1530 = arith.minsi %min3A_1526, %gather3A_1529 : vector<16xi32>
      %slice3A_1531 = vector.extract_strided_slice %min3A_1530 {offsets = [0], sizes = [1], strides = [1]} : vector<16xi32> to vector<1xi32>
      %squeeze3A_1532 = vector.extract %slice3A_1531[0] : i32 from vector<1xi32>
      %mul3A_1533 = arith.constant 10 : i32
      %mul3A_1534 = arith.muli %scan3A_191, %mul3A_1533 : i32
      %add3A_1535 = arith.addi %mul3A_1534, %squeeze3A_1439 : i32
      %jit3A_1536 = arith.constant 16 : i32
      %div3A_1537 = arith.divsi %add3A_1535, %jit3A_1536 : i32
      %sign3A_1538 = arith.constant 0 : i32
      %sign3A_1539 = arith.cmpi sgt, %add3A_1535, %sign3A_1538 : i32
      %sign3A_1540 = arith.extui %sign3A_1539 : i1 to i32
      %sign3A_1541 = arith.constant 0 : i32
      %sign3A_1542 = arith.cmpi slt, %add3A_1535, %sign3A_1541 : i32
      %sign3A_1543 = arith.extui %sign3A_1542 : i1 to i32
      %sign3A_1544 = arith.subi %sign3A_1540, %sign3A_1543 : i32
      %sign3A_1545 = arith.constant 0 : i32
      %sign3A_1546 = arith.cmpi sgt, %jit3A_1536, %sign3A_1545 : i32
      %sign3A_1547 = arith.extui %sign3A_1546 : i1 to i32
      %sign3A_1548 = arith.constant 0 : i32
      %sign3A_1549 = arith.cmpi slt, %jit3A_1536, %sign3A_1548 : i32
      %sign3A_1550 = arith.extui %sign3A_1549 : i1 to i32
      %sign3A_1551 = arith.subi %sign3A_1547, %sign3A_1550 : i32
      %ne3A_1552 = arith.cmpi ne, %sign3A_1544, %sign3A_1551 : i32
      %rem3A_1553 = arith.remsi %add3A_1535, %jit3A_1536 : i32
      %ne3A_1554 = arith.constant 0 : i32
      %ne3A_1555 = arith.cmpi ne, %rem3A_1553, %ne3A_1554 : i32
      %and3A_1556 = arith.andi %ne3A_1552, %ne3A_1555 : i1
      %sub3A_1557 = arith.constant 1 : i32
      %sub3A_1558 = arith.subi %div3A_1537, %sub3A_1557 : i32
      %select_n3A_1559 = arith.select %and3A_1556, %sub3A_1558, %div3A_1537 : i32
      %mul3A_1560 = arith.constant 16 : i32
      %mul3A_1561 = arith.muli %select_n3A_1559, %mul3A_1560 : i32
      %get3A_1562 = arith.index_cast %mul3A_1561 : i32 to index
      %get3A_1563 = tpu.vector_load %arg8[%get3A_1562] {strides = array<i32>} : memref<320xi32, #tpu.memory_space<vmem>>, vector<16xi32>,
      %get3A_1564 = vector.shape_cast %get3A_1563 : vector<16xi32> to vector<16xi32>
      %sub3A_1565 = arith.subi %add3A_1535, %mul3A_1561 : i32
      %add3A_1566 = vector.broadcast %sub3A_1565 : i32 to vector<16xi32>
      %add3A_1567 = arith.addi %iota3A, %add3A_1566 : vector<16xi32>
      %jit3A_1568 = arith.constant 16 : i32
      %eq3A_1569 = arith.constant 0 : i32
      %eq3A_1570 = arith.cmpi eq, %jit3A_1568, %eq3A_1569 : i32
      %jit3A_1571 = arith.constant 1 : i32
      %select_n3A_1572 = arith.select %eq3A_1570, %jit3A_1571, %jit3A_1568 : i32
      %rem3A_1573 = vector.broadcast %select_n3A_1572 : i32 to vector<16xi32>
      %rem3A_1574 = arith.remsi %add3A_1567, %rem3A_1573 : vector<16xi32>
      %ne3A_1575 = arith.constant 0 : i32
      %ne3A_1576 = vector.broadcast %ne3A_1575 : i32 to vector<16xi32>
      %ne3A_1577 = arith.cmpi ne, %rem3A_1574, %ne3A_1576 : vector<16xi32>
      %lt3A_1578 = arith.constant 0 : i32
      %lt3A_1579 = vector.broadcast %lt3A_1578 : i32 to vector<16xi32>
      %lt3A_1580 = arith.cmpi slt, %rem3A_1574, %lt3A_1579 : vector<16xi32>
      %lt3A_1581 = arith.constant 0 : i32
      %lt3A_1582 = arith.cmpi slt, %select_n3A_1572, %lt3A_1581 : i32
      %ne3A_1583 = vector.broadcast %lt3A_1582 : i1 to vector<16xi1>
      %ne3A_1584 = vector.broadcast %ne3A_1583 : vector<16xi1> to vector<16xi1>
      %ne3A_1585 = arith.xori %lt3A_1580, %ne3A_1584 : vector<16xi1>
      %and3A_1586 = arith.andi %ne3A_1585, %ne3A_1577 : vector<16xi1>
      %add3A_1587 = vector.broadcast %select_n3A_1572 : i32 to vector<16xi32>
      %add3A_1588 = arith.addi %rem3A_1574, %add3A_1587 : vector<16xi32>
      %select_n3A_1589 = arith.select %and3A_1586, %add3A_1588, %rem3A_1574 : vector<16xi1>, vector<16xi32>
      %broadcast_in_dim3A_1590 = vector.shape_cast %select_n3A_1589 : vector<16xi32> to vector<16x1xi32>
      %gather3A_1591 = vector.shape_cast %broadcast_in_dim3A_1590 : vector<16x1xi32> to vector<16xi32>
      %gather3A_1592 = tpu.dynamic_gather %get3A_1564[%gather3A_1591] in [0] : vector<16xi32>, vector<16xi32> -> vector<16xi32>
      %slice3A_1593 = vector.extract_strided_slice %gather3A_1592 {offsets = [0], sizes = [1], strides = [1]} : vector<16xi32> to vector<1xi32>
      %squeeze3A_1594 = vector.extract %slice3A_1593[0] : i32 from vector<1xi32>
      %eq3A_1595 = arith.constant 2 : i32
      %eq3A_1596 = vector.broadcast %eq3A_1595 : i32 to vector<16xi32>
      %eq3A_1597 = arith.cmpi eq, %iota3A, %eq3A_1596 : vector<16xi32>
      %select_n3A_1598 = arith.select %eq3A_1597, %min3A_1417, %select_n3A_1297 : vector<16xi1>, vector<16xf32>
      %eq3A_1599 = arith.constant 2 : i32
      %eq3A_1600 = vector.broadcast %eq3A_1599 : i32 to vector<16xi32>
      %eq3A_1601 = arith.cmpi eq, %iota3A, %eq3A_1600 : vector<16xi32>
      %add3A_1602 = arith.addi %squeeze3A_1594, %squeeze3A_1532 : i32
      %broadcast_in_dim3A_1603 = vector.broadcast %add3A_1602 : i32 to vector<16xi32>
      %select_n3A_1604 = arith.select %eq3A_1601, %broadcast_in_dim3A_1603, %select_n3A_1303 : vector<16xi1>, vector<16xi32>
      %jit3A_1605 = arith.constant 16 : i32
      %div3A_1606 = arith.divsi %squeeze3A_1532, %jit3A_1605 : i32
      %sign3A_1607 = arith.constant 0 : i32
      %sign3A_1608 = arith.cmpi sgt, %squeeze3A_1532, %sign3A_1607 : i32
      %sign3A_1609 = arith.extui %sign3A_1608 : i1 to i32
      %sign3A_1610 = arith.constant 0 : i32
      %sign3A_1611 = arith.cmpi slt, %squeeze3A_1532, %sign3A_1610 : i32
      %sign3A_1612 = arith.extui %sign3A_1611 : i1 to i32
      %sign3A_1613 = arith.subi %sign3A_1609, %sign3A_1612 : i32
      %sign3A_1614 = arith.constant 0 : i32
      %sign3A_1615 = arith.cmpi sgt, %jit3A_1605, %sign3A_1614 : i32
      %sign3A_1616 = arith.extui %sign3A_1615 : i1 to i32
      %sign3A_1617 = arith.constant 0 : i32
      %sign3A_1618 = arith.cmpi slt, %jit3A_1605, %sign3A_1617 : i32
      %sign3A_1619 = arith.extui %sign3A_1618 : i1 to i32
      %sign3A_1620 = arith.subi %sign3A_1616, %sign3A_1619 : i32
      %ne3A_1621 = arith.cmpi ne, %sign3A_1613, %sign3A_1620 : i32
      %rem3A_1622 = arith.remsi %squeeze3A_1532, %jit3A_1605 : i32
      %ne3A_1623 = arith.constant 0 : i32
      %ne3A_1624 = arith.cmpi ne, %rem3A_1622, %ne3A_1623 : i32
      %and3A_1625 = arith.andi %ne3A_1621, %ne3A_1624 : i1
      %sub3A_1626 = arith.constant 1 : i32
      %sub3A_1627 = arith.subi %div3A_1606, %sub3A_1626 : i32
      %select_n3A_1628 = arith.select %and3A_1625, %sub3A_1627, %div3A_1606 : i32
      %mul3A_1629 = arith.constant 16 : i32
      %mul3A_1630 = arith.muli %select_n3A_1628, %mul3A_1629 : i32
      %get3A_1631 = arith.index_cast %add3A_1440 : i32 to index
      %get3A_1632 = arith.index_cast %mul3A_1630 : i32 to index
      %get3A_1633 = tpu.vector_load %arg9[%get3A_1631, %get3A_1632] {strides = array<i32>} : memref<320x128xf32, #tpu.memory_space<vmem>>, vector<1x16xf32>,
      %get3A_1634 = vector.shape_cast %get3A_1633 : vector<1x16xf32> to vector<16xf32>
      %sub3A_1635 = arith.subi %squeeze3A_1532, %mul3A_1630 : i32
      %eq3A_1636 = vector.broadcast %sub3A_1635 : i32 to vector<16xi32>
      %eq3A_1637 = arith.cmpi eq, %iota3A, %eq3A_1636 : vector<16xi32>
      %jit3A_1638 = arith.constant 0x7F800000 : f32
      %broadcast_in_dim3A_1639 = vector.broadcast %jit3A_1638 : f32 to vector<16xf32>
      %select_n3A_1640 = arith.select %eq3A_1637, %broadcast_in_dim3A_1639, %get3A_1634 : vector<16xi1>, vector<16xf32>
      %swap3A_1641 = arith.index_cast %add3A_1440 : i32 to index
      %swap3A_1642 = arith.index_cast %mul3A_1630 : i32 to index
      %swap3A_1643 = tpu.vector_load %arg9[%swap3A_1641, %swap3A_1642] {strides = array<i32>} : memref<320x128xf32, #tpu.memory_space<vmem>>, vector<1x16xf32>,
      %swap3A_1644 = vector.shape_cast %swap3A_1643 : vector<1x16xf32> to vector<16xf32>
      %swap3A_1645 = vector.shape_cast %select_n3A_1640 : vector<16xf32> to vector<1x16xf32>
      tpu.vector_store %arg9[%swap3A_1641, %swap3A_1642], %swap3A_1645 {strides = array<i32>} : memref<320x128xf32, #tpu.memory_space<vmem>>, vector<1x16xf32>,
      %eq3A_1646 = arith.cmpi eq, %iota3A, %min3A_1437 : vector<16xi32>
      %get3A_1647 = arith.index_cast %add3A_1440 : i32 to index
      %get3A_1648 = arith.constant 0 : index
      %get3A_1649 = tpu.vector_load %arg9[%get3A_1647, %get3A_1648] {strides = array<i32>} : memref<320x128xf32, #tpu.memory_space<vmem>>, vector<1x16xf32>,
      %get3A_1650 = vector.shape_cast %get3A_1649 : vector<1x16xf32> to vector<16xf32>
      %get3A_1651 = arith.index_cast %add3A_1440 : i32 to index
      %get3A_1652 = arith.constant 16 : index
      %get3A_1653 = tpu.vector_load %arg9[%get3A_1651, %get3A_1652] {strides = array<i32>} : memref<320x128xf32, #tpu.memory_space<vmem>>, vector<1x16xf32>,
      %get3A_1654 = vector.shape_cast %get3A_1653 : vector<1x16xf32> to vector<16xf32>
      %min3A_1655 = arith.minimumf %get3A_1650, %get3A_1654 : vector<16xf32>
      %get3A_1656 = arith.index_cast %add3A_1440 : i32 to index
      %get3A_1657 = arith.constant 32 : index
      %get3A_1658 = tpu.vector_load %arg9[%get3A_1656, %get3A_1657] {strides = array<i32>} : memref<320x128xf32, #tpu.memory_space<vmem>>, vector<1x16xf32>,
      %get3A_1659 = vector.shape_cast %get3A_1658 : vector<1x16xf32> to vector<16xf32>
      %min3A_1660 = arith.minimumf %min3A_1655, %get3A_1659 : vector<16xf32>
      %get3A_1661 = arith.index_cast %add3A_1440 : i32 to index
      %get3A_1662 = arith.constant 48 : index
      %get3A_1663 = tpu.vector_load %arg9[%get3A_1661, %get3A_1662] {strides = array<i32>} : memref<320x128xf32, #tpu.memory_space<vmem>>, vector<1x16xf32>,
      %get3A_1664 = vector.shape_cast %get3A_1663 : vector<1x16xf32> to vector<16xf32>
      %min3A_1665 = arith.minimumf %min3A_1660, %get3A_1664 : vector<16xf32>
      %get3A_1666 = arith.index_cast %add3A_1440 : i32 to index
      %get3A_1667 = arith.constant 64 : index
      %get3A_1668 = tpu.vector_load %arg9[%get3A_1666, %get3A_1667] {strides = array<i32>} : memref<320x128xf32, #tpu.memory_space<vmem>>, vector<1x16xf32>,
      %get3A_1669 = vector.shape_cast %get3A_1668 : vector<1x16xf32> to vector<16xf32>
      %min3A_1670 = arith.minimumf %min3A_1665, %get3A_1669 : vector<16xf32>
      %get3A_1671 = arith.index_cast %add3A_1440 : i32 to index
      %get3A_1672 = arith.constant 80 : index
      %get3A_1673 = tpu.vector_load %arg9[%get3A_1671, %get3A_1672] {strides = array<i32>} : memref<320x128xf32, #tpu.memory_space<vmem>>, vector<1x16xf32>,
      %get3A_1674 = vector.shape_cast %get3A_1673 : vector<1x16xf32> to vector<16xf32>
      %min3A_1675 = arith.minimumf %min3A_1670, %get3A_1674 : vector<16xf32>
      %get3A_1676 = arith.index_cast %add3A_1440 : i32 to index
      %get3A_1677 = arith.constant 96 : index
      %get3A_1678 = tpu.vector_load %arg9[%get3A_1676, %get3A_1677] {strides = array<i32>} : memref<320x128xf32, #tpu.memory_space<vmem>>, vector<1x16xf32>,
      %get3A_1679 = vector.shape_cast %get3A_1678 : vector<1x16xf32> to vector<16xf32>
      %min3A_1680 = arith.minimumf %min3A_1675, %get3A_1679 : vector<16xf32>
      %get3A_1681 = arith.index_cast %add3A_1440 : i32 to index
      %get3A_1682 = arith.constant 112 : index
      %get3A_1683 = tpu.vector_load %arg9[%get3A_1681, %get3A_1682] {strides = array<i32>} : memref<320x128xf32, #tpu.memory_space<vmem>>, vector<1x16xf32>,
      %get3A_1684 = vector.shape_cast %get3A_1683 : vector<1x16xf32> to vector<16xf32>
      %min3A_1685 = arith.minimumf %min3A_1680, %get3A_1684 : vector<16xf32>
      %broadcast_in_dim3A_1686 = vector.shape_cast %select_n3A_86 : vector<16xi32> to vector<16x1xi32>
      %gather3A_1687 = vector.shape_cast %broadcast_in_dim3A_1686 : vector<16x1xi32> to vector<16xi32>
      %gather3A_1688 = tpu.dynamic_gather %min3A_1685[%gather3A_1687] in [0] : vector<16xf32>, vector<16xi32> -> vector<16xf32>
      %min3A_1689 = arith.minimumf %min3A_1685, %gather3A_1688 : vector<16xf32>
      %broadcast_in_dim3A_1690 = vector.shape_cast %select_n3A_111 : vector<16xi32> to vector<16x1xi32>
      %gather3A_1691 = vector.shape_cast %broadcast_in_dim3A_1690 : vector<16x1xi32> to vector<16xi32>
      %gather3A_1692 = tpu.dynamic_gather %min3A_1689[%gather3A_1691] in [0] : vector<16xf32>, vector<16xi32> -> vector<16xf32>
      %min3A_1693 = arith.minimumf %min3A_1689, %gather3A_1692 : vector<16xf32>
      %broadcast_in_dim3A_1694 = vector.shape_cast %select_n3A_136 : vector<16xi32> to vector<16x1xi32>
      %gather3A_1695 = vector.shape_cast %broadcast_in_dim3A_1694 : vector<16x1xi32> to vector<16xi32>
      %gather3A_1696 = tpu.dynamic_gather %min3A_1693[%gather3A_1695] in [0] : vector<16xf32>, vector<16xi32> -> vector<16xf32>
      %min3A_1697 = arith.minimumf %min3A_1693, %gather3A_1696 : vector<16xf32>
      %broadcast_in_dim3A_1698 = vector.shape_cast %select_n3A_161 : vector<16xi32> to vector<16x1xi32>
      %gather3A_1699 = vector.shape_cast %broadcast_in_dim3A_1698 : vector<16x1xi32> to vector<16xi32>
      %gather3A_1700 = tpu.dynamic_gather %min3A_1697[%gather3A_1699] in [0] : vector<16xf32>, vector<16xi32> -> vector<16xf32>
      %min3A_1701 = arith.minimumf %min3A_1697, %gather3A_1700 : vector<16xf32>
      %select_n3A_1702 = arith.select %eq3A_1646, %min3A_1701, %select_n3A_1401 : vector<16xi1>, vector<16xf32>
      %broadcast_in_dim3A_1703 = vector.shape_cast %select_n3A_86 : vector<16xi32> to vector<16x1xi32>
      %gather3A_1704 = vector.shape_cast %broadcast_in_dim3A_1703 : vector<16x1xi32> to vector<16xi32>
      %gather3A_1705 = tpu.dynamic_gather %select_n3A_1702[%gather3A_1704] in [0] : vector<16xf32>, vector<16xi32> -> vector<16xf32>
      %min3A_1706 = arith.minimumf %select_n3A_1702, %gather3A_1705 : vector<16xf32>
      %broadcast_in_dim3A_1707 = vector.shape_cast %select_n3A_111 : vector<16xi32> to vector<16x1xi32>
      %gather3A_1708 = vector.shape_cast %broadcast_in_dim3A_1707 : vector<16x1xi32> to vector<16xi32>
      %gather3A_1709 = tpu.dynamic_gather %min3A_1706[%gather3A_1708] in [0] : vector<16xf32>, vector<16xi32> -> vector<16xf32>
      %min3A_1710 = arith.minimumf %min3A_1706, %gather3A_1709 : vector<16xf32>
      %broadcast_in_dim3A_1711 = vector.shape_cast %select_n3A_136 : vector<16xi32> to vector<16x1xi32>
      %gather3A_1712 = vector.shape_cast %broadcast_in_dim3A_1711 : vector<16x1xi32> to vector<16xi32>
      %gather3A_1713 = tpu.dynamic_gather %min3A_1710[%gather3A_1712] in [0] : vector<16xf32>, vector<16xi32> -> vector<16xf32>
      %min3A_1714 = arith.minimumf %min3A_1710, %gather3A_1713 : vector<16xf32>
      %broadcast_in_dim3A_1715 = vector.shape_cast %select_n3A_161 : vector<16xi32> to vector<16x1xi32>
      %gather3A_1716 = vector.shape_cast %broadcast_in_dim3A_1715 : vector<16x1xi32> to vector<16xi32>
      %gather3A_1717 = tpu.dynamic_gather %min3A_1714[%gather3A_1716] in [0] : vector<16xf32>, vector<16xi32> -> vector<16xf32>
      %min3A_1718 = arith.minimumf %min3A_1714, %gather3A_1717 : vector<16xf32>
      %eq3A_1719 = arith.cmpf oeq, %select_n3A_1702, %min3A_1718 : vector<16xf32>
      %jit3A_1720 = arith.constant 16 : i32
      %broadcast_in_dim3A_1721 = vector.broadcast %jit3A_1720 : i32 to vector<16xi32>
      %select_n3A_1722 = arith.select %eq3A_1719, %iota3A, %broadcast_in_dim3A_1721 : vector<16xi1>, vector<16xi32>
      %broadcast_in_dim3A_1723 = vector.shape_cast %select_n3A_86 : vector<16xi32> to vector<16x1xi32>
      %gather3A_1724 = vector.shape_cast %broadcast_in_dim3A_1723 : vector<16x1xi32> to vector<16xi32>
      %gather3A_1725 = tpu.dynamic_gather %select_n3A_1722[%gather3A_1724] in [0] : vector<16xi32>, vector<16xi32> -> vector<16xi32>
      %min3A_1726 = arith.minsi %select_n3A_1722, %gather3A_1725 : vector<16xi32>
      %broadcast_in_dim3A_1727 = vector.shape_cast %select_n3A_111 : vector<16xi32> to vector<16x1xi32>
      %gather3A_1728 = vector.shape_cast %broadcast_in_dim3A_1727 : vector<16x1xi32> to vector<16xi32>
      %gather3A_1729 = tpu.dynamic_gather %min3A_1726[%gather3A_1728] in [0] : vector<16xi32>, vector<16xi32> -> vector<16xi32>
      %min3A_1730 = arith.minsi %min3A_1726, %gather3A_1729 : vector<16xi32>
      %broadcast_in_dim3A_1731 = vector.shape_cast %select_n3A_136 : vector<16xi32> to vector<16x1xi32>
      %gather3A_1732 = vector.shape_cast %broadcast_in_dim3A_1731 : vector<16x1xi32> to vector<16xi32>
      %gather3A_1733 = tpu.dynamic_gather %min3A_1730[%gather3A_1732] in [0] : vector<16xi32>, vector<16xi32> -> vector<16xi32>
      %min3A_1734 = arith.minsi %min3A_1730, %gather3A_1733 : vector<16xi32>
      %broadcast_in_dim3A_1735 = vector.shape_cast %select_n3A_161 : vector<16xi32> to vector<16x1xi32>
      %gather3A_1736 = vector.shape_cast %broadcast_in_dim3A_1735 : vector<16x1xi32> to vector<16xi32>
      %gather3A_1737 = tpu.dynamic_gather %min3A_1734[%gather3A_1736] in [0] : vector<16xi32>, vector<16xi32> -> vector<16xi32>
      %min3A_1738 = arith.minsi %min3A_1734, %gather3A_1737 : vector<16xi32>
      %slice3A_1739 = vector.extract_strided_slice %min3A_1738 {offsets = [0], sizes = [1], strides = [1]} : vector<16xi32> to vector<1xi32>
      %squeeze3A_1740 = vector.extract %slice3A_1739[0] : i32 from vector<1xi32>
      %add3A_1741 = arith.addi %mul3A_193, %squeeze3A_1740 : i32
      %broadcast_in_dim3A_1742 = arith.constant 1024 : i32
      %broadcast_in_dim3A_1743 = vector.broadcast %broadcast_in_dim3A_1742 : i32 to vector<16xi32>
      %get3A_1744 = arith.index_cast %add3A_1741 : i32 to index
      %get3A_1745 = arith.constant 0 : index
      %get3A_1746 = tpu.vector_load %arg9[%get3A_1744, %get3A_1745] {strides = array<i32>} : memref<320x128xf32, #tpu.memory_space<vmem>>, vector<1x16xf32>,
      %get3A_1747 = vector.shape_cast %get3A_1746 : vector<1x16xf32> to vector<16xf32>
      %eq3A_1748 = arith.cmpf oeq, %get3A_1747, %min3A_1718 : vector<16xf32>
      %jit3A_1749 = arith.constant 1024 : i32
      %broadcast_in_dim3A_1750 = vector.broadcast %jit3A_1749 : i32 to vector<16xi32>
      %select_n3A_1751 = arith.select %eq3A_1748, %add3A_164, %broadcast_in_dim3A_1750 : vector<16xi1>, vector<16xi32>
      %min3A_1752 = arith.minsi %broadcast_in_dim3A_1743, %select_n3A_1751 : vector<16xi32>
      %get3A_1753 = arith.index_cast %add3A_1741 : i32 to index
      %get3A_1754 = arith.constant 16 : index
      %get3A_1755 = tpu.vector_load %arg9[%get3A_1753, %get3A_1754] {strides = array<i32>} : memref<320x128xf32, #tpu.memory_space<vmem>>, vector<1x16xf32>,
      %get3A_1756 = vector.shape_cast %get3A_1755 : vector<1x16xf32> to vector<16xf32>
      %eq3A_1757 = arith.cmpf oeq, %get3A_1756, %min3A_1718 : vector<16xf32>
      %jit3A_1758 = arith.constant 1024 : i32
      %broadcast_in_dim3A_1759 = vector.broadcast %jit3A_1758 : i32 to vector<16xi32>
      %select_n3A_1760 = arith.select %eq3A_1757, %add3A_167, %broadcast_in_dim3A_1759 : vector<16xi1>, vector<16xi32>
      %min3A_1761 = arith.minsi %min3A_1752, %select_n3A_1760 : vector<16xi32>
      %get3A_1762 = arith.index_cast %add3A_1741 : i32 to index
      %get3A_1763 = arith.constant 32 : index
      %get3A_1764 = tpu.vector_load %arg9[%get3A_1762, %get3A_1763] {strides = array<i32>} : memref<320x128xf32, #tpu.memory_space<vmem>>, vector<1x16xf32>,
      %get3A_1765 = vector.shape_cast %get3A_1764 : vector<1x16xf32> to vector<16xf32>
      %eq3A_1766 = arith.cmpf oeq, %get3A_1765, %min3A_1718 : vector<16xf32>
      %jit3A_1767 = arith.constant 1024 : i32
      %broadcast_in_dim3A_1768 = vector.broadcast %jit3A_1767 : i32 to vector<16xi32>
      %select_n3A_1769 = arith.select %eq3A_1766, %add3A_170, %broadcast_in_dim3A_1768 : vector<16xi1>, vector<16xi32>
      %min3A_1770 = arith.minsi %min3A_1761, %select_n3A_1769 : vector<16xi32>
      %get3A_1771 = arith.index_cast %add3A_1741 : i32 to index
      %get3A_1772 = arith.constant 48 : index
      %get3A_1773 = tpu.vector_load %arg9[%get3A_1771, %get3A_1772] {strides = array<i32>} : memref<320x128xf32, #tpu.memory_space<vmem>>, vector<1x16xf32>,
      %get3A_1774 = vector.shape_cast %get3A_1773 : vector<1x16xf32> to vector<16xf32>
      %eq3A_1775 = arith.cmpf oeq, %get3A_1774, %min3A_1718 : vector<16xf32>
      %jit3A_1776 = arith.constant 1024 : i32
      %broadcast_in_dim3A_1777 = vector.broadcast %jit3A_1776 : i32 to vector<16xi32>
      %select_n3A_1778 = arith.select %eq3A_1775, %add3A_173, %broadcast_in_dim3A_1777 : vector<16xi1>, vector<16xi32>
      %min3A_1779 = arith.minsi %min3A_1770, %select_n3A_1778 : vector<16xi32>
      %get3A_1780 = arith.index_cast %add3A_1741 : i32 to index
      %get3A_1781 = arith.constant 64 : index
      %get3A_1782 = tpu.vector_load %arg9[%get3A_1780, %get3A_1781] {strides = array<i32>} : memref<320x128xf32, #tpu.memory_space<vmem>>, vector<1x16xf32>,
      %get3A_1783 = vector.shape_cast %get3A_1782 : vector<1x16xf32> to vector<16xf32>
      %eq3A_1784 = arith.cmpf oeq, %get3A_1783, %min3A_1718 : vector<16xf32>
      %jit3A_1785 = arith.constant 1024 : i32
      %broadcast_in_dim3A_1786 = vector.broadcast %jit3A_1785 : i32 to vector<16xi32>
      %select_n3A_1787 = arith.select %eq3A_1784, %add3A_176, %broadcast_in_dim3A_1786 : vector<16xi1>, vector<16xi32>
      %min3A_1788 = arith.minsi %min3A_1779, %select_n3A_1787 : vector<16xi32>
      %get3A_1789 = arith.index_cast %add3A_1741 : i32 to index
      %get3A_1790 = arith.constant 80 : index
      %get3A_1791 = tpu.vector_load %arg9[%get3A_1789, %get3A_1790] {strides = array<i32>} : memref<320x128xf32, #tpu.memory_space<vmem>>, vector<1x16xf32>,
      %get3A_1792 = vector.shape_cast %get3A_1791 : vector<1x16xf32> to vector<16xf32>
      %eq3A_1793 = arith.cmpf oeq, %get3A_1792, %min3A_1718 : vector<16xf32>
      %jit3A_1794 = arith.constant 1024 : i32
      %broadcast_in_dim3A_1795 = vector.broadcast %jit3A_1794 : i32 to vector<16xi32>
      %select_n3A_1796 = arith.select %eq3A_1793, %add3A_179, %broadcast_in_dim3A_1795 : vector<16xi1>, vector<16xi32>
      %min3A_1797 = arith.minsi %min3A_1788, %select_n3A_1796 : vector<16xi32>
      %get3A_1798 = arith.index_cast %add3A_1741 : i32 to index
      %get3A_1799 = arith.constant 96 : index
      %get3A_1800 = tpu.vector_load %arg9[%get3A_1798, %get3A_1799] {strides = array<i32>} : memref<320x128xf32, #tpu.memory_space<vmem>>, vector<1x16xf32>,
      %get3A_1801 = vector.shape_cast %get3A_1800 : vector<1x16xf32> to vector<16xf32>
      %eq3A_1802 = arith.cmpf oeq, %get3A_1801, %min3A_1718 : vector<16xf32>
      %jit3A_1803 = arith.constant 1024 : i32
      %broadcast_in_dim3A_1804 = vector.broadcast %jit3A_1803 : i32 to vector<16xi32>
      %select_n3A_1805 = arith.select %eq3A_1802, %add3A_182, %broadcast_in_dim3A_1804 : vector<16xi1>, vector<16xi32>
      %min3A_1806 = arith.minsi %min3A_1797, %select_n3A_1805 : vector<16xi32>
      %get3A_1807 = arith.index_cast %add3A_1741 : i32 to index
      %get3A_1808 = arith.constant 112 : index
      %get3A_1809 = tpu.vector_load %arg9[%get3A_1807, %get3A_1808] {strides = array<i32>} : memref<320x128xf32, #tpu.memory_space<vmem>>, vector<1x16xf32>,
      %get3A_1810 = vector.shape_cast %get3A_1809 : vector<1x16xf32> to vector<16xf32>
      %eq3A_1811 = arith.cmpf oeq, %get3A_1810, %min3A_1718 : vector<16xf32>
      %jit3A_1812 = arith.constant 1024 : i32
      %broadcast_in_dim3A_1813 = vector.broadcast %jit3A_1812 : i32 to vector<16xi32>
      %select_n3A_1814 = arith.select %eq3A_1811, %add3A_185, %broadcast_in_dim3A_1813 : vector<16xi1>, vector<16xi32>
      %min3A_1815 = arith.minsi %min3A_1806, %select_n3A_1814 : vector<16xi32>
      %broadcast_in_dim3A_1816 = vector.shape_cast %select_n3A_86 : vector<16xi32> to vector<16x1xi32>
      %gather3A_1817 = vector.shape_cast %broadcast_in_dim3A_1816 : vector<16x1xi32> to vector<16xi32>
      %gather3A_1818 = tpu.dynamic_gather %min3A_1815[%gather3A_1817] in [0] : vector<16xi32>, vector<16xi32> -> vector<16xi32>
      %min3A_1819 = arith.minsi %min3A_1815, %gather3A_1818 : vector<16xi32>
      %broadcast_in_dim3A_1820 = vector.shape_cast %select_n3A_111 : vector<16xi32> to vector<16x1xi32>
      %gather3A_1821 = vector.shape_cast %broadcast_in_dim3A_1820 : vector<16x1xi32> to vector<16xi32>
      %gather3A_1822 = tpu.dynamic_gather %min3A_1819[%gather3A_1821] in [0] : vector<16xi32>, vector<16xi32> -> vector<16xi32>
      %min3A_1823 = arith.minsi %min3A_1819, %gather3A_1822 : vector<16xi32>
      %broadcast_in_dim3A_1824 = vector.shape_cast %select_n3A_136 : vector<16xi32> to vector<16x1xi32>
      %gather3A_1825 = vector.shape_cast %broadcast_in_dim3A_1824 : vector<16x1xi32> to vector<16xi32>
      %gather3A_1826 = tpu.dynamic_gather %min3A_1823[%gather3A_1825] in [0] : vector<16xi32>, vector<16xi32> -> vector<16xi32>
      %min3A_1827 = arith.minsi %min3A_1823, %gather3A_1826 : vector<16xi32>
      %broadcast_in_dim3A_1828 = vector.shape_cast %select_n3A_161 : vector<16xi32> to vector<16x1xi32>
      %gather3A_1829 = vector.shape_cast %broadcast_in_dim3A_1828 : vector<16x1xi32> to vector<16xi32>
      %gather3A_1830 = tpu.dynamic_gather %min3A_1827[%gather3A_1829] in [0] : vector<16xi32>, vector<16xi32> -> vector<16xi32>
      %min3A_1831 = arith.minsi %min3A_1827, %gather3A_1830 : vector<16xi32>
      %slice3A_1832 = vector.extract_strided_slice %min3A_1831 {offsets = [0], sizes = [1], strides = [1]} : vector<16xi32> to vector<1xi32>
      %squeeze3A_1833 = vector.extract %slice3A_1832[0] : i32 from vector<1xi32>
      %mul3A_1834 = arith.constant 10 : i32
      %mul3A_1835 = arith.muli %scan3A_191, %mul3A_1834 : i32
      %add3A_1836 = arith.addi %mul3A_1835, %squeeze3A_1740 : i32
      %jit3A_1837 = arith.constant 16 : i32
      %div3A_1838 = arith.divsi %add3A_1836, %jit3A_1837 : i32
      %sign3A_1839 = arith.constant 0 : i32
      %sign3A_1840 = arith.cmpi sgt, %add3A_1836, %sign3A_1839 : i32
      %sign3A_1841 = arith.extui %sign3A_1840 : i1 to i32
      %sign3A_1842 = arith.constant 0 : i32
      %sign3A_1843 = arith.cmpi slt, %add3A_1836, %sign3A_1842 : i32
      %sign3A_1844 = arith.extui %sign3A_1843 : i1 to i32
      %sign3A_1845 = arith.subi %sign3A_1841, %sign3A_1844 : i32
      %sign3A_1846 = arith.constant 0 : i32
      %sign3A_1847 = arith.cmpi sgt, %jit3A_1837, %sign3A_1846 : i32
      %sign3A_1848 = arith.extui %sign3A_1847 : i1 to i32
      %sign3A_1849 = arith.constant 0 : i32
      %sign3A_1850 = arith.cmpi slt, %jit3A_1837, %sign3A_1849 : i32
      %sign3A_1851 = arith.extui %sign3A_1850 : i1 to i32
      %sign3A_1852 = arith.subi %sign3A_1848, %sign3A_1851 : i32
      %ne3A_1853 = arith.cmpi ne, %sign3A_1845, %sign3A_1852 : i32
      %rem3A_1854 = arith.remsi %add3A_1836, %jit3A_1837 : i32
      %ne3A_1855 = arith.constant 0 : i32
      %ne3A_1856 = arith.cmpi ne, %rem3A_1854, %ne3A_1855 : i32
      %and3A_1857 = arith.andi %ne3A_1853, %ne3A_1856 : i1
      %sub3A_1858 = arith.constant 1 : i32
      %sub3A_1859 = arith.subi %div3A_1838, %sub3A_1858 : i32
      %select_n3A_1860 = arith.select %and3A_1857, %sub3A_1859, %div3A_1838 : i32
      %mul3A_1861 = arith.constant 16 : i32
      %mul3A_1862 = arith.muli %select_n3A_1860, %mul3A_1861 : i32
      %get3A_1863 = arith.index_cast %mul3A_1862 : i32 to index
      %get3A_1864 = tpu.vector_load %arg8[%get3A_1863] {strides = array<i32>} : memref<320xi32, #tpu.memory_space<vmem>>, vector<16xi32>,
      %get3A_1865 = vector.shape_cast %get3A_1864 : vector<16xi32> to vector<16xi32>
      %sub3A_1866 = arith.subi %add3A_1836, %mul3A_1862 : i32
      %add3A_1867 = vector.broadcast %sub3A_1866 : i32 to vector<16xi32>
      %add3A_1868 = arith.addi %iota3A, %add3A_1867 : vector<16xi32>
      %jit3A_1869 = arith.constant 16 : i32
      %eq3A_1870 = arith.constant 0 : i32
      %eq3A_1871 = arith.cmpi eq, %jit3A_1869, %eq3A_1870 : i32
      %jit3A_1872 = arith.constant 1 : i32
      %select_n3A_1873 = arith.select %eq3A_1871, %jit3A_1872, %jit3A_1869 : i32
      %rem3A_1874 = vector.broadcast %select_n3A_1873 : i32 to vector<16xi32>
      %rem3A_1875 = arith.remsi %add3A_1868, %rem3A_1874 : vector<16xi32>
      %ne3A_1876 = arith.constant 0 : i32
      %ne3A_1877 = vector.broadcast %ne3A_1876 : i32 to vector<16xi32>
      %ne3A_1878 = arith.cmpi ne, %rem3A_1875, %ne3A_1877 : vector<16xi32>
      %lt3A_1879 = arith.constant 0 : i32
      %lt3A_1880 = vector.broadcast %lt3A_1879 : i32 to vector<16xi32>
      %lt3A_1881 = arith.cmpi slt, %rem3A_1875, %lt3A_1880 : vector<16xi32>
      %lt3A_1882 = arith.constant 0 : i32
      %lt3A_1883 = arith.cmpi slt, %select_n3A_1873, %lt3A_1882 : i32
      %ne3A_1884 = vector.broadcast %lt3A_1883 : i1 to vector<16xi1>
      %ne3A_1885 = vector.broadcast %ne3A_1884 : vector<16xi1> to vector<16xi1>
      %ne3A_1886 = arith.xori %lt3A_1881, %ne3A_1885 : vector<16xi1>
      %and3A_1887 = arith.andi %ne3A_1886, %ne3A_1878 : vector<16xi1>
      %add3A_1888 = vector.broadcast %select_n3A_1873 : i32 to vector<16xi32>
      %add3A_1889 = arith.addi %rem3A_1875, %add3A_1888 : vector<16xi32>
      %select_n3A_1890 = arith.select %and3A_1887, %add3A_1889, %rem3A_1875 : vector<16xi1>, vector<16xi32>
      %broadcast_in_dim3A_1891 = vector.shape_cast %select_n3A_1890 : vector<16xi32> to vector<16x1xi32>
      %gather3A_1892 = vector.shape_cast %broadcast_in_dim3A_1891 : vector<16x1xi32> to vector<16xi32>
      %gather3A_1893 = tpu.dynamic_gather %get3A_1865[%gather3A_1892] in [0] : vector<16xi32>, vector<16xi32> -> vector<16xi32>
      %slice3A_1894 = vector.extract_strided_slice %gather3A_1893 {offsets = [0], sizes = [1], strides = [1]} : vector<16xi32> to vector<1xi32>
      %squeeze3A_1895 = vector.extract %slice3A_1894[0] : i32 from vector<1xi32>
      %eq3A_1896 = arith.constant 3 : i32
      %eq3A_1897 = vector.broadcast %eq3A_1896 : i32 to vector<16xi32>
      %eq3A_1898 = arith.cmpi eq, %iota3A, %eq3A_1897 : vector<16xi32>
      %select_n3A_1899 = arith.select %eq3A_1898, %min3A_1718, %select_n3A_1598 : vector<16xi1>, vector<16xf32>
      %eq3A_1900 = arith.constant 3 : i32
      %eq3A_1901 = vector.broadcast %eq3A_1900 : i32 to vector<16xi32>
      %eq3A_1902 = arith.cmpi eq, %iota3A, %eq3A_1901 : vector<16xi32>
      %add3A_1903 = arith.addi %squeeze3A_1895, %squeeze3A_1833 : i32
      %broadcast_in_dim3A_1904 = vector.broadcast %add3A_1903 : i32 to vector<16xi32>
      %select_n3A_1905 = arith.select %eq3A_1902, %broadcast_in_dim3A_1904, %select_n3A_1604 : vector<16xi1>, vector<16xi32>
      %jit3A_1906 = arith.constant 16 : i32
      %div3A_1907 = arith.divsi %squeeze3A_1833, %jit3A_1906 : i32
      %sign3A_1908 = arith.constant 0 : i32
      %sign3A_1909 = arith.cmpi sgt, %squeeze3A_1833, %sign3A_1908 : i32
      %sign3A_1910 = arith.extui %sign3A_1909 : i1 to i32
      %sign3A_1911 = arith.constant 0 : i32
      %sign3A_1912 = arith.cmpi slt, %squeeze3A_1833, %sign3A_1911 : i32
      %sign3A_1913 = arith.extui %sign3A_1912 : i1 to i32
      %sign3A_1914 = arith.subi %sign3A_1910, %sign3A_1913 : i32
      %sign3A_1915 = arith.constant 0 : i32
      %sign3A_1916 = arith.cmpi sgt, %jit3A_1906, %sign3A_1915 : i32
      %sign3A_1917 = arith.extui %sign3A_1916 : i1 to i32
      %sign3A_1918 = arith.constant 0 : i32
      %sign3A_1919 = arith.cmpi slt, %jit3A_1906, %sign3A_1918 : i32
      %sign3A_1920 = arith.extui %sign3A_1919 : i1 to i32
      %sign3A_1921 = arith.subi %sign3A_1917, %sign3A_1920 : i32
      %ne3A_1922 = arith.cmpi ne, %sign3A_1914, %sign3A_1921 : i32
      %rem3A_1923 = arith.remsi %squeeze3A_1833, %jit3A_1906 : i32
      %ne3A_1924 = arith.constant 0 : i32
      %ne3A_1925 = arith.cmpi ne, %rem3A_1923, %ne3A_1924 : i32
      %and3A_1926 = arith.andi %ne3A_1922, %ne3A_1925 : i1
      %sub3A_1927 = arith.constant 1 : i32
      %sub3A_1928 = arith.subi %div3A_1907, %sub3A_1927 : i32
      %select_n3A_1929 = arith.select %and3A_1926, %sub3A_1928, %div3A_1907 : i32
      %mul3A_1930 = arith.constant 16 : i32
      %mul3A_1931 = arith.muli %select_n3A_1929, %mul3A_1930 : i32
      %get3A_1932 = arith.index_cast %add3A_1741 : i32 to index
      %get3A_1933 = arith.index_cast %mul3A_1931 : i32 to index
      %get3A_1934 = tpu.vector_load %arg9[%get3A_1932, %get3A_1933] {strides = array<i32>} : memref<320x128xf32, #tpu.memory_space<vmem>>, vector<1x16xf32>,
      %get3A_1935 = vector.shape_cast %get3A_1934 : vector<1x16xf32> to vector<16xf32>
      %sub3A_1936 = arith.subi %squeeze3A_1833, %mul3A_1931 : i32
      %eq3A_1937 = vector.broadcast %sub3A_1936 : i32 to vector<16xi32>
      %eq3A_1938 = arith.cmpi eq, %iota3A, %eq3A_1937 : vector<16xi32>
      %jit3A_1939 = arith.constant 0x7F800000 : f32
      %broadcast_in_dim3A_1940 = vector.broadcast %jit3A_1939 : f32 to vector<16xf32>
      %select_n3A_1941 = arith.select %eq3A_1938, %broadcast_in_dim3A_1940, %get3A_1935 : vector<16xi1>, vector<16xf32>
      %swap3A_1942 = arith.index_cast %add3A_1741 : i32 to index
      %swap3A_1943 = arith.index_cast %mul3A_1931 : i32 to index
      %swap3A_1944 = tpu.vector_load %arg9[%swap3A_1942, %swap3A_1943] {strides = array<i32>} : memref<320x128xf32, #tpu.memory_space<vmem>>, vector<1x16xf32>,
      %swap3A_1945 = vector.shape_cast %swap3A_1944 : vector<1x16xf32> to vector<16xf32>
      %swap3A_1946 = vector.shape_cast %select_n3A_1941 : vector<16xf32> to vector<1x16xf32>
      tpu.vector_store %arg9[%swap3A_1942, %swap3A_1943], %swap3A_1946 {strides = array<i32>} : memref<320x128xf32, #tpu.memory_space<vmem>>, vector<1x16xf32>,
      %eq3A_1947 = arith.cmpi eq, %iota3A, %min3A_1738 : vector<16xi32>
      %get3A_1948 = arith.index_cast %add3A_1741 : i32 to index
      %get3A_1949 = arith.constant 0 : index
      %get3A_1950 = tpu.vector_load %arg9[%get3A_1948, %get3A_1949] {strides = array<i32>} : memref<320x128xf32, #tpu.memory_space<vmem>>, vector<1x16xf32>,
      %get3A_1951 = vector.shape_cast %get3A_1950 : vector<1x16xf32> to vector<16xf32>
      %get3A_1952 = arith.index_cast %add3A_1741 : i32 to index
      %get3A_1953 = arith.constant 16 : index
      %get3A_1954 = tpu.vector_load %arg9[%get3A_1952, %get3A_1953] {strides = array<i32>} : memref<320x128xf32, #tpu.memory_space<vmem>>, vector<1x16xf32>,
      %get3A_1955 = vector.shape_cast %get3A_1954 : vector<1x16xf32> to vector<16xf32>
      %min3A_1956 = arith.minimumf %get3A_1951, %get3A_1955 : vector<16xf32>
      %get3A_1957 = arith.index_cast %add3A_1741 : i32 to index
      %get3A_1958 = arith.constant 32 : index
      %get3A_1959 = tpu.vector_load %arg9[%get3A_1957, %get3A_1958] {strides = array<i32>} : memref<320x128xf32, #tpu.memory_space<vmem>>, vector<1x16xf32>,
      %get3A_1960 = vector.shape_cast %get3A_1959 : vector<1x16xf32> to vector<16xf32>
      %min3A_1961 = arith.minimumf %min3A_1956, %get3A_1960 : vector<16xf32>
      %get3A_1962 = arith.index_cast %add3A_1741 : i32 to index
      %get3A_1963 = arith.constant 48 : index
      %get3A_1964 = tpu.vector_load %arg9[%get3A_1962, %get3A_1963] {strides = array<i32>} : memref<320x128xf32, #tpu.memory_space<vmem>>, vector<1x16xf32>,
      %get3A_1965 = vector.shape_cast %get3A_1964 : vector<1x16xf32> to vector<16xf32>
      %min3A_1966 = arith.minimumf %min3A_1961, %get3A_1965 : vector<16xf32>
      %get3A_1967 = arith.index_cast %add3A_1741 : i32 to index
      %get3A_1968 = arith.constant 64 : index
      %get3A_1969 = tpu.vector_load %arg9[%get3A_1967, %get3A_1968] {strides = array<i32>} : memref<320x128xf32, #tpu.memory_space<vmem>>, vector<1x16xf32>,
      %get3A_1970 = vector.shape_cast %get3A_1969 : vector<1x16xf32> to vector<16xf32>
      %min3A_1971 = arith.minimumf %min3A_1966, %get3A_1970 : vector<16xf32>
      %get3A_1972 = arith.index_cast %add3A_1741 : i32 to index
      %get3A_1973 = arith.constant 80 : index
      %get3A_1974 = tpu.vector_load %arg9[%get3A_1972, %get3A_1973] {strides = array<i32>} : memref<320x128xf32, #tpu.memory_space<vmem>>, vector<1x16xf32>,
      %get3A_1975 = vector.shape_cast %get3A_1974 : vector<1x16xf32> to vector<16xf32>
      %min3A_1976 = arith.minimumf %min3A_1971, %get3A_1975 : vector<16xf32>
      %get3A_1977 = arith.index_cast %add3A_1741 : i32 to index
      %get3A_1978 = arith.constant 96 : index
      %get3A_1979 = tpu.vector_load %arg9[%get3A_1977, %get3A_1978] {strides = array<i32>} : memref<320x128xf32, #tpu.memory_space<vmem>>, vector<1x16xf32>,
      %get3A_1980 = vector.shape_cast %get3A_1979 : vector<1x16xf32> to vector<16xf32>
      %min3A_1981 = arith.minimumf %min3A_1976, %get3A_1980 : vector<16xf32>
      %get3A_1982 = arith.index_cast %add3A_1741 : i32 to index
      %get3A_1983 = arith.constant 112 : index
      %get3A_1984 = tpu.vector_load %arg9[%get3A_1982, %get3A_1983] {strides = array<i32>} : memref<320x128xf32, #tpu.memory_space<vmem>>, vector<1x16xf32>,
      %get3A_1985 = vector.shape_cast %get3A_1984 : vector<1x16xf32> to vector<16xf32>
      %min3A_1986 = arith.minimumf %min3A_1981, %get3A_1985 : vector<16xf32>
      %broadcast_in_dim3A_1987 = vector.shape_cast %select_n3A_86 : vector<16xi32> to vector<16x1xi32>
      %gather3A_1988 = vector.shape_cast %broadcast_in_dim3A_1987 : vector<16x1xi32> to vector<16xi32>
      %gather3A_1989 = tpu.dynamic_gather %min3A_1986[%gather3A_1988] in [0] : vector<16xf32>, vector<16xi32> -> vector<16xf32>
      %min3A_1990 = arith.minimumf %min3A_1986, %gather3A_1989 : vector<16xf32>
      %broadcast_in_dim3A_1991 = vector.shape_cast %select_n3A_111 : vector<16xi32> to vector<16x1xi32>
      %gather3A_1992 = vector.shape_cast %broadcast_in_dim3A_1991 : vector<16x1xi32> to vector<16xi32>
      %gather3A_1993 = tpu.dynamic_gather %min3A_1990[%gather3A_1992] in [0] : vector<16xf32>, vector<16xi32> -> vector<16xf32>
      %min3A_1994 = arith.minimumf %min3A_1990, %gather3A_1993 : vector<16xf32>
      %broadcast_in_dim3A_1995 = vector.shape_cast %select_n3A_136 : vector<16xi32> to vector<16x1xi32>
      %gather3A_1996 = vector.shape_cast %broadcast_in_dim3A_1995 : vector<16x1xi32> to vector<16xi32>
      %gather3A_1997 = tpu.dynamic_gather %min3A_1994[%gather3A_1996] in [0] : vector<16xf32>, vector<16xi32> -> vector<16xf32>
      %min3A_1998 = arith.minimumf %min3A_1994, %gather3A_1997 : vector<16xf32>
      %broadcast_in_dim3A_1999 = vector.shape_cast %select_n3A_161 : vector<16xi32> to vector<16x1xi32>
      %gather3A_2000 = vector.shape_cast %broadcast_in_dim3A_1999 : vector<16x1xi32> to vector<16xi32>
      %gather3A_2001 = tpu.dynamic_gather %min3A_1998[%gather3A_2000] in [0] : vector<16xf32>, vector<16xi32> -> vector<16xf32>
      %min3A_2002 = arith.minimumf %min3A_1998, %gather3A_2001 : vector<16xf32>
      %select_n3A_2003 = arith.select %eq3A_1947, %min3A_2002, %select_n3A_1702 : vector<16xi1>, vector<16xf32>
      %broadcast_in_dim3A_2004 = vector.shape_cast %select_n3A_86 : vector<16xi32> to vector<16x1xi32>
      %gather3A_2005 = vector.shape_cast %broadcast_in_dim3A_2004 : vector<16x1xi32> to vector<16xi32>
      %gather3A_2006 = tpu.dynamic_gather %select_n3A_2003[%gather3A_2005] in [0] : vector<16xf32>, vector<16xi32> -> vector<16xf32>
      %min3A_2007 = arith.minimumf %select_n3A_2003, %gather3A_2006 : vector<16xf32>
      %broadcast_in_dim3A_2008 = vector.shape_cast %select_n3A_111 : vector<16xi32> to vector<16x1xi32>
      %gather3A_2009 = vector.shape_cast %broadcast_in_dim3A_2008 : vector<16x1xi32> to vector<16xi32>
      %gather3A_2010 = tpu.dynamic_gather %min3A_2007[%gather3A_2009] in [0] : vector<16xf32>, vector<16xi32> -> vector<16xf32>
      %min3A_2011 = arith.minimumf %min3A_2007, %gather3A_2010 : vector<16xf32>
      %broadcast_in_dim3A_2012 = vector.shape_cast %select_n3A_136 : vector<16xi32> to vector<16x1xi32>
      %gather3A_2013 = vector.shape_cast %broadcast_in_dim3A_2012 : vector<16x1xi32> to vector<16xi32>
      %gather3A_2014 = tpu.dynamic_gather %min3A_2011[%gather3A_2013] in [0] : vector<16xf32>, vector<16xi32> -> vector<16xf32>
      %min3A_2015 = arith.minimumf %min3A_2011, %gather3A_2014 : vector<16xf32>
      %broadcast_in_dim3A_2016 = vector.shape_cast %select_n3A_161 : vector<16xi32> to vector<16x1xi32>
      %gather3A_2017 = vector.shape_cast %broadcast_in_dim3A_2016 : vector<16x1xi32> to vector<16xi32>
      %gather3A_2018 = tpu.dynamic_gather %min3A_2015[%gather3A_2017] in [0] : vector<16xf32>, vector<16xi32> -> vector<16xf32>
      %min3A_2019 = arith.minimumf %min3A_2015, %gather3A_2018 : vector<16xf32>
      %eq3A_2020 = arith.cmpf oeq, %select_n3A_2003, %min3A_2019 : vector<16xf32>
      %jit3A_2021 = arith.constant 16 : i32
      %broadcast_in_dim3A_2022 = vector.broadcast %jit3A_2021 : i32 to vector<16xi32>
      %select_n3A_2023 = arith.select %eq3A_2020, %iota3A, %broadcast_in_dim3A_2022 : vector<16xi1>, vector<16xi32>
      %broadcast_in_dim3A_2024 = vector.shape_cast %select_n3A_86 : vector<16xi32> to vector<16x1xi32>
      %gather3A_2025 = vector.shape_cast %broadcast_in_dim3A_2024 : vector<16x1xi32> to vector<16xi32>
      %gather3A_2026 = tpu.dynamic_gather %select_n3A_2023[%gather3A_2025] in [0] : vector<16xi32>, vector<16xi32> -> vector<16xi32>
      %min3A_2027 = arith.minsi %select_n3A_2023, %gather3A_2026 : vector<16xi32>
      %broadcast_in_dim3A_2028 = vector.shape_cast %select_n3A_111 : vector<16xi32> to vector<16x1xi32>
      %gather3A_2029 = vector.shape_cast %broadcast_in_dim3A_2028 : vector<16x1xi32> to vector<16xi32>
      %gather3A_2030 = tpu.dynamic_gather %min3A_2027[%gather3A_2029] in [0] : vector<16xi32>, vector<16xi32> -> vector<16xi32>
      %min3A_2031 = arith.minsi %min3A_2027, %gather3A_2030 : vector<16xi32>
      %broadcast_in_dim3A_2032 = vector.shape_cast %select_n3A_136 : vector<16xi32> to vector<16x1xi32>
      %gather3A_2033 = vector.shape_cast %broadcast_in_dim3A_2032 : vector<16x1xi32> to vector<16xi32>
      %gather3A_2034 = tpu.dynamic_gather %min3A_2031[%gather3A_2033] in [0] : vector<16xi32>, vector<16xi32> -> vector<16xi32>
      %min3A_2035 = arith.minsi %min3A_2031, %gather3A_2034 : vector<16xi32>
      %broadcast_in_dim3A_2036 = vector.shape_cast %select_n3A_161 : vector<16xi32> to vector<16x1xi32>
      %gather3A_2037 = vector.shape_cast %broadcast_in_dim3A_2036 : vector<16x1xi32> to vector<16xi32>
      %gather3A_2038 = tpu.dynamic_gather %min3A_2035[%gather3A_2037] in [0] : vector<16xi32>, vector<16xi32> -> vector<16xi32>
      %min3A_2039 = arith.minsi %min3A_2035, %gather3A_2038 : vector<16xi32>
      %slice3A_2040 = vector.extract_strided_slice %min3A_2039 {offsets = [0], sizes = [1], strides = [1]} : vector<16xi32> to vector<1xi32>
      %squeeze3A_2041 = vector.extract %slice3A_2040[0] : i32 from vector<1xi32>
      %add3A_2042 = arith.addi %mul3A_193, %squeeze3A_2041 : i32
      %broadcast_in_dim3A_2043 = arith.constant 1024 : i32
      %broadcast_in_dim3A_2044 = vector.broadcast %broadcast_in_dim3A_2043 : i32 to vector<16xi32>
      %get3A_2045 = arith.index_cast %add3A_2042 : i32 to index
      %get3A_2046 = arith.constant 0 : index
      %get3A_2047 = tpu.vector_load %arg9[%get3A_2045, %get3A_2046] {strides = array<i32>} : memref<320x128xf32, #tpu.memory_space<vmem>>, vector<1x16xf32>,
      %get3A_2048 = vector.shape_cast %get3A_2047 : vector<1x16xf32> to vector<16xf32>
      %eq3A_2049 = arith.cmpf oeq, %get3A_2048, %min3A_2019 : vector<16xf32>
      %jit3A_2050 = arith.constant 1024 : i32
      %broadcast_in_dim3A_2051 = vector.broadcast %jit3A_2050 : i32 to vector<16xi32>
      %select_n3A_2052 = arith.select %eq3A_2049, %add3A_164, %broadcast_in_dim3A_2051 : vector<16xi1>, vector<16xi32>
      %min3A_2053 = arith.minsi %broadcast_in_dim3A_2044, %select_n3A_2052 : vector<16xi32>
      %get3A_2054 = arith.index_cast %add3A_2042 : i32 to index
      %get3A_2055 = arith.constant 16 : index
      %get3A_2056 = tpu.vector_load %arg9[%get3A_2054, %get3A_2055] {strides = array<i32>} : memref<320x128xf32, #tpu.memory_space<vmem>>, vector<1x16xf32>,
      %get3A_2057 = vector.shape_cast %get3A_2056 : vector<1x16xf32> to vector<16xf32>
      %eq3A_2058 = arith.cmpf oeq, %get3A_2057, %min3A_2019 : vector<16xf32>
      %jit3A_2059 = arith.constant 1024 : i32
      %broadcast_in_dim3A_2060 = vector.broadcast %jit3A_2059 : i32 to vector<16xi32>
      %select_n3A_2061 = arith.select %eq3A_2058, %add3A_167, %broadcast_in_dim3A_2060 : vector<16xi1>, vector<16xi32>
      %min3A_2062 = arith.minsi %min3A_2053, %select_n3A_2061 : vector<16xi32>
      %get3A_2063 = arith.index_cast %add3A_2042 : i32 to index
      %get3A_2064 = arith.constant 32 : index
      %get3A_2065 = tpu.vector_load %arg9[%get3A_2063, %get3A_2064] {strides = array<i32>} : memref<320x128xf32, #tpu.memory_space<vmem>>, vector<1x16xf32>,
      %get3A_2066 = vector.shape_cast %get3A_2065 : vector<1x16xf32> to vector<16xf32>
      %eq3A_2067 = arith.cmpf oeq, %get3A_2066, %min3A_2019 : vector<16xf32>
      %jit3A_2068 = arith.constant 1024 : i32
      %broadcast_in_dim3A_2069 = vector.broadcast %jit3A_2068 : i32 to vector<16xi32>
      %select_n3A_2070 = arith.select %eq3A_2067, %add3A_170, %broadcast_in_dim3A_2069 : vector<16xi1>, vector<16xi32>
      %min3A_2071 = arith.minsi %min3A_2062, %select_n3A_2070 : vector<16xi32>
      %get3A_2072 = arith.index_cast %add3A_2042 : i32 to index
      %get3A_2073 = arith.constant 48 : index
      %get3A_2074 = tpu.vector_load %arg9[%get3A_2072, %get3A_2073] {strides = array<i32>} : memref<320x128xf32, #tpu.memory_space<vmem>>, vector<1x16xf32>,
      %get3A_2075 = vector.shape_cast %get3A_2074 : vector<1x16xf32> to vector<16xf32>
      %eq3A_2076 = arith.cmpf oeq, %get3A_2075, %min3A_2019 : vector<16xf32>
      %jit3A_2077 = arith.constant 1024 : i32
      %broadcast_in_dim3A_2078 = vector.broadcast %jit3A_2077 : i32 to vector<16xi32>
      %select_n3A_2079 = arith.select %eq3A_2076, %add3A_173, %broadcast_in_dim3A_2078 : vector<16xi1>, vector<16xi32>
      %min3A_2080 = arith.minsi %min3A_2071, %select_n3A_2079 : vector<16xi32>
      %get3A_2081 = arith.index_cast %add3A_2042 : i32 to index
      %get3A_2082 = arith.constant 64 : index
      %get3A_2083 = tpu.vector_load %arg9[%get3A_2081, %get3A_2082] {strides = array<i32>} : memref<320x128xf32, #tpu.memory_space<vmem>>, vector<1x16xf32>,
      %get3A_2084 = vector.shape_cast %get3A_2083 : vector<1x16xf32> to vector<16xf32>
      %eq3A_2085 = arith.cmpf oeq, %get3A_2084, %min3A_2019 : vector<16xf32>
      %jit3A_2086 = arith.constant 1024 : i32
      %broadcast_in_dim3A_2087 = vector.broadcast %jit3A_2086 : i32 to vector<16xi32>
      %select_n3A_2088 = arith.select %eq3A_2085, %add3A_176, %broadcast_in_dim3A_2087 : vector<16xi1>, vector<16xi32>
      %min3A_2089 = arith.minsi %min3A_2080, %select_n3A_2088 : vector<16xi32>
      %get3A_2090 = arith.index_cast %add3A_2042 : i32 to index
      %get3A_2091 = arith.constant 80 : index
      %get3A_2092 = tpu.vector_load %arg9[%get3A_2090, %get3A_2091] {strides = array<i32>} : memref<320x128xf32, #tpu.memory_space<vmem>>, vector<1x16xf32>,
      %get3A_2093 = vector.shape_cast %get3A_2092 : vector<1x16xf32> to vector<16xf32>
      %eq3A_2094 = arith.cmpf oeq, %get3A_2093, %min3A_2019 : vector<16xf32>
      %jit3A_2095 = arith.constant 1024 : i32
      %broadcast_in_dim3A_2096 = vector.broadcast %jit3A_2095 : i32 to vector<16xi32>
      %select_n3A_2097 = arith.select %eq3A_2094, %add3A_179, %broadcast_in_dim3A_2096 : vector<16xi1>, vector<16xi32>
      %min3A_2098 = arith.minsi %min3A_2089, %select_n3A_2097 : vector<16xi32>
      %get3A_2099 = arith.index_cast %add3A_2042 : i32 to index
      %get3A_2100 = arith.constant 96 : index
      %get3A_2101 = tpu.vector_load %arg9[%get3A_2099, %get3A_2100] {strides = array<i32>} : memref<320x128xf32, #tpu.memory_space<vmem>>, vector<1x16xf32>,
      %get3A_2102 = vector.shape_cast %get3A_2101 : vector<1x16xf32> to vector<16xf32>
      %eq3A_2103 = arith.cmpf oeq, %get3A_2102, %min3A_2019 : vector<16xf32>
      %jit3A_2104 = arith.constant 1024 : i32
      %broadcast_in_dim3A_2105 = vector.broadcast %jit3A_2104 : i32 to vector<16xi32>
      %select_n3A_2106 = arith.select %eq3A_2103, %add3A_182, %broadcast_in_dim3A_2105 : vector<16xi1>, vector<16xi32>
      %min3A_2107 = arith.minsi %min3A_2098, %select_n3A_2106 : vector<16xi32>
      %get3A_2108 = arith.index_cast %add3A_2042 : i32 to index
      %get3A_2109 = arith.constant 112 : index
      %get3A_2110 = tpu.vector_load %arg9[%get3A_2108, %get3A_2109] {strides = array<i32>} : memref<320x128xf32, #tpu.memory_space<vmem>>, vector<1x16xf32>,
      %get3A_2111 = vector.shape_cast %get3A_2110 : vector<1x16xf32> to vector<16xf32>
      %eq3A_2112 = arith.cmpf oeq, %get3A_2111, %min3A_2019 : vector<16xf32>
      %jit3A_2113 = arith.constant 1024 : i32
      %broadcast_in_dim3A_2114 = vector.broadcast %jit3A_2113 : i32 to vector<16xi32>
      %select_n3A_2115 = arith.select %eq3A_2112, %add3A_185, %broadcast_in_dim3A_2114 : vector<16xi1>, vector<16xi32>
      %min3A_2116 = arith.minsi %min3A_2107, %select_n3A_2115 : vector<16xi32>
      %broadcast_in_dim3A_2117 = vector.shape_cast %select_n3A_86 : vector<16xi32> to vector<16x1xi32>
      %gather3A_2118 = vector.shape_cast %broadcast_in_dim3A_2117 : vector<16x1xi32> to vector<16xi32>
      %gather3A_2119 = tpu.dynamic_gather %min3A_2116[%gather3A_2118] in [0] : vector<16xi32>, vector<16xi32> -> vector<16xi32>
      %min3A_2120 = arith.minsi %min3A_2116, %gather3A_2119 : vector<16xi32>
      %broadcast_in_dim3A_2121 = vector.shape_cast %select_n3A_111 : vector<16xi32> to vector<16x1xi32>
      %gather3A_2122 = vector.shape_cast %broadcast_in_dim3A_2121 : vector<16x1xi32> to vector<16xi32>
      %gather3A_2123 = tpu.dynamic_gather %min3A_2120[%gather3A_2122] in [0] : vector<16xi32>, vector<16xi32> -> vector<16xi32>
      %min3A_2124 = arith.minsi %min3A_2120, %gather3A_2123 : vector<16xi32>
      %broadcast_in_dim3A_2125 = vector.shape_cast %select_n3A_136 : vector<16xi32> to vector<16x1xi32>
      %gather3A_2126 = vector.shape_cast %broadcast_in_dim3A_2125 : vector<16x1xi32> to vector<16xi32>
      %gather3A_2127 = tpu.dynamic_gather %min3A_2124[%gather3A_2126] in [0] : vector<16xi32>, vector<16xi32> -> vector<16xi32>
      %min3A_2128 = arith.minsi %min3A_2124, %gather3A_2127 : vector<16xi32>
      %broadcast_in_dim3A_2129 = vector.shape_cast %select_n3A_161 : vector<16xi32> to vector<16x1xi32>
      %gather3A_2130 = vector.shape_cast %broadcast_in_dim3A_2129 : vector<16x1xi32> to vector<16xi32>
      %gather3A_2131 = tpu.dynamic_gather %min3A_2128[%gather3A_2130] in [0] : vector<16xi32>, vector<16xi32> -> vector<16xi32>
      %min3A_2132 = arith.minsi %min3A_2128, %gather3A_2131 : vector<16xi32>
      %slice3A_2133 = vector.extract_strided_slice %min3A_2132 {offsets = [0], sizes = [1], strides = [1]} : vector<16xi32> to vector<1xi32>
      %squeeze3A_2134 = vector.extract %slice3A_2133[0] : i32 from vector<1xi32>
      %mul3A_2135 = arith.constant 10 : i32
      %mul3A_2136 = arith.muli %scan3A_191, %mul3A_2135 : i32
      %add3A_2137 = arith.addi %mul3A_2136, %squeeze3A_2041 : i32
      %jit3A_2138 = arith.constant 16 : i32
      %div3A_2139 = arith.divsi %add3A_2137, %jit3A_2138 : i32
      %sign3A_2140 = arith.constant 0 : i32
      %sign3A_2141 = arith.cmpi sgt, %add3A_2137, %sign3A_2140 : i32
      %sign3A_2142 = arith.extui %sign3A_2141 : i1 to i32
      %sign3A_2143 = arith.constant 0 : i32
      %sign3A_2144 = arith.cmpi slt, %add3A_2137, %sign3A_2143 : i32
      %sign3A_2145 = arith.extui %sign3A_2144 : i1 to i32
      %sign3A_2146 = arith.subi %sign3A_2142, %sign3A_2145 : i32
      %sign3A_2147 = arith.constant 0 : i32
      %sign3A_2148 = arith.cmpi sgt, %jit3A_2138, %sign3A_2147 : i32
      %sign3A_2149 = arith.extui %sign3A_2148 : i1 to i32
      %sign3A_2150 = arith.constant 0 : i32
      %sign3A_2151 = arith.cmpi slt, %jit3A_2138, %sign3A_2150 : i32
      %sign3A_2152 = arith.extui %sign3A_2151 : i1 to i32
      %sign3A_2153 = arith.subi %sign3A_2149, %sign3A_2152 : i32
      %ne3A_2154 = arith.cmpi ne, %sign3A_2146, %sign3A_2153 : i32
      %rem3A_2155 = arith.remsi %add3A_2137, %jit3A_2138 : i32
      %ne3A_2156 = arith.constant 0 : i32
      %ne3A_2157 = arith.cmpi ne, %rem3A_2155, %ne3A_2156 : i32
      %and3A_2158 = arith.andi %ne3A_2154, %ne3A_2157 : i1
      %sub3A_2159 = arith.constant 1 : i32
      %sub3A_2160 = arith.subi %div3A_2139, %sub3A_2159 : i32
      %select_n3A_2161 = arith.select %and3A_2158, %sub3A_2160, %div3A_2139 : i32
      %mul3A_2162 = arith.constant 16 : i32
      %mul3A_2163 = arith.muli %select_n3A_2161, %mul3A_2162 : i32
      %get3A_2164 = arith.index_cast %mul3A_2163 : i32 to index
      %get3A_2165 = tpu.vector_load %arg8[%get3A_2164] {strides = array<i32>} : memref<320xi32, #tpu.memory_space<vmem>>, vector<16xi32>,
      %get3A_2166 = vector.shape_cast %get3A_2165 : vector<16xi32> to vector<16xi32>
      %sub3A_2167 = arith.subi %add3A_2137, %mul3A_2163 : i32
      %add3A_2168 = vector.broadcast %sub3A_2167 : i32 to vector<16xi32>
      %add3A_2169 = arith.addi %iota3A, %add3A_2168 : vector<16xi32>
      %jit3A_2170 = arith.constant 16 : i32
      %eq3A_2171 = arith.constant 0 : i32
      %eq3A_2172 = arith.cmpi eq, %jit3A_2170, %eq3A_2171 : i32
      %jit3A_2173 = arith.constant 1 : i32
      %select_n3A_2174 = arith.select %eq3A_2172, %jit3A_2173, %jit3A_2170 : i32
      %rem3A_2175 = vector.broadcast %select_n3A_2174 : i32 to vector<16xi32>
      %rem3A_2176 = arith.remsi %add3A_2169, %rem3A_2175 : vector<16xi32>
      %ne3A_2177 = arith.constant 0 : i32
      %ne3A_2178 = vector.broadcast %ne3A_2177 : i32 to vector<16xi32>
      %ne3A_2179 = arith.cmpi ne, %rem3A_2176, %ne3A_2178 : vector<16xi32>
      %lt3A_2180 = arith.constant 0 : i32
      %lt3A_2181 = vector.broadcast %lt3A_2180 : i32 to vector<16xi32>
      %lt3A_2182 = arith.cmpi slt, %rem3A_2176, %lt3A_2181 : vector<16xi32>
      %lt3A_2183 = arith.constant 0 : i32
      %lt3A_2184 = arith.cmpi slt, %select_n3A_2174, %lt3A_2183 : i32
      %ne3A_2185 = vector.broadcast %lt3A_2184 : i1 to vector<16xi1>
      %ne3A_2186 = vector.broadcast %ne3A_2185 : vector<16xi1> to vector<16xi1>
      %ne3A_2187 = arith.xori %lt3A_2182, %ne3A_2186 : vector<16xi1>
      %and3A_2188 = arith.andi %ne3A_2187, %ne3A_2179 : vector<16xi1>
      %add3A_2189 = vector.broadcast %select_n3A_2174 : i32 to vector<16xi32>
      %add3A_2190 = arith.addi %rem3A_2176, %add3A_2189 : vector<16xi32>
      %select_n3A_2191 = arith.select %and3A_2188, %add3A_2190, %rem3A_2176 : vector<16xi1>, vector<16xi32>
      %broadcast_in_dim3A_2192 = vector.shape_cast %select_n3A_2191 : vector<16xi32> to vector<16x1xi32>
      %gather3A_2193 = vector.shape_cast %broadcast_in_dim3A_2192 : vector<16x1xi32> to vector<16xi32>
      %gather3A_2194 = tpu.dynamic_gather %get3A_2166[%gather3A_2193] in [0] : vector<16xi32>, vector<16xi32> -> vector<16xi32>
      %slice3A_2195 = vector.extract_strided_slice %gather3A_2194 {offsets = [0], sizes = [1], strides = [1]} : vector<16xi32> to vector<1xi32>
      %squeeze3A_2196 = vector.extract %slice3A_2195[0] : i32 from vector<1xi32>
      %eq3A_2197 = arith.constant 4 : i32
      %eq3A_2198 = vector.broadcast %eq3A_2197 : i32 to vector<16xi32>
      %eq3A_2199 = arith.cmpi eq, %iota3A, %eq3A_2198 : vector<16xi32>
      %select_n3A_2200 = arith.select %eq3A_2199, %min3A_2019, %select_n3A_1899 : vector<16xi1>, vector<16xf32>
      %eq3A_2201 = arith.constant 4 : i32
      %eq3A_2202 = vector.broadcast %eq3A_2201 : i32 to vector<16xi32>
      %eq3A_2203 = arith.cmpi eq, %iota3A, %eq3A_2202 : vector<16xi32>
      %add3A_2204 = arith.addi %squeeze3A_2196, %squeeze3A_2134 : i32
      %broadcast_in_dim3A_2205 = vector.broadcast %add3A_2204 : i32 to vector<16xi32>
      %select_n3A_2206 = arith.select %eq3A_2203, %broadcast_in_dim3A_2205, %select_n3A_1905 : vector<16xi1>, vector<16xi32>
      %jit3A_2207 = arith.constant 16 : i32
      %div3A_2208 = arith.divsi %squeeze3A_2134, %jit3A_2207 : i32
      %sign3A_2209 = arith.constant 0 : i32
      %sign3A_2210 = arith.cmpi sgt, %squeeze3A_2134, %sign3A_2209 : i32
      %sign3A_2211 = arith.extui %sign3A_2210 : i1 to i32
      %sign3A_2212 = arith.constant 0 : i32
      %sign3A_2213 = arith.cmpi slt, %squeeze3A_2134, %sign3A_2212 : i32
      %sign3A_2214 = arith.extui %sign3A_2213 : i1 to i32
      %sign3A_2215 = arith.subi %sign3A_2211, %sign3A_2214 : i32
      %sign3A_2216 = arith.constant 0 : i32
      %sign3A_2217 = arith.cmpi sgt, %jit3A_2207, %sign3A_2216 : i32
      %sign3A_2218 = arith.extui %sign3A_2217 : i1 to i32
      %sign3A_2219 = arith.constant 0 : i32
      %sign3A_2220 = arith.cmpi slt, %jit3A_2207, %sign3A_2219 : i32
      %sign3A_2221 = arith.extui %sign3A_2220 : i1 to i32
      %sign3A_2222 = arith.subi %sign3A_2218, %sign3A_2221 : i32
      %ne3A_2223 = arith.cmpi ne, %sign3A_2215, %sign3A_2222 : i32
      %rem3A_2224 = arith.remsi %squeeze3A_2134, %jit3A_2207 : i32
      %ne3A_2225 = arith.constant 0 : i32
      %ne3A_2226 = arith.cmpi ne, %rem3A_2224, %ne3A_2225 : i32
      %and3A_2227 = arith.andi %ne3A_2223, %ne3A_2226 : i1
      %sub3A_2228 = arith.constant 1 : i32
      %sub3A_2229 = arith.subi %div3A_2208, %sub3A_2228 : i32
      %select_n3A_2230 = arith.select %and3A_2227, %sub3A_2229, %div3A_2208 : i32
      %mul3A_2231 = arith.constant 16 : i32
      %mul3A_2232 = arith.muli %select_n3A_2230, %mul3A_2231 : i32
      %get3A_2233 = arith.index_cast %add3A_2042 : i32 to index
      %get3A_2234 = arith.index_cast %mul3A_2232 : i32 to index
      %get3A_2235 = tpu.vector_load %arg9[%get3A_2233, %get3A_2234] {strides = array<i32>} : memref<320x128xf32, #tpu.memory_space<vmem>>, vector<1x16xf32>,
      %get3A_2236 = vector.shape_cast %get3A_2235 : vector<1x16xf32> to vector<16xf32>
      %sub3A_2237 = arith.subi %squeeze3A_2134, %mul3A_2232 : i32
      %eq3A_2238 = vector.broadcast %sub3A_2237 : i32 to vector<16xi32>
      %eq3A_2239 = arith.cmpi eq, %iota3A, %eq3A_2238 : vector<16xi32>
      %jit3A_2240 = arith.constant 0x7F800000 : f32
      %broadcast_in_dim3A_2241 = vector.broadcast %jit3A_2240 : f32 to vector<16xf32>
      %select_n3A_2242 = arith.select %eq3A_2239, %broadcast_in_dim3A_2241, %get3A_2236 : vector<16xi1>, vector<16xf32>
      %swap3A_2243 = arith.index_cast %add3A_2042 : i32 to index
      %swap3A_2244 = arith.index_cast %mul3A_2232 : i32 to index
      %swap3A_2245 = tpu.vector_load %arg9[%swap3A_2243, %swap3A_2244] {strides = array<i32>} : memref<320x128xf32, #tpu.memory_space<vmem>>, vector<1x16xf32>,
      %swap3A_2246 = vector.shape_cast %swap3A_2245 : vector<1x16xf32> to vector<16xf32>
      %swap3A_2247 = vector.shape_cast %select_n3A_2242 : vector<16xf32> to vector<1x16xf32>
      tpu.vector_store %arg9[%swap3A_2243, %swap3A_2244], %swap3A_2247 {strides = array<i32>} : memref<320x128xf32, #tpu.memory_space<vmem>>, vector<1x16xf32>,
      %eq3A_2248 = arith.cmpi eq, %iota3A, %min3A_2039 : vector<16xi32>
      %get3A_2249 = arith.index_cast %add3A_2042 : i32 to index
      %get3A_2250 = arith.constant 0 : index
      %get3A_2251 = tpu.vector_load %arg9[%get3A_2249, %get3A_2250] {strides = array<i32>} : memref<320x128xf32, #tpu.memory_space<vmem>>, vector<1x16xf32>,
      %get3A_2252 = vector.shape_cast %get3A_2251 : vector<1x16xf32> to vector<16xf32>
      %get3A_2253 = arith.index_cast %add3A_2042 : i32 to index
      %get3A_2254 = arith.constant 16 : index
      %get3A_2255 = tpu.vector_load %arg9[%get3A_2253, %get3A_2254] {strides = array<i32>} : memref<320x128xf32, #tpu.memory_space<vmem>>, vector<1x16xf32>,
      %get3A_2256 = vector.shape_cast %get3A_2255 : vector<1x16xf32> to vector<16xf32>
      %min3A_2257 = arith.minimumf %get3A_2252, %get3A_2256 : vector<16xf32>
      %get3A_2258 = arith.index_cast %add3A_2042 : i32 to index
      %get3A_2259 = arith.constant 32 : index
      %get3A_2260 = tpu.vector_load %arg9[%get3A_2258, %get3A_2259] {strides = array<i32>} : memref<320x128xf32, #tpu.memory_space<vmem>>, vector<1x16xf32>,
      %get3A_2261 = vector.shape_cast %get3A_2260 : vector<1x16xf32> to vector<16xf32>
      %min3A_2262 = arith.minimumf %min3A_2257, %get3A_2261 : vector<16xf32>
      %get3A_2263 = arith.index_cast %add3A_2042 : i32 to index
      %get3A_2264 = arith.constant 48 : index
      %get3A_2265 = tpu.vector_load %arg9[%get3A_2263, %get3A_2264] {strides = array<i32>} : memref<320x128xf32, #tpu.memory_space<vmem>>, vector<1x16xf32>,
      %get3A_2266 = vector.shape_cast %get3A_2265 : vector<1x16xf32> to vector<16xf32>
      %min3A_2267 = arith.minimumf %min3A_2262, %get3A_2266 : vector<16xf32>
      %get3A_2268 = arith.index_cast %add3A_2042 : i32 to index
      %get3A_2269 = arith.constant 64 : index
      %get3A_2270 = tpu.vector_load %arg9[%get3A_2268, %get3A_2269] {strides = array<i32>} : memref<320x128xf32, #tpu.memory_space<vmem>>, vector<1x16xf32>,
      %get3A_2271 = vector.shape_cast %get3A_2270 : vector<1x16xf32> to vector<16xf32>
      %min3A_2272 = arith.minimumf %min3A_2267, %get3A_2271 : vector<16xf32>
      %get3A_2273 = arith.index_cast %add3A_2042 : i32 to index
      %get3A_2274 = arith.constant 80 : index
      %get3A_2275 = tpu.vector_load %arg9[%get3A_2273, %get3A_2274] {strides = array<i32>} : memref<320x128xf32, #tpu.memory_space<vmem>>, vector<1x16xf32>,
      %get3A_2276 = vector.shape_cast %get3A_2275 : vector<1x16xf32> to vector<16xf32>
      %min3A_2277 = arith.minimumf %min3A_2272, %get3A_2276 : vector<16xf32>
      %get3A_2278 = arith.index_cast %add3A_2042 : i32 to index
      %get3A_2279 = arith.constant 96 : index
      %get3A_2280 = tpu.vector_load %arg9[%get3A_2278, %get3A_2279] {strides = array<i32>} : memref<320x128xf32, #tpu.memory_space<vmem>>, vector<1x16xf32>,
      %get3A_2281 = vector.shape_cast %get3A_2280 : vector<1x16xf32> to vector<16xf32>
      %min3A_2282 = arith.minimumf %min3A_2277, %get3A_2281 : vector<16xf32>
      %get3A_2283 = arith.index_cast %add3A_2042 : i32 to index
      %get3A_2284 = arith.constant 112 : index
      %get3A_2285 = tpu.vector_load %arg9[%get3A_2283, %get3A_2284] {strides = array<i32>} : memref<320x128xf32, #tpu.memory_space<vmem>>, vector<1x16xf32>,
      %get3A_2286 = vector.shape_cast %get3A_2285 : vector<1x16xf32> to vector<16xf32>
      %min3A_2287 = arith.minimumf %min3A_2282, %get3A_2286 : vector<16xf32>
      %broadcast_in_dim3A_2288 = vector.shape_cast %select_n3A_86 : vector<16xi32> to vector<16x1xi32>
      %gather3A_2289 = vector.shape_cast %broadcast_in_dim3A_2288 : vector<16x1xi32> to vector<16xi32>
      %gather3A_2290 = tpu.dynamic_gather %min3A_2287[%gather3A_2289] in [0] : vector<16xf32>, vector<16xi32> -> vector<16xf32>
      %min3A_2291 = arith.minimumf %min3A_2287, %gather3A_2290 : vector<16xf32>
      %broadcast_in_dim3A_2292 = vector.shape_cast %select_n3A_111 : vector<16xi32> to vector<16x1xi32>
      %gather3A_2293 = vector.shape_cast %broadcast_in_dim3A_2292 : vector<16x1xi32> to vector<16xi32>
      %gather3A_2294 = tpu.dynamic_gather %min3A_2291[%gather3A_2293] in [0] : vector<16xf32>, vector<16xi32> -> vector<16xf32>
      %min3A_2295 = arith.minimumf %min3A_2291, %gather3A_2294 : vector<16xf32>
      %broadcast_in_dim3A_2296 = vector.shape_cast %select_n3A_136 : vector<16xi32> to vector<16x1xi32>
      %gather3A_2297 = vector.shape_cast %broadcast_in_dim3A_2296 : vector<16x1xi32> to vector<16xi32>
      %gather3A_2298 = tpu.dynamic_gather %min3A_2295[%gather3A_2297] in [0] : vector<16xf32>, vector<16xi32> -> vector<16xf32>
      %min3A_2299 = arith.minimumf %min3A_2295, %gather3A_2298 : vector<16xf32>
      %broadcast_in_dim3A_2300 = vector.shape_cast %select_n3A_161 : vector<16xi32> to vector<16x1xi32>
      %gather3A_2301 = vector.shape_cast %broadcast_in_dim3A_2300 : vector<16x1xi32> to vector<16xi32>
      %gather3A_2302 = tpu.dynamic_gather %min3A_2299[%gather3A_2301] in [0] : vector<16xf32>, vector<16xi32> -> vector<16xf32>
      %min3A_2303 = arith.minimumf %min3A_2299, %gather3A_2302 : vector<16xf32>
      %select_n3A_2304 = arith.select %eq3A_2248, %min3A_2303, %select_n3A_2003 : vector<16xi1>, vector<16xf32>
      %broadcast_in_dim3A_2305 = vector.shape_cast %select_n3A_86 : vector<16xi32> to vector<16x1xi32>
      %gather3A_2306 = vector.shape_cast %broadcast_in_dim3A_2305 : vector<16x1xi32> to vector<16xi32>
      %gather3A_2307 = tpu.dynamic_gather %select_n3A_2304[%gather3A_2306] in [0] : vector<16xf32>, vector<16xi32> -> vector<16xf32>
      %min3A_2308 = arith.minimumf %select_n3A_2304, %gather3A_2307 : vector<16xf32>
      %broadcast_in_dim3A_2309 = vector.shape_cast %select_n3A_111 : vector<16xi32> to vector<16x1xi32>
      %gather3A_2310 = vector.shape_cast %broadcast_in_dim3A_2309 : vector<16x1xi32> to vector<16xi32>
      %gather3A_2311 = tpu.dynamic_gather %min3A_2308[%gather3A_2310] in [0] : vector<16xf32>, vector<16xi32> -> vector<16xf32>
      %min3A_2312 = arith.minimumf %min3A_2308, %gather3A_2311 : vector<16xf32>
      %broadcast_in_dim3A_2313 = vector.shape_cast %select_n3A_136 : vector<16xi32> to vector<16x1xi32>
      %gather3A_2314 = vector.shape_cast %broadcast_in_dim3A_2313 : vector<16x1xi32> to vector<16xi32>
      %gather3A_2315 = tpu.dynamic_gather %min3A_2312[%gather3A_2314] in [0] : vector<16xf32>, vector<16xi32> -> vector<16xf32>
      %min3A_2316 = arith.minimumf %min3A_2312, %gather3A_2315 : vector<16xf32>
      %broadcast_in_dim3A_2317 = vector.shape_cast %select_n3A_161 : vector<16xi32> to vector<16x1xi32>
      %gather3A_2318 = vector.shape_cast %broadcast_in_dim3A_2317 : vector<16x1xi32> to vector<16xi32>
      %gather3A_2319 = tpu.dynamic_gather %min3A_2316[%gather3A_2318] in [0] : vector<16xf32>, vector<16xi32> -> vector<16xf32>
      %min3A_2320 = arith.minimumf %min3A_2316, %gather3A_2319 : vector<16xf32>
      %eq3A_2321 = arith.cmpf oeq, %select_n3A_2304, %min3A_2320 : vector<16xf32>
      %jit3A_2322 = arith.constant 16 : i32
      %broadcast_in_dim3A_2323 = vector.broadcast %jit3A_2322 : i32 to vector<16xi32>
      %select_n3A_2324 = arith.select %eq3A_2321, %iota3A, %broadcast_in_dim3A_2323 : vector<16xi1>, vector<16xi32>
      %broadcast_in_dim3A_2325 = vector.shape_cast %select_n3A_86 : vector<16xi32> to vector<16x1xi32>
      %gather3A_2326 = vector.shape_cast %broadcast_in_dim3A_2325 : vector<16x1xi32> to vector<16xi32>
      %gather3A_2327 = tpu.dynamic_gather %select_n3A_2324[%gather3A_2326] in [0] : vector<16xi32>, vector<16xi32> -> vector<16xi32>
      %min3A_2328 = arith.minsi %select_n3A_2324, %gather3A_2327 : vector<16xi32>
      %broadcast_in_dim3A_2329 = vector.shape_cast %select_n3A_111 : vector<16xi32> to vector<16x1xi32>
      %gather3A_2330 = vector.shape_cast %broadcast_in_dim3A_2329 : vector<16x1xi32> to vector<16xi32>
      %gather3A_2331 = tpu.dynamic_gather %min3A_2328[%gather3A_2330] in [0] : vector<16xi32>, vector<16xi32> -> vector<16xi32>
      %min3A_2332 = arith.minsi %min3A_2328, %gather3A_2331 : vector<16xi32>
      %broadcast_in_dim3A_2333 = vector.shape_cast %select_n3A_136 : vector<16xi32> to vector<16x1xi32>
      %gather3A_2334 = vector.shape_cast %broadcast_in_dim3A_2333 : vector<16x1xi32> to vector<16xi32>
      %gather3A_2335 = tpu.dynamic_gather %min3A_2332[%gather3A_2334] in [0] : vector<16xi32>, vector<16xi32> -> vector<16xi32>
      %min3A_2336 = arith.minsi %min3A_2332, %gather3A_2335 : vector<16xi32>
      %broadcast_in_dim3A_2337 = vector.shape_cast %select_n3A_161 : vector<16xi32> to vector<16x1xi32>
      %gather3A_2338 = vector.shape_cast %broadcast_in_dim3A_2337 : vector<16x1xi32> to vector<16xi32>
      %gather3A_2339 = tpu.dynamic_gather %min3A_2336[%gather3A_2338] in [0] : vector<16xi32>, vector<16xi32> -> vector<16xi32>
      %min3A_2340 = arith.minsi %min3A_2336, %gather3A_2339 : vector<16xi32>
      %slice3A_2341 = vector.extract_strided_slice %min3A_2340 {offsets = [0], sizes = [1], strides = [1]} : vector<16xi32> to vector<1xi32>
      %squeeze3A_2342 = vector.extract %slice3A_2341[0] : i32 from vector<1xi32>
      %add3A_2343 = arith.addi %mul3A_193, %squeeze3A_2342 : i32
      %broadcast_in_dim3A_2344 = arith.constant 1024 : i32
      %broadcast_in_dim3A_2345 = vector.broadcast %broadcast_in_dim3A_2344 : i32 to vector<16xi32>
      %get3A_2346 = arith.index_cast %add3A_2343 : i32 to index
      %get3A_2347 = arith.constant 0 : index
      %get3A_2348 = tpu.vector_load %arg9[%get3A_2346, %get3A_2347] {strides = array<i32>} : memref<320x128xf32, #tpu.memory_space<vmem>>, vector<1x16xf32>,
      %get3A_2349 = vector.shape_cast %get3A_2348 : vector<1x16xf32> to vector<16xf32>
      %eq3A_2350 = arith.cmpf oeq, %get3A_2349, %min3A_2320 : vector<16xf32>
      %jit3A_2351 = arith.constant 1024 : i32
      %broadcast_in_dim3A_2352 = vector.broadcast %jit3A_2351 : i32 to vector<16xi32>
      %select_n3A_2353 = arith.select %eq3A_2350, %add3A_164, %broadcast_in_dim3A_2352 : vector<16xi1>, vector<16xi32>
      %min3A_2354 = arith.minsi %broadcast_in_dim3A_2345, %select_n3A_2353 : vector<16xi32>
      %get3A_2355 = arith.index_cast %add3A_2343 : i32 to index
      %get3A_2356 = arith.constant 16 : index
      %get3A_2357 = tpu.vector_load %arg9[%get3A_2355, %get3A_2356] {strides = array<i32>} : memref<320x128xf32, #tpu.memory_space<vmem>>, vector<1x16xf32>,
      %get3A_2358 = vector.shape_cast %get3A_2357 : vector<1x16xf32> to vector<16xf32>
      %eq3A_2359 = arith.cmpf oeq, %get3A_2358, %min3A_2320 : vector<16xf32>
      %jit3A_2360 = arith.constant 1024 : i32
      %broadcast_in_dim3A_2361 = vector.broadcast %jit3A_2360 : i32 to vector<16xi32>
      %select_n3A_2362 = arith.select %eq3A_2359, %add3A_167, %broadcast_in_dim3A_2361 : vector<16xi1>, vector<16xi32>
      %min3A_2363 = arith.minsi %min3A_2354, %select_n3A_2362 : vector<16xi32>
      %get3A_2364 = arith.index_cast %add3A_2343 : i32 to index
      %get3A_2365 = arith.constant 32 : index
      %get3A_2366 = tpu.vector_load %arg9[%get3A_2364, %get3A_2365] {strides = array<i32>} : memref<320x128xf32, #tpu.memory_space<vmem>>, vector<1x16xf32>,
      %get3A_2367 = vector.shape_cast %get3A_2366 : vector<1x16xf32> to vector<16xf32>
      %eq3A_2368 = arith.cmpf oeq, %get3A_2367, %min3A_2320 : vector<16xf32>
      %jit3A_2369 = arith.constant 1024 : i32
      %broadcast_in_dim3A_2370 = vector.broadcast %jit3A_2369 : i32 to vector<16xi32>
      %select_n3A_2371 = arith.select %eq3A_2368, %add3A_170, %broadcast_in_dim3A_2370 : vector<16xi1>, vector<16xi32>
      %min3A_2372 = arith.minsi %min3A_2363, %select_n3A_2371 : vector<16xi32>
      %get3A_2373 = arith.index_cast %add3A_2343 : i32 to index
      %get3A_2374 = arith.constant 48 : index
      %get3A_2375 = tpu.vector_load %arg9[%get3A_2373, %get3A_2374] {strides = array<i32>} : memref<320x128xf32, #tpu.memory_space<vmem>>, vector<1x16xf32>,
      %get3A_2376 = vector.shape_cast %get3A_2375 : vector<1x16xf32> to vector<16xf32>
      %eq3A_2377 = arith.cmpf oeq, %get3A_2376, %min3A_2320 : vector<16xf32>
      %jit3A_2378 = arith.constant 1024 : i32
      %broadcast_in_dim3A_2379 = vector.broadcast %jit3A_2378 : i32 to vector<16xi32>
      %select_n3A_2380 = arith.select %eq3A_2377, %add3A_173, %broadcast_in_dim3A_2379 : vector<16xi1>, vector<16xi32>
      %min3A_2381 = arith.minsi %min3A_2372, %select_n3A_2380 : vector<16xi32>
      %get3A_2382 = arith.index_cast %add3A_2343 : i32 to index
      %get3A_2383 = arith.constant 64 : index
      %get3A_2384 = tpu.vector_load %arg9[%get3A_2382, %get3A_2383] {strides = array<i32>} : memref<320x128xf32, #tpu.memory_space<vmem>>, vector<1x16xf32>,
      %get3A_2385 = vector.shape_cast %get3A_2384 : vector<1x16xf32> to vector<16xf32>
      %eq3A_2386 = arith.cmpf oeq, %get3A_2385, %min3A_2320 : vector<16xf32>
      %jit3A_2387 = arith.constant 1024 : i32
      %broadcast_in_dim3A_2388 = vector.broadcast %jit3A_2387 : i32 to vector<16xi32>
      %select_n3A_2389 = arith.select %eq3A_2386, %add3A_176, %broadcast_in_dim3A_2388 : vector<16xi1>, vector<16xi32>
      %min3A_2390 = arith.minsi %min3A_2381, %select_n3A_2389 : vector<16xi32>
      %get3A_2391 = arith.index_cast %add3A_2343 : i32 to index
      %get3A_2392 = arith.constant 80 : index
      %get3A_2393 = tpu.vector_load %arg9[%get3A_2391, %get3A_2392] {strides = array<i32>} : memref<320x128xf32, #tpu.memory_space<vmem>>, vector<1x16xf32>,
      %get3A_2394 = vector.shape_cast %get3A_2393 : vector<1x16xf32> to vector<16xf32>
      %eq3A_2395 = arith.cmpf oeq, %get3A_2394, %min3A_2320 : vector<16xf32>
      %jit3A_2396 = arith.constant 1024 : i32
      %broadcast_in_dim3A_2397 = vector.broadcast %jit3A_2396 : i32 to vector<16xi32>
      %select_n3A_2398 = arith.select %eq3A_2395, %add3A_179, %broadcast_in_dim3A_2397 : vector<16xi1>, vector<16xi32>
      %min3A_2399 = arith.minsi %min3A_2390, %select_n3A_2398 : vector<16xi32>
      %get3A_2400 = arith.index_cast %add3A_2343 : i32 to index
      %get3A_2401 = arith.constant 96 : index
      %get3A_2402 = tpu.vector_load %arg9[%get3A_2400, %get3A_2401] {strides = array<i32>} : memref<320x128xf32, #tpu.memory_space<vmem>>, vector<1x16xf32>,
      %get3A_2403 = vector.shape_cast %get3A_2402 : vector<1x16xf32> to vector<16xf32>
      %eq3A_2404 = arith.cmpf oeq, %get3A_2403, %min3A_2320 : vector<16xf32>
      %jit3A_2405 = arith.constant 1024 : i32
      %broadcast_in_dim3A_2406 = vector.broadcast %jit3A_2405 : i32 to vector<16xi32>
      %select_n3A_2407 = arith.select %eq3A_2404, %add3A_182, %broadcast_in_dim3A_2406 : vector<16xi1>, vector<16xi32>
      %min3A_2408 = arith.minsi %min3A_2399, %select_n3A_2407 : vector<16xi32>
      %get3A_2409 = arith.index_cast %add3A_2343 : i32 to index
      %get3A_2410 = arith.constant 112 : index
      %get3A_2411 = tpu.vector_load %arg9[%get3A_2409, %get3A_2410] {strides = array<i32>} : memref<320x128xf32, #tpu.memory_space<vmem>>, vector<1x16xf32>,
      %get3A_2412 = vector.shape_cast %get3A_2411 : vector<1x16xf32> to vector<16xf32>
      %eq3A_2413 = arith.cmpf oeq, %get3A_2412, %min3A_2320 : vector<16xf32>
      %jit3A_2414 = arith.constant 1024 : i32
      %broadcast_in_dim3A_2415 = vector.broadcast %jit3A_2414 : i32 to vector<16xi32>
      %select_n3A_2416 = arith.select %eq3A_2413, %add3A_185, %broadcast_in_dim3A_2415 : vector<16xi1>, vector<16xi32>
      %min3A_2417 = arith.minsi %min3A_2408, %select_n3A_2416 : vector<16xi32>
      %broadcast_in_dim3A_2418 = vector.shape_cast %select_n3A_86 : vector<16xi32> to vector<16x1xi32>
      %gather3A_2419 = vector.shape_cast %broadcast_in_dim3A_2418 : vector<16x1xi32> to vector<16xi32>
      %gather3A_2420 = tpu.dynamic_gather %min3A_2417[%gather3A_2419] in [0] : vector<16xi32>, vector<16xi32> -> vector<16xi32>
      %min3A_2421 = arith.minsi %min3A_2417, %gather3A_2420 : vector<16xi32>
      %broadcast_in_dim3A_2422 = vector.shape_cast %select_n3A_111 : vector<16xi32> to vector<16x1xi32>
      %gather3A_2423 = vector.shape_cast %broadcast_in_dim3A_2422 : vector<16x1xi32> to vector<16xi32>
      %gather3A_2424 = tpu.dynamic_gather %min3A_2421[%gather3A_2423] in [0] : vector<16xi32>, vector<16xi32> -> vector<16xi32>
      %min3A_2425 = arith.minsi %min3A_2421, %gather3A_2424 : vector<16xi32>
      %broadcast_in_dim3A_2426 = vector.shape_cast %select_n3A_136 : vector<16xi32> to vector<16x1xi32>
      %gather3A_2427 = vector.shape_cast %broadcast_in_dim3A_2426 : vector<16x1xi32> to vector<16xi32>
      %gather3A_2428 = tpu.dynamic_gather %min3A_2425[%gather3A_2427] in [0] : vector<16xi32>, vector<16xi32> -> vector<16xi32>
      %min3A_2429 = arith.minsi %min3A_2425, %gather3A_2428 : vector<16xi32>
      %broadcast_in_dim3A_2430 = vector.shape_cast %select_n3A_161 : vector<16xi32> to vector<16x1xi32>
      %gather3A_2431 = vector.shape_cast %broadcast_in_dim3A_2430 : vector<16x1xi32> to vector<16xi32>
      %gather3A_2432 = tpu.dynamic_gather %min3A_2429[%gather3A_2431] in [0] : vector<16xi32>, vector<16xi32> -> vector<16xi32>
      %min3A_2433 = arith.minsi %min3A_2429, %gather3A_2432 : vector<16xi32>
      %slice3A_2434 = vector.extract_strided_slice %min3A_2433 {offsets = [0], sizes = [1], strides = [1]} : vector<16xi32> to vector<1xi32>
      %squeeze3A_2435 = vector.extract %slice3A_2434[0] : i32 from vector<1xi32>
      %mul3A_2436 = arith.constant 10 : i32
      %mul3A_2437 = arith.muli %scan3A_191, %mul3A_2436 : i32
      %add3A_2438 = arith.addi %mul3A_2437, %squeeze3A_2342 : i32
      %jit3A_2439 = arith.constant 16 : i32
      %div3A_2440 = arith.divsi %add3A_2438, %jit3A_2439 : i32
      %sign3A_2441 = arith.constant 0 : i32
      %sign3A_2442 = arith.cmpi sgt, %add3A_2438, %sign3A_2441 : i32
      %sign3A_2443 = arith.extui %sign3A_2442 : i1 to i32
      %sign3A_2444 = arith.constant 0 : i32
      %sign3A_2445 = arith.cmpi slt, %add3A_2438, %sign3A_2444 : i32
      %sign3A_2446 = arith.extui %sign3A_2445 : i1 to i32
      %sign3A_2447 = arith.subi %sign3A_2443, %sign3A_2446 : i32
      %sign3A_2448 = arith.constant 0 : i32
      %sign3A_2449 = arith.cmpi sgt, %jit3A_2439, %sign3A_2448 : i32
      %sign3A_2450 = arith.extui %sign3A_2449 : i1 to i32
      %sign3A_2451 = arith.constant 0 : i32
      %sign3A_2452 = arith.cmpi slt, %jit3A_2439, %sign3A_2451 : i32
      %sign3A_2453 = arith.extui %sign3A_2452 : i1 to i32
      %sign3A_2454 = arith.subi %sign3A_2450, %sign3A_2453 : i32
      %ne3A_2455 = arith.cmpi ne, %sign3A_2447, %sign3A_2454 : i32
      %rem3A_2456 = arith.remsi %add3A_2438, %jit3A_2439 : i32
      %ne3A_2457 = arith.constant 0 : i32
      %ne3A_2458 = arith.cmpi ne, %rem3A_2456, %ne3A_2457 : i32
      %and3A_2459 = arith.andi %ne3A_2455, %ne3A_2458 : i1
      %sub3A_2460 = arith.constant 1 : i32
      %sub3A_2461 = arith.subi %div3A_2440, %sub3A_2460 : i32
      %select_n3A_2462 = arith.select %and3A_2459, %sub3A_2461, %div3A_2440 : i32
      %mul3A_2463 = arith.constant 16 : i32
      %mul3A_2464 = arith.muli %select_n3A_2462, %mul3A_2463 : i32
      %get3A_2465 = arith.index_cast %mul3A_2464 : i32 to index
      %get3A_2466 = tpu.vector_load %arg8[%get3A_2465] {strides = array<i32>} : memref<320xi32, #tpu.memory_space<vmem>>, vector<16xi32>,
      %get3A_2467 = vector.shape_cast %get3A_2466 : vector<16xi32> to vector<16xi32>
      %sub3A_2468 = arith.subi %add3A_2438, %mul3A_2464 : i32
      %add3A_2469 = vector.broadcast %sub3A_2468 : i32 to vector<16xi32>
      %add3A_2470 = arith.addi %iota3A, %add3A_2469 : vector<16xi32>
      %jit3A_2471 = arith.constant 16 : i32
      %eq3A_2472 = arith.constant 0 : i32
      %eq3A_2473 = arith.cmpi eq, %jit3A_2471, %eq3A_2472 : i32
      %jit3A_2474 = arith.constant 1 : i32
      %select_n3A_2475 = arith.select %eq3A_2473, %jit3A_2474, %jit3A_2471 : i32
      %rem3A_2476 = vector.broadcast %select_n3A_2475 : i32 to vector<16xi32>
      %rem3A_2477 = arith.remsi %add3A_2470, %rem3A_2476 : vector<16xi32>
      %ne3A_2478 = arith.constant 0 : i32
      %ne3A_2479 = vector.broadcast %ne3A_2478 : i32 to vector<16xi32>
      %ne3A_2480 = arith.cmpi ne, %rem3A_2477, %ne3A_2479 : vector<16xi32>
      %lt3A_2481 = arith.constant 0 : i32
      %lt3A_2482 = vector.broadcast %lt3A_2481 : i32 to vector<16xi32>
      %lt3A_2483 = arith.cmpi slt, %rem3A_2477, %lt3A_2482 : vector<16xi32>
      %lt3A_2484 = arith.constant 0 : i32
      %lt3A_2485 = arith.cmpi slt, %select_n3A_2475, %lt3A_2484 : i32
      %ne3A_2486 = vector.broadcast %lt3A_2485 : i1 to vector<16xi1>
      %ne3A_2487 = vector.broadcast %ne3A_2486 : vector<16xi1> to vector<16xi1>
      %ne3A_2488 = arith.xori %lt3A_2483, %ne3A_2487 : vector<16xi1>
      %and3A_2489 = arith.andi %ne3A_2488, %ne3A_2480 : vector<16xi1>
      %add3A_2490 = vector.broadcast %select_n3A_2475 : i32 to vector<16xi32>
      %add3A_2491 = arith.addi %rem3A_2477, %add3A_2490 : vector<16xi32>
      %select_n3A_2492 = arith.select %and3A_2489, %add3A_2491, %rem3A_2477 : vector<16xi1>, vector<16xi32>
      %broadcast_in_dim3A_2493 = vector.shape_cast %select_n3A_2492 : vector<16xi32> to vector<16x1xi32>
      %gather3A_2494 = vector.shape_cast %broadcast_in_dim3A_2493 : vector<16x1xi32> to vector<16xi32>
      %gather3A_2495 = tpu.dynamic_gather %get3A_2467[%gather3A_2494] in [0] : vector<16xi32>, vector<16xi32> -> vector<16xi32>
      %slice3A_2496 = vector.extract_strided_slice %gather3A_2495 {offsets = [0], sizes = [1], strides = [1]} : vector<16xi32> to vector<1xi32>
      %squeeze3A_2497 = vector.extract %slice3A_2496[0] : i32 from vector<1xi32>
      %eq3A_2498 = arith.constant 5 : i32
      %eq3A_2499 = vector.broadcast %eq3A_2498 : i32 to vector<16xi32>
      %eq3A_2500 = arith.cmpi eq, %iota3A, %eq3A_2499 : vector<16xi32>
      %select_n3A_2501 = arith.select %eq3A_2500, %min3A_2320, %select_n3A_2200 : vector<16xi1>, vector<16xf32>
      %eq3A_2502 = arith.constant 5 : i32
      %eq3A_2503 = vector.broadcast %eq3A_2502 : i32 to vector<16xi32>
      %eq3A_2504 = arith.cmpi eq, %iota3A, %eq3A_2503 : vector<16xi32>
      %add3A_2505 = arith.addi %squeeze3A_2497, %squeeze3A_2435 : i32
      %broadcast_in_dim3A_2506 = vector.broadcast %add3A_2505 : i32 to vector<16xi32>
      %select_n3A_2507 = arith.select %eq3A_2504, %broadcast_in_dim3A_2506, %select_n3A_2206 : vector<16xi1>, vector<16xi32>
      %jit3A_2508 = arith.constant 16 : i32
      %div3A_2509 = arith.divsi %squeeze3A_2435, %jit3A_2508 : i32
      %sign3A_2510 = arith.constant 0 : i32
      %sign3A_2511 = arith.cmpi sgt, %squeeze3A_2435, %sign3A_2510 : i32
      %sign3A_2512 = arith.extui %sign3A_2511 : i1 to i32
      %sign3A_2513 = arith.constant 0 : i32
      %sign3A_2514 = arith.cmpi slt, %squeeze3A_2435, %sign3A_2513 : i32
      %sign3A_2515 = arith.extui %sign3A_2514 : i1 to i32
      %sign3A_2516 = arith.subi %sign3A_2512, %sign3A_2515 : i32
      %sign3A_2517 = arith.constant 0 : i32
      %sign3A_2518 = arith.cmpi sgt, %jit3A_2508, %sign3A_2517 : i32
      %sign3A_2519 = arith.extui %sign3A_2518 : i1 to i32
      %sign3A_2520 = arith.constant 0 : i32
      %sign3A_2521 = arith.cmpi slt, %jit3A_2508, %sign3A_2520 : i32
      %sign3A_2522 = arith.extui %sign3A_2521 : i1 to i32
      %sign3A_2523 = arith.subi %sign3A_2519, %sign3A_2522 : i32
      %ne3A_2524 = arith.cmpi ne, %sign3A_2516, %sign3A_2523 : i32
      %rem3A_2525 = arith.remsi %squeeze3A_2435, %jit3A_2508 : i32
      %ne3A_2526 = arith.constant 0 : i32
      %ne3A_2527 = arith.cmpi ne, %rem3A_2525, %ne3A_2526 : i32
      %and3A_2528 = arith.andi %ne3A_2524, %ne3A_2527 : i1
      %sub3A_2529 = arith.constant 1 : i32
      %sub3A_2530 = arith.subi %div3A_2509, %sub3A_2529 : i32
      %select_n3A_2531 = arith.select %and3A_2528, %sub3A_2530, %div3A_2509 : i32
      %mul3A_2532 = arith.constant 16 : i32
      %mul3A_2533 = arith.muli %select_n3A_2531, %mul3A_2532 : i32
      %get3A_2534 = arith.index_cast %add3A_2343 : i32 to index
      %get3A_2535 = arith.index_cast %mul3A_2533 : i32 to index
      %get3A_2536 = tpu.vector_load %arg9[%get3A_2534, %get3A_2535] {strides = array<i32>} : memref<320x128xf32, #tpu.memory_space<vmem>>, vector<1x16xf32>,
      %get3A_2537 = vector.shape_cast %get3A_2536 : vector<1x16xf32> to vector<16xf32>
      %sub3A_2538 = arith.subi %squeeze3A_2435, %mul3A_2533 : i32
      %eq3A_2539 = vector.broadcast %sub3A_2538 : i32 to vector<16xi32>
      %eq3A_2540 = arith.cmpi eq, %iota3A, %eq3A_2539 : vector<16xi32>
      %jit3A_2541 = arith.constant 0x7F800000 : f32
      %broadcast_in_dim3A_2542 = vector.broadcast %jit3A_2541 : f32 to vector<16xf32>
      %select_n3A_2543 = arith.select %eq3A_2540, %broadcast_in_dim3A_2542, %get3A_2537 : vector<16xi1>, vector<16xf32>
      %swap3A_2544 = arith.index_cast %add3A_2343 : i32 to index
      %swap3A_2545 = arith.index_cast %mul3A_2533 : i32 to index
      %swap3A_2546 = tpu.vector_load %arg9[%swap3A_2544, %swap3A_2545] {strides = array<i32>} : memref<320x128xf32, #tpu.memory_space<vmem>>, vector<1x16xf32>,
      %swap3A_2547 = vector.shape_cast %swap3A_2546 : vector<1x16xf32> to vector<16xf32>
      %swap3A_2548 = vector.shape_cast %select_n3A_2543 : vector<16xf32> to vector<1x16xf32>
      tpu.vector_store %arg9[%swap3A_2544, %swap3A_2545], %swap3A_2548 {strides = array<i32>} : memref<320x128xf32, #tpu.memory_space<vmem>>, vector<1x16xf32>,
      %eq3A_2549 = arith.cmpi eq, %iota3A, %min3A_2340 : vector<16xi32>
      %get3A_2550 = arith.index_cast %add3A_2343 : i32 to index
      %get3A_2551 = arith.constant 0 : index
      %get3A_2552 = tpu.vector_load %arg9[%get3A_2550, %get3A_2551] {strides = array<i32>} : memref<320x128xf32, #tpu.memory_space<vmem>>, vector<1x16xf32>,
      %get3A_2553 = vector.shape_cast %get3A_2552 : vector<1x16xf32> to vector<16xf32>
      %get3A_2554 = arith.index_cast %add3A_2343 : i32 to index
      %get3A_2555 = arith.constant 16 : index
      %get3A_2556 = tpu.vector_load %arg9[%get3A_2554, %get3A_2555] {strides = array<i32>} : memref<320x128xf32, #tpu.memory_space<vmem>>, vector<1x16xf32>,
      %get3A_2557 = vector.shape_cast %get3A_2556 : vector<1x16xf32> to vector<16xf32>
      %min3A_2558 = arith.minimumf %get3A_2553, %get3A_2557 : vector<16xf32>
      %get3A_2559 = arith.index_cast %add3A_2343 : i32 to index
      %get3A_2560 = arith.constant 32 : index
      %get3A_2561 = tpu.vector_load %arg9[%get3A_2559, %get3A_2560] {strides = array<i32>} : memref<320x128xf32, #tpu.memory_space<vmem>>, vector<1x16xf32>,
      %get3A_2562 = vector.shape_cast %get3A_2561 : vector<1x16xf32> to vector<16xf32>
      %min3A_2563 = arith.minimumf %min3A_2558, %get3A_2562 : vector<16xf32>
      %get3A_2564 = arith.index_cast %add3A_2343 : i32 to index
      %get3A_2565 = arith.constant 48 : index
      %get3A_2566 = tpu.vector_load %arg9[%get3A_2564, %get3A_2565] {strides = array<i32>} : memref<320x128xf32, #tpu.memory_space<vmem>>, vector<1x16xf32>,
      %get3A_2567 = vector.shape_cast %get3A_2566 : vector<1x16xf32> to vector<16xf32>
      %min3A_2568 = arith.minimumf %min3A_2563, %get3A_2567 : vector<16xf32>
      %get3A_2569 = arith.index_cast %add3A_2343 : i32 to index
      %get3A_2570 = arith.constant 64 : index
      %get3A_2571 = tpu.vector_load %arg9[%get3A_2569, %get3A_2570] {strides = array<i32>} : memref<320x128xf32, #tpu.memory_space<vmem>>, vector<1x16xf32>,
      %get3A_2572 = vector.shape_cast %get3A_2571 : vector<1x16xf32> to vector<16xf32>
      %min3A_2573 = arith.minimumf %min3A_2568, %get3A_2572 : vector<16xf32>
      %get3A_2574 = arith.index_cast %add3A_2343 : i32 to index
      %get3A_2575 = arith.constant 80 : index
      %get3A_2576 = tpu.vector_load %arg9[%get3A_2574, %get3A_2575] {strides = array<i32>} : memref<320x128xf32, #tpu.memory_space<vmem>>, vector<1x16xf32>,
      %get3A_2577 = vector.shape_cast %get3A_2576 : vector<1x16xf32> to vector<16xf32>
      %min3A_2578 = arith.minimumf %min3A_2573, %get3A_2577 : vector<16xf32>
      %get3A_2579 = arith.index_cast %add3A_2343 : i32 to index
      %get3A_2580 = arith.constant 96 : index
      %get3A_2581 = tpu.vector_load %arg9[%get3A_2579, %get3A_2580] {strides = array<i32>} : memref<320x128xf32, #tpu.memory_space<vmem>>, vector<1x16xf32>,
      %get3A_2582 = vector.shape_cast %get3A_2581 : vector<1x16xf32> to vector<16xf32>
      %min3A_2583 = arith.minimumf %min3A_2578, %get3A_2582 : vector<16xf32>
      %get3A_2584 = arith.index_cast %add3A_2343 : i32 to index
      %get3A_2585 = arith.constant 112 : index
      %get3A_2586 = tpu.vector_load %arg9[%get3A_2584, %get3A_2585] {strides = array<i32>} : memref<320x128xf32, #tpu.memory_space<vmem>>, vector<1x16xf32>,
      %get3A_2587 = vector.shape_cast %get3A_2586 : vector<1x16xf32> to vector<16xf32>
      %min3A_2588 = arith.minimumf %min3A_2583, %get3A_2587 : vector<16xf32>
      %broadcast_in_dim3A_2589 = vector.shape_cast %select_n3A_86 : vector<16xi32> to vector<16x1xi32>
      %gather3A_2590 = vector.shape_cast %broadcast_in_dim3A_2589 : vector<16x1xi32> to vector<16xi32>
      %gather3A_2591 = tpu.dynamic_gather %min3A_2588[%gather3A_2590] in [0] : vector<16xf32>, vector<16xi32> -> vector<16xf32>
      %min3A_2592 = arith.minimumf %min3A_2588, %gather3A_2591 : vector<16xf32>
      %broadcast_in_dim3A_2593 = vector.shape_cast %select_n3A_111 : vector<16xi32> to vector<16x1xi32>
      %gather3A_2594 = vector.shape_cast %broadcast_in_dim3A_2593 : vector<16x1xi32> to vector<16xi32>
      %gather3A_2595 = tpu.dynamic_gather %min3A_2592[%gather3A_2594] in [0] : vector<16xf32>, vector<16xi32> -> vector<16xf32>
      %min3A_2596 = arith.minimumf %min3A_2592, %gather3A_2595 : vector<16xf32>
      %broadcast_in_dim3A_2597 = vector.shape_cast %select_n3A_136 : vector<16xi32> to vector<16x1xi32>
      %gather3A_2598 = vector.shape_cast %broadcast_in_dim3A_2597 : vector<16x1xi32> to vector<16xi32>
      %gather3A_2599 = tpu.dynamic_gather %min3A_2596[%gather3A_2598] in [0] : vector<16xf32>, vector<16xi32> -> vector<16xf32>
      %min3A_2600 = arith.minimumf %min3A_2596, %gather3A_2599 : vector<16xf32>
      %broadcast_in_dim3A_2601 = vector.shape_cast %select_n3A_161 : vector<16xi32> to vector<16x1xi32>
      %gather3A_2602 = vector.shape_cast %broadcast_in_dim3A_2601 : vector<16x1xi32> to vector<16xi32>
      %gather3A_2603 = tpu.dynamic_gather %min3A_2600[%gather3A_2602] in [0] : vector<16xf32>, vector<16xi32> -> vector<16xf32>
      %min3A_2604 = arith.minimumf %min3A_2600, %gather3A_2603 : vector<16xf32>
      %select_n3A_2605 = arith.select %eq3A_2549, %min3A_2604, %select_n3A_2304 : vector<16xi1>, vector<16xf32>
      %broadcast_in_dim3A_2606 = vector.shape_cast %select_n3A_86 : vector<16xi32> to vector<16x1xi32>
      %gather3A_2607 = vector.shape_cast %broadcast_in_dim3A_2606 : vector<16x1xi32> to vector<16xi32>
      %gather3A_2608 = tpu.dynamic_gather %select_n3A_2605[%gather3A_2607] in [0] : vector<16xf32>, vector<16xi32> -> vector<16xf32>
      %min3A_2609 = arith.minimumf %select_n3A_2605, %gather3A_2608 : vector<16xf32>
      %broadcast_in_dim3A_2610 = vector.shape_cast %select_n3A_111 : vector<16xi32> to vector<16x1xi32>
      %gather3A_2611 = vector.shape_cast %broadcast_in_dim3A_2610 : vector<16x1xi32> to vector<16xi32>
      %gather3A_2612 = tpu.dynamic_gather %min3A_2609[%gather3A_2611] in [0] : vector<16xf32>, vector<16xi32> -> vector<16xf32>
      %min3A_2613 = arith.minimumf %min3A_2609, %gather3A_2612 : vector<16xf32>
      %broadcast_in_dim3A_2614 = vector.shape_cast %select_n3A_136 : vector<16xi32> to vector<16x1xi32>
      %gather3A_2615 = vector.shape_cast %broadcast_in_dim3A_2614 : vector<16x1xi32> to vector<16xi32>
      %gather3A_2616 = tpu.dynamic_gather %min3A_2613[%gather3A_2615] in [0] : vector<16xf32>, vector<16xi32> -> vector<16xf32>
      %min3A_2617 = arith.minimumf %min3A_2613, %gather3A_2616 : vector<16xf32>
      %broadcast_in_dim3A_2618 = vector.shape_cast %select_n3A_161 : vector<16xi32> to vector<16x1xi32>
      %gather3A_2619 = vector.shape_cast %broadcast_in_dim3A_2618 : vector<16x1xi32> to vector<16xi32>
      %gather3A_2620 = tpu.dynamic_gather %min3A_2617[%gather3A_2619] in [0] : vector<16xf32>, vector<16xi32> -> vector<16xf32>
      %min3A_2621 = arith.minimumf %min3A_2617, %gather3A_2620 : vector<16xf32>
      %eq3A_2622 = arith.cmpf oeq, %select_n3A_2605, %min3A_2621 : vector<16xf32>
      %jit3A_2623 = arith.constant 16 : i32
      %broadcast_in_dim3A_2624 = vector.broadcast %jit3A_2623 : i32 to vector<16xi32>
      %select_n3A_2625 = arith.select %eq3A_2622, %iota3A, %broadcast_in_dim3A_2624 : vector<16xi1>, vector<16xi32>
      %broadcast_in_dim3A_2626 = vector.shape_cast %select_n3A_86 : vector<16xi32> to vector<16x1xi32>
      %gather3A_2627 = vector.shape_cast %broadcast_in_dim3A_2626 : vector<16x1xi32> to vector<16xi32>
      %gather3A_2628 = tpu.dynamic_gather %select_n3A_2625[%gather3A_2627] in [0] : vector<16xi32>, vector<16xi32> -> vector<16xi32>
      %min3A_2629 = arith.minsi %select_n3A_2625, %gather3A_2628 : vector<16xi32>
      %broadcast_in_dim3A_2630 = vector.shape_cast %select_n3A_111 : vector<16xi32> to vector<16x1xi32>
      %gather3A_2631 = vector.shape_cast %broadcast_in_dim3A_2630 : vector<16x1xi32> to vector<16xi32>
      %gather3A_2632 = tpu.dynamic_gather %min3A_2629[%gather3A_2631] in [0] : vector<16xi32>, vector<16xi32> -> vector<16xi32>
      %min3A_2633 = arith.minsi %min3A_2629, %gather3A_2632 : vector<16xi32>
      %broadcast_in_dim3A_2634 = vector.shape_cast %select_n3A_136 : vector<16xi32> to vector<16x1xi32>
      %gather3A_2635 = vector.shape_cast %broadcast_in_dim3A_2634 : vector<16x1xi32> to vector<16xi32>
      %gather3A_2636 = tpu.dynamic_gather %min3A_2633[%gather3A_2635] in [0] : vector<16xi32>, vector<16xi32> -> vector<16xi32>
      %min3A_2637 = arith.minsi %min3A_2633, %gather3A_2636 : vector<16xi32>
      %broadcast_in_dim3A_2638 = vector.shape_cast %select_n3A_161 : vector<16xi32> to vector<16x1xi32>
      %gather3A_2639 = vector.shape_cast %broadcast_in_dim3A_2638 : vector<16x1xi32> to vector<16xi32>
      %gather3A_2640 = tpu.dynamic_gather %min3A_2637[%gather3A_2639] in [0] : vector<16xi32>, vector<16xi32> -> vector<16xi32>
      %min3A_2641 = arith.minsi %min3A_2637, %gather3A_2640 : vector<16xi32>
      %slice3A_2642 = vector.extract_strided_slice %min3A_2641 {offsets = [0], sizes = [1], strides = [1]} : vector<16xi32> to vector<1xi32>
      %squeeze3A_2643 = vector.extract %slice3A_2642[0] : i32 from vector<1xi32>
      %add3A_2644 = arith.addi %mul3A_193, %squeeze3A_2643 : i32
      %broadcast_in_dim3A_2645 = arith.constant 1024 : i32
      %broadcast_in_dim3A_2646 = vector.broadcast %broadcast_in_dim3A_2645 : i32 to vector<16xi32>
      %get3A_2647 = arith.index_cast %add3A_2644 : i32 to index
      %get3A_2648 = arith.constant 0 : index
      %get3A_2649 = tpu.vector_load %arg9[%get3A_2647, %get3A_2648] {strides = array<i32>} : memref<320x128xf32, #tpu.memory_space<vmem>>, vector<1x16xf32>,
      %get3A_2650 = vector.shape_cast %get3A_2649 : vector<1x16xf32> to vector<16xf32>
      %eq3A_2651 = arith.cmpf oeq, %get3A_2650, %min3A_2621 : vector<16xf32>
      %jit3A_2652 = arith.constant 1024 : i32
      %broadcast_in_dim3A_2653 = vector.broadcast %jit3A_2652 : i32 to vector<16xi32>
      %select_n3A_2654 = arith.select %eq3A_2651, %add3A_164, %broadcast_in_dim3A_2653 : vector<16xi1>, vector<16xi32>
      %min3A_2655 = arith.minsi %broadcast_in_dim3A_2646, %select_n3A_2654 : vector<16xi32>
      %get3A_2656 = arith.index_cast %add3A_2644 : i32 to index
      %get3A_2657 = arith.constant 16 : index
      %get3A_2658 = tpu.vector_load %arg9[%get3A_2656, %get3A_2657] {strides = array<i32>} : memref<320x128xf32, #tpu.memory_space<vmem>>, vector<1x16xf32>,
      %get3A_2659 = vector.shape_cast %get3A_2658 : vector<1x16xf32> to vector<16xf32>
      %eq3A_2660 = arith.cmpf oeq, %get3A_2659, %min3A_2621 : vector<16xf32>
      %jit3A_2661 = arith.constant 1024 : i32
      %broadcast_in_dim3A_2662 = vector.broadcast %jit3A_2661 : i32 to vector<16xi32>
      %select_n3A_2663 = arith.select %eq3A_2660, %add3A_167, %broadcast_in_dim3A_2662 : vector<16xi1>, vector<16xi32>
      %min3A_2664 = arith.minsi %min3A_2655, %select_n3A_2663 : vector<16xi32>
      %get3A_2665 = arith.index_cast %add3A_2644 : i32 to index
      %get3A_2666 = arith.constant 32 : index
      %get3A_2667 = tpu.vector_load %arg9[%get3A_2665, %get3A_2666] {strides = array<i32>} : memref<320x128xf32, #tpu.memory_space<vmem>>, vector<1x16xf32>,
      %get3A_2668 = vector.shape_cast %get3A_2667 : vector<1x16xf32> to vector<16xf32>
      %eq3A_2669 = arith.cmpf oeq, %get3A_2668, %min3A_2621 : vector<16xf32>
      %jit3A_2670 = arith.constant 1024 : i32
      %broadcast_in_dim3A_2671 = vector.broadcast %jit3A_2670 : i32 to vector<16xi32>
      %select_n3A_2672 = arith.select %eq3A_2669, %add3A_170, %broadcast_in_dim3A_2671 : vector<16xi1>, vector<16xi32>
      %min3A_2673 = arith.minsi %min3A_2664, %select_n3A_2672 : vector<16xi32>
      %get3A_2674 = arith.index_cast %add3A_2644 : i32 to index
      %get3A_2675 = arith.constant 48 : index
      %get3A_2676 = tpu.vector_load %arg9[%get3A_2674, %get3A_2675] {strides = array<i32>} : memref<320x128xf32, #tpu.memory_space<vmem>>, vector<1x16xf32>,
      %get3A_2677 = vector.shape_cast %get3A_2676 : vector<1x16xf32> to vector<16xf32>
      %eq3A_2678 = arith.cmpf oeq, %get3A_2677, %min3A_2621 : vector<16xf32>
      %jit3A_2679 = arith.constant 1024 : i32
      %broadcast_in_dim3A_2680 = vector.broadcast %jit3A_2679 : i32 to vector<16xi32>
      %select_n3A_2681 = arith.select %eq3A_2678, %add3A_173, %broadcast_in_dim3A_2680 : vector<16xi1>, vector<16xi32>
      %min3A_2682 = arith.minsi %min3A_2673, %select_n3A_2681 : vector<16xi32>
      %get3A_2683 = arith.index_cast %add3A_2644 : i32 to index
      %get3A_2684 = arith.constant 64 : index
      %get3A_2685 = tpu.vector_load %arg9[%get3A_2683, %get3A_2684] {strides = array<i32>} : memref<320x128xf32, #tpu.memory_space<vmem>>, vector<1x16xf32>,
      %get3A_2686 = vector.shape_cast %get3A_2685 : vector<1x16xf32> to vector<16xf32>
      %eq3A_2687 = arith.cmpf oeq, %get3A_2686, %min3A_2621 : vector<16xf32>
      %jit3A_2688 = arith.constant 1024 : i32
      %broadcast_in_dim3A_2689 = vector.broadcast %jit3A_2688 : i32 to vector<16xi32>
      %select_n3A_2690 = arith.select %eq3A_2687, %add3A_176, %broadcast_in_dim3A_2689 : vector<16xi1>, vector<16xi32>
      %min3A_2691 = arith.minsi %min3A_2682, %select_n3A_2690 : vector<16xi32>
      %get3A_2692 = arith.index_cast %add3A_2644 : i32 to index
      %get3A_2693 = arith.constant 80 : index
      %get3A_2694 = tpu.vector_load %arg9[%get3A_2692, %get3A_2693] {strides = array<i32>} : memref<320x128xf32, #tpu.memory_space<vmem>>, vector<1x16xf32>,
      %get3A_2695 = vector.shape_cast %get3A_2694 : vector<1x16xf32> to vector<16xf32>
      %eq3A_2696 = arith.cmpf oeq, %get3A_2695, %min3A_2621 : vector<16xf32>
      %jit3A_2697 = arith.constant 1024 : i32
      %broadcast_in_dim3A_2698 = vector.broadcast %jit3A_2697 : i32 to vector<16xi32>
      %select_n3A_2699 = arith.select %eq3A_2696, %add3A_179, %broadcast_in_dim3A_2698 : vector<16xi1>, vector<16xi32>
      %min3A_2700 = arith.minsi %min3A_2691, %select_n3A_2699 : vector<16xi32>
      %get3A_2701 = arith.index_cast %add3A_2644 : i32 to index
      %get3A_2702 = arith.constant 96 : index
      %get3A_2703 = tpu.vector_load %arg9[%get3A_2701, %get3A_2702] {strides = array<i32>} : memref<320x128xf32, #tpu.memory_space<vmem>>, vector<1x16xf32>,
      %get3A_2704 = vector.shape_cast %get3A_2703 : vector<1x16xf32> to vector<16xf32>
      %eq3A_2705 = arith.cmpf oeq, %get3A_2704, %min3A_2621 : vector<16xf32>
      %jit3A_2706 = arith.constant 1024 : i32
      %broadcast_in_dim3A_2707 = vector.broadcast %jit3A_2706 : i32 to vector<16xi32>
      %select_n3A_2708 = arith.select %eq3A_2705, %add3A_182, %broadcast_in_dim3A_2707 : vector<16xi1>, vector<16xi32>
      %min3A_2709 = arith.minsi %min3A_2700, %select_n3A_2708 : vector<16xi32>
      %get3A_2710 = arith.index_cast %add3A_2644 : i32 to index
      %get3A_2711 = arith.constant 112 : index
      %get3A_2712 = tpu.vector_load %arg9[%get3A_2710, %get3A_2711] {strides = array<i32>} : memref<320x128xf32, #tpu.memory_space<vmem>>, vector<1x16xf32>,
      %get3A_2713 = vector.shape_cast %get3A_2712 : vector<1x16xf32> to vector<16xf32>
      %eq3A_2714 = arith.cmpf oeq, %get3A_2713, %min3A_2621 : vector<16xf32>
      %jit3A_2715 = arith.constant 1024 : i32
      %broadcast_in_dim3A_2716 = vector.broadcast %jit3A_2715 : i32 to vector<16xi32>
      %select_n3A_2717 = arith.select %eq3A_2714, %add3A_185, %broadcast_in_dim3A_2716 : vector<16xi1>, vector<16xi32>
      %min3A_2718 = arith.minsi %min3A_2709, %select_n3A_2717 : vector<16xi32>
      %broadcast_in_dim3A_2719 = vector.shape_cast %select_n3A_86 : vector<16xi32> to vector<16x1xi32>
      %gather3A_2720 = vector.shape_cast %broadcast_in_dim3A_2719 : vector<16x1xi32> to vector<16xi32>
      %gather3A_2721 = tpu.dynamic_gather %min3A_2718[%gather3A_2720] in [0] : vector<16xi32>, vector<16xi32> -> vector<16xi32>
      %min3A_2722 = arith.minsi %min3A_2718, %gather3A_2721 : vector<16xi32>
      %broadcast_in_dim3A_2723 = vector.shape_cast %select_n3A_111 : vector<16xi32> to vector<16x1xi32>
      %gather3A_2724 = vector.shape_cast %broadcast_in_dim3A_2723 : vector<16x1xi32> to vector<16xi32>
      %gather3A_2725 = tpu.dynamic_gather %min3A_2722[%gather3A_2724] in [0] : vector<16xi32>, vector<16xi32> -> vector<16xi32>
      %min3A_2726 = arith.minsi %min3A_2722, %gather3A_2725 : vector<16xi32>
      %broadcast_in_dim3A_2727 = vector.shape_cast %select_n3A_136 : vector<16xi32> to vector<16x1xi32>
      %gather3A_2728 = vector.shape_cast %broadcast_in_dim3A_2727 : vector<16x1xi32> to vector<16xi32>
      %gather3A_2729 = tpu.dynamic_gather %min3A_2726[%gather3A_2728] in [0] : vector<16xi32>, vector<16xi32> -> vector<16xi32>
      %min3A_2730 = arith.minsi %min3A_2726, %gather3A_2729 : vector<16xi32>
      %broadcast_in_dim3A_2731 = vector.shape_cast %select_n3A_161 : vector<16xi32> to vector<16x1xi32>
      %gather3A_2732 = vector.shape_cast %broadcast_in_dim3A_2731 : vector<16x1xi32> to vector<16xi32>
      %gather3A_2733 = tpu.dynamic_gather %min3A_2730[%gather3A_2732] in [0] : vector<16xi32>, vector<16xi32> -> vector<16xi32>
      %min3A_2734 = arith.minsi %min3A_2730, %gather3A_2733 : vector<16xi32>
      %slice3A_2735 = vector.extract_strided_slice %min3A_2734 {offsets = [0], sizes = [1], strides = [1]} : vector<16xi32> to vector<1xi32>
      %squeeze3A_2736 = vector.extract %slice3A_2735[0] : i32 from vector<1xi32>
      %mul3A_2737 = arith.constant 10 : i32
      %mul3A_2738 = arith.muli %scan3A_191, %mul3A_2737 : i32
      %add3A_2739 = arith.addi %mul3A_2738, %squeeze3A_2643 : i32
      %jit3A_2740 = arith.constant 16 : i32
      %div3A_2741 = arith.divsi %add3A_2739, %jit3A_2740 : i32
      %sign3A_2742 = arith.constant 0 : i32
      %sign3A_2743 = arith.cmpi sgt, %add3A_2739, %sign3A_2742 : i32
      %sign3A_2744 = arith.extui %sign3A_2743 : i1 to i32
      %sign3A_2745 = arith.constant 0 : i32
      %sign3A_2746 = arith.cmpi slt, %add3A_2739, %sign3A_2745 : i32
      %sign3A_2747 = arith.extui %sign3A_2746 : i1 to i32
      %sign3A_2748 = arith.subi %sign3A_2744, %sign3A_2747 : i32
      %sign3A_2749 = arith.constant 0 : i32
      %sign3A_2750 = arith.cmpi sgt, %jit3A_2740, %sign3A_2749 : i32
      %sign3A_2751 = arith.extui %sign3A_2750 : i1 to i32
      %sign3A_2752 = arith.constant 0 : i32
      %sign3A_2753 = arith.cmpi slt, %jit3A_2740, %sign3A_2752 : i32
      %sign3A_2754 = arith.extui %sign3A_2753 : i1 to i32
      %sign3A_2755 = arith.subi %sign3A_2751, %sign3A_2754 : i32
      %ne3A_2756 = arith.cmpi ne, %sign3A_2748, %sign3A_2755 : i32
      %rem3A_2757 = arith.remsi %add3A_2739, %jit3A_2740 : i32
      %ne3A_2758 = arith.constant 0 : i32
      %ne3A_2759 = arith.cmpi ne, %rem3A_2757, %ne3A_2758 : i32
      %and3A_2760 = arith.andi %ne3A_2756, %ne3A_2759 : i1
      %sub3A_2761 = arith.constant 1 : i32
      %sub3A_2762 = arith.subi %div3A_2741, %sub3A_2761 : i32
      %select_n3A_2763 = arith.select %and3A_2760, %sub3A_2762, %div3A_2741 : i32
      %mul3A_2764 = arith.constant 16 : i32
      %mul3A_2765 = arith.muli %select_n3A_2763, %mul3A_2764 : i32
      %get3A_2766 = arith.index_cast %mul3A_2765 : i32 to index
      %get3A_2767 = tpu.vector_load %arg8[%get3A_2766] {strides = array<i32>} : memref<320xi32, #tpu.memory_space<vmem>>, vector<16xi32>,
      %get3A_2768 = vector.shape_cast %get3A_2767 : vector<16xi32> to vector<16xi32>
      %sub3A_2769 = arith.subi %add3A_2739, %mul3A_2765 : i32
      %add3A_2770 = vector.broadcast %sub3A_2769 : i32 to vector<16xi32>
      %add3A_2771 = arith.addi %iota3A, %add3A_2770 : vector<16xi32>
      %jit3A_2772 = arith.constant 16 : i32
      %eq3A_2773 = arith.constant 0 : i32
      %eq3A_2774 = arith.cmpi eq, %jit3A_2772, %eq3A_2773 : i32
      %jit3A_2775 = arith.constant 1 : i32
      %select_n3A_2776 = arith.select %eq3A_2774, %jit3A_2775, %jit3A_2772 : i32
      %rem3A_2777 = vector.broadcast %select_n3A_2776 : i32 to vector<16xi32>
      %rem3A_2778 = arith.remsi %add3A_2771, %rem3A_2777 : vector<16xi32>
      %ne3A_2779 = arith.constant 0 : i32
      %ne3A_2780 = vector.broadcast %ne3A_2779 : i32 to vector<16xi32>
      %ne3A_2781 = arith.cmpi ne, %rem3A_2778, %ne3A_2780 : vector<16xi32>
      %lt3A_2782 = arith.constant 0 : i32
      %lt3A_2783 = vector.broadcast %lt3A_2782 : i32 to vector<16xi32>
      %lt3A_2784 = arith.cmpi slt, %rem3A_2778, %lt3A_2783 : vector<16xi32>
      %lt3A_2785 = arith.constant 0 : i32
      %lt3A_2786 = arith.cmpi slt, %select_n3A_2776, %lt3A_2785 : i32
      %ne3A_2787 = vector.broadcast %lt3A_2786 : i1 to vector<16xi1>
      %ne3A_2788 = vector.broadcast %ne3A_2787 : vector<16xi1> to vector<16xi1>
      %ne3A_2789 = arith.xori %lt3A_2784, %ne3A_2788 : vector<16xi1>
      %and3A_2790 = arith.andi %ne3A_2789, %ne3A_2781 : vector<16xi1>
      %add3A_2791 = vector.broadcast %select_n3A_2776 : i32 to vector<16xi32>
      %add3A_2792 = arith.addi %rem3A_2778, %add3A_2791 : vector<16xi32>
      %select_n3A_2793 = arith.select %and3A_2790, %add3A_2792, %rem3A_2778 : vector<16xi1>, vector<16xi32>
      %broadcast_in_dim3A_2794 = vector.shape_cast %select_n3A_2793 : vector<16xi32> to vector<16x1xi32>
      %gather3A_2795 = vector.shape_cast %broadcast_in_dim3A_2794 : vector<16x1xi32> to vector<16xi32>
      %gather3A_2796 = tpu.dynamic_gather %get3A_2768[%gather3A_2795] in [0] : vector<16xi32>, vector<16xi32> -> vector<16xi32>
      %slice3A_2797 = vector.extract_strided_slice %gather3A_2796 {offsets = [0], sizes = [1], strides = [1]} : vector<16xi32> to vector<1xi32>
      %squeeze3A_2798 = vector.extract %slice3A_2797[0] : i32 from vector<1xi32>
      %eq3A_2799 = arith.constant 6 : i32
      %eq3A_2800 = vector.broadcast %eq3A_2799 : i32 to vector<16xi32>
      %eq3A_2801 = arith.cmpi eq, %iota3A, %eq3A_2800 : vector<16xi32>
      %select_n3A_2802 = arith.select %eq3A_2801, %min3A_2621, %select_n3A_2501 : vector<16xi1>, vector<16xf32>
      %eq3A_2803 = arith.constant 6 : i32
      %eq3A_2804 = vector.broadcast %eq3A_2803 : i32 to vector<16xi32>
      %eq3A_2805 = arith.cmpi eq, %iota3A, %eq3A_2804 : vector<16xi32>
      %add3A_2806 = arith.addi %squeeze3A_2798, %squeeze3A_2736 : i32
      %broadcast_in_dim3A_2807 = vector.broadcast %add3A_2806 : i32 to vector<16xi32>
      %select_n3A_2808 = arith.select %eq3A_2805, %broadcast_in_dim3A_2807, %select_n3A_2507 : vector<16xi1>, vector<16xi32>
      %jit3A_2809 = arith.constant 16 : i32
      %div3A_2810 = arith.divsi %squeeze3A_2736, %jit3A_2809 : i32
      %sign3A_2811 = arith.constant 0 : i32
      %sign3A_2812 = arith.cmpi sgt, %squeeze3A_2736, %sign3A_2811 : i32
      %sign3A_2813 = arith.extui %sign3A_2812 : i1 to i32
      %sign3A_2814 = arith.constant 0 : i32
      %sign3A_2815 = arith.cmpi slt, %squeeze3A_2736, %sign3A_2814 : i32
      %sign3A_2816 = arith.extui %sign3A_2815 : i1 to i32
      %sign3A_2817 = arith.subi %sign3A_2813, %sign3A_2816 : i32
      %sign3A_2818 = arith.constant 0 : i32
      %sign3A_2819 = arith.cmpi sgt, %jit3A_2809, %sign3A_2818 : i32
      %sign3A_2820 = arith.extui %sign3A_2819 : i1 to i32
      %sign3A_2821 = arith.constant 0 : i32
      %sign3A_2822 = arith.cmpi slt, %jit3A_2809, %sign3A_2821 : i32
      %sign3A_2823 = arith.extui %sign3A_2822 : i1 to i32
      %sign3A_2824 = arith.subi %sign3A_2820, %sign3A_2823 : i32
      %ne3A_2825 = arith.cmpi ne, %sign3A_2817, %sign3A_2824 : i32
      %rem3A_2826 = arith.remsi %squeeze3A_2736, %jit3A_2809 : i32
      %ne3A_2827 = arith.constant 0 : i32
      %ne3A_2828 = arith.cmpi ne, %rem3A_2826, %ne3A_2827 : i32
      %and3A_2829 = arith.andi %ne3A_2825, %ne3A_2828 : i1
      %sub3A_2830 = arith.constant 1 : i32
      %sub3A_2831 = arith.subi %div3A_2810, %sub3A_2830 : i32
      %select_n3A_2832 = arith.select %and3A_2829, %sub3A_2831, %div3A_2810 : i32
      %mul3A_2833 = arith.constant 16 : i32
      %mul3A_2834 = arith.muli %select_n3A_2832, %mul3A_2833 : i32
      %get3A_2835 = arith.index_cast %add3A_2644 : i32 to index
      %get3A_2836 = arith.index_cast %mul3A_2834 : i32 to index
      %get3A_2837 = tpu.vector_load %arg9[%get3A_2835, %get3A_2836] {strides = array<i32>} : memref<320x128xf32, #tpu.memory_space<vmem>>, vector<1x16xf32>,
      %get3A_2838 = vector.shape_cast %get3A_2837 : vector<1x16xf32> to vector<16xf32>
      %sub3A_2839 = arith.subi %squeeze3A_2736, %mul3A_2834 : i32
      %eq3A_2840 = vector.broadcast %sub3A_2839 : i32 to vector<16xi32>
      %eq3A_2841 = arith.cmpi eq, %iota3A, %eq3A_2840 : vector<16xi32>
      %jit3A_2842 = arith.constant 0x7F800000 : f32
      %broadcast_in_dim3A_2843 = vector.broadcast %jit3A_2842 : f32 to vector<16xf32>
      %select_n3A_2844 = arith.select %eq3A_2841, %broadcast_in_dim3A_2843, %get3A_2838 : vector<16xi1>, vector<16xf32>
      %swap3A_2845 = arith.index_cast %add3A_2644 : i32 to index
      %swap3A_2846 = arith.index_cast %mul3A_2834 : i32 to index
      %swap3A_2847 = tpu.vector_load %arg9[%swap3A_2845, %swap3A_2846] {strides = array<i32>} : memref<320x128xf32, #tpu.memory_space<vmem>>, vector<1x16xf32>,
      %swap3A_2848 = vector.shape_cast %swap3A_2847 : vector<1x16xf32> to vector<16xf32>
      %swap3A_2849 = vector.shape_cast %select_n3A_2844 : vector<16xf32> to vector<1x16xf32>
      tpu.vector_store %arg9[%swap3A_2845, %swap3A_2846], %swap3A_2849 {strides = array<i32>} : memref<320x128xf32, #tpu.memory_space<vmem>>, vector<1x16xf32>,
      %eq3A_2850 = arith.cmpi eq, %iota3A, %min3A_2641 : vector<16xi32>
      %get3A_2851 = arith.index_cast %add3A_2644 : i32 to index
      %get3A_2852 = arith.constant 0 : index
      %get3A_2853 = tpu.vector_load %arg9[%get3A_2851, %get3A_2852] {strides = array<i32>} : memref<320x128xf32, #tpu.memory_space<vmem>>, vector<1x16xf32>,
      %get3A_2854 = vector.shape_cast %get3A_2853 : vector<1x16xf32> to vector<16xf32>
      %get3A_2855 = arith.index_cast %add3A_2644 : i32 to index
      %get3A_2856 = arith.constant 16 : index
      %get3A_2857 = tpu.vector_load %arg9[%get3A_2855, %get3A_2856] {strides = array<i32>} : memref<320x128xf32, #tpu.memory_space<vmem>>, vector<1x16xf32>,
      %get3A_2858 = vector.shape_cast %get3A_2857 : vector<1x16xf32> to vector<16xf32>
      %min3A_2859 = arith.minimumf %get3A_2854, %get3A_2858 : vector<16xf32>
      %get3A_2860 = arith.index_cast %add3A_2644 : i32 to index
      %get3A_2861 = arith.constant 32 : index
      %get3A_2862 = tpu.vector_load %arg9[%get3A_2860, %get3A_2861] {strides = array<i32>} : memref<320x128xf32, #tpu.memory_space<vmem>>, vector<1x16xf32>,
      %get3A_2863 = vector.shape_cast %get3A_2862 : vector<1x16xf32> to vector<16xf32>
      %min3A_2864 = arith.minimumf %min3A_2859, %get3A_2863 : vector<16xf32>
      %get3A_2865 = arith.index_cast %add3A_2644 : i32 to index
      %get3A_2866 = arith.constant 48 : index
      %get3A_2867 = tpu.vector_load %arg9[%get3A_2865, %get3A_2866] {strides = array<i32>} : memref<320x128xf32, #tpu.memory_space<vmem>>, vector<1x16xf32>,
      %get3A_2868 = vector.shape_cast %get3A_2867 : vector<1x16xf32> to vector<16xf32>
      %min3A_2869 = arith.minimumf %min3A_2864, %get3A_2868 : vector<16xf32>
      %get3A_2870 = arith.index_cast %add3A_2644 : i32 to index
      %get3A_2871 = arith.constant 64 : index
      %get3A_2872 = tpu.vector_load %arg9[%get3A_2870, %get3A_2871] {strides = array<i32>} : memref<320x128xf32, #tpu.memory_space<vmem>>, vector<1x16xf32>,
      %get3A_2873 = vector.shape_cast %get3A_2872 : vector<1x16xf32> to vector<16xf32>
      %min3A_2874 = arith.minimumf %min3A_2869, %get3A_2873 : vector<16xf32>
      %get3A_2875 = arith.index_cast %add3A_2644 : i32 to index
      %get3A_2876 = arith.constant 80 : index
      %get3A_2877 = tpu.vector_load %arg9[%get3A_2875, %get3A_2876] {strides = array<i32>} : memref<320x128xf32, #tpu.memory_space<vmem>>, vector<1x16xf32>,
      %get3A_2878 = vector.shape_cast %get3A_2877 : vector<1x16xf32> to vector<16xf32>
      %min3A_2879 = arith.minimumf %min3A_2874, %get3A_2878 : vector<16xf32>
      %get3A_2880 = arith.index_cast %add3A_2644 : i32 to index
      %get3A_2881 = arith.constant 96 : index
      %get3A_2882 = tpu.vector_load %arg9[%get3A_2880, %get3A_2881] {strides = array<i32>} : memref<320x128xf32, #tpu.memory_space<vmem>>, vector<1x16xf32>,
      %get3A_2883 = vector.shape_cast %get3A_2882 : vector<1x16xf32> to vector<16xf32>
      %min3A_2884 = arith.minimumf %min3A_2879, %get3A_2883 : vector<16xf32>
      %get3A_2885 = arith.index_cast %add3A_2644 : i32 to index
      %get3A_2886 = arith.constant 112 : index
      %get3A_2887 = tpu.vector_load %arg9[%get3A_2885, %get3A_2886] {strides = array<i32>} : memref<320x128xf32, #tpu.memory_space<vmem>>, vector<1x16xf32>,
      %get3A_2888 = vector.shape_cast %get3A_2887 : vector<1x16xf32> to vector<16xf32>
      %min3A_2889 = arith.minimumf %min3A_2884, %get3A_2888 : vector<16xf32>
      %broadcast_in_dim3A_2890 = vector.shape_cast %select_n3A_86 : vector<16xi32> to vector<16x1xi32>
      %gather3A_2891 = vector.shape_cast %broadcast_in_dim3A_2890 : vector<16x1xi32> to vector<16xi32>
      %gather3A_2892 = tpu.dynamic_gather %min3A_2889[%gather3A_2891] in [0] : vector<16xf32>, vector<16xi32> -> vector<16xf32>
      %min3A_2893 = arith.minimumf %min3A_2889, %gather3A_2892 : vector<16xf32>
      %broadcast_in_dim3A_2894 = vector.shape_cast %select_n3A_111 : vector<16xi32> to vector<16x1xi32>
      %gather3A_2895 = vector.shape_cast %broadcast_in_dim3A_2894 : vector<16x1xi32> to vector<16xi32>
      %gather3A_2896 = tpu.dynamic_gather %min3A_2893[%gather3A_2895] in [0] : vector<16xf32>, vector<16xi32> -> vector<16xf32>
      %min3A_2897 = arith.minimumf %min3A_2893, %gather3A_2896 : vector<16xf32>
      %broadcast_in_dim3A_2898 = vector.shape_cast %select_n3A_136 : vector<16xi32> to vector<16x1xi32>
      %gather3A_2899 = vector.shape_cast %broadcast_in_dim3A_2898 : vector<16x1xi32> to vector<16xi32>
      %gather3A_2900 = tpu.dynamic_gather %min3A_2897[%gather3A_2899] in [0] : vector<16xf32>, vector<16xi32> -> vector<16xf32>
      %min3A_2901 = arith.minimumf %min3A_2897, %gather3A_2900 : vector<16xf32>
      %broadcast_in_dim3A_2902 = vector.shape_cast %select_n3A_161 : vector<16xi32> to vector<16x1xi32>
      %gather3A_2903 = vector.shape_cast %broadcast_in_dim3A_2902 : vector<16x1xi32> to vector<16xi32>
      %gather3A_2904 = tpu.dynamic_gather %min3A_2901[%gather3A_2903] in [0] : vector<16xf32>, vector<16xi32> -> vector<16xf32>
      %min3A_2905 = arith.minimumf %min3A_2901, %gather3A_2904 : vector<16xf32>
      %select_n3A_2906 = arith.select %eq3A_2850, %min3A_2905, %select_n3A_2605 : vector<16xi1>, vector<16xf32>
      %broadcast_in_dim3A_2907 = vector.shape_cast %select_n3A_86 : vector<16xi32> to vector<16x1xi32>
      %gather3A_2908 = vector.shape_cast %broadcast_in_dim3A_2907 : vector<16x1xi32> to vector<16xi32>
      %gather3A_2909 = tpu.dynamic_gather %select_n3A_2906[%gather3A_2908] in [0] : vector<16xf32>, vector<16xi32> -> vector<16xf32>
      %min3A_2910 = arith.minimumf %select_n3A_2906, %gather3A_2909 : vector<16xf32>
      %broadcast_in_dim3A_2911 = vector.shape_cast %select_n3A_111 : vector<16xi32> to vector<16x1xi32>
      %gather3A_2912 = vector.shape_cast %broadcast_in_dim3A_2911 : vector<16x1xi32> to vector<16xi32>
      %gather3A_2913 = tpu.dynamic_gather %min3A_2910[%gather3A_2912] in [0] : vector<16xf32>, vector<16xi32> -> vector<16xf32>
      %min3A_2914 = arith.minimumf %min3A_2910, %gather3A_2913 : vector<16xf32>
      %broadcast_in_dim3A_2915 = vector.shape_cast %select_n3A_136 : vector<16xi32> to vector<16x1xi32>
      %gather3A_2916 = vector.shape_cast %broadcast_in_dim3A_2915 : vector<16x1xi32> to vector<16xi32>
      %gather3A_2917 = tpu.dynamic_gather %min3A_2914[%gather3A_2916] in [0] : vector<16xf32>, vector<16xi32> -> vector<16xf32>
      %min3A_2918 = arith.minimumf %min3A_2914, %gather3A_2917 : vector<16xf32>
      %broadcast_in_dim3A_2919 = vector.shape_cast %select_n3A_161 : vector<16xi32> to vector<16x1xi32>
      %gather3A_2920 = vector.shape_cast %broadcast_in_dim3A_2919 : vector<16x1xi32> to vector<16xi32>
      %gather3A_2921 = tpu.dynamic_gather %min3A_2918[%gather3A_2920] in [0] : vector<16xf32>, vector<16xi32> -> vector<16xf32>
      %min3A_2922 = arith.minimumf %min3A_2918, %gather3A_2921 : vector<16xf32>
      %eq3A_2923 = arith.cmpf oeq, %select_n3A_2906, %min3A_2922 : vector<16xf32>
      %jit3A_2924 = arith.constant 16 : i32
      %broadcast_in_dim3A_2925 = vector.broadcast %jit3A_2924 : i32 to vector<16xi32>
      %select_n3A_2926 = arith.select %eq3A_2923, %iota3A, %broadcast_in_dim3A_2925 : vector<16xi1>, vector<16xi32>
      %broadcast_in_dim3A_2927 = vector.shape_cast %select_n3A_86 : vector<16xi32> to vector<16x1xi32>
      %gather3A_2928 = vector.shape_cast %broadcast_in_dim3A_2927 : vector<16x1xi32> to vector<16xi32>
      %gather3A_2929 = tpu.dynamic_gather %select_n3A_2926[%gather3A_2928] in [0] : vector<16xi32>, vector<16xi32> -> vector<16xi32>
      %min3A_2930 = arith.minsi %select_n3A_2926, %gather3A_2929 : vector<16xi32>
      %broadcast_in_dim3A_2931 = vector.shape_cast %select_n3A_111 : vector<16xi32> to vector<16x1xi32>
      %gather3A_2932 = vector.shape_cast %broadcast_in_dim3A_2931 : vector<16x1xi32> to vector<16xi32>
      %gather3A_2933 = tpu.dynamic_gather %min3A_2930[%gather3A_2932] in [0] : vector<16xi32>, vector<16xi32> -> vector<16xi32>
      %min3A_2934 = arith.minsi %min3A_2930, %gather3A_2933 : vector<16xi32>
      %broadcast_in_dim3A_2935 = vector.shape_cast %select_n3A_136 : vector<16xi32> to vector<16x1xi32>
      %gather3A_2936 = vector.shape_cast %broadcast_in_dim3A_2935 : vector<16x1xi32> to vector<16xi32>
      %gather3A_2937 = tpu.dynamic_gather %min3A_2934[%gather3A_2936] in [0] : vector<16xi32>, vector<16xi32> -> vector<16xi32>
      %min3A_2938 = arith.minsi %min3A_2934, %gather3A_2937 : vector<16xi32>
      %broadcast_in_dim3A_2939 = vector.shape_cast %select_n3A_161 : vector<16xi32> to vector<16x1xi32>
      %gather3A_2940 = vector.shape_cast %broadcast_in_dim3A_2939 : vector<16x1xi32> to vector<16xi32>
      %gather3A_2941 = tpu.dynamic_gather %min3A_2938[%gather3A_2940] in [0] : vector<16xi32>, vector<16xi32> -> vector<16xi32>
      %min3A_2942 = arith.minsi %min3A_2938, %gather3A_2941 : vector<16xi32>
      %slice3A_2943 = vector.extract_strided_slice %min3A_2942 {offsets = [0], sizes = [1], strides = [1]} : vector<16xi32> to vector<1xi32>
      %squeeze3A_2944 = vector.extract %slice3A_2943[0] : i32 from vector<1xi32>
      %add3A_2945 = arith.addi %mul3A_193, %squeeze3A_2944 : i32
      %broadcast_in_dim3A_2946 = arith.constant 1024 : i32
      %broadcast_in_dim3A_2947 = vector.broadcast %broadcast_in_dim3A_2946 : i32 to vector<16xi32>
      %get3A_2948 = arith.index_cast %add3A_2945 : i32 to index
      %get3A_2949 = arith.constant 0 : index
      %get3A_2950 = tpu.vector_load %arg9[%get3A_2948, %get3A_2949] {strides = array<i32>} : memref<320x128xf32, #tpu.memory_space<vmem>>, vector<1x16xf32>,
      %get3A_2951 = vector.shape_cast %get3A_2950 : vector<1x16xf32> to vector<16xf32>
      %eq3A_2952 = arith.cmpf oeq, %get3A_2951, %min3A_2922 : vector<16xf32>
      %jit3A_2953 = arith.constant 1024 : i32
      %broadcast_in_dim3A_2954 = vector.broadcast %jit3A_2953 : i32 to vector<16xi32>
      %select_n3A_2955 = arith.select %eq3A_2952, %add3A_164, %broadcast_in_dim3A_2954 : vector<16xi1>, vector<16xi32>
      %min3A_2956 = arith.minsi %broadcast_in_dim3A_2947, %select_n3A_2955 : vector<16xi32>
      %get3A_2957 = arith.index_cast %add3A_2945 : i32 to index
      %get3A_2958 = arith.constant 16 : index
      %get3A_2959 = tpu.vector_load %arg9[%get3A_2957, %get3A_2958] {strides = array<i32>} : memref<320x128xf32, #tpu.memory_space<vmem>>, vector<1x16xf32>,
      %get3A_2960 = vector.shape_cast %get3A_2959 : vector<1x16xf32> to vector<16xf32>
      %eq3A_2961 = arith.cmpf oeq, %get3A_2960, %min3A_2922 : vector<16xf32>
      %jit3A_2962 = arith.constant 1024 : i32
      %broadcast_in_dim3A_2963 = vector.broadcast %jit3A_2962 : i32 to vector<16xi32>
      %select_n3A_2964 = arith.select %eq3A_2961, %add3A_167, %broadcast_in_dim3A_2963 : vector<16xi1>, vector<16xi32>
      %min3A_2965 = arith.minsi %min3A_2956, %select_n3A_2964 : vector<16xi32>
      %get3A_2966 = arith.index_cast %add3A_2945 : i32 to index
      %get3A_2967 = arith.constant 32 : index
      %get3A_2968 = tpu.vector_load %arg9[%get3A_2966, %get3A_2967] {strides = array<i32>} : memref<320x128xf32, #tpu.memory_space<vmem>>, vector<1x16xf32>,
      %get3A_2969 = vector.shape_cast %get3A_2968 : vector<1x16xf32> to vector<16xf32>
      %eq3A_2970 = arith.cmpf oeq, %get3A_2969, %min3A_2922 : vector<16xf32>
      %jit3A_2971 = arith.constant 1024 : i32
      %broadcast_in_dim3A_2972 = vector.broadcast %jit3A_2971 : i32 to vector<16xi32>
      %select_n3A_2973 = arith.select %eq3A_2970, %add3A_170, %broadcast_in_dim3A_2972 : vector<16xi1>, vector<16xi32>
      %min3A_2974 = arith.minsi %min3A_2965, %select_n3A_2973 : vector<16xi32>
      %get3A_2975 = arith.index_cast %add3A_2945 : i32 to index
      %get3A_2976 = arith.constant 48 : index
      %get3A_2977 = tpu.vector_load %arg9[%get3A_2975, %get3A_2976] {strides = array<i32>} : memref<320x128xf32, #tpu.memory_space<vmem>>, vector<1x16xf32>,
      %get3A_2978 = vector.shape_cast %get3A_2977 : vector<1x16xf32> to vector<16xf32>
      %eq3A_2979 = arith.cmpf oeq, %get3A_2978, %min3A_2922 : vector<16xf32>
      %jit3A_2980 = arith.constant 1024 : i32
      %broadcast_in_dim3A_2981 = vector.broadcast %jit3A_2980 : i32 to vector<16xi32>
      %select_n3A_2982 = arith.select %eq3A_2979, %add3A_173, %broadcast_in_dim3A_2981 : vector<16xi1>, vector<16xi32>
      %min3A_2983 = arith.minsi %min3A_2974, %select_n3A_2982 : vector<16xi32>
      %get3A_2984 = arith.index_cast %add3A_2945 : i32 to index
      %get3A_2985 = arith.constant 64 : index
      %get3A_2986 = tpu.vector_load %arg9[%get3A_2984, %get3A_2985] {strides = array<i32>} : memref<320x128xf32, #tpu.memory_space<vmem>>, vector<1x16xf32>,
      %get3A_2987 = vector.shape_cast %get3A_2986 : vector<1x16xf32> to vector<16xf32>
      %eq3A_2988 = arith.cmpf oeq, %get3A_2987, %min3A_2922 : vector<16xf32>
      %jit3A_2989 = arith.constant 1024 : i32
      %broadcast_in_dim3A_2990 = vector.broadcast %jit3A_2989 : i32 to vector<16xi32>
      %select_n3A_2991 = arith.select %eq3A_2988, %add3A_176, %broadcast_in_dim3A_2990 : vector<16xi1>, vector<16xi32>
      %min3A_2992 = arith.minsi %min3A_2983, %select_n3A_2991 : vector<16xi32>
      %get3A_2993 = arith.index_cast %add3A_2945 : i32 to index
      %get3A_2994 = arith.constant 80 : index
      %get3A_2995 = tpu.vector_load %arg9[%get3A_2993, %get3A_2994] {strides = array<i32>} : memref<320x128xf32, #tpu.memory_space<vmem>>, vector<1x16xf32>,
      %get3A_2996 = vector.shape_cast %get3A_2995 : vector<1x16xf32> to vector<16xf32>
      %eq3A_2997 = arith.cmpf oeq, %get3A_2996, %min3A_2922 : vector<16xf32>
      %jit3A_2998 = arith.constant 1024 : i32
      %broadcast_in_dim3A_2999 = vector.broadcast %jit3A_2998 : i32 to vector<16xi32>
      %select_n3A_3000 = arith.select %eq3A_2997, %add3A_179, %broadcast_in_dim3A_2999 : vector<16xi1>, vector<16xi32>
      %min3A_3001 = arith.minsi %min3A_2992, %select_n3A_3000 : vector<16xi32>
      %get3A_3002 = arith.index_cast %add3A_2945 : i32 to index
      %get3A_3003 = arith.constant 96 : index
      %get3A_3004 = tpu.vector_load %arg9[%get3A_3002, %get3A_3003] {strides = array<i32>} : memref<320x128xf32, #tpu.memory_space<vmem>>, vector<1x16xf32>,
      %get3A_3005 = vector.shape_cast %get3A_3004 : vector<1x16xf32> to vector<16xf32>
      %eq3A_3006 = arith.cmpf oeq, %get3A_3005, %min3A_2922 : vector<16xf32>
      %jit3A_3007 = arith.constant 1024 : i32
      %broadcast_in_dim3A_3008 = vector.broadcast %jit3A_3007 : i32 to vector<16xi32>
      %select_n3A_3009 = arith.select %eq3A_3006, %add3A_182, %broadcast_in_dim3A_3008 : vector<16xi1>, vector<16xi32>
      %min3A_3010 = arith.minsi %min3A_3001, %select_n3A_3009 : vector<16xi32>
      %get3A_3011 = arith.index_cast %add3A_2945 : i32 to index
      %get3A_3012 = arith.constant 112 : index
      %get3A_3013 = tpu.vector_load %arg9[%get3A_3011, %get3A_3012] {strides = array<i32>} : memref<320x128xf32, #tpu.memory_space<vmem>>, vector<1x16xf32>,
      %get3A_3014 = vector.shape_cast %get3A_3013 : vector<1x16xf32> to vector<16xf32>
      %eq3A_3015 = arith.cmpf oeq, %get3A_3014, %min3A_2922 : vector<16xf32>
      %jit3A_3016 = arith.constant 1024 : i32
      %broadcast_in_dim3A_3017 = vector.broadcast %jit3A_3016 : i32 to vector<16xi32>
      %select_n3A_3018 = arith.select %eq3A_3015, %add3A_185, %broadcast_in_dim3A_3017 : vector<16xi1>, vector<16xi32>
      %min3A_3019 = arith.minsi %min3A_3010, %select_n3A_3018 : vector<16xi32>
      %broadcast_in_dim3A_3020 = vector.shape_cast %select_n3A_86 : vector<16xi32> to vector<16x1xi32>
      %gather3A_3021 = vector.shape_cast %broadcast_in_dim3A_3020 : vector<16x1xi32> to vector<16xi32>
      %gather3A_3022 = tpu.dynamic_gather %min3A_3019[%gather3A_3021] in [0] : vector<16xi32>, vector<16xi32> -> vector<16xi32>
      %min3A_3023 = arith.minsi %min3A_3019, %gather3A_3022 : vector<16xi32>
      %broadcast_in_dim3A_3024 = vector.shape_cast %select_n3A_111 : vector<16xi32> to vector<16x1xi32>
      %gather3A_3025 = vector.shape_cast %broadcast_in_dim3A_3024 : vector<16x1xi32> to vector<16xi32>
      %gather3A_3026 = tpu.dynamic_gather %min3A_3023[%gather3A_3025] in [0] : vector<16xi32>, vector<16xi32> -> vector<16xi32>
      %min3A_3027 = arith.minsi %min3A_3023, %gather3A_3026 : vector<16xi32>
      %broadcast_in_dim3A_3028 = vector.shape_cast %select_n3A_136 : vector<16xi32> to vector<16x1xi32>
      %gather3A_3029 = vector.shape_cast %broadcast_in_dim3A_3028 : vector<16x1xi32> to vector<16xi32>
      %gather3A_3030 = tpu.dynamic_gather %min3A_3027[%gather3A_3029] in [0] : vector<16xi32>, vector<16xi32> -> vector<16xi32>
      %min3A_3031 = arith.minsi %min3A_3027, %gather3A_3030 : vector<16xi32>
      %broadcast_in_dim3A_3032 = vector.shape_cast %select_n3A_161 : vector<16xi32> to vector<16x1xi32>
      %gather3A_3033 = vector.shape_cast %broadcast_in_dim3A_3032 : vector<16x1xi32> to vector<16xi32>
      %gather3A_3034 = tpu.dynamic_gather %min3A_3031[%gather3A_3033] in [0] : vector<16xi32>, vector<16xi32> -> vector<16xi32>
      %min3A_3035 = arith.minsi %min3A_3031, %gather3A_3034 : vector<16xi32>
      %slice3A_3036 = vector.extract_strided_slice %min3A_3035 {offsets = [0], sizes = [1], strides = [1]} : vector<16xi32> to vector<1xi32>
      %squeeze3A_3037 = vector.extract %slice3A_3036[0] : i32 from vector<1xi32>
      %mul3A_3038 = arith.constant 10 : i32
      %mul3A_3039 = arith.muli %scan3A_191, %mul3A_3038 : i32
      %add3A_3040 = arith.addi %mul3A_3039, %squeeze3A_2944 : i32
      %jit3A_3041 = arith.constant 16 : i32
      %div3A_3042 = arith.divsi %add3A_3040, %jit3A_3041 : i32
      %sign3A_3043 = arith.constant 0 : i32
      %sign3A_3044 = arith.cmpi sgt, %add3A_3040, %sign3A_3043 : i32
      %sign3A_3045 = arith.extui %sign3A_3044 : i1 to i32
      %sign3A_3046 = arith.constant 0 : i32
      %sign3A_3047 = arith.cmpi slt, %add3A_3040, %sign3A_3046 : i32
      %sign3A_3048 = arith.extui %sign3A_3047 : i1 to i32
      %sign3A_3049 = arith.subi %sign3A_3045, %sign3A_3048 : i32
      %sign3A_3050 = arith.constant 0 : i32
      %sign3A_3051 = arith.cmpi sgt, %jit3A_3041, %sign3A_3050 : i32
      %sign3A_3052 = arith.extui %sign3A_3051 : i1 to i32
      %sign3A_3053 = arith.constant 0 : i32
      %sign3A_3054 = arith.cmpi slt, %jit3A_3041, %sign3A_3053 : i32
      %sign3A_3055 = arith.extui %sign3A_3054 : i1 to i32
      %sign3A_3056 = arith.subi %sign3A_3052, %sign3A_3055 : i32
      %ne3A_3057 = arith.cmpi ne, %sign3A_3049, %sign3A_3056 : i32
      %rem3A_3058 = arith.remsi %add3A_3040, %jit3A_3041 : i32
      %ne3A_3059 = arith.constant 0 : i32
      %ne3A_3060 = arith.cmpi ne, %rem3A_3058, %ne3A_3059 : i32
      %and3A_3061 = arith.andi %ne3A_3057, %ne3A_3060 : i1
      %sub3A_3062 = arith.constant 1 : i32
      %sub3A_3063 = arith.subi %div3A_3042, %sub3A_3062 : i32
      %select_n3A_3064 = arith.select %and3A_3061, %sub3A_3063, %div3A_3042 : i32
      %mul3A_3065 = arith.constant 16 : i32
      %mul3A_3066 = arith.muli %select_n3A_3064, %mul3A_3065 : i32
      %get3A_3067 = arith.index_cast %mul3A_3066 : i32 to index
      %get3A_3068 = tpu.vector_load %arg8[%get3A_3067] {strides = array<i32>} : memref<320xi32, #tpu.memory_space<vmem>>, vector<16xi32>,
      %get3A_3069 = vector.shape_cast %get3A_3068 : vector<16xi32> to vector<16xi32>
      %sub3A_3070 = arith.subi %add3A_3040, %mul3A_3066 : i32
      %add3A_3071 = vector.broadcast %sub3A_3070 : i32 to vector<16xi32>
      %add3A_3072 = arith.addi %iota3A, %add3A_3071 : vector<16xi32>
      %jit3A_3073 = arith.constant 16 : i32
      %eq3A_3074 = arith.constant 0 : i32
      %eq3A_3075 = arith.cmpi eq, %jit3A_3073, %eq3A_3074 : i32
      %jit3A_3076 = arith.constant 1 : i32
      %select_n3A_3077 = arith.select %eq3A_3075, %jit3A_3076, %jit3A_3073 : i32
      %rem3A_3078 = vector.broadcast %select_n3A_3077 : i32 to vector<16xi32>
      %rem3A_3079 = arith.remsi %add3A_3072, %rem3A_3078 : vector<16xi32>
      %ne3A_3080 = arith.constant 0 : i32
      %ne3A_3081 = vector.broadcast %ne3A_3080 : i32 to vector<16xi32>
      %ne3A_3082 = arith.cmpi ne, %rem3A_3079, %ne3A_3081 : vector<16xi32>
      %lt3A_3083 = arith.constant 0 : i32
      %lt3A_3084 = vector.broadcast %lt3A_3083 : i32 to vector<16xi32>
      %lt3A_3085 = arith.cmpi slt, %rem3A_3079, %lt3A_3084 : vector<16xi32>
      %lt3A_3086 = arith.constant 0 : i32
      %lt3A_3087 = arith.cmpi slt, %select_n3A_3077, %lt3A_3086 : i32
      %ne3A_3088 = vector.broadcast %lt3A_3087 : i1 to vector<16xi1>
      %ne3A_3089 = vector.broadcast %ne3A_3088 : vector<16xi1> to vector<16xi1>
      %ne3A_3090 = arith.xori %lt3A_3085, %ne3A_3089 : vector<16xi1>
      %and3A_3091 = arith.andi %ne3A_3090, %ne3A_3082 : vector<16xi1>
      %add3A_3092 = vector.broadcast %select_n3A_3077 : i32 to vector<16xi32>
      %add3A_3093 = arith.addi %rem3A_3079, %add3A_3092 : vector<16xi32>
      %select_n3A_3094 = arith.select %and3A_3091, %add3A_3093, %rem3A_3079 : vector<16xi1>, vector<16xi32>
      %broadcast_in_dim3A_3095 = vector.shape_cast %select_n3A_3094 : vector<16xi32> to vector<16x1xi32>
      %gather3A_3096 = vector.shape_cast %broadcast_in_dim3A_3095 : vector<16x1xi32> to vector<16xi32>
      %gather3A_3097 = tpu.dynamic_gather %get3A_3069[%gather3A_3096] in [0] : vector<16xi32>, vector<16xi32> -> vector<16xi32>
      %slice3A_3098 = vector.extract_strided_slice %gather3A_3097 {offsets = [0], sizes = [1], strides = [1]} : vector<16xi32> to vector<1xi32>
      %squeeze3A_3099 = vector.extract %slice3A_3098[0] : i32 from vector<1xi32>
      %eq3A_3100 = arith.constant 7 : i32
      %eq3A_3101 = vector.broadcast %eq3A_3100 : i32 to vector<16xi32>
      %eq3A_3102 = arith.cmpi eq, %iota3A, %eq3A_3101 : vector<16xi32>
      %select_n3A_3103 = arith.select %eq3A_3102, %min3A_2922, %select_n3A_2802 : vector<16xi1>, vector<16xf32>
      %eq3A_3104 = arith.constant 7 : i32
      %eq3A_3105 = vector.broadcast %eq3A_3104 : i32 to vector<16xi32>
      %eq3A_3106 = arith.cmpi eq, %iota3A, %eq3A_3105 : vector<16xi32>
      %add3A_3107 = arith.addi %squeeze3A_3099, %squeeze3A_3037 : i32
      %broadcast_in_dim3A_3108 = vector.broadcast %add3A_3107 : i32 to vector<16xi32>
      %select_n3A_3109 = arith.select %eq3A_3106, %broadcast_in_dim3A_3108, %select_n3A_2808 : vector<16xi1>, vector<16xi32>
      %jit3A_3110 = arith.constant 16 : i32
      %div3A_3111 = arith.divsi %squeeze3A_3037, %jit3A_3110 : i32
      %sign3A_3112 = arith.constant 0 : i32
      %sign3A_3113 = arith.cmpi sgt, %squeeze3A_3037, %sign3A_3112 : i32
      %sign3A_3114 = arith.extui %sign3A_3113 : i1 to i32
      %sign3A_3115 = arith.constant 0 : i32
      %sign3A_3116 = arith.cmpi slt, %squeeze3A_3037, %sign3A_3115 : i32
      %sign3A_3117 = arith.extui %sign3A_3116 : i1 to i32
      %sign3A_3118 = arith.subi %sign3A_3114, %sign3A_3117 : i32
      %sign3A_3119 = arith.constant 0 : i32
      %sign3A_3120 = arith.cmpi sgt, %jit3A_3110, %sign3A_3119 : i32
      %sign3A_3121 = arith.extui %sign3A_3120 : i1 to i32
      %sign3A_3122 = arith.constant 0 : i32
      %sign3A_3123 = arith.cmpi slt, %jit3A_3110, %sign3A_3122 : i32
      %sign3A_3124 = arith.extui %sign3A_3123 : i1 to i32
      %sign3A_3125 = arith.subi %sign3A_3121, %sign3A_3124 : i32
      %ne3A_3126 = arith.cmpi ne, %sign3A_3118, %sign3A_3125 : i32
      %rem3A_3127 = arith.remsi %squeeze3A_3037, %jit3A_3110 : i32
      %ne3A_3128 = arith.constant 0 : i32
      %ne3A_3129 = arith.cmpi ne, %rem3A_3127, %ne3A_3128 : i32
      %and3A_3130 = arith.andi %ne3A_3126, %ne3A_3129 : i1
      %sub3A_3131 = arith.constant 1 : i32
      %sub3A_3132 = arith.subi %div3A_3111, %sub3A_3131 : i32
      %select_n3A_3133 = arith.select %and3A_3130, %sub3A_3132, %div3A_3111 : i32
      %mul3A_3134 = arith.constant 16 : i32
      %mul3A_3135 = arith.muli %select_n3A_3133, %mul3A_3134 : i32
      %get3A_3136 = arith.index_cast %add3A_2945 : i32 to index
      %get3A_3137 = arith.index_cast %mul3A_3135 : i32 to index
      %get3A_3138 = tpu.vector_load %arg9[%get3A_3136, %get3A_3137] {strides = array<i32>} : memref<320x128xf32, #tpu.memory_space<vmem>>, vector<1x16xf32>,
      %get3A_3139 = vector.shape_cast %get3A_3138 : vector<1x16xf32> to vector<16xf32>
      %sub3A_3140 = arith.subi %squeeze3A_3037, %mul3A_3135 : i32
      %eq3A_3141 = vector.broadcast %sub3A_3140 : i32 to vector<16xi32>
      %eq3A_3142 = arith.cmpi eq, %iota3A, %eq3A_3141 : vector<16xi32>
      %jit3A_3143 = arith.constant 0x7F800000 : f32
      %broadcast_in_dim3A_3144 = vector.broadcast %jit3A_3143 : f32 to vector<16xf32>
      %select_n3A_3145 = arith.select %eq3A_3142, %broadcast_in_dim3A_3144, %get3A_3139 : vector<16xi1>, vector<16xf32>
      %swap3A_3146 = arith.index_cast %add3A_2945 : i32 to index
      %swap3A_3147 = arith.index_cast %mul3A_3135 : i32 to index
      %swap3A_3148 = tpu.vector_load %arg9[%swap3A_3146, %swap3A_3147] {strides = array<i32>} : memref<320x128xf32, #tpu.memory_space<vmem>>, vector<1x16xf32>,
      %swap3A_3149 = vector.shape_cast %swap3A_3148 : vector<1x16xf32> to vector<16xf32>
      %swap3A_3150 = vector.shape_cast %select_n3A_3145 : vector<16xf32> to vector<1x16xf32>
      tpu.vector_store %arg9[%swap3A_3146, %swap3A_3147], %swap3A_3150 {strides = array<i32>} : memref<320x128xf32, #tpu.memory_space<vmem>>, vector<1x16xf32>,
      %eq3A_3151 = arith.cmpi eq, %iota3A, %min3A_2942 : vector<16xi32>
      %get3A_3152 = arith.index_cast %add3A_2945 : i32 to index
      %get3A_3153 = arith.constant 0 : index
      %get3A_3154 = tpu.vector_load %arg9[%get3A_3152, %get3A_3153] {strides = array<i32>} : memref<320x128xf32, #tpu.memory_space<vmem>>, vector<1x16xf32>,
      %get3A_3155 = vector.shape_cast %get3A_3154 : vector<1x16xf32> to vector<16xf32>
      %get3A_3156 = arith.index_cast %add3A_2945 : i32 to index
      %get3A_3157 = arith.constant 16 : index
      %get3A_3158 = tpu.vector_load %arg9[%get3A_3156, %get3A_3157] {strides = array<i32>} : memref<320x128xf32, #tpu.memory_space<vmem>>, vector<1x16xf32>,
      %get3A_3159 = vector.shape_cast %get3A_3158 : vector<1x16xf32> to vector<16xf32>
      %min3A_3160 = arith.minimumf %get3A_3155, %get3A_3159 : vector<16xf32>
      %get3A_3161 = arith.index_cast %add3A_2945 : i32 to index
      %get3A_3162 = arith.constant 32 : index
      %get3A_3163 = tpu.vector_load %arg9[%get3A_3161, %get3A_3162] {strides = array<i32>} : memref<320x128xf32, #tpu.memory_space<vmem>>, vector<1x16xf32>,
      %get3A_3164 = vector.shape_cast %get3A_3163 : vector<1x16xf32> to vector<16xf32>
      %min3A_3165 = arith.minimumf %min3A_3160, %get3A_3164 : vector<16xf32>
      %get3A_3166 = arith.index_cast %add3A_2945 : i32 to index
      %get3A_3167 = arith.constant 48 : index
      %get3A_3168 = tpu.vector_load %arg9[%get3A_3166, %get3A_3167] {strides = array<i32>} : memref<320x128xf32, #tpu.memory_space<vmem>>, vector<1x16xf32>,
      %get3A_3169 = vector.shape_cast %get3A_3168 : vector<1x16xf32> to vector<16xf32>
      %min3A_3170 = arith.minimumf %min3A_3165, %get3A_3169 : vector<16xf32>
      %get3A_3171 = arith.index_cast %add3A_2945 : i32 to index
      %get3A_3172 = arith.constant 64 : index
      %get3A_3173 = tpu.vector_load %arg9[%get3A_3171, %get3A_3172] {strides = array<i32>} : memref<320x128xf32, #tpu.memory_space<vmem>>, vector<1x16xf32>,
      %get3A_3174 = vector.shape_cast %get3A_3173 : vector<1x16xf32> to vector<16xf32>
      %min3A_3175 = arith.minimumf %min3A_3170, %get3A_3174 : vector<16xf32>
      %get3A_3176 = arith.index_cast %add3A_2945 : i32 to index
      %get3A_3177 = arith.constant 80 : index
      %get3A_3178 = tpu.vector_load %arg9[%get3A_3176, %get3A_3177] {strides = array<i32>} : memref<320x128xf32, #tpu.memory_space<vmem>>, vector<1x16xf32>,
      %get3A_3179 = vector.shape_cast %get3A_3178 : vector<1x16xf32> to vector<16xf32>
      %min3A_3180 = arith.minimumf %min3A_3175, %get3A_3179 : vector<16xf32>
      %get3A_3181 = arith.index_cast %add3A_2945 : i32 to index
      %get3A_3182 = arith.constant 96 : index
      %get3A_3183 = tpu.vector_load %arg9[%get3A_3181, %get3A_3182] {strides = array<i32>} : memref<320x128xf32, #tpu.memory_space<vmem>>, vector<1x16xf32>,
      %get3A_3184 = vector.shape_cast %get3A_3183 : vector<1x16xf32> to vector<16xf32>
      %min3A_3185 = arith.minimumf %min3A_3180, %get3A_3184 : vector<16xf32>
      %get3A_3186 = arith.index_cast %add3A_2945 : i32 to index
      %get3A_3187 = arith.constant 112 : index
      %get3A_3188 = tpu.vector_load %arg9[%get3A_3186, %get3A_3187] {strides = array<i32>} : memref<320x128xf32, #tpu.memory_space<vmem>>, vector<1x16xf32>,
      %get3A_3189 = vector.shape_cast %get3A_3188 : vector<1x16xf32> to vector<16xf32>
      %min3A_3190 = arith.minimumf %min3A_3185, %get3A_3189 : vector<16xf32>
      %broadcast_in_dim3A_3191 = vector.shape_cast %select_n3A_86 : vector<16xi32> to vector<16x1xi32>
      %gather3A_3192 = vector.shape_cast %broadcast_in_dim3A_3191 : vector<16x1xi32> to vector<16xi32>
      %gather3A_3193 = tpu.dynamic_gather %min3A_3190[%gather3A_3192] in [0] : vector<16xf32>, vector<16xi32> -> vector<16xf32>
      %min3A_3194 = arith.minimumf %min3A_3190, %gather3A_3193 : vector<16xf32>
      %broadcast_in_dim3A_3195 = vector.shape_cast %select_n3A_111 : vector<16xi32> to vector<16x1xi32>
      %gather3A_3196 = vector.shape_cast %broadcast_in_dim3A_3195 : vector<16x1xi32> to vector<16xi32>
      %gather3A_3197 = tpu.dynamic_gather %min3A_3194[%gather3A_3196] in [0] : vector<16xf32>, vector<16xi32> -> vector<16xf32>
      %min3A_3198 = arith.minimumf %min3A_3194, %gather3A_3197 : vector<16xf32>
      %broadcast_in_dim3A_3199 = vector.shape_cast %select_n3A_136 : vector<16xi32> to vector<16x1xi32>
      %gather3A_3200 = vector.shape_cast %broadcast_in_dim3A_3199 : vector<16x1xi32> to vector<16xi32>
      %gather3A_3201 = tpu.dynamic_gather %min3A_3198[%gather3A_3200] in [0] : vector<16xf32>, vector<16xi32> -> vector<16xf32>
      %min3A_3202 = arith.minimumf %min3A_3198, %gather3A_3201 : vector<16xf32>
      %broadcast_in_dim3A_3203 = vector.shape_cast %select_n3A_161 : vector<16xi32> to vector<16x1xi32>
      %gather3A_3204 = vector.shape_cast %broadcast_in_dim3A_3203 : vector<16x1xi32> to vector<16xi32>
      %gather3A_3205 = tpu.dynamic_gather %min3A_3202[%gather3A_3204] in [0] : vector<16xf32>, vector<16xi32> -> vector<16xf32>
      %min3A_3206 = arith.minimumf %min3A_3202, %gather3A_3205 : vector<16xf32>
      %select_n3A_3207 = arith.select %eq3A_3151, %min3A_3206, %select_n3A_2906 : vector<16xi1>, vector<16xf32>
      %broadcast_in_dim3A_3208 = vector.shape_cast %select_n3A_86 : vector<16xi32> to vector<16x1xi32>
      %gather3A_3209 = vector.shape_cast %broadcast_in_dim3A_3208 : vector<16x1xi32> to vector<16xi32>
      %gather3A_3210 = tpu.dynamic_gather %select_n3A_3207[%gather3A_3209] in [0] : vector<16xf32>, vector<16xi32> -> vector<16xf32>
      %min3A_3211 = arith.minimumf %select_n3A_3207, %gather3A_3210 : vector<16xf32>
      %broadcast_in_dim3A_3212 = vector.shape_cast %select_n3A_111 : vector<16xi32> to vector<16x1xi32>
      %gather3A_3213 = vector.shape_cast %broadcast_in_dim3A_3212 : vector<16x1xi32> to vector<16xi32>
      %gather3A_3214 = tpu.dynamic_gather %min3A_3211[%gather3A_3213] in [0] : vector<16xf32>, vector<16xi32> -> vector<16xf32>
      %min3A_3215 = arith.minimumf %min3A_3211, %gather3A_3214 : vector<16xf32>
      %broadcast_in_dim3A_3216 = vector.shape_cast %select_n3A_136 : vector<16xi32> to vector<16x1xi32>
      %gather3A_3217 = vector.shape_cast %broadcast_in_dim3A_3216 : vector<16x1xi32> to vector<16xi32>
      %gather3A_3218 = tpu.dynamic_gather %min3A_3215[%gather3A_3217] in [0] : vector<16xf32>, vector<16xi32> -> vector<16xf32>
      %min3A_3219 = arith.minimumf %min3A_3215, %gather3A_3218 : vector<16xf32>
      %broadcast_in_dim3A_3220 = vector.shape_cast %select_n3A_161 : vector<16xi32> to vector<16x1xi32>
      %gather3A_3221 = vector.shape_cast %broadcast_in_dim3A_3220 : vector<16x1xi32> to vector<16xi32>
      %gather3A_3222 = tpu.dynamic_gather %min3A_3219[%gather3A_3221] in [0] : vector<16xf32>, vector<16xi32> -> vector<16xf32>
      %min3A_3223 = arith.minimumf %min3A_3219, %gather3A_3222 : vector<16xf32>
      %eq3A_3224 = arith.cmpf oeq, %select_n3A_3207, %min3A_3223 : vector<16xf32>
      %jit3A_3225 = arith.constant 16 : i32
      %broadcast_in_dim3A_3226 = vector.broadcast %jit3A_3225 : i32 to vector<16xi32>
      %select_n3A_3227 = arith.select %eq3A_3224, %iota3A, %broadcast_in_dim3A_3226 : vector<16xi1>, vector<16xi32>
      %broadcast_in_dim3A_3228 = vector.shape_cast %select_n3A_86 : vector<16xi32> to vector<16x1xi32>
      %gather3A_3229 = vector.shape_cast %broadcast_in_dim3A_3228 : vector<16x1xi32> to vector<16xi32>
      %gather3A_3230 = tpu.dynamic_gather %select_n3A_3227[%gather3A_3229] in [0] : vector<16xi32>, vector<16xi32> -> vector<16xi32>
      %min3A_3231 = arith.minsi %select_n3A_3227, %gather3A_3230 : vector<16xi32>
      %broadcast_in_dim3A_3232 = vector.shape_cast %select_n3A_111 : vector<16xi32> to vector<16x1xi32>
      %gather3A_3233 = vector.shape_cast %broadcast_in_dim3A_3232 : vector<16x1xi32> to vector<16xi32>
      %gather3A_3234 = tpu.dynamic_gather %min3A_3231[%gather3A_3233] in [0] : vector<16xi32>, vector<16xi32> -> vector<16xi32>
      %min3A_3235 = arith.minsi %min3A_3231, %gather3A_3234 : vector<16xi32>
      %broadcast_in_dim3A_3236 = vector.shape_cast %select_n3A_136 : vector<16xi32> to vector<16x1xi32>
      %gather3A_3237 = vector.shape_cast %broadcast_in_dim3A_3236 : vector<16x1xi32> to vector<16xi32>
      %gather3A_3238 = tpu.dynamic_gather %min3A_3235[%gather3A_3237] in [0] : vector<16xi32>, vector<16xi32> -> vector<16xi32>
      %min3A_3239 = arith.minsi %min3A_3235, %gather3A_3238 : vector<16xi32>
      %broadcast_in_dim3A_3240 = vector.shape_cast %select_n3A_161 : vector<16xi32> to vector<16x1xi32>
      %gather3A_3241 = vector.shape_cast %broadcast_in_dim3A_3240 : vector<16x1xi32> to vector<16xi32>
      %gather3A_3242 = tpu.dynamic_gather %min3A_3239[%gather3A_3241] in [0] : vector<16xi32>, vector<16xi32> -> vector<16xi32>
      %min3A_3243 = arith.minsi %min3A_3239, %gather3A_3242 : vector<16xi32>
      %slice3A_3244 = vector.extract_strided_slice %min3A_3243 {offsets = [0], sizes = [1], strides = [1]} : vector<16xi32> to vector<1xi32>
      %squeeze3A_3245 = vector.extract %slice3A_3244[0] : i32 from vector<1xi32>
      %add3A_3246 = arith.addi %mul3A_193, %squeeze3A_3245 : i32
      %broadcast_in_dim3A_3247 = arith.constant 1024 : i32
      %broadcast_in_dim3A_3248 = vector.broadcast %broadcast_in_dim3A_3247 : i32 to vector<16xi32>
      %get3A_3249 = arith.index_cast %add3A_3246 : i32 to index
      %get3A_3250 = arith.constant 0 : index
      %get3A_3251 = tpu.vector_load %arg9[%get3A_3249, %get3A_3250] {strides = array<i32>} : memref<320x128xf32, #tpu.memory_space<vmem>>, vector<1x16xf32>,
      %get3A_3252 = vector.shape_cast %get3A_3251 : vector<1x16xf32> to vector<16xf32>
      %eq3A_3253 = arith.cmpf oeq, %get3A_3252, %min3A_3223 : vector<16xf32>
      %jit3A_3254 = arith.constant 1024 : i32
      %broadcast_in_dim3A_3255 = vector.broadcast %jit3A_3254 : i32 to vector<16xi32>
      %select_n3A_3256 = arith.select %eq3A_3253, %add3A_164, %broadcast_in_dim3A_3255 : vector<16xi1>, vector<16xi32>
      %min3A_3257 = arith.minsi %broadcast_in_dim3A_3248, %select_n3A_3256 : vector<16xi32>
      %get3A_3258 = arith.index_cast %add3A_3246 : i32 to index
      %get3A_3259 = arith.constant 16 : index
      %get3A_3260 = tpu.vector_load %arg9[%get3A_3258, %get3A_3259] {strides = array<i32>} : memref<320x128xf32, #tpu.memory_space<vmem>>, vector<1x16xf32>,
      %get3A_3261 = vector.shape_cast %get3A_3260 : vector<1x16xf32> to vector<16xf32>
      %eq3A_3262 = arith.cmpf oeq, %get3A_3261, %min3A_3223 : vector<16xf32>
      %jit3A_3263 = arith.constant 1024 : i32
      %broadcast_in_dim3A_3264 = vector.broadcast %jit3A_3263 : i32 to vector<16xi32>
      %select_n3A_3265 = arith.select %eq3A_3262, %add3A_167, %broadcast_in_dim3A_3264 : vector<16xi1>, vector<16xi32>
      %min3A_3266 = arith.minsi %min3A_3257, %select_n3A_3265 : vector<16xi32>
      %get3A_3267 = arith.index_cast %add3A_3246 : i32 to index
      %get3A_3268 = arith.constant 32 : index
      %get3A_3269 = tpu.vector_load %arg9[%get3A_3267, %get3A_3268] {strides = array<i32>} : memref<320x128xf32, #tpu.memory_space<vmem>>, vector<1x16xf32>,
      %get3A_3270 = vector.shape_cast %get3A_3269 : vector<1x16xf32> to vector<16xf32>
      %eq3A_3271 = arith.cmpf oeq, %get3A_3270, %min3A_3223 : vector<16xf32>
      %jit3A_3272 = arith.constant 1024 : i32
      %broadcast_in_dim3A_3273 = vector.broadcast %jit3A_3272 : i32 to vector<16xi32>
      %select_n3A_3274 = arith.select %eq3A_3271, %add3A_170, %broadcast_in_dim3A_3273 : vector<16xi1>, vector<16xi32>
      %min3A_3275 = arith.minsi %min3A_3266, %select_n3A_3274 : vector<16xi32>
      %get3A_3276 = arith.index_cast %add3A_3246 : i32 to index
      %get3A_3277 = arith.constant 48 : index
      %get3A_3278 = tpu.vector_load %arg9[%get3A_3276, %get3A_3277] {strides = array<i32>} : memref<320x128xf32, #tpu.memory_space<vmem>>, vector<1x16xf32>,
      %get3A_3279 = vector.shape_cast %get3A_3278 : vector<1x16xf32> to vector<16xf32>
      %eq3A_3280 = arith.cmpf oeq, %get3A_3279, %min3A_3223 : vector<16xf32>
      %jit3A_3281 = arith.constant 1024 : i32
      %broadcast_in_dim3A_3282 = vector.broadcast %jit3A_3281 : i32 to vector<16xi32>
      %select_n3A_3283 = arith.select %eq3A_3280, %add3A_173, %broadcast_in_dim3A_3282 : vector<16xi1>, vector<16xi32>
      %min3A_3284 = arith.minsi %min3A_3275, %select_n3A_3283 : vector<16xi32>
      %get3A_3285 = arith.index_cast %add3A_3246 : i32 to index
      %get3A_3286 = arith.constant 64 : index
      %get3A_3287 = tpu.vector_load %arg9[%get3A_3285, %get3A_3286] {strides = array<i32>} : memref<320x128xf32, #tpu.memory_space<vmem>>, vector<1x16xf32>,
      %get3A_3288 = vector.shape_cast %get3A_3287 : vector<1x16xf32> to vector<16xf32>
      %eq3A_3289 = arith.cmpf oeq, %get3A_3288, %min3A_3223 : vector<16xf32>
      %jit3A_3290 = arith.constant 1024 : i32
      %broadcast_in_dim3A_3291 = vector.broadcast %jit3A_3290 : i32 to vector<16xi32>
      %select_n3A_3292 = arith.select %eq3A_3289, %add3A_176, %broadcast_in_dim3A_3291 : vector<16xi1>, vector<16xi32>
      %min3A_3293 = arith.minsi %min3A_3284, %select_n3A_3292 : vector<16xi32>
      %get3A_3294 = arith.index_cast %add3A_3246 : i32 to index
      %get3A_3295 = arith.constant 80 : index
      %get3A_3296 = tpu.vector_load %arg9[%get3A_3294, %get3A_3295] {strides = array<i32>} : memref<320x128xf32, #tpu.memory_space<vmem>>, vector<1x16xf32>,
      %get3A_3297 = vector.shape_cast %get3A_3296 : vector<1x16xf32> to vector<16xf32>
      %eq3A_3298 = arith.cmpf oeq, %get3A_3297, %min3A_3223 : vector<16xf32>
      %jit3A_3299 = arith.constant 1024 : i32
      %broadcast_in_dim3A_3300 = vector.broadcast %jit3A_3299 : i32 to vector<16xi32>
      %select_n3A_3301 = arith.select %eq3A_3298, %add3A_179, %broadcast_in_dim3A_3300 : vector<16xi1>, vector<16xi32>
      %min3A_3302 = arith.minsi %min3A_3293, %select_n3A_3301 : vector<16xi32>
      %get3A_3303 = arith.index_cast %add3A_3246 : i32 to index
      %get3A_3304 = arith.constant 96 : index
      %get3A_3305 = tpu.vector_load %arg9[%get3A_3303, %get3A_3304] {strides = array<i32>} : memref<320x128xf32, #tpu.memory_space<vmem>>, vector<1x16xf32>,
      %get3A_3306 = vector.shape_cast %get3A_3305 : vector<1x16xf32> to vector<16xf32>
      %eq3A_3307 = arith.cmpf oeq, %get3A_3306, %min3A_3223 : vector<16xf32>
      %jit3A_3308 = arith.constant 1024 : i32
      %broadcast_in_dim3A_3309 = vector.broadcast %jit3A_3308 : i32 to vector<16xi32>
      %select_n3A_3310 = arith.select %eq3A_3307, %add3A_182, %broadcast_in_dim3A_3309 : vector<16xi1>, vector<16xi32>
      %min3A_3311 = arith.minsi %min3A_3302, %select_n3A_3310 : vector<16xi32>
      %get3A_3312 = arith.index_cast %add3A_3246 : i32 to index
      %get3A_3313 = arith.constant 112 : index
      %get3A_3314 = tpu.vector_load %arg9[%get3A_3312, %get3A_3313] {strides = array<i32>} : memref<320x128xf32, #tpu.memory_space<vmem>>, vector<1x16xf32>,
      %get3A_3315 = vector.shape_cast %get3A_3314 : vector<1x16xf32> to vector<16xf32>
      %eq3A_3316 = arith.cmpf oeq, %get3A_3315, %min3A_3223 : vector<16xf32>
      %jit3A_3317 = arith.constant 1024 : i32
      %broadcast_in_dim3A_3318 = vector.broadcast %jit3A_3317 : i32 to vector<16xi32>
      %select_n3A_3319 = arith.select %eq3A_3316, %add3A_185, %broadcast_in_dim3A_3318 : vector<16xi1>, vector<16xi32>
      %min3A_3320 = arith.minsi %min3A_3311, %select_n3A_3319 : vector<16xi32>
      %broadcast_in_dim3A_3321 = vector.shape_cast %select_n3A_86 : vector<16xi32> to vector<16x1xi32>
      %gather3A_3322 = vector.shape_cast %broadcast_in_dim3A_3321 : vector<16x1xi32> to vector<16xi32>
      %gather3A_3323 = tpu.dynamic_gather %min3A_3320[%gather3A_3322] in [0] : vector<16xi32>, vector<16xi32> -> vector<16xi32>
      %min3A_3324 = arith.minsi %min3A_3320, %gather3A_3323 : vector<16xi32>
      %broadcast_in_dim3A_3325 = vector.shape_cast %select_n3A_111 : vector<16xi32> to vector<16x1xi32>
      %gather3A_3326 = vector.shape_cast %broadcast_in_dim3A_3325 : vector<16x1xi32> to vector<16xi32>
      %gather3A_3327 = tpu.dynamic_gather %min3A_3324[%gather3A_3326] in [0] : vector<16xi32>, vector<16xi32> -> vector<16xi32>
      %min3A_3328 = arith.minsi %min3A_3324, %gather3A_3327 : vector<16xi32>
      %broadcast_in_dim3A_3329 = vector.shape_cast %select_n3A_136 : vector<16xi32> to vector<16x1xi32>
      %gather3A_3330 = vector.shape_cast %broadcast_in_dim3A_3329 : vector<16x1xi32> to vector<16xi32>
      %gather3A_3331 = tpu.dynamic_gather %min3A_3328[%gather3A_3330] in [0] : vector<16xi32>, vector<16xi32> -> vector<16xi32>
      %min3A_3332 = arith.minsi %min3A_3328, %gather3A_3331 : vector<16xi32>
      %broadcast_in_dim3A_3333 = vector.shape_cast %select_n3A_161 : vector<16xi32> to vector<16x1xi32>
      %gather3A_3334 = vector.shape_cast %broadcast_in_dim3A_3333 : vector<16x1xi32> to vector<16xi32>
      %gather3A_3335 = tpu.dynamic_gather %min3A_3332[%gather3A_3334] in [0] : vector<16xi32>, vector<16xi32> -> vector<16xi32>
      %min3A_3336 = arith.minsi %min3A_3332, %gather3A_3335 : vector<16xi32>
      %slice3A_3337 = vector.extract_strided_slice %min3A_3336 {offsets = [0], sizes = [1], strides = [1]} : vector<16xi32> to vector<1xi32>
      %squeeze3A_3338 = vector.extract %slice3A_3337[0] : i32 from vector<1xi32>
      %mul3A_3339 = arith.constant 10 : i32
      %mul3A_3340 = arith.muli %scan3A_191, %mul3A_3339 : i32
      %add3A_3341 = arith.addi %mul3A_3340, %squeeze3A_3245 : i32
      %jit3A_3342 = arith.constant 16 : i32
      %div3A_3343 = arith.divsi %add3A_3341, %jit3A_3342 : i32
      %sign3A_3344 = arith.constant 0 : i32
      %sign3A_3345 = arith.cmpi sgt, %add3A_3341, %sign3A_3344 : i32
      %sign3A_3346 = arith.extui %sign3A_3345 : i1 to i32
      %sign3A_3347 = arith.constant 0 : i32
      %sign3A_3348 = arith.cmpi slt, %add3A_3341, %sign3A_3347 : i32
      %sign3A_3349 = arith.extui %sign3A_3348 : i1 to i32
      %sign3A_3350 = arith.subi %sign3A_3346, %sign3A_3349 : i32
      %sign3A_3351 = arith.constant 0 : i32
      %sign3A_3352 = arith.cmpi sgt, %jit3A_3342, %sign3A_3351 : i32
      %sign3A_3353 = arith.extui %sign3A_3352 : i1 to i32
      %sign3A_3354 = arith.constant 0 : i32
      %sign3A_3355 = arith.cmpi slt, %jit3A_3342, %sign3A_3354 : i32
      %sign3A_3356 = arith.extui %sign3A_3355 : i1 to i32
      %sign3A_3357 = arith.subi %sign3A_3353, %sign3A_3356 : i32
      %ne3A_3358 = arith.cmpi ne, %sign3A_3350, %sign3A_3357 : i32
      %rem3A_3359 = arith.remsi %add3A_3341, %jit3A_3342 : i32
      %ne3A_3360 = arith.constant 0 : i32
      %ne3A_3361 = arith.cmpi ne, %rem3A_3359, %ne3A_3360 : i32
      %and3A_3362 = arith.andi %ne3A_3358, %ne3A_3361 : i1
      %sub3A_3363 = arith.constant 1 : i32
      %sub3A_3364 = arith.subi %div3A_3343, %sub3A_3363 : i32
      %select_n3A_3365 = arith.select %and3A_3362, %sub3A_3364, %div3A_3343 : i32
      %mul3A_3366 = arith.constant 16 : i32
      %mul3A_3367 = arith.muli %select_n3A_3365, %mul3A_3366 : i32
      %get3A_3368 = arith.index_cast %mul3A_3367 : i32 to index
      %get3A_3369 = tpu.vector_load %arg8[%get3A_3368] {strides = array<i32>} : memref<320xi32, #tpu.memory_space<vmem>>, vector<16xi32>,
      %get3A_3370 = vector.shape_cast %get3A_3369 : vector<16xi32> to vector<16xi32>
      %sub3A_3371 = arith.subi %add3A_3341, %mul3A_3367 : i32
      %add3A_3372 = vector.broadcast %sub3A_3371 : i32 to vector<16xi32>
      %add3A_3373 = arith.addi %iota3A, %add3A_3372 : vector<16xi32>
      %jit3A_3374 = arith.constant 16 : i32
      %eq3A_3375 = arith.constant 0 : i32
      %eq3A_3376 = arith.cmpi eq, %jit3A_3374, %eq3A_3375 : i32
      %jit3A_3377 = arith.constant 1 : i32
      %select_n3A_3378 = arith.select %eq3A_3376, %jit3A_3377, %jit3A_3374 : i32
      %rem3A_3379 = vector.broadcast %select_n3A_3378 : i32 to vector<16xi32>
      %rem3A_3380 = arith.remsi %add3A_3373, %rem3A_3379 : vector<16xi32>
      %ne3A_3381 = arith.constant 0 : i32
      %ne3A_3382 = vector.broadcast %ne3A_3381 : i32 to vector<16xi32>
      %ne3A_3383 = arith.cmpi ne, %rem3A_3380, %ne3A_3382 : vector<16xi32>
      %lt3A_3384 = arith.constant 0 : i32
      %lt3A_3385 = vector.broadcast %lt3A_3384 : i32 to vector<16xi32>
      %lt3A_3386 = arith.cmpi slt, %rem3A_3380, %lt3A_3385 : vector<16xi32>
      %lt3A_3387 = arith.constant 0 : i32
      %lt3A_3388 = arith.cmpi slt, %select_n3A_3378, %lt3A_3387 : i32
      %ne3A_3389 = vector.broadcast %lt3A_3388 : i1 to vector<16xi1>
      %ne3A_3390 = vector.broadcast %ne3A_3389 : vector<16xi1> to vector<16xi1>
      %ne3A_3391 = arith.xori %lt3A_3386, %ne3A_3390 : vector<16xi1>
      %and3A_3392 = arith.andi %ne3A_3391, %ne3A_3383 : vector<16xi1>
      %add3A_3393 = vector.broadcast %select_n3A_3378 : i32 to vector<16xi32>
      %add3A_3394 = arith.addi %rem3A_3380, %add3A_3393 : vector<16xi32>
      %select_n3A_3395 = arith.select %and3A_3392, %add3A_3394, %rem3A_3380 : vector<16xi1>, vector<16xi32>
      %broadcast_in_dim3A_3396 = vector.shape_cast %select_n3A_3395 : vector<16xi32> to vector<16x1xi32>
      %gather3A_3397 = vector.shape_cast %broadcast_in_dim3A_3396 : vector<16x1xi32> to vector<16xi32>
      %gather3A_3398 = tpu.dynamic_gather %get3A_3370[%gather3A_3397] in [0] : vector<16xi32>, vector<16xi32> -> vector<16xi32>
      %slice3A_3399 = vector.extract_strided_slice %gather3A_3398 {offsets = [0], sizes = [1], strides = [1]} : vector<16xi32> to vector<1xi32>
      %squeeze3A_3400 = vector.extract %slice3A_3399[0] : i32 from vector<1xi32>
      %eq3A_3401 = arith.constant 8 : i32
      %eq3A_3402 = vector.broadcast %eq3A_3401 : i32 to vector<16xi32>
      %eq3A_3403 = arith.cmpi eq, %iota3A, %eq3A_3402 : vector<16xi32>
      %select_n3A_3404 = arith.select %eq3A_3403, %min3A_3223, %select_n3A_3103 : vector<16xi1>, vector<16xf32>
      %eq3A_3405 = arith.constant 8 : i32
      %eq3A_3406 = vector.broadcast %eq3A_3405 : i32 to vector<16xi32>
      %eq3A_3407 = arith.cmpi eq, %iota3A, %eq3A_3406 : vector<16xi32>
      %add3A_3408 = arith.addi %squeeze3A_3400, %squeeze3A_3338 : i32
      %broadcast_in_dim3A_3409 = vector.broadcast %add3A_3408 : i32 to vector<16xi32>
      %select_n3A_3410 = arith.select %eq3A_3407, %broadcast_in_dim3A_3409, %select_n3A_3109 : vector<16xi1>, vector<16xi32>
      %jit3A_3411 = arith.constant 16 : i32
      %div3A_3412 = arith.divsi %squeeze3A_3338, %jit3A_3411 : i32
      %sign3A_3413 = arith.constant 0 : i32
      %sign3A_3414 = arith.cmpi sgt, %squeeze3A_3338, %sign3A_3413 : i32
      %sign3A_3415 = arith.extui %sign3A_3414 : i1 to i32
      %sign3A_3416 = arith.constant 0 : i32
      %sign3A_3417 = arith.cmpi slt, %squeeze3A_3338, %sign3A_3416 : i32
      %sign3A_3418 = arith.extui %sign3A_3417 : i1 to i32
      %sign3A_3419 = arith.subi %sign3A_3415, %sign3A_3418 : i32
      %sign3A_3420 = arith.constant 0 : i32
      %sign3A_3421 = arith.cmpi sgt, %jit3A_3411, %sign3A_3420 : i32
      %sign3A_3422 = arith.extui %sign3A_3421 : i1 to i32
      %sign3A_3423 = arith.constant 0 : i32
      %sign3A_3424 = arith.cmpi slt, %jit3A_3411, %sign3A_3423 : i32
      %sign3A_3425 = arith.extui %sign3A_3424 : i1 to i32
      %sign3A_3426 = arith.subi %sign3A_3422, %sign3A_3425 : i32
      %ne3A_3427 = arith.cmpi ne, %sign3A_3419, %sign3A_3426 : i32
      %rem3A_3428 = arith.remsi %squeeze3A_3338, %jit3A_3411 : i32
      %ne3A_3429 = arith.constant 0 : i32
      %ne3A_3430 = arith.cmpi ne, %rem3A_3428, %ne3A_3429 : i32
      %and3A_3431 = arith.andi %ne3A_3427, %ne3A_3430 : i1
      %sub3A_3432 = arith.constant 1 : i32
      %sub3A_3433 = arith.subi %div3A_3412, %sub3A_3432 : i32
      %select_n3A_3434 = arith.select %and3A_3431, %sub3A_3433, %div3A_3412 : i32
      %mul3A_3435 = arith.constant 16 : i32
      %mul3A_3436 = arith.muli %select_n3A_3434, %mul3A_3435 : i32
      %get3A_3437 = arith.index_cast %add3A_3246 : i32 to index
      %get3A_3438 = arith.index_cast %mul3A_3436 : i32 to index
      %get3A_3439 = tpu.vector_load %arg9[%get3A_3437, %get3A_3438] {strides = array<i32>} : memref<320x128xf32, #tpu.memory_space<vmem>>, vector<1x16xf32>,
      %get3A_3440 = vector.shape_cast %get3A_3439 : vector<1x16xf32> to vector<16xf32>
      %sub3A_3441 = arith.subi %squeeze3A_3338, %mul3A_3436 : i32
      %eq3A_3442 = vector.broadcast %sub3A_3441 : i32 to vector<16xi32>
      %eq3A_3443 = arith.cmpi eq, %iota3A, %eq3A_3442 : vector<16xi32>
      %jit3A_3444 = arith.constant 0x7F800000 : f32
      %broadcast_in_dim3A_3445 = vector.broadcast %jit3A_3444 : f32 to vector<16xf32>
      %select_n3A_3446 = arith.select %eq3A_3443, %broadcast_in_dim3A_3445, %get3A_3440 : vector<16xi1>, vector<16xf32>
      %swap3A_3447 = arith.index_cast %add3A_3246 : i32 to index
      %swap3A_3448 = arith.index_cast %mul3A_3436 : i32 to index
      %swap3A_3449 = tpu.vector_load %arg9[%swap3A_3447, %swap3A_3448] {strides = array<i32>} : memref<320x128xf32, #tpu.memory_space<vmem>>, vector<1x16xf32>,
      %swap3A_3450 = vector.shape_cast %swap3A_3449 : vector<1x16xf32> to vector<16xf32>
      %swap3A_3451 = vector.shape_cast %select_n3A_3446 : vector<16xf32> to vector<1x16xf32>
      tpu.vector_store %arg9[%swap3A_3447, %swap3A_3448], %swap3A_3451 {strides = array<i32>} : memref<320x128xf32, #tpu.memory_space<vmem>>, vector<1x16xf32>,
      %eq3A_3452 = arith.cmpi eq, %iota3A, %min3A_3243 : vector<16xi32>
      %get3A_3453 = arith.index_cast %add3A_3246 : i32 to index
      %get3A_3454 = arith.constant 0 : index
      %get3A_3455 = tpu.vector_load %arg9[%get3A_3453, %get3A_3454] {strides = array<i32>} : memref<320x128xf32, #tpu.memory_space<vmem>>, vector<1x16xf32>,
      %get3A_3456 = vector.shape_cast %get3A_3455 : vector<1x16xf32> to vector<16xf32>
      %get3A_3457 = arith.index_cast %add3A_3246 : i32 to index
      %get3A_3458 = arith.constant 16 : index
      %get3A_3459 = tpu.vector_load %arg9[%get3A_3457, %get3A_3458] {strides = array<i32>} : memref<320x128xf32, #tpu.memory_space<vmem>>, vector<1x16xf32>,
      %get3A_3460 = vector.shape_cast %get3A_3459 : vector<1x16xf32> to vector<16xf32>
      %min3A_3461 = arith.minimumf %get3A_3456, %get3A_3460 : vector<16xf32>
      %get3A_3462 = arith.index_cast %add3A_3246 : i32 to index
      %get3A_3463 = arith.constant 32 : index
      %get3A_3464 = tpu.vector_load %arg9[%get3A_3462, %get3A_3463] {strides = array<i32>} : memref<320x128xf32, #tpu.memory_space<vmem>>, vector<1x16xf32>,
      %get3A_3465 = vector.shape_cast %get3A_3464 : vector<1x16xf32> to vector<16xf32>
      %min3A_3466 = arith.minimumf %min3A_3461, %get3A_3465 : vector<16xf32>
      %get3A_3467 = arith.index_cast %add3A_3246 : i32 to index
      %get3A_3468 = arith.constant 48 : index
      %get3A_3469 = tpu.vector_load %arg9[%get3A_3467, %get3A_3468] {strides = array<i32>} : memref<320x128xf32, #tpu.memory_space<vmem>>, vector<1x16xf32>,
      %get3A_3470 = vector.shape_cast %get3A_3469 : vector<1x16xf32> to vector<16xf32>
      %min3A_3471 = arith.minimumf %min3A_3466, %get3A_3470 : vector<16xf32>
      %get3A_3472 = arith.index_cast %add3A_3246 : i32 to index
      %get3A_3473 = arith.constant 64 : index
      %get3A_3474 = tpu.vector_load %arg9[%get3A_3472, %get3A_3473] {strides = array<i32>} : memref<320x128xf32, #tpu.memory_space<vmem>>, vector<1x16xf32>,
      %get3A_3475 = vector.shape_cast %get3A_3474 : vector<1x16xf32> to vector<16xf32>
      %min3A_3476 = arith.minimumf %min3A_3471, %get3A_3475 : vector<16xf32>
      %get3A_3477 = arith.index_cast %add3A_3246 : i32 to index
      %get3A_3478 = arith.constant 80 : index
      %get3A_3479 = tpu.vector_load %arg9[%get3A_3477, %get3A_3478] {strides = array<i32>} : memref<320x128xf32, #tpu.memory_space<vmem>>, vector<1x16xf32>,
      %get3A_3480 = vector.shape_cast %get3A_3479 : vector<1x16xf32> to vector<16xf32>
      %min3A_3481 = arith.minimumf %min3A_3476, %get3A_3480 : vector<16xf32>
      %get3A_3482 = arith.index_cast %add3A_3246 : i32 to index
      %get3A_3483 = arith.constant 96 : index
      %get3A_3484 = tpu.vector_load %arg9[%get3A_3482, %get3A_3483] {strides = array<i32>} : memref<320x128xf32, #tpu.memory_space<vmem>>, vector<1x16xf32>,
      %get3A_3485 = vector.shape_cast %get3A_3484 : vector<1x16xf32> to vector<16xf32>
      %min3A_3486 = arith.minimumf %min3A_3481, %get3A_3485 : vector<16xf32>
      %get3A_3487 = arith.index_cast %add3A_3246 : i32 to index
      %get3A_3488 = arith.constant 112 : index
      %get3A_3489 = tpu.vector_load %arg9[%get3A_3487, %get3A_3488] {strides = array<i32>} : memref<320x128xf32, #tpu.memory_space<vmem>>, vector<1x16xf32>,
      %get3A_3490 = vector.shape_cast %get3A_3489 : vector<1x16xf32> to vector<16xf32>
      %min3A_3491 = arith.minimumf %min3A_3486, %get3A_3490 : vector<16xf32>
      %broadcast_in_dim3A_3492 = vector.shape_cast %select_n3A_86 : vector<16xi32> to vector<16x1xi32>
      %gather3A_3493 = vector.shape_cast %broadcast_in_dim3A_3492 : vector<16x1xi32> to vector<16xi32>
      %gather3A_3494 = tpu.dynamic_gather %min3A_3491[%gather3A_3493] in [0] : vector<16xf32>, vector<16xi32> -> vector<16xf32>
      %min3A_3495 = arith.minimumf %min3A_3491, %gather3A_3494 : vector<16xf32>
      %broadcast_in_dim3A_3496 = vector.shape_cast %select_n3A_111 : vector<16xi32> to vector<16x1xi32>
      %gather3A_3497 = vector.shape_cast %broadcast_in_dim3A_3496 : vector<16x1xi32> to vector<16xi32>
      %gather3A_3498 = tpu.dynamic_gather %min3A_3495[%gather3A_3497] in [0] : vector<16xf32>, vector<16xi32> -> vector<16xf32>
      %min3A_3499 = arith.minimumf %min3A_3495, %gather3A_3498 : vector<16xf32>
      %broadcast_in_dim3A_3500 = vector.shape_cast %select_n3A_136 : vector<16xi32> to vector<16x1xi32>
      %gather3A_3501 = vector.shape_cast %broadcast_in_dim3A_3500 : vector<16x1xi32> to vector<16xi32>
      %gather3A_3502 = tpu.dynamic_gather %min3A_3499[%gather3A_3501] in [0] : vector<16xf32>, vector<16xi32> -> vector<16xf32>
      %min3A_3503 = arith.minimumf %min3A_3499, %gather3A_3502 : vector<16xf32>
      %broadcast_in_dim3A_3504 = vector.shape_cast %select_n3A_161 : vector<16xi32> to vector<16x1xi32>
      %gather3A_3505 = vector.shape_cast %broadcast_in_dim3A_3504 : vector<16x1xi32> to vector<16xi32>
      %gather3A_3506 = tpu.dynamic_gather %min3A_3503[%gather3A_3505] in [0] : vector<16xf32>, vector<16xi32> -> vector<16xf32>
      %min3A_3507 = arith.minimumf %min3A_3503, %gather3A_3506 : vector<16xf32>
      %select_n3A_3508 = arith.select %eq3A_3452, %min3A_3507, %select_n3A_3207 : vector<16xi1>, vector<16xf32>
      %broadcast_in_dim3A_3509 = vector.shape_cast %select_n3A_86 : vector<16xi32> to vector<16x1xi32>
      %gather3A_3510 = vector.shape_cast %broadcast_in_dim3A_3509 : vector<16x1xi32> to vector<16xi32>
      %gather3A_3511 = tpu.dynamic_gather %select_n3A_3508[%gather3A_3510] in [0] : vector<16xf32>, vector<16xi32> -> vector<16xf32>
      %min3A_3512 = arith.minimumf %select_n3A_3508, %gather3A_3511 : vector<16xf32>
      %broadcast_in_dim3A_3513 = vector.shape_cast %select_n3A_111 : vector<16xi32> to vector<16x1xi32>
      %gather3A_3514 = vector.shape_cast %broadcast_in_dim3A_3513 : vector<16x1xi32> to vector<16xi32>
      %gather3A_3515 = tpu.dynamic_gather %min3A_3512[%gather3A_3514] in [0] : vector<16xf32>, vector<16xi32> -> vector<16xf32>
      %min3A_3516 = arith.minimumf %min3A_3512, %gather3A_3515 : vector<16xf32>
      %broadcast_in_dim3A_3517 = vector.shape_cast %select_n3A_136 : vector<16xi32> to vector<16x1xi32>
      %gather3A_3518 = vector.shape_cast %broadcast_in_dim3A_3517 : vector<16x1xi32> to vector<16xi32>
      %gather3A_3519 = tpu.dynamic_gather %min3A_3516[%gather3A_3518] in [0] : vector<16xf32>, vector<16xi32> -> vector<16xf32>
      %min3A_3520 = arith.minimumf %min3A_3516, %gather3A_3519 : vector<16xf32>
      %broadcast_in_dim3A_3521 = vector.shape_cast %select_n3A_161 : vector<16xi32> to vector<16x1xi32>
      %gather3A_3522 = vector.shape_cast %broadcast_in_dim3A_3521 : vector<16x1xi32> to vector<16xi32>
      %gather3A_3523 = tpu.dynamic_gather %min3A_3520[%gather3A_3522] in [0] : vector<16xf32>, vector<16xi32> -> vector<16xf32>
      %min3A_3524 = arith.minimumf %min3A_3520, %gather3A_3523 : vector<16xf32>
      %eq3A_3525 = arith.cmpf oeq, %select_n3A_3508, %min3A_3524 : vector<16xf32>
      %jit3A_3526 = arith.constant 16 : i32
      %broadcast_in_dim3A_3527 = vector.broadcast %jit3A_3526 : i32 to vector<16xi32>
      %select_n3A_3528 = arith.select %eq3A_3525, %iota3A, %broadcast_in_dim3A_3527 : vector<16xi1>, vector<16xi32>
      %broadcast_in_dim3A_3529 = vector.shape_cast %select_n3A_86 : vector<16xi32> to vector<16x1xi32>
      %gather3A_3530 = vector.shape_cast %broadcast_in_dim3A_3529 : vector<16x1xi32> to vector<16xi32>
      %gather3A_3531 = tpu.dynamic_gather %select_n3A_3528[%gather3A_3530] in [0] : vector<16xi32>, vector<16xi32> -> vector<16xi32>
      %min3A_3532 = arith.minsi %select_n3A_3528, %gather3A_3531 : vector<16xi32>
      %broadcast_in_dim3A_3533 = vector.shape_cast %select_n3A_111 : vector<16xi32> to vector<16x1xi32>
      %gather3A_3534 = vector.shape_cast %broadcast_in_dim3A_3533 : vector<16x1xi32> to vector<16xi32>
      %gather3A_3535 = tpu.dynamic_gather %min3A_3532[%gather3A_3534] in [0] : vector<16xi32>, vector<16xi32> -> vector<16xi32>
      %min3A_3536 = arith.minsi %min3A_3532, %gather3A_3535 : vector<16xi32>
      %broadcast_in_dim3A_3537 = vector.shape_cast %select_n3A_136 : vector<16xi32> to vector<16x1xi32>
      %gather3A_3538 = vector.shape_cast %broadcast_in_dim3A_3537 : vector<16x1xi32> to vector<16xi32>
      %gather3A_3539 = tpu.dynamic_gather %min3A_3536[%gather3A_3538] in [0] : vector<16xi32>, vector<16xi32> -> vector<16xi32>
      %min3A_3540 = arith.minsi %min3A_3536, %gather3A_3539 : vector<16xi32>
      %broadcast_in_dim3A_3541 = vector.shape_cast %select_n3A_161 : vector<16xi32> to vector<16x1xi32>
      %gather3A_3542 = vector.shape_cast %broadcast_in_dim3A_3541 : vector<16x1xi32> to vector<16xi32>
      %gather3A_3543 = tpu.dynamic_gather %min3A_3540[%gather3A_3542] in [0] : vector<16xi32>, vector<16xi32> -> vector<16xi32>
      %min3A_3544 = arith.minsi %min3A_3540, %gather3A_3543 : vector<16xi32>
      %slice3A_3545 = vector.extract_strided_slice %min3A_3544 {offsets = [0], sizes = [1], strides = [1]} : vector<16xi32> to vector<1xi32>
      %squeeze3A_3546 = vector.extract %slice3A_3545[0] : i32 from vector<1xi32>
      %add3A_3547 = arith.addi %mul3A_193, %squeeze3A_3546 : i32
      %broadcast_in_dim3A_3548 = arith.constant 1024 : i32
      %broadcast_in_dim3A_3549 = vector.broadcast %broadcast_in_dim3A_3548 : i32 to vector<16xi32>
      %get3A_3550 = arith.index_cast %add3A_3547 : i32 to index
      %get3A_3551 = arith.constant 0 : index
      %get3A_3552 = tpu.vector_load %arg9[%get3A_3550, %get3A_3551] {strides = array<i32>} : memref<320x128xf32, #tpu.memory_space<vmem>>, vector<1x16xf32>,
      %get3A_3553 = vector.shape_cast %get3A_3552 : vector<1x16xf32> to vector<16xf32>
      %eq3A_3554 = arith.cmpf oeq, %get3A_3553, %min3A_3524 : vector<16xf32>
      %jit3A_3555 = arith.constant 1024 : i32
      %broadcast_in_dim3A_3556 = vector.broadcast %jit3A_3555 : i32 to vector<16xi32>
      %select_n3A_3557 = arith.select %eq3A_3554, %add3A_164, %broadcast_in_dim3A_3556 : vector<16xi1>, vector<16xi32>
      %min3A_3558 = arith.minsi %broadcast_in_dim3A_3549, %select_n3A_3557 : vector<16xi32>
      %get3A_3559 = arith.index_cast %add3A_3547 : i32 to index
      %get3A_3560 = arith.constant 16 : index
      %get3A_3561 = tpu.vector_load %arg9[%get3A_3559, %get3A_3560] {strides = array<i32>} : memref<320x128xf32, #tpu.memory_space<vmem>>, vector<1x16xf32>,
      %get3A_3562 = vector.shape_cast %get3A_3561 : vector<1x16xf32> to vector<16xf32>
      %eq3A_3563 = arith.cmpf oeq, %get3A_3562, %min3A_3524 : vector<16xf32>
      %jit3A_3564 = arith.constant 1024 : i32
      %broadcast_in_dim3A_3565 = vector.broadcast %jit3A_3564 : i32 to vector<16xi32>
      %select_n3A_3566 = arith.select %eq3A_3563, %add3A_167, %broadcast_in_dim3A_3565 : vector<16xi1>, vector<16xi32>
      %min3A_3567 = arith.minsi %min3A_3558, %select_n3A_3566 : vector<16xi32>
      %get3A_3568 = arith.index_cast %add3A_3547 : i32 to index
      %get3A_3569 = arith.constant 32 : index
      %get3A_3570 = tpu.vector_load %arg9[%get3A_3568, %get3A_3569] {strides = array<i32>} : memref<320x128xf32, #tpu.memory_space<vmem>>, vector<1x16xf32>,
      %get3A_3571 = vector.shape_cast %get3A_3570 : vector<1x16xf32> to vector<16xf32>
      %eq3A_3572 = arith.cmpf oeq, %get3A_3571, %min3A_3524 : vector<16xf32>
      %jit3A_3573 = arith.constant 1024 : i32
      %broadcast_in_dim3A_3574 = vector.broadcast %jit3A_3573 : i32 to vector<16xi32>
      %select_n3A_3575 = arith.select %eq3A_3572, %add3A_170, %broadcast_in_dim3A_3574 : vector<16xi1>, vector<16xi32>
      %min3A_3576 = arith.minsi %min3A_3567, %select_n3A_3575 : vector<16xi32>
      %get3A_3577 = arith.index_cast %add3A_3547 : i32 to index
      %get3A_3578 = arith.constant 48 : index
      %get3A_3579 = tpu.vector_load %arg9[%get3A_3577, %get3A_3578] {strides = array<i32>} : memref<320x128xf32, #tpu.memory_space<vmem>>, vector<1x16xf32>,
      %get3A_3580 = vector.shape_cast %get3A_3579 : vector<1x16xf32> to vector<16xf32>
      %eq3A_3581 = arith.cmpf oeq, %get3A_3580, %min3A_3524 : vector<16xf32>
      %jit3A_3582 = arith.constant 1024 : i32
      %broadcast_in_dim3A_3583 = vector.broadcast %jit3A_3582 : i32 to vector<16xi32>
      %select_n3A_3584 = arith.select %eq3A_3581, %add3A_173, %broadcast_in_dim3A_3583 : vector<16xi1>, vector<16xi32>
      %min3A_3585 = arith.minsi %min3A_3576, %select_n3A_3584 : vector<16xi32>
      %get3A_3586 = arith.index_cast %add3A_3547 : i32 to index
      %get3A_3587 = arith.constant 64 : index
      %get3A_3588 = tpu.vector_load %arg9[%get3A_3586, %get3A_3587] {strides = array<i32>} : memref<320x128xf32, #tpu.memory_space<vmem>>, vector<1x16xf32>,
      %get3A_3589 = vector.shape_cast %get3A_3588 : vector<1x16xf32> to vector<16xf32>
      %eq3A_3590 = arith.cmpf oeq, %get3A_3589, %min3A_3524 : vector<16xf32>
      %jit3A_3591 = arith.constant 1024 : i32
      %broadcast_in_dim3A_3592 = vector.broadcast %jit3A_3591 : i32 to vector<16xi32>
      %select_n3A_3593 = arith.select %eq3A_3590, %add3A_176, %broadcast_in_dim3A_3592 : vector<16xi1>, vector<16xi32>
      %min3A_3594 = arith.minsi %min3A_3585, %select_n3A_3593 : vector<16xi32>
      %get3A_3595 = arith.index_cast %add3A_3547 : i32 to index
      %get3A_3596 = arith.constant 80 : index
      %get3A_3597 = tpu.vector_load %arg9[%get3A_3595, %get3A_3596] {strides = array<i32>} : memref<320x128xf32, #tpu.memory_space<vmem>>, vector<1x16xf32>,
      %get3A_3598 = vector.shape_cast %get3A_3597 : vector<1x16xf32> to vector<16xf32>
      %eq3A_3599 = arith.cmpf oeq, %get3A_3598, %min3A_3524 : vector<16xf32>
      %jit3A_3600 = arith.constant 1024 : i32
      %broadcast_in_dim3A_3601 = vector.broadcast %jit3A_3600 : i32 to vector<16xi32>
      %select_n3A_3602 = arith.select %eq3A_3599, %add3A_179, %broadcast_in_dim3A_3601 : vector<16xi1>, vector<16xi32>
      %min3A_3603 = arith.minsi %min3A_3594, %select_n3A_3602 : vector<16xi32>
      %get3A_3604 = arith.index_cast %add3A_3547 : i32 to index
      %get3A_3605 = arith.constant 96 : index
      %get3A_3606 = tpu.vector_load %arg9[%get3A_3604, %get3A_3605] {strides = array<i32>} : memref<320x128xf32, #tpu.memory_space<vmem>>, vector<1x16xf32>,
      %get3A_3607 = vector.shape_cast %get3A_3606 : vector<1x16xf32> to vector<16xf32>
      %eq3A_3608 = arith.cmpf oeq, %get3A_3607, %min3A_3524 : vector<16xf32>
      %jit3A_3609 = arith.constant 1024 : i32
      %broadcast_in_dim3A_3610 = vector.broadcast %jit3A_3609 : i32 to vector<16xi32>
      %select_n3A_3611 = arith.select %eq3A_3608, %add3A_182, %broadcast_in_dim3A_3610 : vector<16xi1>, vector<16xi32>
      %min3A_3612 = arith.minsi %min3A_3603, %select_n3A_3611 : vector<16xi32>
      %get3A_3613 = arith.index_cast %add3A_3547 : i32 to index
      %get3A_3614 = arith.constant 112 : index
      %get3A_3615 = tpu.vector_load %arg9[%get3A_3613, %get3A_3614] {strides = array<i32>} : memref<320x128xf32, #tpu.memory_space<vmem>>, vector<1x16xf32>,
      %get3A_3616 = vector.shape_cast %get3A_3615 : vector<1x16xf32> to vector<16xf32>
      %eq3A_3617 = arith.cmpf oeq, %get3A_3616, %min3A_3524 : vector<16xf32>
      %jit3A_3618 = arith.constant 1024 : i32
      %broadcast_in_dim3A_3619 = vector.broadcast %jit3A_3618 : i32 to vector<16xi32>
      %select_n3A_3620 = arith.select %eq3A_3617, %add3A_185, %broadcast_in_dim3A_3619 : vector<16xi1>, vector<16xi32>
      %min3A_3621 = arith.minsi %min3A_3612, %select_n3A_3620 : vector<16xi32>
      %broadcast_in_dim3A_3622 = vector.shape_cast %select_n3A_86 : vector<16xi32> to vector<16x1xi32>
      %gather3A_3623 = vector.shape_cast %broadcast_in_dim3A_3622 : vector<16x1xi32> to vector<16xi32>
      %gather3A_3624 = tpu.dynamic_gather %min3A_3621[%gather3A_3623] in [0] : vector<16xi32>, vector<16xi32> -> vector<16xi32>
      %min3A_3625 = arith.minsi %min3A_3621, %gather3A_3624 : vector<16xi32>
      %broadcast_in_dim3A_3626 = vector.shape_cast %select_n3A_111 : vector<16xi32> to vector<16x1xi32>
      %gather3A_3627 = vector.shape_cast %broadcast_in_dim3A_3626 : vector<16x1xi32> to vector<16xi32>
      %gather3A_3628 = tpu.dynamic_gather %min3A_3625[%gather3A_3627] in [0] : vector<16xi32>, vector<16xi32> -> vector<16xi32>
      %min3A_3629 = arith.minsi %min3A_3625, %gather3A_3628 : vector<16xi32>
      %broadcast_in_dim3A_3630 = vector.shape_cast %select_n3A_136 : vector<16xi32> to vector<16x1xi32>
      %gather3A_3631 = vector.shape_cast %broadcast_in_dim3A_3630 : vector<16x1xi32> to vector<16xi32>
      %gather3A_3632 = tpu.dynamic_gather %min3A_3629[%gather3A_3631] in [0] : vector<16xi32>, vector<16xi32> -> vector<16xi32>
      %min3A_3633 = arith.minsi %min3A_3629, %gather3A_3632 : vector<16xi32>
      %broadcast_in_dim3A_3634 = vector.shape_cast %select_n3A_161 : vector<16xi32> to vector<16x1xi32>
      %gather3A_3635 = vector.shape_cast %broadcast_in_dim3A_3634 : vector<16x1xi32> to vector<16xi32>
      %gather3A_3636 = tpu.dynamic_gather %min3A_3633[%gather3A_3635] in [0] : vector<16xi32>, vector<16xi32> -> vector<16xi32>
      %min3A_3637 = arith.minsi %min3A_3633, %gather3A_3636 : vector<16xi32>
      %slice3A_3638 = vector.extract_strided_slice %min3A_3637 {offsets = [0], sizes = [1], strides = [1]} : vector<16xi32> to vector<1xi32>
      %squeeze3A_3639 = vector.extract %slice3A_3638[0] : i32 from vector<1xi32>
      %mul3A_3640 = arith.constant 10 : i32
      %mul3A_3641 = arith.muli %scan3A_191, %mul3A_3640 : i32
      %add3A_3642 = arith.addi %mul3A_3641, %squeeze3A_3546 : i32
      %jit3A_3643 = arith.constant 16 : i32
      %div3A_3644 = arith.divsi %add3A_3642, %jit3A_3643 : i32
      %sign3A_3645 = arith.constant 0 : i32
      %sign3A_3646 = arith.cmpi sgt, %add3A_3642, %sign3A_3645 : i32
      %sign3A_3647 = arith.extui %sign3A_3646 : i1 to i32
      %sign3A_3648 = arith.constant 0 : i32
      %sign3A_3649 = arith.cmpi slt, %add3A_3642, %sign3A_3648 : i32
      %sign3A_3650 = arith.extui %sign3A_3649 : i1 to i32
      %sign3A_3651 = arith.subi %sign3A_3647, %sign3A_3650 : i32
      %sign3A_3652 = arith.constant 0 : i32
      %sign3A_3653 = arith.cmpi sgt, %jit3A_3643, %sign3A_3652 : i32
      %sign3A_3654 = arith.extui %sign3A_3653 : i1 to i32
      %sign3A_3655 = arith.constant 0 : i32
      %sign3A_3656 = arith.cmpi slt, %jit3A_3643, %sign3A_3655 : i32
      %sign3A_3657 = arith.extui %sign3A_3656 : i1 to i32
      %sign3A_3658 = arith.subi %sign3A_3654, %sign3A_3657 : i32
      %ne3A_3659 = arith.cmpi ne, %sign3A_3651, %sign3A_3658 : i32
      %rem3A_3660 = arith.remsi %add3A_3642, %jit3A_3643 : i32
      %ne3A_3661 = arith.constant 0 : i32
      %ne3A_3662 = arith.cmpi ne, %rem3A_3660, %ne3A_3661 : i32
      %and3A_3663 = arith.andi %ne3A_3659, %ne3A_3662 : i1
      %sub3A_3664 = arith.constant 1 : i32
      %sub3A_3665 = arith.subi %div3A_3644, %sub3A_3664 : i32
      %select_n3A_3666 = arith.select %and3A_3663, %sub3A_3665, %div3A_3644 : i32
      %mul3A_3667 = arith.constant 16 : i32
      %mul3A_3668 = arith.muli %select_n3A_3666, %mul3A_3667 : i32
      %get3A_3669 = arith.index_cast %mul3A_3668 : i32 to index
      %get3A_3670 = tpu.vector_load %arg8[%get3A_3669] {strides = array<i32>} : memref<320xi32, #tpu.memory_space<vmem>>, vector<16xi32>,
      %get3A_3671 = vector.shape_cast %get3A_3670 : vector<16xi32> to vector<16xi32>
      %sub3A_3672 = arith.subi %add3A_3642, %mul3A_3668 : i32
      %add3A_3673 = vector.broadcast %sub3A_3672 : i32 to vector<16xi32>
      %add3A_3674 = arith.addi %iota3A, %add3A_3673 : vector<16xi32>
      %jit3A_3675 = arith.constant 16 : i32
      %eq3A_3676 = arith.constant 0 : i32
      %eq3A_3677 = arith.cmpi eq, %jit3A_3675, %eq3A_3676 : i32
      %jit3A_3678 = arith.constant 1 : i32
      %select_n3A_3679 = arith.select %eq3A_3677, %jit3A_3678, %jit3A_3675 : i32
      %rem3A_3680 = vector.broadcast %select_n3A_3679 : i32 to vector<16xi32>
      %rem3A_3681 = arith.remsi %add3A_3674, %rem3A_3680 : vector<16xi32>
      %ne3A_3682 = arith.constant 0 : i32
      %ne3A_3683 = vector.broadcast %ne3A_3682 : i32 to vector<16xi32>
      %ne3A_3684 = arith.cmpi ne, %rem3A_3681, %ne3A_3683 : vector<16xi32>
      %lt3A_3685 = arith.constant 0 : i32
      %lt3A_3686 = vector.broadcast %lt3A_3685 : i32 to vector<16xi32>
      %lt3A_3687 = arith.cmpi slt, %rem3A_3681, %lt3A_3686 : vector<16xi32>
      %lt3A_3688 = arith.constant 0 : i32
      %lt3A_3689 = arith.cmpi slt, %select_n3A_3679, %lt3A_3688 : i32
      %ne3A_3690 = vector.broadcast %lt3A_3689 : i1 to vector<16xi1>
      %ne3A_3691 = vector.broadcast %ne3A_3690 : vector<16xi1> to vector<16xi1>
      %ne3A_3692 = arith.xori %lt3A_3687, %ne3A_3691 : vector<16xi1>
      %and3A_3693 = arith.andi %ne3A_3692, %ne3A_3684 : vector<16xi1>
      %add3A_3694 = vector.broadcast %select_n3A_3679 : i32 to vector<16xi32>
      %add3A_3695 = arith.addi %rem3A_3681, %add3A_3694 : vector<16xi32>
      %select_n3A_3696 = arith.select %and3A_3693, %add3A_3695, %rem3A_3681 : vector<16xi1>, vector<16xi32>
      %broadcast_in_dim3A_3697 = vector.shape_cast %select_n3A_3696 : vector<16xi32> to vector<16x1xi32>
      %gather3A_3698 = vector.shape_cast %broadcast_in_dim3A_3697 : vector<16x1xi32> to vector<16xi32>
      %gather3A_3699 = tpu.dynamic_gather %get3A_3671[%gather3A_3698] in [0] : vector<16xi32>, vector<16xi32> -> vector<16xi32>
      %slice3A_3700 = vector.extract_strided_slice %gather3A_3699 {offsets = [0], sizes = [1], strides = [1]} : vector<16xi32> to vector<1xi32>
      %squeeze3A_3701 = vector.extract %slice3A_3700[0] : i32 from vector<1xi32>
      %eq3A_3702 = arith.constant 9 : i32
      %eq3A_3703 = vector.broadcast %eq3A_3702 : i32 to vector<16xi32>
      %eq3A_3704 = arith.cmpi eq, %iota3A, %eq3A_3703 : vector<16xi32>
      %select_n3A_3705 = arith.select %eq3A_3704, %min3A_3524, %select_n3A_3404 : vector<16xi1>, vector<16xf32>
      %eq3A_3706 = arith.constant 9 : i32
      %eq3A_3707 = vector.broadcast %eq3A_3706 : i32 to vector<16xi32>
      %eq3A_3708 = arith.cmpi eq, %iota3A, %eq3A_3707 : vector<16xi32>
      %add3A_3709 = arith.addi %squeeze3A_3701, %squeeze3A_3639 : i32
      %broadcast_in_dim3A_3710 = vector.broadcast %add3A_3709 : i32 to vector<16xi32>
      %select_n3A_3711 = arith.select %eq3A_3708, %broadcast_in_dim3A_3710, %select_n3A_3410 : vector<16xi1>, vector<16xi32>
      %jit3A_3712 = arith.constant 16 : i32
      %div3A_3713 = arith.divsi %squeeze3A_3639, %jit3A_3712 : i32
      %sign3A_3714 = arith.constant 0 : i32
      %sign3A_3715 = arith.cmpi sgt, %squeeze3A_3639, %sign3A_3714 : i32
      %sign3A_3716 = arith.extui %sign3A_3715 : i1 to i32
      %sign3A_3717 = arith.constant 0 : i32
      %sign3A_3718 = arith.cmpi slt, %squeeze3A_3639, %sign3A_3717 : i32
      %sign3A_3719 = arith.extui %sign3A_3718 : i1 to i32
      %sign3A_3720 = arith.subi %sign3A_3716, %sign3A_3719 : i32
      %sign3A_3721 = arith.constant 0 : i32
      %sign3A_3722 = arith.cmpi sgt, %jit3A_3712, %sign3A_3721 : i32
      %sign3A_3723 = arith.extui %sign3A_3722 : i1 to i32
      %sign3A_3724 = arith.constant 0 : i32
      %sign3A_3725 = arith.cmpi slt, %jit3A_3712, %sign3A_3724 : i32
      %sign3A_3726 = arith.extui %sign3A_3725 : i1 to i32
      %sign3A_3727 = arith.subi %sign3A_3723, %sign3A_3726 : i32
      %ne3A_3728 = arith.cmpi ne, %sign3A_3720, %sign3A_3727 : i32
      %rem3A_3729 = arith.remsi %squeeze3A_3639, %jit3A_3712 : i32
      %ne3A_3730 = arith.constant 0 : i32
      %ne3A_3731 = arith.cmpi ne, %rem3A_3729, %ne3A_3730 : i32
      %and3A_3732 = arith.andi %ne3A_3728, %ne3A_3731 : i1
      %sub3A_3733 = arith.constant 1 : i32
      %sub3A_3734 = arith.subi %div3A_3713, %sub3A_3733 : i32
      %select_n3A_3735 = arith.select %and3A_3732, %sub3A_3734, %div3A_3713 : i32
      %mul3A_3736 = arith.constant 16 : i32
      %mul3A_3737 = arith.muli %select_n3A_3735, %mul3A_3736 : i32
      %get3A_3738 = arith.index_cast %add3A_3547 : i32 to index
      %get3A_3739 = arith.index_cast %mul3A_3737 : i32 to index
      %get3A_3740 = tpu.vector_load %arg9[%get3A_3738, %get3A_3739] {strides = array<i32>} : memref<320x128xf32, #tpu.memory_space<vmem>>, vector<1x16xf32>,
      %get3A_3741 = vector.shape_cast %get3A_3740 : vector<1x16xf32> to vector<16xf32>
      %sub3A_3742 = arith.subi %squeeze3A_3639, %mul3A_3737 : i32
      %eq3A_3743 = vector.broadcast %sub3A_3742 : i32 to vector<16xi32>
      %eq3A_3744 = arith.cmpi eq, %iota3A, %eq3A_3743 : vector<16xi32>
      %jit3A_3745 = arith.constant 0x7F800000 : f32
      %broadcast_in_dim3A_3746 = vector.broadcast %jit3A_3745 : f32 to vector<16xf32>
      %select_n3A_3747 = arith.select %eq3A_3744, %broadcast_in_dim3A_3746, %get3A_3741 : vector<16xi1>, vector<16xf32>
      %swap3A_3748 = arith.index_cast %add3A_3547 : i32 to index
      %swap3A_3749 = arith.index_cast %mul3A_3737 : i32 to index
      %swap3A_3750 = tpu.vector_load %arg9[%swap3A_3748, %swap3A_3749] {strides = array<i32>} : memref<320x128xf32, #tpu.memory_space<vmem>>, vector<1x16xf32>,
      %swap3A_3751 = vector.shape_cast %swap3A_3750 : vector<1x16xf32> to vector<16xf32>
      %swap3A_3752 = vector.shape_cast %select_n3A_3747 : vector<16xf32> to vector<1x16xf32>
      tpu.vector_store %arg9[%swap3A_3748, %swap3A_3749], %swap3A_3752 {strides = array<i32>} : memref<320x128xf32, #tpu.memory_space<vmem>>, vector<1x16xf32>,
      %eq3A_3753 = arith.cmpi eq, %iota3A, %min3A_3544 : vector<16xi32>
      %get3A_3754 = arith.index_cast %add3A_3547 : i32 to index
      %get3A_3755 = arith.constant 0 : index
      %get3A_3756 = tpu.vector_load %arg9[%get3A_3754, %get3A_3755] {strides = array<i32>} : memref<320x128xf32, #tpu.memory_space<vmem>>, vector<1x16xf32>,
      %get3A_3757 = vector.shape_cast %get3A_3756 : vector<1x16xf32> to vector<16xf32>
      %get3A_3758 = arith.index_cast %add3A_3547 : i32 to index
      %get3A_3759 = arith.constant 16 : index
      %get3A_3760 = tpu.vector_load %arg9[%get3A_3758, %get3A_3759] {strides = array<i32>} : memref<320x128xf32, #tpu.memory_space<vmem>>, vector<1x16xf32>,
      %get3A_3761 = vector.shape_cast %get3A_3760 : vector<1x16xf32> to vector<16xf32>
      %min3A_3762 = arith.minimumf %get3A_3757, %get3A_3761 : vector<16xf32>
      %get3A_3763 = arith.index_cast %add3A_3547 : i32 to index
      %get3A_3764 = arith.constant 32 : index
      %get3A_3765 = tpu.vector_load %arg9[%get3A_3763, %get3A_3764] {strides = array<i32>} : memref<320x128xf32, #tpu.memory_space<vmem>>, vector<1x16xf32>,
      %get3A_3766 = vector.shape_cast %get3A_3765 : vector<1x16xf32> to vector<16xf32>
      %min3A_3767 = arith.minimumf %min3A_3762, %get3A_3766 : vector<16xf32>
      %get3A_3768 = arith.index_cast %add3A_3547 : i32 to index
      %get3A_3769 = arith.constant 48 : index
      %get3A_3770 = tpu.vector_load %arg9[%get3A_3768, %get3A_3769] {strides = array<i32>} : memref<320x128xf32, #tpu.memory_space<vmem>>, vector<1x16xf32>,
      %get3A_3771 = vector.shape_cast %get3A_3770 : vector<1x16xf32> to vector<16xf32>
      %min3A_3772 = arith.minimumf %min3A_3767, %get3A_3771 : vector<16xf32>
      %get3A_3773 = arith.index_cast %add3A_3547 : i32 to index
      %get3A_3774 = arith.constant 64 : index
      %get3A_3775 = tpu.vector_load %arg9[%get3A_3773, %get3A_3774] {strides = array<i32>} : memref<320x128xf32, #tpu.memory_space<vmem>>, vector<1x16xf32>,
      %get3A_3776 = vector.shape_cast %get3A_3775 : vector<1x16xf32> to vector<16xf32>
      %min3A_3777 = arith.minimumf %min3A_3772, %get3A_3776 : vector<16xf32>
      %get3A_3778 = arith.index_cast %add3A_3547 : i32 to index
      %get3A_3779 = arith.constant 80 : index
      %get3A_3780 = tpu.vector_load %arg9[%get3A_3778, %get3A_3779] {strides = array<i32>} : memref<320x128xf32, #tpu.memory_space<vmem>>, vector<1x16xf32>,
      %get3A_3781 = vector.shape_cast %get3A_3780 : vector<1x16xf32> to vector<16xf32>
      %min3A_3782 = arith.minimumf %min3A_3777, %get3A_3781 : vector<16xf32>
      %get3A_3783 = arith.index_cast %add3A_3547 : i32 to index
      %get3A_3784 = arith.constant 96 : index
      %get3A_3785 = tpu.vector_load %arg9[%get3A_3783, %get3A_3784] {strides = array<i32>} : memref<320x128xf32, #tpu.memory_space<vmem>>, vector<1x16xf32>,
      %get3A_3786 = vector.shape_cast %get3A_3785 : vector<1x16xf32> to vector<16xf32>
      %min3A_3787 = arith.minimumf %min3A_3782, %get3A_3786 : vector<16xf32>
      %get3A_3788 = arith.index_cast %add3A_3547 : i32 to index
      %get3A_3789 = arith.constant 112 : index
      %get3A_3790 = tpu.vector_load %arg9[%get3A_3788, %get3A_3789] {strides = array<i32>} : memref<320x128xf32, #tpu.memory_space<vmem>>, vector<1x16xf32>,
      %get3A_3791 = vector.shape_cast %get3A_3790 : vector<1x16xf32> to vector<16xf32>
      %min3A_3792 = arith.minimumf %min3A_3787, %get3A_3791 : vector<16xf32>
      %broadcast_in_dim3A_3793 = vector.shape_cast %select_n3A_86 : vector<16xi32> to vector<16x1xi32>
      %gather3A_3794 = vector.shape_cast %broadcast_in_dim3A_3793 : vector<16x1xi32> to vector<16xi32>
      %gather3A_3795 = tpu.dynamic_gather %min3A_3792[%gather3A_3794] in [0] : vector<16xf32>, vector<16xi32> -> vector<16xf32>
      %min3A_3796 = arith.minimumf %min3A_3792, %gather3A_3795 : vector<16xf32>
      %broadcast_in_dim3A_3797 = vector.shape_cast %select_n3A_111 : vector<16xi32> to vector<16x1xi32>
      %gather3A_3798 = vector.shape_cast %broadcast_in_dim3A_3797 : vector<16x1xi32> to vector<16xi32>
      %gather3A_3799 = tpu.dynamic_gather %min3A_3796[%gather3A_3798] in [0] : vector<16xf32>, vector<16xi32> -> vector<16xf32>
      %min3A_3800 = arith.minimumf %min3A_3796, %gather3A_3799 : vector<16xf32>
      %broadcast_in_dim3A_3801 = vector.shape_cast %select_n3A_136 : vector<16xi32> to vector<16x1xi32>
      %gather3A_3802 = vector.shape_cast %broadcast_in_dim3A_3801 : vector<16x1xi32> to vector<16xi32>
      %gather3A_3803 = tpu.dynamic_gather %min3A_3800[%gather3A_3802] in [0] : vector<16xf32>, vector<16xi32> -> vector<16xf32>
      %min3A_3804 = arith.minimumf %min3A_3800, %gather3A_3803 : vector<16xf32>
      %broadcast_in_dim3A_3805 = vector.shape_cast %select_n3A_161 : vector<16xi32> to vector<16x1xi32>
      %gather3A_3806 = vector.shape_cast %broadcast_in_dim3A_3805 : vector<16x1xi32> to vector<16xi32>
      %gather3A_3807 = tpu.dynamic_gather %min3A_3804[%gather3A_3806] in [0] : vector<16xf32>, vector<16xi32> -> vector<16xf32>
      %min3A_3808 = arith.minimumf %min3A_3804, %gather3A_3807 : vector<16xf32>
      %select_n3A_3809 = arith.select %eq3A_3753, %min3A_3808, %select_n3A_3508 : vector<16xi1>, vector<16xf32>
      %swap3A_3810 = arith.index_cast %scan3A_191 : i32 to index
      %swap3A_3811 = arith.constant 0 : index
      %swap3A_3812 = tpu.vector_load %arg10[%swap3A_3810, %swap3A_3811] {strides = array<i32>} : memref<32x16xf32, #tpu.memory_space<vmem>>, vector<1x16xf32>,
      %swap3A_3813 = vector.shape_cast %swap3A_3812 : vector<1x16xf32> to vector<16xf32>
      %swap3A_3814 = vector.shape_cast %select_n3A_3705 : vector<16xf32> to vector<1x16xf32>
      tpu.vector_store %arg10[%swap3A_3810, %swap3A_3811], %swap3A_3814 {strides = array<i32>} : memref<32x16xf32, #tpu.memory_space<vmem>>, vector<1x16xf32>,
      %swap3A_3815 = arith.index_cast %scan3A_191 : i32 to index
      %swap3A_3816 = arith.constant 0 : index
      %swap3A_3817 = tpu.vector_load %arg11[%swap3A_3815, %swap3A_3816] {strides = array<i32>} : memref<32x16xi32, #tpu.memory_space<vmem>>, vector<1x16xi32>,
      %swap3A_3818 = vector.shape_cast %swap3A_3817 : vector<1x16xi32> to vector<16xi32>
      %swap3A_3819 = vector.shape_cast %select_n3A_3711 : vector<16xi32> to vector<1x16xi32>
      tpu.vector_store %arg11[%swap3A_3815, %swap3A_3816], %swap3A_3819 {strides = array<i32>} : memref<32x16xi32, #tpu.memory_space<vmem>>, vector<1x16xi32>,
    }
    %scan3A_190 = arith.constant 32 : i32
    "tpu.region"() ({
      %run_scoped3A = tpu.sem_alloc : memref<!tpu.dma_semaphore, #tpu.memory_space<semaphore_mem>>
      %dma_start3A_191 = arith.constant 0 : i32
      %dma_start3A_192 = tpu.memref_slice %arg5[%mul3A_2, %dma_start3A_191] : memref<1024x16xf32, #tpu.memory_space<hbm>> -> memref<32x16xf32, #tpu.memory_space<hbm>>
      %dma_start3A_193 = arith.constant 0 : i32
      %dma_start3A_194 = tpu.memref_slice %arg5[%mul3A_2, %dma_start3A_193] : memref<1024x16xf32, #tpu.memory_space<hbm>> -> memref<32x16xf32, #tpu.memory_space<hbm>>
      tpu.enqueue_dma source(%arg10 : memref<32x16xf32, #tpu.memory_space<vmem>>) target(%dma_start3A_194 : memref<32x16xf32, #tpu.memory_space<hbm>>) target_semaphore(%run_scoped3A : memref<!tpu.dma_semaphore, #tpu.memory_space<semaphore_mem>>)
      %dma_wait3A_195 = arith.constant 0 : i32
      %dma_wait3A_196 = tpu.memref_slice %arg5[%mul3A_2, %dma_wait3A_195] : memref<1024x16xf32, #tpu.memory_space<hbm>> -> memref<32x16xf32, #tpu.memory_space<hbm>>
      %dma_wait3A_197 = arith.constant 0 : i32
      %dma_wait3A_198 = tpu.memref_slice %arg5[%mul3A_2, %dma_wait3A_197] : memref<1024x16xf32, #tpu.memory_space<hbm>> -> memref<32x16xf32, #tpu.memory_space<hbm>>
      tpu.wait_dma2 semaphore(%run_scoped3A : memref<!tpu.dma_semaphore, #tpu.memory_space<semaphore_mem>>) src(%arg10 : memref<32x16xf32, #tpu.memory_space<vmem>>) dst(%dma_wait3A_198 : memref<32x16xf32, #tpu.memory_space<hbm>>)
      tpu.yield
    }) : () -> ()
    "tpu.region"() ({
      %run_scoped3A = tpu.sem_alloc : memref<!tpu.dma_semaphore, #tpu.memory_space<semaphore_mem>>
      %dma_start3A_191 = arith.constant 0 : i32
      %dma_start3A_192 = tpu.memref_slice %arg6[%mul3A_2, %dma_start3A_191] : memref<1024x16xi32, #tpu.memory_space<hbm>> -> memref<32x16xi32, #tpu.memory_space<hbm>>
      %dma_start3A_193 = arith.constant 0 : i32
      %dma_start3A_194 = tpu.memref_slice %arg6[%mul3A_2, %dma_start3A_193] : memref<1024x16xi32, #tpu.memory_space<hbm>> -> memref<32x16xi32, #tpu.memory_space<hbm>>
      tpu.enqueue_dma source(%arg11 : memref<32x16xi32, #tpu.memory_space<vmem>>) target(%dma_start3A_194 : memref<32x16xi32, #tpu.memory_space<hbm>>) target_semaphore(%run_scoped3A : memref<!tpu.dma_semaphore, #tpu.memory_space<semaphore_mem>>)
      %dma_wait3A_195 = arith.constant 0 : i32
      %dma_wait3A_196 = tpu.memref_slice %arg6[%mul3A_2, %dma_wait3A_195] : memref<1024x16xi32, #tpu.memory_space<hbm>> -> memref<32x16xi32, #tpu.memory_space<hbm>>
      %dma_wait3A_197 = arith.constant 0 : i32
      %dma_wait3A_198 = tpu.memref_slice %arg6[%mul3A_2, %dma_wait3A_197] : memref<1024x16xi32, #tpu.memory_space<hbm>> -> memref<32x16xi32, #tpu.memory_space<hbm>>
      tpu.wait_dma2 semaphore(%run_scoped3A : memref<!tpu.dma_semaphore, #tpu.memory_space<semaphore_mem>>) src(%arg11 : memref<32x16xi32, #tpu.memory_space<vmem>>) dst(%dma_wait3A_198 : memref<32x16xi32, #tpu.memory_space<hbm>>)
      tpu.yield
    }) : () -> ()
    return
  }
}

module attributes {stable_mosaic.version = 14 : i64} {
  func.func @_stage1(%arg0: i32, %arg1: i32, %arg2: memref<1024x128xf32, #tpu.memory_space<vmem>>, %arg3: memref<1x2176xf32, #tpu.memory_space<vmem>>, %arg4: memref<1024x1xf32, #tpu.memory_space<vmem>>, %arg5: memref<2176x128xf32, #tpu.memory_space<vmem>>, %arg6: memref<128x136x128xf32, #tpu.memory_space<vmem>>, %arg7: memref<1x1024x17xf32, #tpu.memory_space<vmem>>) attributes {dimension_semantics = [#tpu.dimension_semantics<parallel>, #tpu.dimension_semantics<parallel>], iteration_bounds = array<i64: 1, 46>, scalar_prefetch = 0 : i64, scratch_operands = 0 : i64, tpu.core_type = #tpu.core_type<tc>, window_params = [{transform_indices = @transform_0, window_bounds = array<i64: 1024, 128>}, {transform_indices = @transform_1, window_bounds = array<i64: 1, 2176>}, {transform_indices = @transform_2, window_bounds = array<i64: 1024, 1>}, {transform_indices = @transform_3, window_bounds = array<i64: 2176, 128>}, {transform_indices = @transform_4, window_bounds = array<i64: 128, 136, 128>}, {transform_indices = @transform_5, window_bounds = array<i64: 1, 1024, 17>}]} {
    %get3A = arith.constant 0 : index
    %get3A_0 = arith.constant 0 : index
    %get3A_1 = vector.load %arg2[%get3A, %get3A_0] : memref<1024x128xf32, #tpu.memory_space<vmem>>, vector<1024x128xf32>
    %get3A_2 = arith.constant 0 : index
    %get3A_3 = arith.constant 0 : index
    %get3A_4 = vector.load %arg5[%get3A_2, %get3A_3] : memref<2176x128xf32, #tpu.memory_space<vmem>>, vector<2176x128xf32>
    %dot_general3A = arith.constant dense<0.000000e+00> : vector<1024x2176xf32>
    %dot_general3A_5 = tpu.matmul %get3A_1, %get3A_4, %dot_general3A {dimension_numbers = #tpu.dot_dimension_numbers<[1], [1], [0], [0], [0, 0, 1, 0], [], []>, transpose_lhs_hint = false} : vector<1024x128xf32>, vector<2176x128xf32>, vector<1024x2176xf32> -> vector<1024x2176xf32>
    %get3A_6 = arith.constant 0 : index
    %get3A_7 = arith.constant 0 : index
    %get3A_8 = vector.load %arg4[%get3A_6, %get3A_7] : memref<1024x1xf32, #tpu.memory_space<vmem>>, vector<1024x1xf32>
    %mul3A = arith.constant 2.000000e+00 : f32
    %mul3A_9 = vector.broadcast %mul3A : f32 to vector<1024x2176xf32>
    %mul3A_10 = arith.mulf %mul3A_9, %dot_general3A_5 : vector<1024x2176xf32>
    %sub3A = vector.broadcast %get3A_8 : vector<1024x1xf32> to vector<1024x2176xf32>
    %sub3A_11 = arith.subf %sub3A, %mul3A_10 : vector<1024x2176xf32>
    %get3A_12 = arith.constant 0 : index
    %get3A_13 = arith.constant 0 : index
    %get3A_14 = vector.load %arg3[%get3A_12, %get3A_13] : memref<1x2176xf32, #tpu.memory_space<vmem>>, vector<1x2176xf32>
    %add3A = vector.broadcast %get3A_14 : vector<1x2176xf32> to vector<1024x2176xf32>
    %add3A_15 = arith.addf %sub3A_11, %add3A : vector<1024x2176xf32>
    %reshape3A = vector.shape_cast %add3A_15 : vector<1024x2176xf32> to vector<128x8x2176xf32>
    %slice3A = vector.extract_strided_slice %reshape3A {offsets = [0, 0, 0], sizes = [128, 8, 128], strides = [1, 1, 1]} : vector<128x8x2176xf32> to vector<128x8x128xf32>
    %swap3A = arith.constant 0 : index
    %swap3A_16 = arith.constant 0 : index
    %swap3A_17 = arith.constant 0 : index
    %swap3A_18 = vector.load %arg6[%swap3A, %swap3A_16, %swap3A_17] : memref<128x136x128xf32, #tpu.memory_space<vmem>>, vector<128x8x128xf32>
    tpu.vector_store %arg6[%swap3A, %swap3A_16, %swap3A_17], %slice3A {strides = array<i32>} : memref<128x136x128xf32, #tpu.memory_space<vmem>>, vector<128x8x128xf32>,
    %slice3A_19 = vector.extract_strided_slice %add3A_15 {offsets = [0, 0], sizes = [1024, 128], strides = [1, 1]} : vector<1024x2176xf32> to vector<1024x128xf32>
    %reduce_min3A = arith.constant dense<0x7F800000> : vector<1024xf32>
    %reduce_min3A_20 = vector.multi_reduction <minimumf>, %slice3A_19, %reduce_min3A [1] : vector<1024x128xf32> to vector<1024xf32>
    %broadcast_in_dim3A = vector.shape_cast %reduce_min3A_20 : vector<1024xf32> to vector<1024x1xf32>
    %swap3A_21 = arith.constant 0 : index
    %swap3A_22 = arith.constant 0 : index
    %swap3A_23 = arith.constant 0 : index
    %swap3A_24 = vector.load %arg7[%swap3A_21, %swap3A_22, %swap3A_23] : memref<1x1024x17xf32, #tpu.memory_space<vmem>>, vector<1x1024x1xf32>
    %swap3A_25 = vector.shape_cast %swap3A_24 : vector<1x1024x1xf32> to vector<1024x1xf32>
    %swap3A_26 = vector.shape_cast %broadcast_in_dim3A : vector<1024x1xf32> to vector<1x1024x1xf32>
    tpu.vector_store %arg7[%swap3A_21, %swap3A_22, %swap3A_23], %swap3A_26 {strides = array<i32>} : memref<1x1024x17xf32, #tpu.memory_space<vmem>>, vector<1x1024x1xf32>,
    %slice3A_27 = vector.extract_strided_slice %reshape3A {offsets = [0, 0, 128], sizes = [128, 8, 128], strides = [1, 1, 1]} : vector<128x8x2176xf32> to vector<128x8x128xf32>
    %swap3A_28 = arith.constant 0 : index
    %swap3A_29 = arith.constant 8 : index
    %swap3A_30 = arith.constant 0 : index
    %swap3A_31 = vector.load %arg6[%swap3A_28, %swap3A_29, %swap3A_30] : memref<128x136x128xf32, #tpu.memory_space<vmem>>, vector<128x8x128xf32>
    tpu.vector_store %arg6[%swap3A_28, %swap3A_29, %swap3A_30], %slice3A_27 {strides = array<i32>} : memref<128x136x128xf32, #tpu.memory_space<vmem>>, vector<128x8x128xf32>,
    %slice3A_32 = vector.extract_strided_slice %add3A_15 {offsets = [0, 128], sizes = [1024, 128], strides = [1, 1]} : vector<1024x2176xf32> to vector<1024x128xf32>
    %reduce_min3A_33 = arith.constant dense<0x7F800000> : vector<1024xf32>
    %reduce_min3A_34 = vector.multi_reduction <minimumf>, %slice3A_32, %reduce_min3A_33 [1] : vector<1024x128xf32> to vector<1024xf32>
    %broadcast_in_dim3A_35 = vector.shape_cast %reduce_min3A_34 : vector<1024xf32> to vector<1024x1xf32>
    %swap3A_36 = arith.constant 0 : index
    %swap3A_37 = arith.constant 0 : index
    %swap3A_38 = arith.constant 1 : index
    %swap3A_39 = vector.load %arg7[%swap3A_36, %swap3A_37, %swap3A_38] : memref<1x1024x17xf32, #tpu.memory_space<vmem>>, vector<1x1024x1xf32>
    %swap3A_40 = vector.shape_cast %swap3A_39 : vector<1x1024x1xf32> to vector<1024x1xf32>
    %swap3A_41 = vector.shape_cast %broadcast_in_dim3A_35 : vector<1024x1xf32> to vector<1x1024x1xf32>
    tpu.vector_store %arg7[%swap3A_36, %swap3A_37, %swap3A_38], %swap3A_41 {strides = array<i32>} : memref<1x1024x17xf32, #tpu.memory_space<vmem>>, vector<1x1024x1xf32>,
    %slice3A_42 = vector.extract_strided_slice %reshape3A {offsets = [0, 0, 256], sizes = [128, 8, 128], strides = [1, 1, 1]} : vector<128x8x2176xf32> to vector<128x8x128xf32>
    %swap3A_43 = arith.constant 0 : index
    %swap3A_44 = arith.constant 16 : index
    %swap3A_45 = arith.constant 0 : index
    %swap3A_46 = vector.load %arg6[%swap3A_43, %swap3A_44, %swap3A_45] : memref<128x136x128xf32, #tpu.memory_space<vmem>>, vector<128x8x128xf32>
    tpu.vector_store %arg6[%swap3A_43, %swap3A_44, %swap3A_45], %slice3A_42 {strides = array<i32>} : memref<128x136x128xf32, #tpu.memory_space<vmem>>, vector<128x8x128xf32>,
    %slice3A_47 = vector.extract_strided_slice %add3A_15 {offsets = [0, 256], sizes = [1024, 128], strides = [1, 1]} : vector<1024x2176xf32> to vector<1024x128xf32>
    %reduce_min3A_48 = arith.constant dense<0x7F800000> : vector<1024xf32>
    %reduce_min3A_49 = vector.multi_reduction <minimumf>, %slice3A_47, %reduce_min3A_48 [1] : vector<1024x128xf32> to vector<1024xf32>
    %broadcast_in_dim3A_50 = vector.shape_cast %reduce_min3A_49 : vector<1024xf32> to vector<1024x1xf32>
    %swap3A_51 = arith.constant 0 : index
    %swap3A_52 = arith.constant 0 : index
    %swap3A_53 = arith.constant 2 : index
    %swap3A_54 = vector.load %arg7[%swap3A_51, %swap3A_52, %swap3A_53] : memref<1x1024x17xf32, #tpu.memory_space<vmem>>, vector<1x1024x1xf32>
    %swap3A_55 = vector.shape_cast %swap3A_54 : vector<1x1024x1xf32> to vector<1024x1xf32>
    %swap3A_56 = vector.shape_cast %broadcast_in_dim3A_50 : vector<1024x1xf32> to vector<1x1024x1xf32>
    tpu.vector_store %arg7[%swap3A_51, %swap3A_52, %swap3A_53], %swap3A_56 {strides = array<i32>} : memref<1x1024x17xf32, #tpu.memory_space<vmem>>, vector<1x1024x1xf32>,
    %slice3A_57 = vector.extract_strided_slice %reshape3A {offsets = [0, 0, 384], sizes = [128, 8, 128], strides = [1, 1, 1]} : vector<128x8x2176xf32> to vector<128x8x128xf32>
    %swap3A_58 = arith.constant 0 : index
    %swap3A_59 = arith.constant 24 : index
    %swap3A_60 = arith.constant 0 : index
    %swap3A_61 = vector.load %arg6[%swap3A_58, %swap3A_59, %swap3A_60] : memref<128x136x128xf32, #tpu.memory_space<vmem>>, vector<128x8x128xf32>
    tpu.vector_store %arg6[%swap3A_58, %swap3A_59, %swap3A_60], %slice3A_57 {strides = array<i32>} : memref<128x136x128xf32, #tpu.memory_space<vmem>>, vector<128x8x128xf32>,
    %slice3A_62 = vector.extract_strided_slice %add3A_15 {offsets = [0, 384], sizes = [1024, 128], strides = [1, 1]} : vector<1024x2176xf32> to vector<1024x128xf32>
    %reduce_min3A_63 = arith.constant dense<0x7F800000> : vector<1024xf32>
    %reduce_min3A_64 = vector.multi_reduction <minimumf>, %slice3A_62, %reduce_min3A_63 [1] : vector<1024x128xf32> to vector<1024xf32>
    %broadcast_in_dim3A_65 = vector.shape_cast %reduce_min3A_64 : vector<1024xf32> to vector<1024x1xf32>
    %swap3A_66 = arith.constant 0 : index
    %swap3A_67 = arith.constant 0 : index
    %swap3A_68 = arith.constant 3 : index
    %swap3A_69 = vector.load %arg7[%swap3A_66, %swap3A_67, %swap3A_68] : memref<1x1024x17xf32, #tpu.memory_space<vmem>>, vector<1x1024x1xf32>
    %swap3A_70 = vector.shape_cast %swap3A_69 : vector<1x1024x1xf32> to vector<1024x1xf32>
    %swap3A_71 = vector.shape_cast %broadcast_in_dim3A_65 : vector<1024x1xf32> to vector<1x1024x1xf32>
    tpu.vector_store %arg7[%swap3A_66, %swap3A_67, %swap3A_68], %swap3A_71 {strides = array<i32>} : memref<1x1024x17xf32, #tpu.memory_space<vmem>>, vector<1x1024x1xf32>,
    %slice3A_72 = vector.extract_strided_slice %reshape3A {offsets = [0, 0, 512], sizes = [128, 8, 128], strides = [1, 1, 1]} : vector<128x8x2176xf32> to vector<128x8x128xf32>
    %swap3A_73 = arith.constant 0 : index
    %swap3A_74 = arith.constant 32 : index
    %swap3A_75 = arith.constant 0 : index
    %swap3A_76 = vector.load %arg6[%swap3A_73, %swap3A_74, %swap3A_75] : memref<128x136x128xf32, #tpu.memory_space<vmem>>, vector<128x8x128xf32>
    tpu.vector_store %arg6[%swap3A_73, %swap3A_74, %swap3A_75], %slice3A_72 {strides = array<i32>} : memref<128x136x128xf32, #tpu.memory_space<vmem>>, vector<128x8x128xf32>,
    %slice3A_77 = vector.extract_strided_slice %add3A_15 {offsets = [0, 512], sizes = [1024, 128], strides = [1, 1]} : vector<1024x2176xf32> to vector<1024x128xf32>
    %reduce_min3A_78 = arith.constant dense<0x7F800000> : vector<1024xf32>
    %reduce_min3A_79 = vector.multi_reduction <minimumf>, %slice3A_77, %reduce_min3A_78 [1] : vector<1024x128xf32> to vector<1024xf32>
    %broadcast_in_dim3A_80 = vector.shape_cast %reduce_min3A_79 : vector<1024xf32> to vector<1024x1xf32>
    %swap3A_81 = arith.constant 0 : index
    %swap3A_82 = arith.constant 0 : index
    %swap3A_83 = arith.constant 4 : index
    %swap3A_84 = vector.load %arg7[%swap3A_81, %swap3A_82, %swap3A_83] : memref<1x1024x17xf32, #tpu.memory_space<vmem>>, vector<1x1024x1xf32>
    %swap3A_85 = vector.shape_cast %swap3A_84 : vector<1x1024x1xf32> to vector<1024x1xf32>
    %swap3A_86 = vector.shape_cast %broadcast_in_dim3A_80 : vector<1024x1xf32> to vector<1x1024x1xf32>
    tpu.vector_store %arg7[%swap3A_81, %swap3A_82, %swap3A_83], %swap3A_86 {strides = array<i32>} : memref<1x1024x17xf32, #tpu.memory_space<vmem>>, vector<1x1024x1xf32>,
    %slice3A_87 = vector.extract_strided_slice %reshape3A {offsets = [0, 0, 640], sizes = [128, 8, 128], strides = [1, 1, 1]} : vector<128x8x2176xf32> to vector<128x8x128xf32>
    %swap3A_88 = arith.constant 0 : index
    %swap3A_89 = arith.constant 40 : index
    %swap3A_90 = arith.constant 0 : index
    %swap3A_91 = vector.load %arg6[%swap3A_88, %swap3A_89, %swap3A_90] : memref<128x136x128xf32, #tpu.memory_space<vmem>>, vector<128x8x128xf32>
    tpu.vector_store %arg6[%swap3A_88, %swap3A_89, %swap3A_90], %slice3A_87 {strides = array<i32>} : memref<128x136x128xf32, #tpu.memory_space<vmem>>, vector<128x8x128xf32>,
    %slice3A_92 = vector.extract_strided_slice %add3A_15 {offsets = [0, 640], sizes = [1024, 128], strides = [1, 1]} : vector<1024x2176xf32> to vector<1024x128xf32>
    %reduce_min3A_93 = arith.constant dense<0x7F800000> : vector<1024xf32>
    %reduce_min3A_94 = vector.multi_reduction <minimumf>, %slice3A_92, %reduce_min3A_93 [1] : vector<1024x128xf32> to vector<1024xf32>
    %broadcast_in_dim3A_95 = vector.shape_cast %reduce_min3A_94 : vector<1024xf32> to vector<1024x1xf32>
    %swap3A_96 = arith.constant 0 : index
    %swap3A_97 = arith.constant 0 : index
    %swap3A_98 = arith.constant 5 : index
    %swap3A_99 = vector.load %arg7[%swap3A_96, %swap3A_97, %swap3A_98] : memref<1x1024x17xf32, #tpu.memory_space<vmem>>, vector<1x1024x1xf32>
    %swap3A_100 = vector.shape_cast %swap3A_99 : vector<1x1024x1xf32> to vector<1024x1xf32>
    %swap3A_101 = vector.shape_cast %broadcast_in_dim3A_95 : vector<1024x1xf32> to vector<1x1024x1xf32>
    tpu.vector_store %arg7[%swap3A_96, %swap3A_97, %swap3A_98], %swap3A_101 {strides = array<i32>} : memref<1x1024x17xf32, #tpu.memory_space<vmem>>, vector<1x1024x1xf32>,
    %slice3A_102 = vector.extract_strided_slice %reshape3A {offsets = [0, 0, 768], sizes = [128, 8, 128], strides = [1, 1, 1]} : vector<128x8x2176xf32> to vector<128x8x128xf32>
    %swap3A_103 = arith.constant 0 : index
    %swap3A_104 = arith.constant 48 : index
    %swap3A_105 = arith.constant 0 : index
    %swap3A_106 = vector.load %arg6[%swap3A_103, %swap3A_104, %swap3A_105] : memref<128x136x128xf32, #tpu.memory_space<vmem>>, vector<128x8x128xf32>
    tpu.vector_store %arg6[%swap3A_103, %swap3A_104, %swap3A_105], %slice3A_102 {strides = array<i32>} : memref<128x136x128xf32, #tpu.memory_space<vmem>>, vector<128x8x128xf32>,
    %slice3A_107 = vector.extract_strided_slice %add3A_15 {offsets = [0, 768], sizes = [1024, 128], strides = [1, 1]} : vector<1024x2176xf32> to vector<1024x128xf32>
    %reduce_min3A_108 = arith.constant dense<0x7F800000> : vector<1024xf32>
    %reduce_min3A_109 = vector.multi_reduction <minimumf>, %slice3A_107, %reduce_min3A_108 [1] : vector<1024x128xf32> to vector<1024xf32>
    %broadcast_in_dim3A_110 = vector.shape_cast %reduce_min3A_109 : vector<1024xf32> to vector<1024x1xf32>
    %swap3A_111 = arith.constant 0 : index
    %swap3A_112 = arith.constant 0 : index
    %swap3A_113 = arith.constant 6 : index
    %swap3A_114 = vector.load %arg7[%swap3A_111, %swap3A_112, %swap3A_113] : memref<1x1024x17xf32, #tpu.memory_space<vmem>>, vector<1x1024x1xf32>
    %swap3A_115 = vector.shape_cast %swap3A_114 : vector<1x1024x1xf32> to vector<1024x1xf32>
    %swap3A_116 = vector.shape_cast %broadcast_in_dim3A_110 : vector<1024x1xf32> to vector<1x1024x1xf32>
    tpu.vector_store %arg7[%swap3A_111, %swap3A_112, %swap3A_113], %swap3A_116 {strides = array<i32>} : memref<1x1024x17xf32, #tpu.memory_space<vmem>>, vector<1x1024x1xf32>,
    %slice3A_117 = vector.extract_strided_slice %reshape3A {offsets = [0, 0, 896], sizes = [128, 8, 128], strides = [1, 1, 1]} : vector<128x8x2176xf32> to vector<128x8x128xf32>
    %swap3A_118 = arith.constant 0 : index
    %swap3A_119 = arith.constant 56 : index
    %swap3A_120 = arith.constant 0 : index
    %swap3A_121 = vector.load %arg6[%swap3A_118, %swap3A_119, %swap3A_120] : memref<128x136x128xf32, #tpu.memory_space<vmem>>, vector<128x8x128xf32>
    tpu.vector_store %arg6[%swap3A_118, %swap3A_119, %swap3A_120], %slice3A_117 {strides = array<i32>} : memref<128x136x128xf32, #tpu.memory_space<vmem>>, vector<128x8x128xf32>,
    %slice3A_122 = vector.extract_strided_slice %add3A_15 {offsets = [0, 896], sizes = [1024, 128], strides = [1, 1]} : vector<1024x2176xf32> to vector<1024x128xf32>
    %reduce_min3A_123 = arith.constant dense<0x7F800000> : vector<1024xf32>
    %reduce_min3A_124 = vector.multi_reduction <minimumf>, %slice3A_122, %reduce_min3A_123 [1] : vector<1024x128xf32> to vector<1024xf32>
    %broadcast_in_dim3A_125 = vector.shape_cast %reduce_min3A_124 : vector<1024xf32> to vector<1024x1xf32>
    %swap3A_126 = arith.constant 0 : index
    %swap3A_127 = arith.constant 0 : index
    %swap3A_128 = arith.constant 7 : index
    %swap3A_129 = vector.load %arg7[%swap3A_126, %swap3A_127, %swap3A_128] : memref<1x1024x17xf32, #tpu.memory_space<vmem>>, vector<1x1024x1xf32>
    %swap3A_130 = vector.shape_cast %swap3A_129 : vector<1x1024x1xf32> to vector<1024x1xf32>
    %swap3A_131 = vector.shape_cast %broadcast_in_dim3A_125 : vector<1024x1xf32> to vector<1x1024x1xf32>
    tpu.vector_store %arg7[%swap3A_126, %swap3A_127, %swap3A_128], %swap3A_131 {strides = array<i32>} : memref<1x1024x17xf32, #tpu.memory_space<vmem>>, vector<1x1024x1xf32>,
    %slice3A_132 = vector.extract_strided_slice %reshape3A {offsets = [0, 0, 1024], sizes = [128, 8, 128], strides = [1, 1, 1]} : vector<128x8x2176xf32> to vector<128x8x128xf32>
    %swap3A_133 = arith.constant 0 : index
    %swap3A_134 = arith.constant 64 : index
    %swap3A_135 = arith.constant 0 : index
    %swap3A_136 = vector.load %arg6[%swap3A_133, %swap3A_134, %swap3A_135] : memref<128x136x128xf32, #tpu.memory_space<vmem>>, vector<128x8x128xf32>
    tpu.vector_store %arg6[%swap3A_133, %swap3A_134, %swap3A_135], %slice3A_132 {strides = array<i32>} : memref<128x136x128xf32, #tpu.memory_space<vmem>>, vector<128x8x128xf32>,
    %slice3A_137 = vector.extract_strided_slice %add3A_15 {offsets = [0, 1024], sizes = [1024, 128], strides = [1, 1]} : vector<1024x2176xf32> to vector<1024x128xf32>
    %reduce_min3A_138 = arith.constant dense<0x7F800000> : vector<1024xf32>
    %reduce_min3A_139 = vector.multi_reduction <minimumf>, %slice3A_137, %reduce_min3A_138 [1] : vector<1024x128xf32> to vector<1024xf32>
    %broadcast_in_dim3A_140 = vector.shape_cast %reduce_min3A_139 : vector<1024xf32> to vector<1024x1xf32>
    %swap3A_141 = arith.constant 0 : index
    %swap3A_142 = arith.constant 0 : index
    %swap3A_143 = arith.constant 8 : index
    %swap3A_144 = vector.load %arg7[%swap3A_141, %swap3A_142, %swap3A_143] : memref<1x1024x17xf32, #tpu.memory_space<vmem>>, vector<1x1024x1xf32>
    %swap3A_145 = vector.shape_cast %swap3A_144 : vector<1x1024x1xf32> to vector<1024x1xf32>
    %swap3A_146 = vector.shape_cast %broadcast_in_dim3A_140 : vector<1024x1xf32> to vector<1x1024x1xf32>
    tpu.vector_store %arg7[%swap3A_141, %swap3A_142, %swap3A_143], %swap3A_146 {strides = array<i32>} : memref<1x1024x17xf32, #tpu.memory_space<vmem>>, vector<1x1024x1xf32>,
    %slice3A_147 = vector.extract_strided_slice %reshape3A {offsets = [0, 0, 1152], sizes = [128, 8, 128], strides = [1, 1, 1]} : vector<128x8x2176xf32> to vector<128x8x128xf32>
    %swap3A_148 = arith.constant 0 : index
    %swap3A_149 = arith.constant 72 : index
    %swap3A_150 = arith.constant 0 : index
    %swap3A_151 = vector.load %arg6[%swap3A_148, %swap3A_149, %swap3A_150] : memref<128x136x128xf32, #tpu.memory_space<vmem>>, vector<128x8x128xf32>
    tpu.vector_store %arg6[%swap3A_148, %swap3A_149, %swap3A_150], %slice3A_147 {strides = array<i32>} : memref<128x136x128xf32, #tpu.memory_space<vmem>>, vector<128x8x128xf32>,
    %slice3A_152 = vector.extract_strided_slice %add3A_15 {offsets = [0, 1152], sizes = [1024, 128], strides = [1, 1]} : vector<1024x2176xf32> to vector<1024x128xf32>
    %reduce_min3A_153 = arith.constant dense<0x7F800000> : vector<1024xf32>
    %reduce_min3A_154 = vector.multi_reduction <minimumf>, %slice3A_152, %reduce_min3A_153 [1] : vector<1024x128xf32> to vector<1024xf32>
    %broadcast_in_dim3A_155 = vector.shape_cast %reduce_min3A_154 : vector<1024xf32> to vector<1024x1xf32>
    %swap3A_156 = arith.constant 0 : index
    %swap3A_157 = arith.constant 0 : index
    %swap3A_158 = arith.constant 9 : index
    %swap3A_159 = vector.load %arg7[%swap3A_156, %swap3A_157, %swap3A_158] : memref<1x1024x17xf32, #tpu.memory_space<vmem>>, vector<1x1024x1xf32>
    %swap3A_160 = vector.shape_cast %swap3A_159 : vector<1x1024x1xf32> to vector<1024x1xf32>
    %swap3A_161 = vector.shape_cast %broadcast_in_dim3A_155 : vector<1024x1xf32> to vector<1x1024x1xf32>
    tpu.vector_store %arg7[%swap3A_156, %swap3A_157, %swap3A_158], %swap3A_161 {strides = array<i32>} : memref<1x1024x17xf32, #tpu.memory_space<vmem>>, vector<1x1024x1xf32>,
    %slice3A_162 = vector.extract_strided_slice %reshape3A {offsets = [0, 0, 1280], sizes = [128, 8, 128], strides = [1, 1, 1]} : vector<128x8x2176xf32> to vector<128x8x128xf32>
    %swap3A_163 = arith.constant 0 : index
    %swap3A_164 = arith.constant 80 : index
    %swap3A_165 = arith.constant 0 : index
    %swap3A_166 = vector.load %arg6[%swap3A_163, %swap3A_164, %swap3A_165] : memref<128x136x128xf32, #tpu.memory_space<vmem>>, vector<128x8x128xf32>
    tpu.vector_store %arg6[%swap3A_163, %swap3A_164, %swap3A_165], %slice3A_162 {strides = array<i32>} : memref<128x136x128xf32, #tpu.memory_space<vmem>>, vector<128x8x128xf32>,
    %slice3A_167 = vector.extract_strided_slice %add3A_15 {offsets = [0, 1280], sizes = [1024, 128], strides = [1, 1]} : vector<1024x2176xf32> to vector<1024x128xf32>
    %reduce_min3A_168 = arith.constant dense<0x7F800000> : vector<1024xf32>
    %reduce_min3A_169 = vector.multi_reduction <minimumf>, %slice3A_167, %reduce_min3A_168 [1] : vector<1024x128xf32> to vector<1024xf32>
    %broadcast_in_dim3A_170 = vector.shape_cast %reduce_min3A_169 : vector<1024xf32> to vector<1024x1xf32>
    %swap3A_171 = arith.constant 0 : index
    %swap3A_172 = arith.constant 0 : index
    %swap3A_173 = arith.constant 10 : index
    %swap3A_174 = vector.load %arg7[%swap3A_171, %swap3A_172, %swap3A_173] : memref<1x1024x17xf32, #tpu.memory_space<vmem>>, vector<1x1024x1xf32>
    %swap3A_175 = vector.shape_cast %swap3A_174 : vector<1x1024x1xf32> to vector<1024x1xf32>
    %swap3A_176 = vector.shape_cast %broadcast_in_dim3A_170 : vector<1024x1xf32> to vector<1x1024x1xf32>
    tpu.vector_store %arg7[%swap3A_171, %swap3A_172, %swap3A_173], %swap3A_176 {strides = array<i32>} : memref<1x1024x17xf32, #tpu.memory_space<vmem>>, vector<1x1024x1xf32>,
    %slice3A_177 = vector.extract_strided_slice %reshape3A {offsets = [0, 0, 1408], sizes = [128, 8, 128], strides = [1, 1, 1]} : vector<128x8x2176xf32> to vector<128x8x128xf32>
    %swap3A_178 = arith.constant 0 : index
    %swap3A_179 = arith.constant 88 : index
    %swap3A_180 = arith.constant 0 : index
    %swap3A_181 = vector.load %arg6[%swap3A_178, %swap3A_179, %swap3A_180] : memref<128x136x128xf32, #tpu.memory_space<vmem>>, vector<128x8x128xf32>
    tpu.vector_store %arg6[%swap3A_178, %swap3A_179, %swap3A_180], %slice3A_177 {strides = array<i32>} : memref<128x136x128xf32, #tpu.memory_space<vmem>>, vector<128x8x128xf32>,
    %slice3A_182 = vector.extract_strided_slice %add3A_15 {offsets = [0, 1408], sizes = [1024, 128], strides = [1, 1]} : vector<1024x2176xf32> to vector<1024x128xf32>
    %reduce_min3A_183 = arith.constant dense<0x7F800000> : vector<1024xf32>
    %reduce_min3A_184 = vector.multi_reduction <minimumf>, %slice3A_182, %reduce_min3A_183 [1] : vector<1024x128xf32> to vector<1024xf32>
    %broadcast_in_dim3A_185 = vector.shape_cast %reduce_min3A_184 : vector<1024xf32> to vector<1024x1xf32>
    %swap3A_186 = arith.constant 0 : index
    %swap3A_187 = arith.constant 0 : index
    %swap3A_188 = arith.constant 11 : index
    %swap3A_189 = vector.load %arg7[%swap3A_186, %swap3A_187, %swap3A_188] : memref<1x1024x17xf32, #tpu.memory_space<vmem>>, vector<1x1024x1xf32>
    %swap3A_190 = vector.shape_cast %swap3A_189 : vector<1x1024x1xf32> to vector<1024x1xf32>
    %swap3A_191 = vector.shape_cast %broadcast_in_dim3A_185 : vector<1024x1xf32> to vector<1x1024x1xf32>
    tpu.vector_store %arg7[%swap3A_186, %swap3A_187, %swap3A_188], %swap3A_191 {strides = array<i32>} : memref<1x1024x17xf32, #tpu.memory_space<vmem>>, vector<1x1024x1xf32>,
    %slice3A_192 = vector.extract_strided_slice %reshape3A {offsets = [0, 0, 1536], sizes = [128, 8, 128], strides = [1, 1, 1]} : vector<128x8x2176xf32> to vector<128x8x128xf32>
    %swap3A_193 = arith.constant 0 : index
    %swap3A_194 = arith.constant 96 : index
    %swap3A_195 = arith.constant 0 : index
    %swap3A_196 = vector.load %arg6[%swap3A_193, %swap3A_194, %swap3A_195] : memref<128x136x128xf32, #tpu.memory_space<vmem>>, vector<128x8x128xf32>
    tpu.vector_store %arg6[%swap3A_193, %swap3A_194, %swap3A_195], %slice3A_192 {strides = array<i32>} : memref<128x136x128xf32, #tpu.memory_space<vmem>>, vector<128x8x128xf32>,
    %slice3A_197 = vector.extract_strided_slice %add3A_15 {offsets = [0, 1536], sizes = [1024, 128], strides = [1, 1]} : vector<1024x2176xf32> to vector<1024x128xf32>
    %reduce_min3A_198 = arith.constant dense<0x7F800000> : vector<1024xf32>
    %reduce_min3A_199 = vector.multi_reduction <minimumf>, %slice3A_197, %reduce_min3A_198 [1] : vector<1024x128xf32> to vector<1024xf32>
    %broadcast_in_dim3A_200 = vector.shape_cast %reduce_min3A_199 : vector<1024xf32> to vector<1024x1xf32>
    %swap3A_201 = arith.constant 0 : index
    %swap3A_202 = arith.constant 0 : index
    %swap3A_203 = arith.constant 12 : index
    %swap3A_204 = vector.load %arg7[%swap3A_201, %swap3A_202, %swap3A_203] : memref<1x1024x17xf32, #tpu.memory_space<vmem>>, vector<1x1024x1xf32>
    %swap3A_205 = vector.shape_cast %swap3A_204 : vector<1x1024x1xf32> to vector<1024x1xf32>
    %swap3A_206 = vector.shape_cast %broadcast_in_dim3A_200 : vector<1024x1xf32> to vector<1x1024x1xf32>
    tpu.vector_store %arg7[%swap3A_201, %swap3A_202, %swap3A_203], %swap3A_206 {strides = array<i32>} : memref<1x1024x17xf32, #tpu.memory_space<vmem>>, vector<1x1024x1xf32>,
    %slice3A_207 = vector.extract_strided_slice %reshape3A {offsets = [0, 0, 1664], sizes = [128, 8, 128], strides = [1, 1, 1]} : vector<128x8x2176xf32> to vector<128x8x128xf32>
    %swap3A_208 = arith.constant 0 : index
    %swap3A_209 = arith.constant 104 : index
    %swap3A_210 = arith.constant 0 : index
    %swap3A_211 = vector.load %arg6[%swap3A_208, %swap3A_209, %swap3A_210] : memref<128x136x128xf32, #tpu.memory_space<vmem>>, vector<128x8x128xf32>
    tpu.vector_store %arg6[%swap3A_208, %swap3A_209, %swap3A_210], %slice3A_207 {strides = array<i32>} : memref<128x136x128xf32, #tpu.memory_space<vmem>>, vector<128x8x128xf32>,
    %slice3A_212 = vector.extract_strided_slice %add3A_15 {offsets = [0, 1664], sizes = [1024, 128], strides = [1, 1]} : vector<1024x2176xf32> to vector<1024x128xf32>
    %reduce_min3A_213 = arith.constant dense<0x7F800000> : vector<1024xf32>
    %reduce_min3A_214 = vector.multi_reduction <minimumf>, %slice3A_212, %reduce_min3A_213 [1] : vector<1024x128xf32> to vector<1024xf32>
    %broadcast_in_dim3A_215 = vector.shape_cast %reduce_min3A_214 : vector<1024xf32> to vector<1024x1xf32>
    %swap3A_216 = arith.constant 0 : index
    %swap3A_217 = arith.constant 0 : index
    %swap3A_218 = arith.constant 13 : index
    %swap3A_219 = vector.load %arg7[%swap3A_216, %swap3A_217, %swap3A_218] : memref<1x1024x17xf32, #tpu.memory_space<vmem>>, vector<1x1024x1xf32>
    %swap3A_220 = vector.shape_cast %swap3A_219 : vector<1x1024x1xf32> to vector<1024x1xf32>
    %swap3A_221 = vector.shape_cast %broadcast_in_dim3A_215 : vector<1024x1xf32> to vector<1x1024x1xf32>
    tpu.vector_store %arg7[%swap3A_216, %swap3A_217, %swap3A_218], %swap3A_221 {strides = array<i32>} : memref<1x1024x17xf32, #tpu.memory_space<vmem>>, vector<1x1024x1xf32>,
    %slice3A_222 = vector.extract_strided_slice %reshape3A {offsets = [0, 0, 1792], sizes = [128, 8, 128], strides = [1, 1, 1]} : vector<128x8x2176xf32> to vector<128x8x128xf32>
    %swap3A_223 = arith.constant 0 : index
    %swap3A_224 = arith.constant 112 : index
    %swap3A_225 = arith.constant 0 : index
    %swap3A_226 = vector.load %arg6[%swap3A_223, %swap3A_224, %swap3A_225] : memref<128x136x128xf32, #tpu.memory_space<vmem>>, vector<128x8x128xf32>
    tpu.vector_store %arg6[%swap3A_223, %swap3A_224, %swap3A_225], %slice3A_222 {strides = array<i32>} : memref<128x136x128xf32, #tpu.memory_space<vmem>>, vector<128x8x128xf32>,
    %slice3A_227 = vector.extract_strided_slice %add3A_15 {offsets = [0, 1792], sizes = [1024, 128], strides = [1, 1]} : vector<1024x2176xf32> to vector<1024x128xf32>
    %reduce_min3A_228 = arith.constant dense<0x7F800000> : vector<1024xf32>
    %reduce_min3A_229 = vector.multi_reduction <minimumf>, %slice3A_227, %reduce_min3A_228 [1] : vector<1024x128xf32> to vector<1024xf32>
    %broadcast_in_dim3A_230 = vector.shape_cast %reduce_min3A_229 : vector<1024xf32> to vector<1024x1xf32>
    %swap3A_231 = arith.constant 0 : index
    %swap3A_232 = arith.constant 0 : index
    %swap3A_233 = arith.constant 14 : index
    %swap3A_234 = vector.load %arg7[%swap3A_231, %swap3A_232, %swap3A_233] : memref<1x1024x17xf32, #tpu.memory_space<vmem>>, vector<1x1024x1xf32>
    %swap3A_235 = vector.shape_cast %swap3A_234 : vector<1x1024x1xf32> to vector<1024x1xf32>
    %swap3A_236 = vector.shape_cast %broadcast_in_dim3A_230 : vector<1024x1xf32> to vector<1x1024x1xf32>
    tpu.vector_store %arg7[%swap3A_231, %swap3A_232, %swap3A_233], %swap3A_236 {strides = array<i32>} : memref<1x1024x17xf32, #tpu.memory_space<vmem>>, vector<1x1024x1xf32>,
    %slice3A_237 = vector.extract_strided_slice %reshape3A {offsets = [0, 0, 1920], sizes = [128, 8, 128], strides = [1, 1, 1]} : vector<128x8x2176xf32> to vector<128x8x128xf32>
    %swap3A_238 = arith.constant 0 : index
    %swap3A_239 = arith.constant 120 : index
    %swap3A_240 = arith.constant 0 : index
    %swap3A_241 = vector.load %arg6[%swap3A_238, %swap3A_239, %swap3A_240] : memref<128x136x128xf32, #tpu.memory_space<vmem>>, vector<128x8x128xf32>
    tpu.vector_store %arg6[%swap3A_238, %swap3A_239, %swap3A_240], %slice3A_237 {strides = array<i32>} : memref<128x136x128xf32, #tpu.memory_space<vmem>>, vector<128x8x128xf32>,
    %slice3A_242 = vector.extract_strided_slice %add3A_15 {offsets = [0, 1920], sizes = [1024, 128], strides = [1, 1]} : vector<1024x2176xf32> to vector<1024x128xf32>
    %reduce_min3A_243 = arith.constant dense<0x7F800000> : vector<1024xf32>
    %reduce_min3A_244 = vector.multi_reduction <minimumf>, %slice3A_242, %reduce_min3A_243 [1] : vector<1024x128xf32> to vector<1024xf32>
    %broadcast_in_dim3A_245 = vector.shape_cast %reduce_min3A_244 : vector<1024xf32> to vector<1024x1xf32>
    %swap3A_246 = arith.constant 0 : index
    %swap3A_247 = arith.constant 0 : index
    %swap3A_248 = arith.constant 15 : index
    %swap3A_249 = vector.load %arg7[%swap3A_246, %swap3A_247, %swap3A_248] : memref<1x1024x17xf32, #tpu.memory_space<vmem>>, vector<1x1024x1xf32>
    %swap3A_250 = vector.shape_cast %swap3A_249 : vector<1x1024x1xf32> to vector<1024x1xf32>
    %swap3A_251 = vector.shape_cast %broadcast_in_dim3A_245 : vector<1024x1xf32> to vector<1x1024x1xf32>
    tpu.vector_store %arg7[%swap3A_246, %swap3A_247, %swap3A_248], %swap3A_251 {strides = array<i32>} : memref<1x1024x17xf32, #tpu.memory_space<vmem>>, vector<1x1024x1xf32>,
    %slice3A_252 = vector.extract_strided_slice %reshape3A {offsets = [0, 0, 2048], sizes = [128, 8, 128], strides = [1, 1, 1]} : vector<128x8x2176xf32> to vector<128x8x128xf32>
    %swap3A_253 = arith.constant 0 : index
    %swap3A_254 = arith.constant 128 : index
    %swap3A_255 = arith.constant 0 : index
    %swap3A_256 = vector.load %arg6[%swap3A_253, %swap3A_254, %swap3A_255] : memref<128x136x128xf32, #tpu.memory_space<vmem>>, vector<128x8x128xf32>
    tpu.vector_store %arg6[%swap3A_253, %swap3A_254, %swap3A_255], %slice3A_252 {strides = array<i32>} : memref<128x136x128xf32, #tpu.memory_space<vmem>>, vector<128x8x128xf32>,
    %slice3A_257 = vector.extract_strided_slice %add3A_15 {offsets = [0, 2048], sizes = [1024, 128], strides = [1, 1]} : vector<1024x2176xf32> to vector<1024x128xf32>
    %reduce_min3A_258 = arith.constant dense<0x7F800000> : vector<1024xf32>
    %reduce_min3A_259 = vector.multi_reduction <minimumf>, %slice3A_257, %reduce_min3A_258 [1] : vector<1024x128xf32> to vector<1024xf32>
    %broadcast_in_dim3A_260 = vector.shape_cast %reduce_min3A_259 : vector<1024xf32> to vector<1024x1xf32>
    %swap3A_261 = arith.constant 0 : index
    %swap3A_262 = arith.constant 0 : index
    %swap3A_263 = arith.constant 16 : index
    %swap3A_264 = vector.load %arg7[%swap3A_261, %swap3A_262, %swap3A_263] : memref<1x1024x17xf32, #tpu.memory_space<vmem>>, vector<1x1024x1xf32>
    %swap3A_265 = vector.shape_cast %swap3A_264 : vector<1x1024x1xf32> to vector<1024x1xf32>
    %swap3A_266 = vector.shape_cast %broadcast_in_dim3A_260 : vector<1024x1xf32> to vector<1x1024x1xf32>
    tpu.vector_store %arg7[%swap3A_261, %swap3A_262, %swap3A_263], %swap3A_266 {strides = array<i32>} : memref<1x1024x17xf32, #tpu.memory_space<vmem>>, vector<1x1024x1xf32>,
    return
  }
  func.func @transform_0(%arg0: i32, %arg1: i32) -> (i32, i32) {
    %c0_i32 = arith.constant 0 : i32
    %c0_i32_0 = arith.constant 0 : i32
    return %arg0, %c0_i32 : i32, i32
  }
  func.func @transform_1(%arg0: i32, %arg1: i32) -> (i32, i32) {
    %c0_i32 = arith.constant 0 : i32
    %c0_i32_0 = arith.constant 0 : i32
    return %c0_i32, %arg1 : i32, i32
  }
  func.func @transform_2(%arg0: i32, %arg1: i32) -> (i32, i32) {
    %c0_i32 = arith.constant 0 : i32
    %c0_i32_0 = arith.constant 0 : i32
    return %arg0, %c0_i32 : i32, i32
  }
  func.func @transform_3(%arg0: i32, %arg1: i32) -> (i32, i32) {
    %c0_i32 = arith.constant 0 : i32
    %c0_i32_0 = arith.constant 0 : i32
    return %arg1, %c0_i32 : i32, i32
  }
  func.func @transform_4(%arg0: i32, %arg1: i32) -> (i32, i32, i32) {
    %c0_i32 = arith.constant 0 : i32
    %c0_i32_0 = arith.constant 0 : i32
    return %arg0, %arg1, %c0_i32 : i32, i32, i32
  }
  func.func @transform_5(%arg0: i32, %arg1: i32) -> (i32, i32, i32) {
    %c0_i32 = arith.constant 0 : i32
    %c0_i32_0 = arith.constant 0 : i32
    return %arg1, %arg0, %c0_i32 : i32, i32, i32
  }
}

module attributes {stable_mosaic.version = 14 : i64} {
  func.func @_stage2(%arg0: i32, %arg1: memref<128x782xf32, #tpu.memory_space<vmem>>, %arg2: memref<128x10xi32, #tpu.memory_space<vmem>>, %arg3: memref<128x10xi32, #tpu.memory_space<vmem>>) attributes {dimension_semantics = [#tpu.dimension_semantics<arbitrary>], iteration_bounds = array<i64: 8>, scalar_prefetch = 0 : i64, scratch_operands = 0 : i64, tpu.core_type = #tpu.core_type<tc>, window_params = [{transform_indices = @transform_0, window_bounds = array<i64: 128, 782>}, {transform_indices = @transform_1, window_bounds = array<i64: 128, 10>}, {transform_indices = @transform_2, window_bounds = array<i64: 128, 10>}]} {
    %get3A = arith.constant 0 : index
    %get3A_0 = arith.constant 0 : index
    %get3A_1 = vector.load %arg1[%get3A, %get3A_0] : memref<128x782xf32, #tpu.memory_space<vmem>>, vector<128x782xf32>
    %iota3A = tpu.iota {dimensions = array<i32: 1>} : vector<128x782xi32>
    %iota3A_2 = tpu.iota {dimensions = array<i32: 0>} : vector<128x1xi32>
    %mul3A = arith.constant 128 : i32
    %mul3A_3 = arith.muli %arg0, %mul3A : i32
    %add3A = vector.broadcast %mul3A_3 : i32 to vector<128x1xi32>
    %add3A_4 = arith.addi %iota3A_2, %add3A : vector<128x1xi32>
    %jit3A = arith.constant 8 : i32
    %div3A = vector.broadcast %jit3A : i32 to vector<128x1xi32>
    %div3A_5 = arith.divsi %add3A_4, %div3A : vector<128x1xi32>
    %sign3A = arith.constant 0 : i32
    %sign3A_6 = vector.broadcast %sign3A : i32 to vector<128x1xi32>
    %sign3A_7 = arith.cmpi sgt, %add3A_4, %sign3A_6 : vector<128x1xi32>
    %sign3A_8 = arith.extui %sign3A_7 : vector<128x1xi1> to vector<128x1xi32>
    %sign3A_9 = arith.constant 0 : i32
    %sign3A_10 = vector.broadcast %sign3A_9 : i32 to vector<128x1xi32>
    %sign3A_11 = arith.cmpi slt, %add3A_4, %sign3A_10 : vector<128x1xi32>
    %sign3A_12 = arith.extui %sign3A_11 : vector<128x1xi1> to vector<128x1xi32>
    %sign3A_13 = arith.subi %sign3A_8, %sign3A_12 : vector<128x1xi32>
    %sign3A_14 = arith.constant 0 : i32
    %sign3A_15 = arith.cmpi sgt, %jit3A, %sign3A_14 : i32
    %sign3A_16 = arith.extui %sign3A_15 : i1 to i32
    %sign3A_17 = arith.constant 0 : i32
    %sign3A_18 = arith.cmpi slt, %jit3A, %sign3A_17 : i32
    %sign3A_19 = arith.extui %sign3A_18 : i1 to i32
    %sign3A_20 = arith.subi %sign3A_16, %sign3A_19 : i32
    %ne3A = vector.broadcast %sign3A_20 : i32 to vector<128x1xi32>
    %ne3A_21 = arith.cmpi ne, %sign3A_13, %ne3A : vector<128x1xi32>
    %rem3A = vector.broadcast %jit3A : i32 to vector<128x1xi32>
    %rem3A_22 = arith.remsi %add3A_4, %rem3A : vector<128x1xi32>
    %ne3A_23 = arith.constant 0 : i32
    %ne3A_24 = vector.broadcast %ne3A_23 : i32 to vector<128x1xi32>
    %ne3A_25 = arith.cmpi ne, %rem3A_22, %ne3A_24 : vector<128x1xi32>
    %and3A = arith.andi %ne3A_21, %ne3A_25 : vector<128x1xi1>
    %sub3A = arith.constant 1 : i32
    %sub3A_26 = vector.broadcast %sub3A : i32 to vector<128x1xi32>
    %sub3A_27 = arith.subi %div3A_5, %sub3A_26 : vector<128x1xi32>
    %select_n3A = arith.select %and3A, %sub3A_27, %div3A_5 : vector<128x1xi1>, vector<128x1xi32>
    %mul3A_28 = arith.constant 6256 : i32
    %mul3A_29 = vector.broadcast %mul3A_28 : i32 to vector<128x1xi32>
    %mul3A_30 = arith.muli %select_n3A, %mul3A_29 : vector<128x1xi32>
    %jit3A_31 = arith.constant 8 : i32
    %eq3A = arith.constant 0 : i32
    %eq3A_32 = arith.cmpi eq, %jit3A_31, %eq3A : i32
    %jit3A_33 = arith.constant 1 : i32
    %select_n3A_34 = arith.select %eq3A_32, %jit3A_33, %jit3A_31 : i32
    %rem3A_35 = vector.broadcast %select_n3A_34 : i32 to vector<128x1xi32>
    %rem3A_36 = arith.remsi %add3A_4, %rem3A_35 : vector<128x1xi32>
    %ne3A_37 = arith.constant 0 : i32
    %ne3A_38 = vector.broadcast %ne3A_37 : i32 to vector<128x1xi32>
    %ne3A_39 = arith.cmpi ne, %rem3A_36, %ne3A_38 : vector<128x1xi32>
    %lt3A = arith.constant 0 : i32
    %lt3A_40 = vector.broadcast %lt3A : i32 to vector<128x1xi32>
    %lt3A_41 = arith.cmpi slt, %rem3A_36, %lt3A_40 : vector<128x1xi32>
    %lt3A_42 = arith.constant 0 : i32
    %lt3A_43 = arith.cmpi slt, %select_n3A_34, %lt3A_42 : i32
    %ne3A_44 = vector.broadcast %lt3A_43 : i1 to vector<128x1xi1>
    %ne3A_45 = vector.broadcast %ne3A_44 : vector<128x1xi1> to vector<128x1xi1>
    %ne3A_46 = arith.xori %lt3A_41, %ne3A_45 : vector<128x1xi1>
    %and3A_47 = arith.andi %ne3A_46, %ne3A_39 : vector<128x1xi1>
    %add3A_48 = vector.broadcast %select_n3A_34 : i32 to vector<128x1xi32>
    %add3A_49 = arith.addi %rem3A_36, %add3A_48 : vector<128x1xi32>
    %select_n3A_50 = arith.select %and3A_47, %add3A_49, %rem3A_36 : vector<128x1xi1>, vector<128x1xi32>
    %add3A_51 = arith.addi %mul3A_30, %select_n3A_50 : vector<128x1xi32>
    %reduce_min3A = arith.constant dense<0x7F800000> : vector<128xf32>
    %reduce_min3A_52 = vector.multi_reduction <minimumf>, %get3A_1, %reduce_min3A [1] : vector<128x782xf32> to vector<128xf32>
    %broadcast_in_dim3A = vector.shape_cast %reduce_min3A_52 : vector<128xf32> to vector<128x1xf32>
    %eq3A_53 = vector.broadcast %broadcast_in_dim3A : vector<128x1xf32> to vector<128x782xf32>
    %eq3A_54 = arith.cmpf oeq, %get3A_1, %eq3A_53 : vector<128x782xf32>
    %jit3A_55 = arith.constant 1073741824 : i32
    %broadcast_in_dim3A_56 = vector.broadcast %jit3A_55 : i32 to vector<128x782xi32>
    %select_n3A_57 = arith.select %eq3A_54, %iota3A, %broadcast_in_dim3A_56 : vector<128x782xi1>, vector<128x782xi32>
    %reduce_min3A_58 = arith.constant dense<2147483647> : vector<128xi32>
    %reduce_min3A_59 = vector.multi_reduction <minsi>, %select_n3A_57, %reduce_min3A_58 [1] : vector<128x782xi32> to vector<128xi32>
    %broadcast_in_dim3A_60 = vector.shape_cast %reduce_min3A_59 : vector<128xi32> to vector<128x1xi32>
    %eq3A_61 = vector.broadcast %broadcast_in_dim3A_60 : vector<128x1xi32> to vector<128x782xi32>
    %eq3A_62 = arith.cmpi eq, %iota3A, %eq3A_61 : vector<128x782xi32>
    %jit3A_63 = arith.constant 0x7F800000 : f32
    %broadcast_in_dim3A_64 = vector.broadcast %jit3A_63 : f32 to vector<128x782xf32>
    %select_n3A_65 = arith.select %eq3A_62, %broadcast_in_dim3A_64, %get3A_1 : vector<128x782xi1>, vector<128x782xf32>
    %reduce_min3A_66 = arith.constant dense<0x7F800000> : vector<128xf32>
    %reduce_min3A_67 = vector.multi_reduction <minimumf>, %select_n3A_65, %reduce_min3A_66 [1] : vector<128x782xf32> to vector<128xf32>
    %broadcast_in_dim3A_68 = vector.shape_cast %reduce_min3A_67 : vector<128xf32> to vector<128x1xf32>
    %eq3A_69 = vector.broadcast %broadcast_in_dim3A_68 : vector<128x1xf32> to vector<128x782xf32>
    %eq3A_70 = arith.cmpf oeq, %select_n3A_65, %eq3A_69 : vector<128x782xf32>
    %jit3A_71 = arith.constant 1073741824 : i32
    %broadcast_in_dim3A_72 = vector.broadcast %jit3A_71 : i32 to vector<128x782xi32>
    %select_n3A_73 = arith.select %eq3A_70, %iota3A, %broadcast_in_dim3A_72 : vector<128x782xi1>, vector<128x782xi32>
    %reduce_min3A_74 = arith.constant dense<2147483647> : vector<128xi32>
    %reduce_min3A_75 = vector.multi_reduction <minsi>, %select_n3A_73, %reduce_min3A_74 [1] : vector<128x782xi32> to vector<128xi32>
    %broadcast_in_dim3A_76 = vector.shape_cast %reduce_min3A_75 : vector<128xi32> to vector<128x1xi32>
    %eq3A_77 = vector.broadcast %broadcast_in_dim3A_76 : vector<128x1xi32> to vector<128x782xi32>
    %eq3A_78 = arith.cmpi eq, %iota3A, %eq3A_77 : vector<128x782xi32>
    %jit3A_79 = arith.constant 0x7F800000 : f32
    %broadcast_in_dim3A_80 = vector.broadcast %jit3A_79 : f32 to vector<128x782xf32>
    %select_n3A_81 = arith.select %eq3A_78, %broadcast_in_dim3A_80, %select_n3A_65 : vector<128x782xi1>, vector<128x782xf32>
    %reduce_min3A_82 = arith.constant dense<0x7F800000> : vector<128xf32>
    %reduce_min3A_83 = vector.multi_reduction <minimumf>, %select_n3A_81, %reduce_min3A_82 [1] : vector<128x782xf32> to vector<128xf32>
    %broadcast_in_dim3A_84 = vector.shape_cast %reduce_min3A_83 : vector<128xf32> to vector<128x1xf32>
    %eq3A_85 = vector.broadcast %broadcast_in_dim3A_84 : vector<128x1xf32> to vector<128x782xf32>
    %eq3A_86 = arith.cmpf oeq, %select_n3A_81, %eq3A_85 : vector<128x782xf32>
    %jit3A_87 = arith.constant 1073741824 : i32
    %broadcast_in_dim3A_88 = vector.broadcast %jit3A_87 : i32 to vector<128x782xi32>
    %select_n3A_89 = arith.select %eq3A_86, %iota3A, %broadcast_in_dim3A_88 : vector<128x782xi1>, vector<128x782xi32>
    %reduce_min3A_90 = arith.constant dense<2147483647> : vector<128xi32>
    %reduce_min3A_91 = vector.multi_reduction <minsi>, %select_n3A_89, %reduce_min3A_90 [1] : vector<128x782xi32> to vector<128xi32>
    %broadcast_in_dim3A_92 = vector.shape_cast %reduce_min3A_91 : vector<128xi32> to vector<128x1xi32>
    %eq3A_93 = vector.broadcast %broadcast_in_dim3A_92 : vector<128x1xi32> to vector<128x782xi32>
    %eq3A_94 = arith.cmpi eq, %iota3A, %eq3A_93 : vector<128x782xi32>
    %jit3A_95 = arith.constant 0x7F800000 : f32
    %broadcast_in_dim3A_96 = vector.broadcast %jit3A_95 : f32 to vector<128x782xf32>
    %select_n3A_97 = arith.select %eq3A_94, %broadcast_in_dim3A_96, %select_n3A_81 : vector<128x782xi1>, vector<128x782xf32>
    %reduce_min3A_98 = arith.constant dense<0x7F800000> : vector<128xf32>
    %reduce_min3A_99 = vector.multi_reduction <minimumf>, %select_n3A_97, %reduce_min3A_98 [1] : vector<128x782xf32> to vector<128xf32>
    %broadcast_in_dim3A_100 = vector.shape_cast %reduce_min3A_99 : vector<128xf32> to vector<128x1xf32>
    %eq3A_101 = vector.broadcast %broadcast_in_dim3A_100 : vector<128x1xf32> to vector<128x782xf32>
    %eq3A_102 = arith.cmpf oeq, %select_n3A_97, %eq3A_101 : vector<128x782xf32>
    %jit3A_103 = arith.constant 1073741824 : i32
    %broadcast_in_dim3A_104 = vector.broadcast %jit3A_103 : i32 to vector<128x782xi32>
    %select_n3A_105 = arith.select %eq3A_102, %iota3A, %broadcast_in_dim3A_104 : vector<128x782xi1>, vector<128x782xi32>
    %reduce_min3A_106 = arith.constant dense<2147483647> : vector<128xi32>
    %reduce_min3A_107 = vector.multi_reduction <minsi>, %select_n3A_105, %reduce_min3A_106 [1] : vector<128x782xi32> to vector<128xi32>
    %broadcast_in_dim3A_108 = vector.shape_cast %reduce_min3A_107 : vector<128xi32> to vector<128x1xi32>
    %eq3A_109 = vector.broadcast %broadcast_in_dim3A_108 : vector<128x1xi32> to vector<128x782xi32>
    %eq3A_110 = arith.cmpi eq, %iota3A, %eq3A_109 : vector<128x782xi32>
    %jit3A_111 = arith.constant 0x7F800000 : f32
    %broadcast_in_dim3A_112 = vector.broadcast %jit3A_111 : f32 to vector<128x782xf32>
    %select_n3A_113 = arith.select %eq3A_110, %broadcast_in_dim3A_112, %select_n3A_97 : vector<128x782xi1>, vector<128x782xf32>
    %reduce_min3A_114 = arith.constant dense<0x7F800000> : vector<128xf32>
    %reduce_min3A_115 = vector.multi_reduction <minimumf>, %select_n3A_113, %reduce_min3A_114 [1] : vector<128x782xf32> to vector<128xf32>
    %broadcast_in_dim3A_116 = vector.shape_cast %reduce_min3A_115 : vector<128xf32> to vector<128x1xf32>
    %eq3A_117 = vector.broadcast %broadcast_in_dim3A_116 : vector<128x1xf32> to vector<128x782xf32>
    %eq3A_118 = arith.cmpf oeq, %select_n3A_113, %eq3A_117 : vector<128x782xf32>
    %jit3A_119 = arith.constant 1073741824 : i32
    %broadcast_in_dim3A_120 = vector.broadcast %jit3A_119 : i32 to vector<128x782xi32>
    %select_n3A_121 = arith.select %eq3A_118, %iota3A, %broadcast_in_dim3A_120 : vector<128x782xi1>, vector<128x782xi32>
    %reduce_min3A_122 = arith.constant dense<2147483647> : vector<128xi32>
    %reduce_min3A_123 = vector.multi_reduction <minsi>, %select_n3A_121, %reduce_min3A_122 [1] : vector<128x782xi32> to vector<128xi32>
    %broadcast_in_dim3A_124 = vector.shape_cast %reduce_min3A_123 : vector<128xi32> to vector<128x1xi32>
    %eq3A_125 = vector.broadcast %broadcast_in_dim3A_124 : vector<128x1xi32> to vector<128x782xi32>
    %eq3A_126 = arith.cmpi eq, %iota3A, %eq3A_125 : vector<128x782xi32>
    %jit3A_127 = arith.constant 0x7F800000 : f32
    %broadcast_in_dim3A_128 = vector.broadcast %jit3A_127 : f32 to vector<128x782xf32>
    %select_n3A_129 = arith.select %eq3A_126, %broadcast_in_dim3A_128, %select_n3A_113 : vector<128x782xi1>, vector<128x782xf32>
    %reduce_min3A_130 = arith.constant dense<0x7F800000> : vector<128xf32>
    %reduce_min3A_131 = vector.multi_reduction <minimumf>, %select_n3A_129, %reduce_min3A_130 [1] : vector<128x782xf32> to vector<128xf32>
    %broadcast_in_dim3A_132 = vector.shape_cast %reduce_min3A_131 : vector<128xf32> to vector<128x1xf32>
    %eq3A_133 = vector.broadcast %broadcast_in_dim3A_132 : vector<128x1xf32> to vector<128x782xf32>
    %eq3A_134 = arith.cmpf oeq, %select_n3A_129, %eq3A_133 : vector<128x782xf32>
    %jit3A_135 = arith.constant 1073741824 : i32
    %broadcast_in_dim3A_136 = vector.broadcast %jit3A_135 : i32 to vector<128x782xi32>
    %select_n3A_137 = arith.select %eq3A_134, %iota3A, %broadcast_in_dim3A_136 : vector<128x782xi1>, vector<128x782xi32>
    %reduce_min3A_138 = arith.constant dense<2147483647> : vector<128xi32>
    %reduce_min3A_139 = vector.multi_reduction <minsi>, %select_n3A_137, %reduce_min3A_138 [1] : vector<128x782xi32> to vector<128xi32>
    %broadcast_in_dim3A_140 = vector.shape_cast %reduce_min3A_139 : vector<128xi32> to vector<128x1xi32>
    %eq3A_141 = vector.broadcast %broadcast_in_dim3A_140 : vector<128x1xi32> to vector<128x782xi32>
    %eq3A_142 = arith.cmpi eq, %iota3A, %eq3A_141 : vector<128x782xi32>
    %jit3A_143 = arith.constant 0x7F800000 : f32
    %broadcast_in_dim3A_144 = vector.broadcast %jit3A_143 : f32 to vector<128x782xf32>
    %select_n3A_145 = arith.select %eq3A_142, %broadcast_in_dim3A_144, %select_n3A_129 : vector<128x782xi1>, vector<128x782xf32>
    %reduce_min3A_146 = arith.constant dense<0x7F800000> : vector<128xf32>
    %reduce_min3A_147 = vector.multi_reduction <minimumf>, %select_n3A_145, %reduce_min3A_146 [1] : vector<128x782xf32> to vector<128xf32>
    %broadcast_in_dim3A_148 = vector.shape_cast %reduce_min3A_147 : vector<128xf32> to vector<128x1xf32>
    %eq3A_149 = vector.broadcast %broadcast_in_dim3A_148 : vector<128x1xf32> to vector<128x782xf32>
    %eq3A_150 = arith.cmpf oeq, %select_n3A_145, %eq3A_149 : vector<128x782xf32>
    %jit3A_151 = arith.constant 1073741824 : i32
    %broadcast_in_dim3A_152 = vector.broadcast %jit3A_151 : i32 to vector<128x782xi32>
    %select_n3A_153 = arith.select %eq3A_150, %iota3A, %broadcast_in_dim3A_152 : vector<128x782xi1>, vector<128x782xi32>
    %reduce_min3A_154 = arith.constant dense<2147483647> : vector<128xi32>
    %reduce_min3A_155 = vector.multi_reduction <minsi>, %select_n3A_153, %reduce_min3A_154 [1] : vector<128x782xi32> to vector<128xi32>
    %broadcast_in_dim3A_156 = vector.shape_cast %reduce_min3A_155 : vector<128xi32> to vector<128x1xi32>
    %eq3A_157 = vector.broadcast %broadcast_in_dim3A_156 : vector<128x1xi32> to vector<128x782xi32>
    %eq3A_158 = arith.cmpi eq, %iota3A, %eq3A_157 : vector<128x782xi32>
    %jit3A_159 = arith.constant 0x7F800000 : f32
    %broadcast_in_dim3A_160 = vector.broadcast %jit3A_159 : f32 to vector<128x782xf32>
    %select_n3A_161 = arith.select %eq3A_158, %broadcast_in_dim3A_160, %select_n3A_145 : vector<128x782xi1>, vector<128x782xf32>
    %reduce_min3A_162 = arith.constant dense<0x7F800000> : vector<128xf32>
    %reduce_min3A_163 = vector.multi_reduction <minimumf>, %select_n3A_161, %reduce_min3A_162 [1] : vector<128x782xf32> to vector<128xf32>
    %broadcast_in_dim3A_164 = vector.shape_cast %reduce_min3A_163 : vector<128xf32> to vector<128x1xf32>
    %eq3A_165 = vector.broadcast %broadcast_in_dim3A_164 : vector<128x1xf32> to vector<128x782xf32>
    %eq3A_166 = arith.cmpf oeq, %select_n3A_161, %eq3A_165 : vector<128x782xf32>
    %jit3A_167 = arith.constant 1073741824 : i32
    %broadcast_in_dim3A_168 = vector.broadcast %jit3A_167 : i32 to vector<128x782xi32>
    %select_n3A_169 = arith.select %eq3A_166, %iota3A, %broadcast_in_dim3A_168 : vector<128x782xi1>, vector<128x782xi32>
    %reduce_min3A_170 = arith.constant dense<2147483647> : vector<128xi32>
    %reduce_min3A_171 = vector.multi_reduction <minsi>, %select_n3A_169, %reduce_min3A_170 [1] : vector<128x782xi32> to vector<128xi32>
    %broadcast_in_dim3A_172 = vector.shape_cast %reduce_min3A_171 : vector<128xi32> to vector<128x1xi32>
    %eq3A_173 = vector.broadcast %broadcast_in_dim3A_172 : vector<128x1xi32> to vector<128x782xi32>
    %eq3A_174 = arith.cmpi eq, %iota3A, %eq3A_173 : vector<128x782xi32>
    %jit3A_175 = arith.constant 0x7F800000 : f32
    %broadcast_in_dim3A_176 = vector.broadcast %jit3A_175 : f32 to vector<128x782xf32>
    %select_n3A_177 = arith.select %eq3A_174, %broadcast_in_dim3A_176, %select_n3A_161 : vector<128x782xi1>, vector<128x782xf32>
    %reduce_min3A_178 = arith.constant dense<0x7F800000> : vector<128xf32>
    %reduce_min3A_179 = vector.multi_reduction <minimumf>, %select_n3A_177, %reduce_min3A_178 [1] : vector<128x782xf32> to vector<128xf32>
    %broadcast_in_dim3A_180 = vector.shape_cast %reduce_min3A_179 : vector<128xf32> to vector<128x1xf32>
    %eq3A_181 = vector.broadcast %broadcast_in_dim3A_180 : vector<128x1xf32> to vector<128x782xf32>
    %eq3A_182 = arith.cmpf oeq, %select_n3A_177, %eq3A_181 : vector<128x782xf32>
    %jit3A_183 = arith.constant 1073741824 : i32
    %broadcast_in_dim3A_184 = vector.broadcast %jit3A_183 : i32 to vector<128x782xi32>
    %select_n3A_185 = arith.select %eq3A_182, %iota3A, %broadcast_in_dim3A_184 : vector<128x782xi1>, vector<128x782xi32>
    %reduce_min3A_186 = arith.constant dense<2147483647> : vector<128xi32>
    %reduce_min3A_187 = vector.multi_reduction <minsi>, %select_n3A_185, %reduce_min3A_186 [1] : vector<128x782xi32> to vector<128xi32>
    %broadcast_in_dim3A_188 = vector.shape_cast %reduce_min3A_187 : vector<128xi32> to vector<128x1xi32>
    %eq3A_189 = vector.broadcast %broadcast_in_dim3A_188 : vector<128x1xi32> to vector<128x782xi32>
    %eq3A_190 = arith.cmpi eq, %iota3A, %eq3A_189 : vector<128x782xi32>
    %jit3A_191 = arith.constant 0x7F800000 : f32
    %broadcast_in_dim3A_192 = vector.broadcast %jit3A_191 : f32 to vector<128x782xf32>
    %select_n3A_193 = arith.select %eq3A_190, %broadcast_in_dim3A_192, %select_n3A_177 : vector<128x782xi1>, vector<128x782xf32>
    %reduce_min3A_194 = arith.constant dense<0x7F800000> : vector<128xf32>
    %reduce_min3A_195 = vector.multi_reduction <minimumf>, %select_n3A_193, %reduce_min3A_194 [1] : vector<128x782xf32> to vector<128xf32>
    %broadcast_in_dim3A_196 = vector.shape_cast %reduce_min3A_195 : vector<128xf32> to vector<128x1xf32>
    %eq3A_197 = vector.broadcast %broadcast_in_dim3A_196 : vector<128x1xf32> to vector<128x782xf32>
    %eq3A_198 = arith.cmpf oeq, %select_n3A_193, %eq3A_197 : vector<128x782xf32>
    %jit3A_199 = arith.constant 1073741824 : i32
    %broadcast_in_dim3A_200 = vector.broadcast %jit3A_199 : i32 to vector<128x782xi32>
    %select_n3A_201 = arith.select %eq3A_198, %iota3A, %broadcast_in_dim3A_200 : vector<128x782xi1>, vector<128x782xi32>
    %reduce_min3A_202 = arith.constant dense<2147483647> : vector<128xi32>
    %reduce_min3A_203 = vector.multi_reduction <minsi>, %select_n3A_201, %reduce_min3A_202 [1] : vector<128x782xi32> to vector<128xi32>
    %broadcast_in_dim3A_204 = vector.shape_cast %reduce_min3A_203 : vector<128xi32> to vector<128x1xi32>
    %min3A = arith.minsi %broadcast_in_dim3A_60, %broadcast_in_dim3A_76 : vector<128x1xi32>
    %max3A = arith.maxsi %broadcast_in_dim3A_60, %broadcast_in_dim3A_76 : vector<128x1xi32>
    %min3A_205 = arith.minsi %broadcast_in_dim3A_92, %broadcast_in_dim3A_108 : vector<128x1xi32>
    %max3A_206 = arith.maxsi %broadcast_in_dim3A_92, %broadcast_in_dim3A_108 : vector<128x1xi32>
    %min3A_207 = arith.minsi %broadcast_in_dim3A_124, %broadcast_in_dim3A_140 : vector<128x1xi32>
    %max3A_208 = arith.maxsi %broadcast_in_dim3A_124, %broadcast_in_dim3A_140 : vector<128x1xi32>
    %min3A_209 = arith.minsi %broadcast_in_dim3A_156, %broadcast_in_dim3A_172 : vector<128x1xi32>
    %max3A_210 = arith.maxsi %broadcast_in_dim3A_156, %broadcast_in_dim3A_172 : vector<128x1xi32>
    %min3A_211 = arith.minsi %broadcast_in_dim3A_188, %broadcast_in_dim3A_204 : vector<128x1xi32>
    %max3A_212 = arith.maxsi %broadcast_in_dim3A_188, %broadcast_in_dim3A_204 : vector<128x1xi32>
    %min3A_213 = arith.minsi %max3A, %min3A_205 : vector<128x1xi32>
    %max3A_214 = arith.maxsi %max3A, %min3A_205 : vector<128x1xi32>
    %min3A_215 = arith.minsi %max3A_206, %min3A_207 : vector<128x1xi32>
    %max3A_216 = arith.maxsi %max3A_206, %min3A_207 : vector<128x1xi32>
    %min3A_217 = arith.minsi %max3A_208, %min3A_209 : vector<128x1xi32>
    %max3A_218 = arith.maxsi %max3A_208, %min3A_209 : vector<128x1xi32>
    %min3A_219 = arith.minsi %max3A_210, %min3A_211 : vector<128x1xi32>
    %max3A_220 = arith.maxsi %max3A_210, %min3A_211 : vector<128x1xi32>
    %min3A_221 = arith.minsi %min3A, %min3A_213 : vector<128x1xi32>
    %max3A_222 = arith.maxsi %min3A, %min3A_213 : vector<128x1xi32>
    %min3A_223 = arith.minsi %max3A_214, %min3A_215 : vector<128x1xi32>
    %max3A_224 = arith.maxsi %max3A_214, %min3A_215 : vector<128x1xi32>
    %min3A_225 = arith.minsi %max3A_216, %min3A_217 : vector<128x1xi32>
    %max3A_226 = arith.maxsi %max3A_216, %min3A_217 : vector<128x1xi32>
    %min3A_227 = arith.minsi %max3A_218, %min3A_219 : vector<128x1xi32>
    %max3A_228 = arith.maxsi %max3A_218, %min3A_219 : vector<128x1xi32>
    %min3A_229 = arith.minsi %max3A_220, %max3A_212 : vector<128x1xi32>
    %max3A_230 = arith.maxsi %max3A_220, %max3A_212 : vector<128x1xi32>
    %min3A_231 = arith.minsi %max3A_222, %min3A_223 : vector<128x1xi32>
    %max3A_232 = arith.maxsi %max3A_222, %min3A_223 : vector<128x1xi32>
    %min3A_233 = arith.minsi %max3A_224, %min3A_225 : vector<128x1xi32>
    %max3A_234 = arith.maxsi %max3A_224, %min3A_225 : vector<128x1xi32>
    %min3A_235 = arith.minsi %max3A_226, %min3A_227 : vector<128x1xi32>
    %max3A_236 = arith.maxsi %max3A_226, %min3A_227 : vector<128x1xi32>
    %min3A_237 = arith.minsi %max3A_228, %min3A_229 : vector<128x1xi32>
    %max3A_238 = arith.maxsi %max3A_228, %min3A_229 : vector<128x1xi32>
    %min3A_239 = arith.minsi %min3A_221, %min3A_231 : vector<128x1xi32>
    %max3A_240 = arith.maxsi %min3A_221, %min3A_231 : vector<128x1xi32>
    %min3A_241 = arith.minsi %max3A_232, %min3A_233 : vector<128x1xi32>
    %max3A_242 = arith.maxsi %max3A_232, %min3A_233 : vector<128x1xi32>
    %min3A_243 = arith.minsi %max3A_234, %min3A_235 : vector<128x1xi32>
    %max3A_244 = arith.maxsi %max3A_234, %min3A_235 : vector<128x1xi32>
    %min3A_245 = arith.minsi %max3A_236, %min3A_237 : vector<128x1xi32>
    %max3A_246 = arith.maxsi %max3A_236, %min3A_237 : vector<128x1xi32>
    %min3A_247 = arith.minsi %max3A_238, %max3A_230 : vector<128x1xi32>
    %max3A_248 = arith.maxsi %max3A_238, %max3A_230 : vector<128x1xi32>
    %min3A_249 = arith.minsi %max3A_240, %min3A_241 : vector<128x1xi32>
    %max3A_250 = arith.maxsi %max3A_240, %min3A_241 : vector<128x1xi32>
    %min3A_251 = arith.minsi %max3A_242, %min3A_243 : vector<128x1xi32>
    %max3A_252 = arith.maxsi %max3A_242, %min3A_243 : vector<128x1xi32>
    %min3A_253 = arith.minsi %max3A_244, %min3A_245 : vector<128x1xi32>
    %max3A_254 = arith.maxsi %max3A_244, %min3A_245 : vector<128x1xi32>
    %min3A_255 = arith.minsi %max3A_246, %min3A_247 : vector<128x1xi32>
    %max3A_256 = arith.maxsi %max3A_246, %min3A_247 : vector<128x1xi32>
    %min3A_257 = arith.minsi %min3A_239, %min3A_249 : vector<128x1xi32>
    %max3A_258 = arith.maxsi %min3A_239, %min3A_249 : vector<128x1xi32>
    %min3A_259 = arith.minsi %max3A_250, %min3A_251 : vector<128x1xi32>
    %max3A_260 = arith.maxsi %max3A_250, %min3A_251 : vector<128x1xi32>
    %min3A_261 = arith.minsi %max3A_252, %min3A_253 : vector<128x1xi32>
    %max3A_262 = arith.maxsi %max3A_252, %min3A_253 : vector<128x1xi32>
    %min3A_263 = arith.minsi %max3A_254, %min3A_255 : vector<128x1xi32>
    %max3A_264 = arith.maxsi %max3A_254, %min3A_255 : vector<128x1xi32>
    %min3A_265 = arith.minsi %max3A_256, %max3A_248 : vector<128x1xi32>
    %max3A_266 = arith.maxsi %max3A_256, %max3A_248 : vector<128x1xi32>
    %min3A_267 = arith.minsi %max3A_258, %min3A_259 : vector<128x1xi32>
    %max3A_268 = arith.maxsi %max3A_258, %min3A_259 : vector<128x1xi32>
    %min3A_269 = arith.minsi %max3A_260, %min3A_261 : vector<128x1xi32>
    %max3A_270 = arith.maxsi %max3A_260, %min3A_261 : vector<128x1xi32>
    %min3A_271 = arith.minsi %max3A_262, %min3A_263 : vector<128x1xi32>
    %max3A_272 = arith.maxsi %max3A_262, %min3A_263 : vector<128x1xi32>
    %min3A_273 = arith.minsi %max3A_264, %min3A_265 : vector<128x1xi32>
    %max3A_274 = arith.maxsi %max3A_264, %min3A_265 : vector<128x1xi32>
    %min3A_275 = arith.minsi %min3A_257, %min3A_267 : vector<128x1xi32>
    %max3A_276 = arith.maxsi %min3A_257, %min3A_267 : vector<128x1xi32>
    %min3A_277 = arith.minsi %max3A_268, %min3A_269 : vector<128x1xi32>
    %max3A_278 = arith.maxsi %max3A_268, %min3A_269 : vector<128x1xi32>
    %min3A_279 = arith.minsi %max3A_270, %min3A_271 : vector<128x1xi32>
    %max3A_280 = arith.maxsi %max3A_270, %min3A_271 : vector<128x1xi32>
    %min3A_281 = arith.minsi %max3A_272, %min3A_273 : vector<128x1xi32>
    %max3A_282 = arith.maxsi %max3A_272, %min3A_273 : vector<128x1xi32>
    %min3A_283 = arith.minsi %max3A_274, %max3A_266 : vector<128x1xi32>
    %max3A_284 = arith.maxsi %max3A_274, %max3A_266 : vector<128x1xi32>
    %min3A_285 = arith.minsi %max3A_276, %min3A_277 : vector<128x1xi32>
    %max3A_286 = arith.maxsi %max3A_276, %min3A_277 : vector<128x1xi32>
    %min3A_287 = arith.minsi %max3A_278, %min3A_279 : vector<128x1xi32>
    %max3A_288 = arith.maxsi %max3A_278, %min3A_279 : vector<128x1xi32>
    %min3A_289 = arith.minsi %max3A_280, %min3A_281 : vector<128x1xi32>
    %max3A_290 = arith.maxsi %max3A_280, %min3A_281 : vector<128x1xi32>
    %min3A_291 = arith.minsi %max3A_282, %min3A_283 : vector<128x1xi32>
    %max3A_292 = arith.maxsi %max3A_282, %min3A_283 : vector<128x1xi32>
    %mul3A_293 = arith.constant 8 : i32
    %mul3A_294 = vector.broadcast %mul3A_293 : i32 to vector<128x1xi32>
    %mul3A_295 = arith.muli %min3A_275, %mul3A_294 : vector<128x1xi32>
    %add3A_296 = arith.addi %add3A_51, %mul3A_295 : vector<128x1xi32>
    %mul3A_297 = arith.constant 8 : i32
    %mul3A_298 = vector.broadcast %mul3A_297 : i32 to vector<128x1xi32>
    %mul3A_299 = arith.muli %min3A_285, %mul3A_298 : vector<128x1xi32>
    %add3A_300 = arith.addi %add3A_51, %mul3A_299 : vector<128x1xi32>
    %mul3A_301 = arith.constant 8 : i32
    %mul3A_302 = vector.broadcast %mul3A_301 : i32 to vector<128x1xi32>
    %mul3A_303 = arith.muli %max3A_286, %mul3A_302 : vector<128x1xi32>
    %add3A_304 = arith.addi %add3A_51, %mul3A_303 : vector<128x1xi32>
    %mul3A_305 = arith.constant 8 : i32
    %mul3A_306 = vector.broadcast %mul3A_305 : i32 to vector<128x1xi32>
    %mul3A_307 = arith.muli %min3A_287, %mul3A_306 : vector<128x1xi32>
    %add3A_308 = arith.addi %add3A_51, %mul3A_307 : vector<128x1xi32>
    %mul3A_309 = arith.constant 8 : i32
    %mul3A_310 = vector.broadcast %mul3A_309 : i32 to vector<128x1xi32>
    %mul3A_311 = arith.muli %max3A_288, %mul3A_310 : vector<128x1xi32>
    %add3A_312 = arith.addi %add3A_51, %mul3A_311 : vector<128x1xi32>
    %mul3A_313 = arith.constant 8 : i32
    %mul3A_314 = vector.broadcast %mul3A_313 : i32 to vector<128x1xi32>
    %mul3A_315 = arith.muli %min3A_289, %mul3A_314 : vector<128x1xi32>
    %add3A_316 = arith.addi %add3A_51, %mul3A_315 : vector<128x1xi32>
    %mul3A_317 = arith.constant 8 : i32
    %mul3A_318 = vector.broadcast %mul3A_317 : i32 to vector<128x1xi32>
    %mul3A_319 = arith.muli %max3A_290, %mul3A_318 : vector<128x1xi32>
    %add3A_320 = arith.addi %add3A_51, %mul3A_319 : vector<128x1xi32>
    %mul3A_321 = arith.constant 8 : i32
    %mul3A_322 = vector.broadcast %mul3A_321 : i32 to vector<128x1xi32>
    %mul3A_323 = arith.muli %min3A_291, %mul3A_322 : vector<128x1xi32>
    %add3A_324 = arith.addi %add3A_51, %mul3A_323 : vector<128x1xi32>
    %mul3A_325 = arith.constant 8 : i32
    %mul3A_326 = vector.broadcast %mul3A_325 : i32 to vector<128x1xi32>
    %mul3A_327 = arith.muli %max3A_292, %mul3A_326 : vector<128x1xi32>
    %add3A_328 = arith.addi %add3A_51, %mul3A_327 : vector<128x1xi32>
    %mul3A_329 = arith.constant 8 : i32
    %mul3A_330 = vector.broadcast %mul3A_329 : i32 to vector<128x1xi32>
    %mul3A_331 = arith.muli %max3A_284, %mul3A_330 : vector<128x1xi32>
    %add3A_332 = arith.addi %add3A_51, %mul3A_331 : vector<128x1xi32>
    %concatenate3A = tpu.concatenate %add3A_296, %add3A_300, %add3A_304, %add3A_308, %add3A_312, %add3A_316, %add3A_320, %add3A_324, %add3A_328, %add3A_332 in 1 : vector<128x1xi32>, vector<128x1xi32>, vector<128x1xi32>, vector<128x1xi32>, vector<128x1xi32>, vector<128x1xi32>, vector<128x1xi32>, vector<128x1xi32>, vector<128x1xi32>, vector<128x1xi32> -> vector<128x10xi32>
    %swap3A = arith.constant 0 : index
    %swap3A_333 = arith.constant 0 : index
    %swap3A_334 = vector.load %arg2[%swap3A, %swap3A_333] : memref<128x10xi32, #tpu.memory_space<vmem>>, vector<128x10xi32>
    tpu.vector_store %arg2[%swap3A, %swap3A_333], %concatenate3A {strides = array<i32>} : memref<128x10xi32, #tpu.memory_space<vmem>>, vector<128x10xi32>,
    %mul3A_335 = arith.constant 128 : i32
    %mul3A_336 = vector.broadcast %mul3A_335 : i32 to vector<128x1xi32>
    %mul3A_337 = arith.muli %min3A_275, %mul3A_336 : vector<128x1xi32>
    %mul3A_338 = arith.constant 128 : i32
    %mul3A_339 = vector.broadcast %mul3A_338 : i32 to vector<128x1xi32>
    %mul3A_340 = arith.muli %min3A_285, %mul3A_339 : vector<128x1xi32>
    %mul3A_341 = arith.constant 128 : i32
    %mul3A_342 = vector.broadcast %mul3A_341 : i32 to vector<128x1xi32>
    %mul3A_343 = arith.muli %max3A_286, %mul3A_342 : vector<128x1xi32>
    %mul3A_344 = arith.constant 128 : i32
    %mul3A_345 = vector.broadcast %mul3A_344 : i32 to vector<128x1xi32>
    %mul3A_346 = arith.muli %min3A_287, %mul3A_345 : vector<128x1xi32>
    %mul3A_347 = arith.constant 128 : i32
    %mul3A_348 = vector.broadcast %mul3A_347 : i32 to vector<128x1xi32>
    %mul3A_349 = arith.muli %max3A_288, %mul3A_348 : vector<128x1xi32>
    %mul3A_350 = arith.constant 128 : i32
    %mul3A_351 = vector.broadcast %mul3A_350 : i32 to vector<128x1xi32>
    %mul3A_352 = arith.muli %min3A_289, %mul3A_351 : vector<128x1xi32>
    %mul3A_353 = arith.constant 128 : i32
    %mul3A_354 = vector.broadcast %mul3A_353 : i32 to vector<128x1xi32>
    %mul3A_355 = arith.muli %max3A_290, %mul3A_354 : vector<128x1xi32>
    %mul3A_356 = arith.constant 128 : i32
    %mul3A_357 = vector.broadcast %mul3A_356 : i32 to vector<128x1xi32>
    %mul3A_358 = arith.muli %min3A_291, %mul3A_357 : vector<128x1xi32>
    %mul3A_359 = arith.constant 128 : i32
    %mul3A_360 = vector.broadcast %mul3A_359 : i32 to vector<128x1xi32>
    %mul3A_361 = arith.muli %max3A_292, %mul3A_360 : vector<128x1xi32>
    %mul3A_362 = arith.constant 128 : i32
    %mul3A_363 = vector.broadcast %mul3A_362 : i32 to vector<128x1xi32>
    %mul3A_364 = arith.muli %max3A_284, %mul3A_363 : vector<128x1xi32>
    %concatenate3A_365 = tpu.concatenate %mul3A_337, %mul3A_340, %mul3A_343, %mul3A_346, %mul3A_349, %mul3A_352, %mul3A_355, %mul3A_358, %mul3A_361, %mul3A_364 in 1 : vector<128x1xi32>, vector<128x1xi32>, vector<128x1xi32>, vector<128x1xi32>, vector<128x1xi32>, vector<128x1xi32>, vector<128x1xi32>, vector<128x1xi32>, vector<128x1xi32>, vector<128x1xi32> -> vector<128x10xi32>
    %swap3A_366 = arith.constant 0 : index
    %swap3A_367 = arith.constant 0 : index
    %swap3A_368 = vector.load %arg3[%swap3A_366, %swap3A_367] : memref<128x10xi32, #tpu.memory_space<vmem>>, vector<128x10xi32>
    tpu.vector_store %arg3[%swap3A_366, %swap3A_367], %concatenate3A_365 {strides = array<i32>} : memref<128x10xi32, #tpu.memory_space<vmem>>, vector<128x10xi32>,
    return
  }
  func.func @transform_0(%arg0: i32) -> (i32, i32) {
    %c0_i32 = arith.constant 0 : i32
    %c0_i32_0 = arith.constant 0 : i32
    return %arg0, %c0_i32 : i32, i32
  }
  func.func @transform_1(%arg0: i32) -> (i32, i32) {
    %c0_i32 = arith.constant 0 : i32
    %c0_i32_0 = arith.constant 0 : i32
    return %arg0, %c0_i32 : i32, i32
  }
  func.func @transform_2(%arg0: i32) -> (i32, i32) {
    %c0_i32 = arith.constant 0 : i32
    %c0_i32_0 = arith.constant 0 : i32
    return %arg0, %c0_i32 : i32, i32
  }
}

</mosaic_0001>

<sc_bundles>
// kernel: kernel.5.cloned.1.call-start
scs
__scs_entry_jumppad:
0x0: {  	(pc) =	sbr.rel $0x88, $3  }
0x1: {  	(tag) =	ssettag $0x0;
	lr =	simm.s32 $0x1  }
0x2: {  	[smem:$0x3F9F] =	sst lr;
	_ =	strace $0xD0000000  }
0x3: {  	_ = 	snop  }
0x4: {  	_ = 	snop  }
0x5: {  	_ = 	snop  }
0x6: {  	_ = 	snop  }
0x7: {  	_ = 	snop  }
__scs_overlays_trampoline_lowered:
0x8: {  	[smem:$0x3FAE] =	sst s0  }
0x9: {  	[smem:$0x3FAF] =	sst s1  }
0xa: {  	[smem:$0x3FB0] =	sst s2  }
0xb: {  	[smem:$0x3FB1] =	sst s3  }
0xc: {  	[smem:$0x3FB2] =	sst s4  }
0xd: {  	[smem:$0x3FB3] =	sst s5  }
0xe: {  	[smem:$0x3FB4] =	sst s6  }
0xf: {  	[smem:$0x3FB5] =	sst s7  }
0x10: {  	[smem:$0x3FB6] =	sst s8  }
0x11: {  	[smem:$0x3FB7] =	sst s9;
	s0 =	simm.s32 @!p0 $0x0  }
0x12: {  	s1 =	sld [smem:$0x3F9D];
	s0 =	simm.s32 @p0 $0x1  }
0x13: {  	[smem:$0x3FB8] =	sst s0;
	s0 =	simm.s32 @!p1 $0x0  }
0x14: {  	s2 =	sld [smem:$0x3F9C];
	s0 =	simm.s32 @p1 $0x1  }
0x15: {  	[smem:$0x3FB9] =	sst s0;
	s0 =	simm.s32 @!p2 $0x0  }
0x16: {  	s3 =	sld [smem:$0x3FDB];
	s0 =	simm.s32 @p2 $0x1  }
0x17: {  	s4 =	simm.s32 $0x1BF5;
	[smem:$0x3FBB] =	sst s0  }
0x18: {  	s0 =	sld [smem:$0x3F9E];
	_ =	swait.ge [sflag:s4], $0x0  }
0x19: {  	s7 =	sld [smem:$0x3F9F]  }
0x1a: {  	s8 =	sadd.s32 $0xFFFFE003, lr  }
0x1b: {  	s9 =	sadd.s32 $0xFFFFFEF7, lr;
	s5 =	simm.s32 $0xFFFFFFFF;
	p2 =	slt.u32 s8, $0xFFFFF086  }
0x1c: {  	p1 =	slt.u32 s9, $0xF7A;
	s5 =	simm.s32 @!p2 $0x0  }
0x1d: {  	s5 =	simm.s32 @p1 $0x1;
	p0 =	seq.s32 s7, s2  }
0x1e: {  	s7 =	smul.u32 @!p0 $0xF7A, s2;
	p2 =	seq.s32 @!p0 s5, $0x0  }
0x1f: {  	s9 =	smul.u32 $0xF7A, s1;
	s8 =	simm.s32 @!p0 $0x1BF5;
	p2 =	por !p2, p0  }
0x20: {  	[sflag:s8] =	ssyncset.s32 @!p0 $0xFFFFF086;
	s6 =	sadd.s32 @!p0 s3, s7;
	s7 =	simm.s32 @!p0 $0x108  }
0x21: {  	s3 =	sadd.s32 s3, s9;
	s6 =	sadd.s32 @!p0 $0x88, s6;
	s7 =	simm.s32 @p2 $0x1082  }
0x22: {  	[simem:s7], [sflag:s8] =	dma.local @!p0 [hbm:s6], $0xF7A  }
0x23: {  	s9 =	sor.u32 $0xD0000000, s2;
	s6 =	simm.s32 $0x108;
	_ =	swait.ge @!p0 [sflag:s8], $0x0  }
0x24: {  	s3 =	sadd.s32 $0x88, s3;
	s6 =	simm.s32 @!p1 $0x1082;
	[sflag:s4] =	ssyncset.s32 $0xFFFFF086  }
0x25: {  	[simem:s6], [sflag:s4] =	dma.local [hbm:s3], $0xF7A  }
0x26: {  	[smem:$0x3F9F] =	sst s1;
	(tag) =	ssettag s2;
	_ =	strace s9  }
0x27: {  	s1 =	sld [smem:$0x3FAF]  }
0x28: {  	s2 =	sld [smem:$0x3FB0]  }
0x29: {  	s4 =	sld [smem:$0x3FB2]  }
0x2a: {  	p0 =	seq.s32 s5, $0x0;
	s5 =	sld [smem:$0x3FB3]  }
0x2b: {  	s6 =	sld [smem:$0x3FB4]  }
0x2c: {  	s7 =	sld [smem:$0x3FB5]  }
0x2d: {  	s3 =	simm.s32 $0x108;
	s8 =	sld [smem:$0x3FB6]  }
0x2e: {  	s3 =	simm.s32 @!p0 $0x1082;
	s9 =	sld [smem:$0x3FB7]  }
0x2f: {  	lr =	sadd.s32 s0, s3;
	s0 =	sld [smem:$0x3FAE]  }
0x30: {  	s3 =	sld [smem:$0x3FB1]  }
0x31: {  	[smem:$0x3FBA] =	sst s10  }
0x32: {  	s10 =	sld [smem:$0x3FB8];
	_ =	sdelay $0x3  }
0x33: {  	p0 =	seq.s32 s10, $0x1;
	s10 =	sld [smem:$0x3FBA];
	_ =	sdelay $0x3  }
0x34: {  	[smem:$0x3FBA] =	sst s10  }
0x35: {  	s10 =	sld [smem:$0x3FB9];
	_ =	sdelay $0x3  }
0x36: {  	p1 =	seq.s32 s10, $0x1;
	s10 =	sld [smem:$0x3FBA];
	_ =	sdelay $0x3  }
0x37: {  	[smem:$0x3FBA] =	sst s10  }
0x38: {  	s10 =	sld [smem:$0x3FBB]  }
0x39: {  	_ = 	snop;
	(pc) =	sbr.ind lr, $3  }
0x3a: {  	_ = 	snop  }
0x3b: {  	_ = 	snop  }
0x3c: {  	p2 =	seq.s32 s10, $0x1;
	s10 =	sld [smem:$0x3FBA]  }
0x3d: {  	_ =	shalt  }
0x3e: {  	_ =	shalt  }
0x3f: {  	_ =	shalt  }
0x40: {  	_ =	shalt  }
0x41: {  	_ =	shalt  }
0x42: {  	_ =	shalt  }
0x43: {  	_ =	shalt  }
0x44: {  	_ =	shalt  }
0x45: {  	_ =	shalt  }
0x46: {  	_ =	shalt  }
0x47: {  	_ =	shalt  }
0x48: {  	_ =	shalt  }
0x49: {  	_ =	shalt  }
0x4a: {  	_ =	shalt  }
0x4b: {  	_ =	shalt  }
0x4c: {  	_ =	shalt  }
0x4d: {  	_ =	shalt  }
0x4e: {  	_ =	shalt  }
0x4f: {  	_ =	shalt  }
0x50: {  	_ =	shalt  }
0x51: {  	_ =	shalt  }
0x52: {  	_ =	shalt  }
0x53: {  	_ =	shalt  }
0x54: {  	_ =	shalt  }
0x55: {  	_ =	shalt  }
0x56: {  	_ =	shalt  }
0x57: {  	_ =	shalt  }
0x58: {  	_ =	shalt  }
0x59: {  	_ =	shalt  }
0x5a: {  	_ =	shalt  }
0x5b: {  	_ =	shalt  }
0x5c: {  	_ =	shalt  }
0x5d: {  	_ =	shalt  }
0x5e: {  	_ =	shalt  }
0x5f: {  	_ =	shalt  }
0x60: {  	_ =	shalt  }
0x61: {  	_ =	shalt  }
0x62: {  	_ =	shalt  }
0x63: {  	_ =	shalt  }
0x64: {  	_ =	shalt  }
0x65: {  	_ =	shalt  }
0x66: {  	_ =	shalt  }
0x67: {  	_ =	shalt  }
0x68: {  	_ =	shalt  }
0x69: {  	_ =	shalt  }
0x6a: {  	_ =	shalt  }
0x6b: {  	_ =	shalt  }
0x6c: {  	_ =	shalt  }
0x6d: {  	_ =	shalt  }
0x6e: {  	_ =	shalt  }
0x6f: {  	_ =	shalt  }
0x70: {  	_ =	shalt  }
0x71: {  	_ =	shalt  }
0x72: {  	_ =	shalt  }
0x73: {  	_ =	shalt  }
0x74: {  	_ =	shalt  }
0x75: {  	_ =	shalt  }
0x76: {  	_ =	shalt  }
0x77: {  	_ =	shalt  }
0x78: {  	_ =	shalt  }
0x79: {  	_ =	shalt  }
0x7a: {  	_ =	shalt  }
0x7b: {  	_ =	shalt  }
0x7c: {  	_ =	shalt  }
0x7d: {  	_ =	shalt  }
0x7e: {  	_ =	shalt  }
0x7f: {  	_ =	shalt  }
0x80: {  	_ =	shalt  }
0x81: {  	_ =	shalt  }
0x82: {  	_ =	shalt  }
0x83: {  	_ =	shalt  }
0x84: {  	_ =	shalt  }
0x85: {  	_ =	shalt  }
0x86: {  	_ =	shalt  }
0x87: {  	_ =	shalt  }
.Lfunc_end0:
.L_simem_size_0:
called_computation_lowered:
.L_overlay_start_0:
0x88: {  	s2 =	sld [smem:$0x3FD9]  }
0x89: {  	s3 =	sld [smem:$0x3FFE];
	_ =	sdelay $0x1  }
0x8a: {  	s1 =	srdreg.scid  }
0x8b: {  	s0 =	sand.u32 $0x1, s1  }
0x8c: {  	s14 =	sshll.u32 s0, $0xA;
	s2 =	sadd.s32 s3, s2  }
0x8d: {  	s2 =	sadd.s32 s2, s14  }
0x8e: {  	[smem:$0x3FC6] =	sst s2  }
0x8f: {  	_ = 	snop  }
0x90: {  	s2 =	sld [smem:$0x3FD0];
	_ =	sdelay $0x2  }
0x91: {  	s15 =	simm.s32 $0xA;
	s4 =	simm.s32 $0x10  }
0x92: {  	[smem:s4], [sflag:s15] =	dma.local [hbm:s2], $0x1  }
0x93: {  	_ =	swait.eq [sflag:s15], $0x1  }
0x94: {  	[sflag:s15] =	ssyncset.done $0x0  }
0x95: {  	s16 =	sld [smem:$0x10];
	[sflag:s15] =	ssyncadd.s32 $0xFFFFFFFF  }
0x96: {  	s17 =	sld [smem:$0x11];
	(tm) =	ssettm $0x1  }
0x97: {  	s18 =	sld [smem:$0x3FFB];
	_ =	sdelay $0x3  }
0x98: {  	_ =	strace s18  }
0x99: {  	s4 =	sld [smem:$0x3FFC];
	_ =	sdelay $0x3  }
0x9a: {  	_ =	strace s4  }
0x9b: {  	s4 =	sld [smem:$0x3FFD];
	_ =	sdelay $0x3  }
0x9c: {  	_ =	strace s4  }
0x9d: {  	_ =	strace $0x8FFFFFFF  }
0x9e: {  	s19 =	sld [smem:$0x3FDB];
	_ =	sdelay $0x1  }
0x9f: {  	s5 =	simm.s32 $_scs_section_size  }
0xa0: {  	s6 =	simm.s32 $_size__tile_overlayer_lowered;
	s7 =	simm.s32 $_tile_overlayer_lowered  }
0xa1: {  	s22 =	simm.s32 $0x1BFF;
	s21 =	sshll.u32 s7, $0x1;
	s4 =	sadd.s32 s5, s19  }
0xa2: {  	s8 =	simm.s32 $0x0;
	s20 =	sshll.u32 s6, $0x1;
	s6 =	sadd.s32 s21, s4  }
0xa3: {  	[timem:s8], [sflag:s22] =	dma.local [hbm:s6], s20  }
0xa4: {  	_ =	swait.ge [sflag:s22], s20  }
0xa5: {  	s5 =	ssub.s32 $0x0, s20;
	[sflag:s22] =	ssyncset.done $0x0  }
0xa6: {  	[sflag:s22] =	ssyncadd.s32 s5;
	_ =	sdelay $0x1  }
0xa7: {  	s23 =	simm.s32 $0x1B8B  }
0xa8: {  	_ =	swait.ge [sflag:s23], $0x1  }
0xa9: {  	[sflag:s23] =	ssyncset.done $0x0  }
0xaa: {  	s25 =	simm.s32 $0x1B8E;
	s24 =	sld [smem:$0x3FFE];
	[sflag:s23] =	ssyncadd.s32 $0xFFFFFFFF  }
0xab: {  	s26 =	simm.s32 $execute0_lowered;
	[smem:$0x3FD2] =	sst s25  }
0xac: {  	s6 =	sshll.u32 s26, $0x1;
	_ =	strace $0x80000046;
	[dreg:$0x1] =	wrdreg $0xFFFFFFFF  }
0xad: {  	s28 =	simm.s32 $_size_execute0_lowered;
	s4 =	sadd.s32 s4, s6;
	[dreg:$0x0] =	wrdreg $0x0  }
0xae: {  	s6 =	sshll.u32 s28, $0x1;
	[dreg:$0x2] =	wrdreg s4  }
0xaf: {  	[dreg:$0x3] =	wrdreg s6  }
0xb0: {  	[dreg:$0x4] =	wrdreg $0xC0  }
0xb1: {  	_ =	task [dreg:s8], $0x5FFFF  }
0xb2: {  	[dreg:$0x1] =	wrdreg $0xFFFFFFFF  }
0xb3: {  	[dreg:$0x0] =	wrdreg $0x60  }
0xb4: {  	[dreg:$0x2] =	wrdreg s24  }
0xb5: {  	[dreg:$0x3] =	wrdreg s17  }
0xb6: {  	[dreg:$0x4] =	wrdreg s16  }
0xb7: {  	[dreg:$0x5] =	wrdreg $0x9  }
0xb8: {  	_ =	task.clear_ibuf [dreg:s8], $0x6FFFF;
	_ =	strace $0x90000046  }
0xb9: {  	s29 =	simm.s32 $0x9;
	_ =	strace $0x80000048  }
0xba: {  	_ =	swait.ge [sflag:s29], $0x1  }
0xbb: {  	[sflag:s29] =	ssyncadd.s32 $0xFFFFFFFF  }
0xbc: {  	_ =	strace $0x90000048  }
0xbd: {  	_ =	sfence  }
0xbe: {  	s30 =	sld [smem:$0x0];
	_ =	sdelay $0x2  }
0xbf: {  	s31 =	sshll.u32 s1, $0xD;
	s1 =	sshrl.u32 s1, $0x2  }
0xc0: {  	s3 =	sand.u32 $0x4000, s31;
	s1 =	sadd.s32 s1, s30  }
0xc1: {  	s0 =	sor.u32 s3, s0;
	s1 =	sshll.u32 s1, $0x11  }
0xc2: {  	s0 =	sor.u32 s1, s0  }
0xc3: {  	s0 =	sadd.s32 $0x8F2B, s0  }
0xc4: {  	[sflag:s0] =	ssyncadd.remote.s32 $0x1  }
0xc5: {  	_ =	sfence.sel $0xFFFF  }
0xc6: {  	[dreg:$0x0] =	wrdreg $0xFFFFFFFF;
	(pc) =	sbr.abs _section_cstart, $3  }
0xc7: {  	[dreg:$0x1] =	wrdreg $0xFFFFFFFF  }
0xc8: {  	_ =	task.clear_ibuf [dreg:s8], $0x2FFFF;
	_ =	strace $0x9FFFFFFF  }
0xc9: {  	(tm) =	ssettm $0x7FFFFFFF  }
tec
execute0_lowered:
.L_overlay_start_1:
0x0: {  	(tag) =	ssettag $0x1  }
0x1: {  	v0 =	vimm.s32 $0xFEDCBA98  }
0x2: {  	v1 =	vimm.s32 $0x76543210;
	v2 =	vimm.s32 $0x3210FEDC;
	v3 =	vimm.s32 $0xBA987654  }
0x3: {  	v4 =	vimm.s32 $0x10FEDCBA;
	v5 =	vimm.s32 $0x98765432;
	v6 =	vimm.s32 $0xFEDCBA9  }
0x4: {  	v7 =	vimm.s32 $0x87654321;
	vm0 =	vmmov $0x1;
	vm1 =	vcmask $0x328  }
0x5: {  	vm2 =	vcmask $0x728;
	vm3 =	vcmask $0xB28;
	vm4 =	vcmask $0xF28  }
0x6: {  	vm5 =	vcmask $0x1328;
	vm6 =	vcmask $0x1728;
	vm7 =	vcmask $0x1B28  }
0x7: {  	vm8 =	vcmask $0x1F28;
	vm9 =	vcmask $0x2328;
	vm11 =	vcmask $0x1F1C  }
0x8: {  	v0 =	vunpack.c.l.s4.s8 v0;
	v1 =	vunpack.c.l.s4.s8 v1;
	v2 =	vunpack.c.l.s4.s8 v2  }
0x9: {  	s3 =	srdreg.scid;
	s2 =	stileid.u32;
	v3 =	vunpack.c.l.s4.s8 v3;
	v4 =	vunpack.c.l.s4.s8 v4;
	v5 =	vunpack.c.l.s4.s8 v5  }
0xa: {  	s0 =	rddreg [dreg:$0x0];
	v6 =	vunpack.c.l.s4.s8 v6;
	v7 =	vunpack.c.l.s4.s8 v7;
	s3 =	sand.u32 $0x1, s3;
	s5 =	sshll.u32 s2, $0x1;
	v0 =	vunpack.c.0.s8.s32 v0  }
0xb: {  	s1 =	rddreg [dreg:$0x1];
	s10 =	simm.s32 $0x0;
	s5 =	sor.u32 s3, s5;
	v2 =	vunpack.c.0.s8.s32 v2;
	v3 =	vunpack.c.0.s8.s32 v3;
	v4 =	vunpack.c.0.s8.s32 v4  }
0xc: {  	[smem:$0x7FF] =	sst s10;
	v5 =	vunpack.c.0.s8.s32 v5;
	v6 =	vunpack.c.0.s8.s32 v6;
	v7 =	vunpack.c.0.s8.s32 v7;
	s7 =	sshll.u32 s5, $0x9;
	s5 =	smul.u32 $0x28, s5  }
0xd: {  	s4 =	rddreg [dreg:$0x2];
	vm15 =	vcmask $0x1714;
	s28 =	sadd.s32 $0x23F400, s0;
	_ =	strace $0x80000047;
	v1 =	vunpack.c.0.s8.s32 v1;
	v2 =	vcombine.low v3, v2  }
0xe: {  	s6 =	ssub.s32 $0x2, s3;
	[dreg:$0x4] =	wrdreg s28;
	v0 =	vand.u32 $0xF, v0;
	v3 =	vcombine.low v5, v4;
	v4 =	vcombine.low v7, v6;
	s1 =	sadd.s32 s1, s5  }
0xf: {  	vm10 =	vcmask $0x1B18;
	s0 =	sadd.s32 s7, s0;
	s29 =	sadd.s32 s4, s5;
	v0 =	vcombine.low v0, v1;
	[dreg:$0x5] =	wrdreg s1;
	v1 =	vand.u32 $0xF, v2  }
0x10: {  	s8 =	sshrl.u32 s6, $0x1;
	s30 =	sadd.s32 $0x400, s0;
	[dreg:$0x6] =	wrdreg s29;
	v2 =	vand.u32 $0xF, v3;
	v3 =	vand.u32 $0xF, v4;
	v4 =	vlaneseq.u32  }
0x11: {  	vm12 =	vcmask $0x2320;
	vm13 =	vcmask $0x2724;
	s6 =	ssub.s32 s6, s8;
	s0 =	sadd.s32 $0x4400, s0;
	[dreg:$0x7] =	wrdreg s30;
	v5 =	vor.u32 $0x70, v4  }
0x12: {  	s9 =	simm.s32 $0x2;
	s31 =	smax.u32 s6, $0x1;
	[dreg:$0x8] =	wrdreg s0;
	v6 =	vor.u32 $0x60, v4;
	v7 =	vor.u32 $0x50, v4;
	v8 =	vor.u32 $0x40, v4  }
0x13: {  	s18 =	simm.s32 $0x1;
	s21 =	simm.s32 $0x0;
	[dreg:$0x9] =	wrdreg s31;
	v9 =	vor.u32 $0x30, v4;
	v10 =	vor.u32 $0x20, v4;
	v11 =	vor.u32 $0x10, v4  }
.LBB2_1:
0x14: {  	s0 =	rddreg [dreg:$0x5]  }
0x15: {  	[tilespmem:s10], [sflag:$0x2] =	stream.linear.gather [hbm4b:s0+s10], $0x140, $0x38;
	[tilespmem:$0xC300] =	vst v63  }
0x16: {  	_ =	swait.ge [sflag:s9], $0x140  }
0x17: {  	[sflag:s9] =	ssyncset.done $0x0  }
0x18: {  	s1 =	simm.s32 $0x180;
	s24 =	rddreg [dreg:$0x6];
	[sflag:s9] =	ssyncadd.s32 $0xFFFFFEC0  }
0x19: {  	[tilespmem:s1], [sflag:$0x2] =	stream.linear.gather [hbm4b:s24+s10], $0x140, $0x38;
	[tilespmem:$0xC300] =	vst v63  }
0x1a: {  	_ =	swait.ge [sflag:s9], $0x140  }
0x1b: {  	s26 =	simm.s32 $0x50;
	[sflag:s9] =	ssyncset.done $0x0  }
0x1c: {  	s2 =	simm.s32 $0x300;
	s25 =	rddreg [dreg:$0x4];
	[sflag:s9] =	ssyncadd.s32 $0xFFFFFEC0  }
0x1d: {  	[tilespmem:s2], [sflag:$0x1] =	stream.indirect.gather [hbm4b:s25+s26], $0x80, s10, s26, $0xb8;
	[tilespmem:$0xC300] =	vst v63  }
0x1e: {  	s28 =	simm.s32 $0x2B00  }
0x1f: {  	[tilespmem:s28], [sflag:$0x1] =	stream.indirect.gather [hbm4b:s25+s26], $0x80, s26, s26, $0xb8;
	[tilespmem:$0xC300] =	vst v63  }
0x20: {  	s29 =	simm.s32 $0xA0;
	s3 =	simm.s32 $0x5300  }
0x21: {  	[tilespmem:s3], [sflag:$0x1] =	stream.indirect.gather [hbm4b:s25+s26], $0x80, s29, s26, $0xb8;
	[tilespmem:$0xC300] =	vst v63  }
0x22: {  	s30 =	simm.s32 $0xF0;
	s31 =	simm.s32 $0x7B00  }
0x23: {  	[tilespmem:s31], [sflag:$0x1] =	stream.indirect.gather [hbm4b:s25+s26], $0x80, s30, s26, $0xb8;
	[tilespmem:$0xC300] =	vst v63  }
0x24: {  	_ =	swait.ge [sflag:s18], $0x2800  }
0x25: {  	[sflag:s18] =	ssyncset.done $0x0  }
0x26: {  	[sflag:s18] =	ssyncadd.s32 $0xFFFFD800  }
0x27: {  	_ =	swait.ge [sflag:s18], $0x2800  }
0x28: {  	[sflag:s18] =	ssyncset.done $0x0  }
0x29: {  	[sflag:s18] =	ssyncadd.s32 $0xFFFFD800  }
0x2a: {  	_ =	swait.ge [sflag:s18], $0x2800  }
0x2b: {  	[sflag:s18] =	ssyncset.done $0x0  }
0x2c: {  	[sflag:s18] =	ssyncadd.s32 $0xFFFFD800  }
0x2d: {  	_ =	swait.ge [sflag:s18], $0x2800  }
0x2e: {  	s22 =	simm.s32 $0x580;
	s23 =	simm.s32 $0xB300;
	[sflag:s18] =	ssyncset.done $0x0  }
0x2f: {  	s24 =	simm.s32 $0xA300;
	s25 =	simm.s32 $0x0;
	[sflag:s18] =	ssyncadd.s32 $0xFFFFD800  }
.LBB2_2:
0x30: {  	v12 =	vld [tilespmem:s22+$0xFFFFFD80]  }
0x31: {  	v13 =	vld [tilespmem:s22+$0xFFFFFD90]  }
0x32: {  	v14 =	vld [tilespmem:s22+$0xFFFFFDA0]  }
0x33: {  	v15 =	vld [tilespmem:s22+$0xFFFFFDB0]  }
0x34: {  	v16 =	vld [tilespmem:s22+$0xFFFFFDC0]  }
0x35: {  	v17 =	vld [tilespmem:s22+$0xFFFFFDD0]  }
0x36: {  	v18 =	vld [tilespmem:s22+$0xFFFFFDE0]  }
0x37: {  	v19 =	vld [tilespmem:s22+$0xFFFFFDF0]  }
0x38: {  	v20 =	vld [tilespmem:s22+$0xFFFFFE00]  }
0x39: {  	v21 =	vld [tilespmem:s22+$0xFFFFFE10]  }
0x3a: {  	v22 =	vld [tilespmem:s22+$0xFFFFFE20]  }
0x3b: {  	v23 =	vld [tilespmem:s22+$0xFFFFFE30]  }
0x3c: {  	v24 =	vld [tilespmem:s22+$0xFFFFFE40]  }
0x3d: {  	v25 =	vld [tilespmem:s22+$0xFFFFFE50]  }
0x3e: {  	v26 =	vld [tilespmem:s22+$0xFFFFFE60]  }
0x3f: {  	v27 =	vld [tilespmem:s22+$0xFFFFFE70]  }
0x40: {  	v28 =	vld [tilespmem:s22+$0xFFFFFE80]  }
0x41: {  	v29 =	vld [tilespmem:s22+$0xFFFFFE90]  }
0x42: {  	v30 =	vld [tilespmem:s22+$0xFFFFFEA0]  }
0x43: {  	v31 =	vld [tilespmem:s22+$0xFFFFFEB0]  }
0x44: {  	v32 =	vld [tilespmem:s22+$0xFFFFFEC0]  }
0x45: {  	v33 =	vld [tilespmem:s22+$0xFFFFFED0]  }
0x46: {  	v34 =	vld [tilespmem:s22+$0xFFFFFEE0]  }
0x47: {  	v35 =	vld [tilespmem:s22+$0xFFFFFEF0]  }
0x48: {  	v36 =	vld [tilespmem:s22+$0xFFFFFF00]  }
0x49: {  	v37 =	vld [tilespmem:s22+$0xFFFFFF10]  }
0x4a: {  	v38 =	vld [tilespmem:s22+$0xFFFFFF20]  }
0x4b: {  	v39 =	vld [tilespmem:s22+$0xFFFFFF30]  }
0x4c: {  	v40 =	vld [tilespmem:s22+$0xFFFFFF40]  }
0x4d: {  	v41 =	vld [tilespmem:s22+$0xFFFFFF50]  }
0x4e: {  	v42 =	vld [tilespmem:s22+$0xFFFFFF60]  }
0x4f: {  	v43 =	vld [tilespmem:s22+$0xFFFFFF70]  }
0x50: {  	v44 =	vld [tilespmem:s22+$0xFFFFFF80]  }
0x51: {  	v45 =	vld [tilespmem:s22+$0xFFFFFF90]  }
0x52: {  	v46 =	vld [tilespmem:s22+$0xFFFFFFA0]  }
0x53: {  	v47 =	vld [tilespmem:s22+$0xFFFFFFB0]  }
0x54: {  	v49 =	vld [tilespmem:s22+$0x60]  }
0x55: {  	v12 =	vmin.f32 v12, v13;
	v13 =	vld [tilespmem:s22+$0xFFFFFFC0]  }
0x56: {  	v61 =	vmin.f32 v20, v21;
	v20 =	vld [tilespmem:s22+$0x20]  }
0x57: {  	v21 =	vld [tilespmem:s22+$0x50]  }
0x58: {  	v56 =	vmin.f32 v36, v37;
	v36 =	vld [tilespmem:s22+$0xF0]  }
0x59: {  	v37 =	vld [tilespmem:s22+$0x120]  }
0x5a: {  	v12 =	vmin.f32 v12, v14;
	v14 =	vld [tilespmem:s22+$0xFFFFFFD0]  }
0x5b: {  	v48 =	vmin.f32 v28, v29;
	v59 =	vmin.f32 v44, v45;
	v29 =	vmin.f32 v56, v38;
	v38 =	vld [tilespmem:s22+$0x110]  }
0x5c: {  	v60 =	vmin.f32 v59, v46;
	v46 =	vld [tilespmem:s22+$0x190];
	v12 =	vmin.f32 v12, v15  }
0x5d: {  	v29 =	vmin.f32 v29, v39;
	v39 =	vld [tilespmem:s22+$0x100];
	v12 =	vmin.f32 v12, v16  }
0x5e: {  	v59 =	vld [tilespmem:s22+$0x200];
	v12 =	vmin.f32 v12, v17  }
0x5f: {  	v29 =	vmin.f32 v29, v40;
	v17 =	vld [tilespmem:s22+$0x0];
	v12 =	vmin.f32 v12, v18  }
0x60: {  	v29 =	vmin.f32 v29, v41;
	v18 =	vld [tilespmem:s22+$0x10];
	v12 =	vmin.f32 v12, v19;
	v19 =	vmin.f32 v61, v22  }
0x61: {  	v15 =	vld [tilespmem:s22+$0xFFFFFFE0];
	v29 =	vmin.f32 v29, v42;
	v62 =	vperm.xlane v12, v0;
	v19 =	vmin.f32 v19, v23  }
0x62: {  	v22 =	vld [tilespmem:s22+$0x30];
	v29 =	vmin.f32 v29, v43;
	v42 =	vmin.f32 v39, v38;
	v19 =	vmin.f32 v19, v24  }
0x63: {  	v16 =	vld [tilespmem:s22+$0xFFFFFFF0];
	v12 =	vmin.f32 v12, v62;
	v19 =	vmin.f32 v19, v25;
	v25 =	vmin.f32 v48, v30  }
0x64: {  	v23 =	vld [tilespmem:s22+$0x40];
	v62 =	vperm.xlane v29, v0;
	v63 =	vperm.xlane v12, v1;
	v19 =	vmin.f32 v19, v26  }
0x65: {  	v43 =	vld [tilespmem:s22+$0x230];
	v50 =	vmin.f32 v25, v31;
	v17 =	vmin.f32 v17, v18;
	v19 =	vmin.f32 v19, v27  }
0x66: {  	v30 =	vld [tilespmem:s22+$0x90];
	v24 =	vmin.f32 v50, v32;
	v17 =	vmin.f32 v17, v20;
	v12 =	vmin.f32 v12, v63  }
0x67: {  	v25 =	vld [tilespmem:s22+$0x80];
	v52 =	vperm.xlane v19, v0;
	v24 =	vmin.f32 v24, v33;
	v17 =	vmin.f32 v17, v22  }
0x68: {  	v26 =	vld [tilespmem:s22+$0x70];
	v51 =	vperm.xlane v12, v2;
	v24 =	vmin.f32 v24, v34;
	v34 =	vmin.f32 v60, v47  }
0x69: {  	v31 =	vld [tilespmem:s22+$0xA0];
	v17 =	vmin.f32 v17, v23;
	v19 =	vmin.f32 v19, v52;
	v24 =	vmin.f32 v24, v35  }
0x6a: {  	v48 =	vld [tilespmem:s22+$0x1A0];
	v13 =	vmin.f32 v34, v13;
	v17 =	vmin.f32 v17, v21;
	v12 =	vmin.f32 v12, v51  }
0x6b: {  	v18 =	vld [tilespmem:s22+$0x150];
	v54 =	vperm.xlane v19, v1;
	v55 =	vperm.xlane v24, v0;
	v13 =	vmin.f32 v13, v14  }
0x6c: {  	v23 =	vld [tilespmem:s22+$0x180];
	v17 =	vmin.f32 v17, v49;
	v25 =	vmin.f32 v25, v30;
	v53 =	vperm.xlane v12, v3  }
0x6d: {  	v27 =	vld [tilespmem:s22+$0xB0];
	v13 =	vmin.f32 v13, v15;
	v15 =	vmin.f32 v29, v62;
	v17 =	vmin.f32 v17, v26  }
0x6e: {  	v32 =	vld [tilespmem:s22+$0xE0];
	v25 =	vmin.f32 v25, v31;
	v19 =	vmin.f32 v19, v54;
	v24 =	vmin.f32 v24, v55  }
0x6f: {  	v20 =	vld [tilespmem:s22+$0x160];
	v13 =	vmin.f32 v13, v16;
	v45 =	vperm.xlane v15, v1;
	v51 =	vperm.xlane v17, v0  }
0x70: {  	v50 =	vld [tilespmem:s22+$0x1B0];
	v12 =	vmin.f32 v12, v53;
	v57 =	vperm.xlane v19, v2;
	v58 =	vperm.xlane v24, v1  }
0x71: {  	v33 =	vld [tilespmem:s22+$0xC0];
	v44 =	vperm.xlane v13, v0;
	v21 =	vmin.f32 v23, v46;
	v12 =	vnsel vm0, $0x7F800000, v12  }
0x72: {  	v22 =	vld [tilespmem:s22+$0x170];
	v15 =	vmin.f32 v15, v45;
	v17 =	vmin.f32 v17, v51;
	v19 =	vmin.f32 v19, v57  }
0x73: {  	v35 =	vld [tilespmem:s22+$0xD0];
	v24 =	vmin.f32 v24, v58;
	v40 =	vperm.xlane v15, v2;
	v56 =	vperm.xlane v17, v1  }
0x74: {  	v62 =	vld [tilespmem:s22+$0x210];
	v13 =	vmin.f32 v13, v44;
	v61 =	vperm.xlane v19, v3;
	v63 =	vperm.xlane v24, v2  }
0x75: {  	v34 =	vld [tilespmem:s22+$0x130];
	v44 =	vmin.f32 v42, v37;
	v47 =	vperm.xlane v13, v1;
	v15 =	vmin.f32 v15, v40  }
0x76: {  	v14 =	vld [tilespmem:s22+$0x140];
	v60 =	vmin.f32 v17, v56;
	v19 =	vmin.f32 v19, v61;
	v16 =	vmin.f32 v24, v63  }
0x77: {  	v55 =	vld [tilespmem:s22+$0x1E0];
	v13 =	vmin.f32 v13, v47;
	v54 =	vperm.xlane v15, v3;
	v61 =	vmin.f32 v25, v27  }
0x78: {  	v53 =	vld [tilespmem:s22+$0x1D0];
	v63 =	vperm.xlane v60, v2;
	v47 =	vmin.f32 v21, v48;
	v49 =	vperm.xlane v16, v3  }
0x79: {  	v48 =	vmin.f32 v59, v62;
	v52 =	vperm.xlane v13, v2;
	v17 =	vmin.f32 v61, v33;
	v33 =	vld [tilespmem:s22+$0x220]  }
0x7a: {  	v24 =	vld [tilespmem:s22+$0x1C0];
	v12 =	vsel vm1, v12, v19;
	v15 =	vmin.f32 v15, v54;
	v16 =	vmin.f32 v16, v49  }
0x7b: {  	v46 =	vld [tilespmem:s22+$0x250];
	v41 =	vmin.f32 v17, v35;
	v13 =	vmin.f32 v13, v52;
	v12 =	vsel vm2, v12, v16  }
0x7c: {  	v45 =	vld [tilespmem:s22+$0x240];
	v58 =	vperm.xlane v13, v3;
	v16 =	vmin.f32 v44, v34;
	v12 =	vsel vm3, v12, v15  }
0x7d: {  	v57 =	vld [tilespmem:s22+$0x1F0];
	v15 =	vmin.f32 v60, v63;
	v14 =	vmin.f32 v16, v14;
	v16 =	vmin.f32 v47, v50  }
0x7e: {  	v49 =	vld [tilespmem:s22+$0x260];
	v13 =	vmin.f32 v13, v58;
	v14 =	vmin.f32 v14, v18;
	v50 =	vmin.f32 v48, v33  }
0x7f: {  	v51 =	vld [tilespmem:s22+$0x270];
	v16 =	vmin.f32 v16, v24;
	v12 =	vsel vm4, v12, v13;
	v13 =	vmin.f32 v41, v32  }
0x80: {  	v18 =	vmin.f32 v50, v43;
	v14 =	vmin.f32 v14, v20;
	v16 =	vmin.f32 v16, v53  }
0x81: {  	v13 =	vmin.f32 v13, v36;
	v17 =	vmin.f32 v18, v45;
	v14 =	vmin.f32 v14, v22  }
0x82: {  	v16 =	vmin.f32 v16, v55;
	v52 =	vperm.xlane v13, v0;
	v17 =	vmin.f32 v17, v46  }
0x83: {  	v53 =	vperm.xlane v14, v0;
	v16 =	vmin.f32 v16, v57;
	v17 =	vmin.f32 v17, v49  }
0x84: {  	v54 =	vperm.xlane v16, v0;
	v13 =	vmin.f32 v13, v52;
	v17 =	vmin.f32 v17, v51  }
0x85: {  	v14 =	vmin.f32 v14, v53;
	v55 =	vperm.xlane v13, v1;
	v56 =	vperm.xlane v17, v0  }
0x86: {  	v57 =	vperm.xlane v15, v3;
	v58 =	vperm.xlane v14, v1;
	v16 =	vmin.f32 v16, v54  }
0x87: {  	v19 =	vperm.xlane v16, v1;
	v13 =	vmin.f32 v13, v55;
	v17 =	vmin.f32 v17, v56  }
0x88: {  	v14 =	vmin.f32 v14, v58;
	v59 =	vperm.xlane v13, v2;
	v60 =	vperm.xlane v17, v1  }
0x89: {  	v15 =	vmin.f32 v15, v57;
	v61 =	vperm.xlane v14, v2;
	v16 =	vmin.f32 v16, v19  }
0x8a: {  	v62 =	vperm.xlane v16, v2;
	v13 =	vmin.f32 v13, v59;
	v17 =	vmin.f32 v17, v60  }
0x8b: {  	v14 =	vmin.f32 v14, v61;
	v63 =	vperm.xlane v13, v3;
	v20 =	vperm.xlane v17, v2  }
0x8c: {  	v12 =	vsel vm5, v12, v15;
	v22 =	vperm.xlane v14, v3;
	v16 =	vmin.f32 v16, v62  }
0x8d: {  	v18 =	vperm.xlane v16, v3;
	v13 =	vmin.f32 v13, v63;
	v17 =	vmin.f32 v17, v20  }
0x8e: {  	v23 =	vmin.f32 v14, v22;
	v12 =	vsel vm6, v12, v13;
	v24 =	vperm.xlane v17, v3  }
0x8f: {  	v25 =	vmin.f32 v16, v18;
	v12 =	vsel vm7, v12, v23  }
0x90: {  	v12 =	vsel vm8, v12, v25;
	v26 =	vmin.f32 v17, v24  }
0x91: {  	v13 =	vsel vm9, v12, v26  }
0x92: {  	v12 =	vperm.xlane v13, v0;
	_ =	sdelay $0x1  }
0x93: {  	v12 =	vmin.f32 v13, v12  }
0x94: {  	v27 =	vperm.xlane v12, v1;
	_ =	sdelay $0x1  }
0x95: {  	v12 =	vmin.f32 v12, v27  }
0x96: {  	v14 =	vperm.xlane v12, v2;
	_ =	sdelay $0x1  }
0x97: {  	v12 =	vmin.f32 v12, v14  }
0x98: {  	v14 =	vperm.xlane v12, v3;
	_ =	sdelay $0x1  }
0x99: {  	v12 =	vmin.f32 v12, v14  }
0x9a: {  	vm14 =	veq.f32 v13, v12  }
0x9b: {  	v28 =	vnsel vm14, $0x10, v4  }
0x9c: {  	v29 =	vperm.xlane v28, v0;
	_ =	sdelay $0x1  }
0x9d: {  	vm14 =	vlt.s32 v28, v29  }
0x9e: {  	v14 =	vsel vm14, v28, v29  }
0x9f: {  	v15 =	vperm.xlane v14, v1;
	_ =	sdelay $0x1  }
0xa0: {  	vm14 =	vlt.s32 v14, v15  }
0xa1: {  	v14 =	vsel vm14, v14, v15  }
0xa2: {  	v15 =	vperm.xlane v14, v2;
	_ =	sdelay $0x1  }
0xa3: {  	vm14 =	vlt.s32 v14, v15  }
0xa4: {  	v14 =	vsel vm14, v14, v15  }
0xa5: {  	v15 =	vperm.xlane v14, v3;
	_ =	sdelay $0x1  }
0xa6: {  	vm14 =	vlt.s32 v14, v15  }
0xa7: {  	v14 =	vsel vm14, v14, v15  }
0xa8: {  	(v2sf) =	vpush v14, $0x0;
	_ =	sdelay $0xe  }
0xa9: {  	s0 =	spop (v2sf)  }
0xaa: {  	s4 =	sadd.s32 s25, s0  }
0xab: {  	s1 =	sshll.u32 s4, $0x9  }
0xac: {  	s1 =	sshra.s32 s1, $0x2  }
0xad: {  	v30 =	vld [tilespmem:s1+$0x370]  }
0xae: {  	v31 =	vld [tilespmem:s1+$0x360]  }
0xaf: {  	v32 =	vld [tilespmem:s1+$0x350]  }
0xb0: {  	v33 =	vld [tilespmem:s1+$0x340]  }
0xb1: {  	v34 =	vld [tilespmem:s1+$0x330]  }
0xb2: {  	v35 =	vld [tilespmem:s1+$0x320];
	vm14 =	veq.f32 v30, v12  }
0xb3: {  	v36 =	vld [tilespmem:s1+$0x310];
	v37 =	vnsel vm14, $0x400, v5;
	vm14 =	veq.f32 v31, v12  }
0xb4: {  	v38 =	vld [tilespmem:s1+$0x300];
	v21 =	vsel vm14, v6, v37;
	vm14 =	veq.f32 v32, v12  }
0xb5: {  	v17 =	vsel vm14, v7, v21;
	vm14 =	veq.f32 v33, v12  }
0xb6: {  	v17 =	vsel vm14, v8, v17;
	vm14 =	veq.f32 v34, v12  }
0xb7: {  	v17 =	vsel vm14, v9, v17;
	vm14 =	veq.f32 v35, v12  }
0xb8: {  	v17 =	vsel vm14, v10, v17;
	vm14 =	veq.f32 v36, v12  }
0xb9: {  	v15 =	vsel vm14, v11, v17;
	vm14 =	veq.f32 v38, v12  }
0xba: {  	v15 =	vsel vm14, v4, v15  }
0xbb: {  	v39 =	vperm.xlane v15, v0;
	_ =	sdelay $0x1  }
0xbc: {  	vm14 =	vlt.s32 v15, v39  }
0xbd: {  	v15 =	vsel vm14, v15, v39  }
0xbe: {  	v16 =	vperm.xlane v15, v1;
	_ =	sdelay $0x1  }
0xbf: {  	vm14 =	vlt.s32 v15, v16  }
0xc0: {  	v15 =	vsel vm14, v15, v16  }
0xc1: {  	v16 =	vperm.xlane v15, v2;
	_ =	sdelay $0x1  }
0xc2: {  	vm14 =	vlt.s32 v15, v16  }
0xc3: {  	v15 =	vsel vm14, v15, v16  }
0xc4: {  	v16 =	vperm.xlane v15, v3;
	_ =	sdelay $0x1  }
0xc5: {  	vm14 =	vlt.s32 v15, v16  }
0xc6: {  	v15 =	vsel vm14, v15, v16  }
0xc7: {  	(v2sf) =	vpush v15, $0x0;
	_ =	sdelay $0xe  }
0xc8: {  	s26 =	spop (v2sf)  }
0xc9: {  	s5 =	sand.u32 $0xF, s26  }
0xca: {  	s6 =	sshra.s32 s26, $0x1F;
	p0 =	slt.s32 s26, $0x1;
	p1 =	sne.s32 s5, $0x0  }
0xcb: {  	s7 =	sshrl.u32 s6, $0x1C;
	p0 =	por !p0, !p1  }
0xcc: {  	s6 =	simm.s32 $0x1;
	s5 =	sadd.s32 s7, s26;
	p0 =	por !p0, !p0  }
0xcd: {  	s5 =	sshrl.u32 s5, $0x4;
	s6 =	simm.s32 @!p0 $0x0  }
0xce: {  	s5 =	ssub.s32 s5, s6  }
0xcf: {  	s5 =	sshll.u32 s5, $0x4  }
0xd0: {  	s8 =	sadd.s32 $0x300, s1;
	s10 =	sand.u32 $0xFFFFFF80, s5  }
0xd1: {  	s13 =	sand.u32 $0x70, s5;
	s6 =	sadd.s32 s10, s8  }
0xd2: {  	s12 =	sand.u32 $0xF, s4;
	s7 =	sshra.s32 s4, $0x1F;
	s6 =	sor.u32 s13, s6  }
0xd3: {  	p5 =	slt.s32 s4, $0x1;
	p6 =	sne.s32 s12, $0x0;
	s7 =	sshrl.u32 s7, $0x1C;
	v40 =	vld [tilespmem:s6+$0x0]  }
0xd4: {  	p0 =	por !p5, !p6;
	s4 =	sadd.s32 s7, s4  }
0xd5: {  	s7 =	simm.s32 $0x1;
	p0 =	por !p0, !p0;
	s5 =	ssub.s32 s26, s5  }
0xd6: {  	s4 =	sshrl.u32 s4, $0x4;
	s7 =	simm.s32 @!p0 $0x0;
	v41 =	vmov s5  }
0xd7: {  	s4 =	ssub.s32 s4, s7;
	vm14 =	veq.s32 v41, v4  }
0xd8: {  	s4 =	sshll.u32 s4, $0x4;
	v15 =	vsel vm14, $0x7F800000, v40  }
0xd9: {  	v42 =	vld [tilespmem:s4+$0x180];
	[tilespmem:s6+$0x0] =	vst v15  }
0xda: {  	v15 =	vld [tilespmem:s1+$0x300]  }
0xdb: {  	v43 =	vld [tilespmem:s1+$0x310]  }
0xdc: {  	v44 =	vld [tilespmem:s1+$0x320]  }
0xdd: {  	v45 =	vld [tilespmem:s1+$0x330]  }
0xde: {  	v46 =	vld [tilespmem:s1+$0x340]  }
0xdf: {  	v47 =	vld [tilespmem:s1+$0x350]  }
0xe0: {  	v48 =	vld [tilespmem:s1+$0x360];
	v15 =	vmin.f32 v15, v43  }
0xe1: {  	v49 =	vld [tilespmem:s1+$0x370];
	v15 =	vmin.f32 v15, v44  }
0xe2: {  	v15 =	vmin.f32 v15, v45  }
0xe3: {  	v15 =	vmin.f32 v15, v46  }
0xe4: {  	v15 =	vmin.f32 v15, v47  }
0xe5: {  	v15 =	vmin.f32 v15, v48  }
0xe6: {  	v15 =	vmin.f32 v15, v49  }
0xe7: {  	v50 =	vperm.xlane v15, v0;
	_ =	sdelay $0x1  }
0xe8: {  	v15 =	vmin.f32 v15, v50  }
0xe9: {  	v17 =	vperm.xlane v15, v1;
	_ =	sdelay $0x1  }
0xea: {  	v15 =	vmin.f32 v15, v17  }
0xeb: {  	v17 =	vperm.xlane v15, v2;
	_ =	sdelay $0x1  }
0xec: {  	v15 =	vmin.f32 v15, v17  }
0xed: {  	v17 =	vperm.xlane v15, v3;
	_ =	sdelay $0x1  }
0xee: {  	vm14 =	veq.s32 v14, v4;
	v51 =	vmin.f32 v15, v17  }
0xef: {  	v14 =	vsel vm14, v51, v13  }
0xf0: {  	v13 =	vperm.xlane v14, v0;
	_ =	sdelay $0x1  }
0xf1: {  	v13 =	vmin.f32 v14, v13  }
0xf2: {  	v52 =	vperm.xlane v13, v1;
	_ =	sdelay $0x1  }
0xf3: {  	v13 =	vmin.f32 v13, v52  }
0xf4: {  	v15 =	vperm.xlane v13, v2;
	_ =	sdelay $0x1  }
0xf5: {  	v13 =	vmin.f32 v13, v15  }
0xf6: {  	v15 =	vperm.xlane v13, v3;
	_ =	sdelay $0x1  }
0xf7: {  	v13 =	vmin.f32 v13, v15  }
0xf8: {  	vm14 =	veq.f32 v14, v13  }
0xf9: {  	v53 =	vnsel vm14, $0x10, v4  }
0xfa: {  	v54 =	vperm.xlane v53, v0;
	_ =	sdelay $0x1  }
0xfb: {  	vm14 =	vlt.s32 v53, v54  }
0xfc: {  	v15 =	vsel vm14, v53, v54  }
0xfd: {  	v17 =	vperm.xlane v15, v1;
	_ =	sdelay $0x1  }
0xfe: {  	vm14 =	vlt.s32 v15, v17  }
0xff: {  	v15 =	vsel vm14, v15, v17  }
0x100: {  	v17 =	vperm.xlane v15, v2;
	_ =	sdelay $0x1  }
0x101: {  	s0 =	ssub.s32 s0, s4;
	vm14 =	vlt.s32 v15, v17  }
0x102: {  	s0 =	sadd.s32 s0, s25;
	v15 =	vsel vm14, v15, v17  }
0x103: {  	v55 =	vadd.s32 s0, v4;
	v56 =	vperm.xlane v15, v3  }
0x104: {  	v16 =	vperm.xlane v42, v55  }
0x105: {  	vm14 =	vlt.s32 v15, v56  }
0x106: {  	(v2sf) =	vpush v16, $0x0;
	v15 =	vsel vm14, v15, v56  }
0x107: {  	(v2sf) =	vpush v15, $0x0;
	_ =	sdelay $0xd  }
0x108: {  	s28 =	spop (v2sf)  }
0x109: {  	s11 =	spop (v2sf)  }
0x10a: {  	s14 =	sadd.s32 s25, s11  }
0x10b: {  	s15 =	sshll.u32 s14, $0x9  }
0x10c: {  	s1 =	sshra.s32 s15, $0x2  }
0x10d: {  	v57 =	vld [tilespmem:s1+$0x370]  }
0x10e: {  	v58 =	vld [tilespmem:s1+$0x360]  }
0x10f: {  	v59 =	vld [tilespmem:s1+$0x350]  }
0x110: {  	v60 =	vld [tilespmem:s1+$0x340]  }
0x111: {  	v61 =	vld [tilespmem:s1+$0x330]  }
0x112: {  	v62 =	vld [tilespmem:s1+$0x320];
	vm14 =	veq.f32 v57, v13  }
0x113: {  	v63 =	vld [tilespmem:s1+$0x310];
	v24 =	vnsel vm14, $0x400, v5;
	vm14 =	veq.f32 v58, v13  }
0x114: {  	v25 =	vld [tilespmem:s1+$0x300];
	v22 =	vsel vm14, v6, v24;
	vm14 =	veq.f32 v59, v13  }
0x115: {  	v18 =	vsel vm14, v7, v22;
	vm14 =	veq.f32 v60, v13  }
0x116: {  	v18 =	vsel vm14, v8, v18;
	vm14 =	veq.f32 v61, v13  }
0x117: {  	v18 =	vsel vm14, v9, v18;
	vm14 =	veq.f32 v62, v13  }
0x118: {  	v18 =	vsel vm14, v10, v18;
	vm14 =	veq.f32 v63, v13  }
0x119: {  	v16 =	vsel vm14, v11, v18;
	vm14 =	veq.f32 v25, v13  }
0x11a: {  	v16 =	vsel vm14, v4, v16  }
0x11b: {  	v26 =	vperm.xlane v16, v0;
	_ =	sdelay $0x1  }
0x11c: {  	vm14 =	vlt.s32 v16, v26  }
0x11d: {  	v16 =	vsel vm14, v16, v26  }
0x11e: {  	v17 =	vperm.xlane v16, v1;
	_ =	sdelay $0x1  }
0x11f: {  	vm14 =	vlt.s32 v16, v17  }
0x120: {  	v16 =	vsel vm14, v16, v17  }
0x121: {  	v17 =	vperm.xlane v16, v2;
	_ =	sdelay $0x1  }
0x122: {  	vm14 =	vlt.s32 v16, v17  }
0x123: {  	v16 =	vsel vm14, v16, v17  }
0x124: {  	v17 =	vperm.xlane v16, v3;
	_ =	sdelay $0x1  }
0x125: {  	vm14 =	vlt.s32 v16, v17  }
0x126: {  	v16 =	vsel vm14, v16, v17  }
0x127: {  	(v2sf) =	vpush v16, $0x0;
	_ =	sdelay $0xe  }
0x128: {  	s29 =	spop (v2sf)  }
0x129: {  	s16 =	sand.u32 $0xF, s29  }
0x12a: {  	s17 =	sshra.s32 s29, $0x1F;
	p1 =	slt.s32 s29, $0x1;
	p2 =	sne.s32 s16, $0x0  }
0x12b: {  	s19 =	sshrl.u32 s17, $0x1C;
	p0 =	por !p1, !p2  }
0x12c: {  	s6 =	simm.s32 $0x1;
	s5 =	sadd.s32 s19, s29;
	p0 =	por !p0, !p0  }
0x12d: {  	s5 =	sshrl.u32 s5, $0x4;
	s6 =	simm.s32 @!p0 $0x0  }
0x12e: {  	s5 =	ssub.s32 s5, s6  }
0x12f: {  	s5 =	sshll.u32 s5, $0x4  }
0x130: {  	s20 =	sadd.s32 $0x300, s1;
	s31 =	sand.u32 $0xFFFFFF80, s5  }
0x131: {  	s3 =	sand.u32 $0x70, s5;
	s6 =	sadd.s32 s31, s20  }
0x132: {  	s30 =	sshra.s32 s14, $0x1F;
	s2 =	sand.u32 $0xF, s14;
	s6 =	sor.u32 s3, s6  }
0x133: {  	p3 =	slt.s32 s14, $0x1;
	p4 =	sne.s32 s2, $0x0;
	s7 =	sshrl.u32 s30, $0x1C;
	v27 =	vld [tilespmem:s6+$0x0]  }
0x134: {  	s4 =	sadd.s32 s7, s14;
	p0 =	por !p3, !p4  }
0x135: {  	s7 =	simm.s32 $0x1;
	p0 =	por !p0, !p0;
	s5 =	ssub.s32 s29, s5  }
0x136: {  	s4 =	sshrl.u32 s4, $0x4;
	s7 =	simm.s32 @!p0 $0x0;
	v28 =	vmov s5  }
0x137: {  	s4 =	ssub.s32 s4, s7;
	vm14 =	veq.s32 v28, v4  }
0x138: {  	s4 =	sshll.u32 s4, $0x4;
	v16 =	vsel vm14, $0x7F800000, v27  }
0x139: {  	v29 =	vld [tilespmem:s4+$0x180];
	[tilespmem:s6+$0x0] =	vst v16  }
0x13a: {  	v16 =	vld [tilespmem:s1+$0x300]  }
0x13b: {  	v30 =	vld [tilespmem:s1+$0x310]  }
0x13c: {  	v31 =	vld [tilespmem:s1+$0x320]  }
0x13d: {  	v32 =	vld [tilespmem:s1+$0x330]  }
0x13e: {  	v33 =	vld [tilespmem:s1+$0x340]  }
0x13f: {  	v34 =	vld [tilespmem:s1+$0x350]  }
0x140: {  	v35 =	vld [tilespmem:s1+$0x360];
	v16 =	vmin.f32 v16, v30  }
0x141: {  	v36 =	vld [tilespmem:s1+$0x370];
	v16 =	vmin.f32 v16, v31  }
0x142: {  	v16 =	vmin.f32 v16, v32  }
0x143: {  	v16 =	vmin.f32 v16, v33  }
0x144: {  	v16 =	vmin.f32 v16, v34  }
0x145: {  	v16 =	vmin.f32 v16, v35  }
0x146: {  	v16 =	vmin.f32 v16, v36  }
0x147: {  	v37 =	vperm.xlane v16, v0;
	_ =	sdelay $0x1  }
0x148: {  	v16 =	vmin.f32 v16, v37  }
0x149: {  	v18 =	vperm.xlane v16, v1;
	_ =	sdelay $0x1  }
0x14a: {  	v16 =	vmin.f32 v16, v18  }
0x14b: {  	v18 =	vperm.xlane v16, v2;
	_ =	sdelay $0x1  }
0x14c: {  	v16 =	vmin.f32 v16, v18  }
0x14d: {  	v18 =	vperm.xlane v16, v3;
	_ =	sdelay $0x1  }
0x14e: {  	vm14 =	veq.s32 v15, v4;
	v38 =	vmin.f32 v16, v18  }
0x14f: {  	v15 =	vsel vm14, v38, v14  }
0x150: {  	v14 =	vperm.xlane v15, v0;
	_ =	sdelay $0x1  }
0x151: {  	v14 =	vmin.f32 v15, v14  }
0x152: {  	v39 =	vperm.xlane v14, v1;
	_ =	sdelay $0x1  }
0x153: {  	v14 =	vmin.f32 v14, v39  }
0x154: {  	v16 =	vperm.xlane v14, v2;
	_ =	sdelay $0x1  }
0x155: {  	v14 =	vmin.f32 v14, v16  }
0x156: {  	v16 =	vperm.xlane v14, v3;
	_ =	sdelay $0x1  }
0x157: {  	v14 =	vmin.f32 v14, v16  }
0x158: {  	vm14 =	veq.f32 v15, v14  }
0x159: {  	v40 =	vnsel vm14, $0x10, v4  }
0x15a: {  	v41 =	vperm.xlane v40, v0;
	_ =	sdelay $0x1  }
0x15b: {  	vm14 =	vlt.s32 v40, v41  }
0x15c: {  	v16 =	vsel vm14, v40, v41  }
0x15d: {  	v18 =	vperm.xlane v16, v1;
	_ =	sdelay $0x1  }
0x15e: {  	vm14 =	vlt.s32 v16, v18  }
0x15f: {  	v16 =	vsel vm14, v16, v18  }
0x160: {  	v18 =	vperm.xlane v16, v2;
	_ =	sdelay $0x1  }
0x161: {  	s0 =	ssub.s32 s11, s4;
	vm14 =	vlt.s32 v16, v18  }
0x162: {  	s0 =	sadd.s32 s0, s25;
	v16 =	vsel vm14, v16, v18  }
0x163: {  	v42 =	vadd.s32 s0, v4;
	v43 =	vperm.xlane v16, v3  }
0x164: {  	v17 =	vperm.xlane v29, v42  }
0x165: {  	vm14 =	vlt.s32 v16, v43  }
0x166: {  	(v2sf) =	vpush v17, $0x0;
	v16 =	vsel vm14, v16, v43  }
0x167: {  	(v2sf) =	vpush v16, $0x0;
	_ =	sdelay $0xd  }
0x168: {  	s30 =	spop (v2sf)  }
0x169: {  	s8 =	spop (v2sf)  }
0x16a: {  	s11 =	sadd.s32 s25, s8  }
0x16b: {  	s13 =	sshll.u32 s11, $0x9  }
0x16c: {  	s1 =	sshra.s32 s13, $0x2  }
0x16d: {  	v44 =	vld [tilespmem:s1+$0x370]  }
0x16e: {  	v45 =	vld [tilespmem:s1+$0x360]  }
0x16f: {  	v46 =	vld [tilespmem:s1+$0x350]  }
0x170: {  	v47 =	vld [tilespmem:s1+$0x340]  }
0x171: {  	v48 =	vld [tilespmem:s1+$0x330]  }
0x172: {  	v49 =	vld [tilespmem:s1+$0x320];
	vm14 =	veq.f32 v44, v14  }
0x173: {  	v50 =	vld [tilespmem:s1+$0x310];
	v51 =	vnsel vm14, $0x400, v5;
	vm14 =	veq.f32 v45, v14  }
0x174: {  	v52 =	vld [tilespmem:s1+$0x300];
	v23 =	vsel vm14, v6, v51;
	vm14 =	veq.f32 v46, v14  }
0x175: {  	v19 =	vsel vm14, v7, v23;
	vm14 =	veq.f32 v47, v14  }
0x176: {  	v19 =	vsel vm14, v8, v19;
	vm14 =	veq.f32 v48, v14  }
0x177: {  	v19 =	vsel vm14, v9, v19;
	vm14 =	veq.f32 v49, v14  }
0x178: {  	v19 =	vsel vm14, v10, v19;
	vm14 =	veq.f32 v50, v14  }
0x179: {  	v17 =	vsel vm14, v11, v19;
	vm14 =	veq.f32 v52, v14  }
0x17a: {  	v17 =	vsel vm14, v4, v17  }
0x17b: {  	v53 =	vperm.xlane v17, v0;
	_ =	sdelay $0x1  }
0x17c: {  	vm14 =	vlt.s32 v17, v53  }
0x17d: {  	v17 =	vsel vm14, v17, v53  }
0x17e: {  	v18 =	vperm.xlane v17, v1;
	_ =	sdelay $0x1  }
0x17f: {  	vm14 =	vlt.s32 v17, v18  }
0x180: {  	v17 =	vsel vm14, v17, v18  }
0x181: {  	v18 =	vperm.xlane v17, v2;
	_ =	sdelay $0x1  }
0x182: {  	vm14 =	vlt.s32 v17, v18  }
0x183: {  	v17 =	vsel vm14, v17, v18  }
0x184: {  	v18 =	vperm.xlane v17, v3;
	_ =	sdelay $0x1  }
0x185: {  	vm14 =	vlt.s32 v17, v18  }
0x186: {  	v17 =	vsel vm14, v17, v18  }
0x187: {  	(v2sf) =	vpush v17, $0x0;
	_ =	sdelay $0xe  }
0x188: {  	s31 =	spop (v2sf)  }
0x189: {  	s14 =	sand.u32 $0xF, s31  }
0x18a: {  	s15 =	sshra.s32 s31, $0x1F;
	p5 =	slt.s32 s31, $0x1;
	p6 =	sne.s32 s14, $0x0  }
0x18b: {  	s16 =	sshrl.u32 s15, $0x1C;
	p0 =	por !p5, !p6  }
0x18c: {  	s6 =	simm.s32 $0x1;
	s5 =	sadd.s32 s16, s31;
	p0 =	por !p0, !p0  }
0x18d: {  	s5 =	sshrl.u32 s5, $0x4;
	s6 =	simm.s32 @!p0 $0x0  }
0x18e: {  	s5 =	ssub.s32 s5, s6  }
0x18f: {  	s5 =	sshll.u32 s5, $0x4  }
0x190: {  	s17 =	sadd.s32 $0x300, s1;
	s20 =	sand.u32 $0xFFFFFF80, s5  }
0x191: {  	s3 =	sand.u32 $0x70, s5;
	s6 =	sadd.s32 s20, s17  }
0x192: {  	s19 =	sshra.s32 s11, $0x1F;
	s2 =	sand.u32 $0xF, s11;
	s6 =	sor.u32 s3, s6  }
0x193: {  	p1 =	slt.s32 s11, $0x1;
	p2 =	sne.s32 s2, $0x0;
	s7 =	sshrl.u32 s19, $0x1C;
	v54 =	vld [tilespmem:s6+$0x0]  }
0x194: {  	s4 =	sadd.s32 s7, s11;
	p0 =	por !p1, !p2  }
0x195: {  	s7 =	simm.s32 $0x1;
	p0 =	por !p0, !p0;
	s5 =	ssub.s32 s31, s5  }
0x196: {  	s4 =	sshrl.u32 s4, $0x4;
	s7 =	simm.s32 @!p0 $0x0;
	v55 =	vmov s5  }
0x197: {  	s4 =	ssub.s32 s4, s7;
	vm14 =	veq.s32 v55, v4  }
0x198: {  	s4 =	sshll.u32 s4, $0x4;
	v17 =	vsel vm14, $0x7F800000, v54  }
0x199: {  	v56 =	vld [tilespmem:s4+$0x180];
	[tilespmem:s6+$0x0] =	vst v17  }
0x19a: {  	v17 =	vld [tilespmem:s1+$0x300]  }
0x19b: {  	v57 =	vld [tilespmem:s1+$0x310]  }
0x19c: {  	v58 =	vld [tilespmem:s1+$0x320]  }
0x19d: {  	v59 =	vld [tilespmem:s1+$0x330]  }
0x19e: {  	v60 =	vld [tilespmem:s1+$0x340]  }
0x19f: {  	v61 =	vld [tilespmem:s1+$0x350]  }
0x1a0: {  	v62 =	vld [tilespmem:s1+$0x360];
	v17 =	vmin.f32 v17, v57  }
0x1a1: {  	v63 =	vld [tilespmem:s1+$0x370];
	v17 =	vmin.f32 v17, v58  }
0x1a2: {  	v17 =	vmin.f32 v17, v59  }
0x1a3: {  	v17 =	vmin.f32 v17, v60  }
0x1a4: {  	v17 =	vmin.f32 v17, v61  }
0x1a5: {  	v17 =	vmin.f32 v17, v62  }
0x1a6: {  	v17 =	vmin.f32 v17, v63  }
0x1a7: {  	v21 =	vperm.xlane v17, v0;
	_ =	sdelay $0x1  }
0x1a8: {  	v17 =	vmin.f32 v17, v21  }
0x1a9: {  	v19 =	vperm.xlane v17, v1;
	_ =	sdelay $0x1  }
0x1aa: {  	v17 =	vmin.f32 v17, v19  }
0x1ab: {  	v19 =	vperm.xlane v17, v2;
	_ =	sdelay $0x1  }
0x1ac: {  	v17 =	vmin.f32 v17, v19  }
0x1ad: {  	v19 =	vperm.xlane v17, v3;
	_ =	sdelay $0x1  }
0x1ae: {  	vm14 =	veq.s32 v16, v4;
	v22 =	vmin.f32 v17, v19  }
0x1af: {  	v16 =	vsel vm14, v22, v15  }
0x1b0: {  	v15 =	vperm.xlane v16, v0;
	_ =	sdelay $0x1  }
0x1b1: {  	v15 =	vmin.f32 v16, v15  }
0x1b2: {  	v23 =	vperm.xlane v15, v1;
	_ =	sdelay $0x1  }
0x1b3: {  	v15 =	vmin.f32 v15, v23  }
0x1b4: {  	v17 =	vperm.xlane v15, v2;
	_ =	sdelay $0x1  }
0x1b5: {  	v15 =	vmin.f32 v15, v17  }
0x1b6: {  	v17 =	vperm.xlane v15, v3;
	_ =	sdelay $0x1  }
0x1b7: {  	v15 =	vmin.f32 v15, v17  }
0x1b8: {  	vm14 =	veq.f32 v16, v15  }
0x1b9: {  	v24 =	vnsel vm14, $0x10, v4  }
0x1ba: {  	v25 =	vperm.xlane v24, v0;
	_ =	sdelay $0x1  }
0x1bb: {  	vm14 =	vlt.s32 v24, v25  }
0x1bc: {  	v17 =	vsel vm14, v24, v25  }
0x1bd: {  	v19 =	vperm.xlane v17, v1;
	_ =	sdelay $0x1  }
0x1be: {  	vm14 =	vlt.s32 v17, v19  }
0x1bf: {  	v17 =	vsel vm14, v17, v19  }
0x1c0: {  	v19 =	vperm.xlane v17, v2;
	_ =	sdelay $0x1  }
0x1c1: {  	s0 =	ssub.s32 s8, s4;
	vm14 =	vlt.s32 v17, v19  }
0x1c2: {  	s0 =	sadd.s32 s0, s25;
	v17 =	vsel vm14, v17, v19  }
0x1c3: {  	v26 =	vadd.s32 s0, v4;
	v27 =	vperm.xlane v17, v3  }
0x1c4: {  	v18 =	vperm.xlane v56, v26  }
0x1c5: {  	vm14 =	vlt.s32 v17, v27  }
0x1c6: {  	(v2sf) =	vpush v18, $0x0;
	v17 =	vsel vm14, v17, v27  }
0x1c7: {  	(v2sf) =	vpush v17, $0x0;
	_ =	sdelay $0xd  }
0x1c8: {  	s0 =	spop (v2sf)  }
0x1c9: {  	s4 =	spop (v2sf)  }
0x1ca: {  	s8 =	sadd.s32 s25, s4  }
0x1cb: {  	s10 =	sshll.u32 s8, $0x9  }
0x1cc: {  	s11 =	sshra.s32 s10, $0x2  }
0x1cd: {  	v28 =	vld [tilespmem:s11+$0x370]  }
0x1ce: {  	v29 =	vld [tilespmem:s11+$0x360]  }
0x1cf: {  	v30 =	vld [tilespmem:s11+$0x350]  }
0x1d0: {  	v31 =	vld [tilespmem:s11+$0x340]  }
0x1d1: {  	v32 =	vld [tilespmem:s11+$0x330]  }
0x1d2: {  	v33 =	vld [tilespmem:s11+$0x320];
	vm14 =	veq.f32 v28, v15  }
0x1d3: {  	v34 =	vld [tilespmem:s11+$0x310];
	v35 =	vnsel vm14, $0x400, v5;
	vm14 =	veq.f32 v29, v15  }
0x1d4: {  	v36 =	vld [tilespmem:s11+$0x300];
	v24 =	vsel vm14, v6, v35;
	vm14 =	veq.f32 v30, v15  }
0x1d5: {  	v20 =	vsel vm14, v7, v24;
	vm14 =	veq.f32 v31, v15  }
0x1d6: {  	v20 =	vsel vm14, v8, v20;
	vm14 =	veq.f32 v32, v15  }
0x1d7: {  	v20 =	vsel vm14, v9, v20;
	vm14 =	veq.f32 v33, v15  }
0x1d8: {  	v20 =	vsel vm14, v10, v20;
	vm14 =	veq.f32 v34, v15  }
0x1d9: {  	v18 =	vsel vm14, v11, v20;
	vm14 =	veq.f32 v36, v15  }
0x1da: {  	v18 =	vsel vm14, v4, v18  }
0x1db: {  	v37 =	vperm.xlane v18, v0;
	_ =	sdelay $0x1  }
0x1dc: {  	vm14 =	vlt.s32 v18, v37  }
0x1dd: {  	v18 =	vsel vm14, v18, v37  }
0x1de: {  	v19 =	vperm.xlane v18, v1;
	_ =	sdelay $0x1  }
0x1df: {  	vm14 =	vlt.s32 v18, v19  }
0x1e0: {  	v18 =	vsel vm14, v18, v19  }
0x1e1: {  	v19 =	vperm.xlane v18, v2;
	_ =	sdelay $0x1  }
0x1e2: {  	vm14 =	vlt.s32 v18, v19  }
0x1e3: {  	v18 =	vsel vm14, v18, v19  }
0x1e4: {  	v19 =	vperm.xlane v18, v3;
	_ =	sdelay $0x1  }
0x1e5: {  	vm14 =	vlt.s32 v18, v19  }
0x1e6: {  	v18 =	vsel vm14, v18, v19  }
0x1e7: {  	(v2sf) =	vpush v18, $0x0;
	_ =	sdelay $0xe  }
0x1e8: {  	s1 =	spop (v2sf)  }
0x1e9: {  	s16 =	sand.u32 $0xF, s1  }
0x1ea: {  	s17 =	sshra.s32 s1, $0x1F;
	p3 =	slt.s32 s1, $0x1;
	p4 =	sne.s32 s16, $0x0  }
0x1eb: {  	s19 =	sshrl.u32 s17, $0x1C;
	p0 =	por !p3, !p4  }
0x1ec: {  	s10 =	simm.s32 $0x1;
	s7 =	sadd.s32 s19, s1;
	p0 =	por !p0, !p0  }
0x1ed: {  	s7 =	sshrl.u32 s7, $0x4;
	s10 =	simm.s32 @!p0 $0x0  }
0x1ee: {  	s7 =	ssub.s32 s7, s10  }
0x1ef: {  	s7 =	sshll.u32 s7, $0x4  }
0x1f0: {  	s20 =	sadd.s32 $0x300, s11;
	s3 =	sand.u32 $0xFFFFFF80, s7  }
0x1f1: {  	s15 =	sand.u32 $0x70, s7;
	s10 =	sadd.s32 s3, s20  }
0x1f2: {  	s2 =	sshra.s32 s8, $0x1F;
	s14 =	sand.u32 $0xF, s8;
	s10 =	sor.u32 s15, s10  }
0x1f3: {  	p5 =	slt.s32 s8, $0x1;
	p6 =	sne.s32 s14, $0x0;
	s12 =	sshrl.u32 s2, $0x1C;
	v38 =	vld [tilespmem:s10+$0x0]  }
0x1f4: {  	s6 =	sadd.s32 s12, s8;
	p0 =	por !p5, !p6  }
0x1f5: {  	s12 =	simm.s32 $0x1;
	p0 =	por !p0, !p0;
	s7 =	ssub.s32 s1, s7  }
0x1f6: {  	s6 =	sshrl.u32 s6, $0x4;
	s12 =	simm.s32 @!p0 $0x0;
	v39 =	vmov s7  }
0x1f7: {  	s6 =	ssub.s32 s6, s12;
	vm14 =	veq.s32 v39, v4  }
0x1f8: {  	s6 =	sshll.u32 s6, $0x4;
	v18 =	vsel vm14, $0x7F800000, v38  }
0x1f9: {  	v40 =	vld [tilespmem:s6+$0x180];
	[tilespmem:s10+$0x0] =	vst v18  }
0x1fa: {  	v18 =	vld [tilespmem:s11+$0x300]  }
0x1fb: {  	v41 =	vld [tilespmem:s11+$0x310]  }
0x1fc: {  	v42 =	vld [tilespmem:s11+$0x320]  }
0x1fd: {  	v43 =	vld [tilespmem:s11+$0x330]  }
0x1fe: {  	v44 =	vld [tilespmem:s11+$0x340]  }
0x1ff: {  	v45 =	vld [tilespmem:s11+$0x350]  }
0x200: {  	v46 =	vld [tilespmem:s11+$0x360];
	v18 =	vmin.f32 v18, v41  }
0x201: {  	v47 =	vld [tilespmem:s11+$0x370];
	v18 =	vmin.f32 v18, v42  }
0x202: {  	v18 =	vmin.f32 v18, v43  }
0x203: {  	v18 =	vmin.f32 v18, v44  }
0x204: {  	v18 =	vmin.f32 v18, v45  }
0x205: {  	v18 =	vmin.f32 v18, v46  }
0x206: {  	v18 =	vmin.f32 v18, v47  }
0x207: {  	v48 =	vperm.xlane v18, v0;
	_ =	sdelay $0x1  }
0x208: {  	v18 =	vmin.f32 v18, v48  }
0x209: {  	v20 =	vperm.xlane v18, v1;
	_ =	sdelay $0x1  }
0x20a: {  	v18 =	vmin.f32 v18, v20  }
0x20b: {  	v20 =	vperm.xlane v18, v2;
	_ =	sdelay $0x1  }
0x20c: {  	v18 =	vmin.f32 v18, v20  }
0x20d: {  	v20 =	vperm.xlane v18, v3;
	_ =	sdelay $0x1  }
0x20e: {  	vm14 =	veq.s32 v17, v4;
	v49 =	vmin.f32 v18, v20  }
0x20f: {  	v17 =	vsel vm14, v49, v16  }
0x210: {  	v16 =	vperm.xlane v17, v0;
	_ =	sdelay $0x1  }
0x211: {  	v16 =	vmin.f32 v17, v16  }
0x212: {  	v50 =	vperm.xlane v16, v1;
	_ =	sdelay $0x1  }
0x213: {  	v16 =	vmin.f32 v16, v50  }
0x214: {  	v18 =	vperm.xlane v16, v2;
	_ =	sdelay $0x1  }
0x215: {  	v16 =	vmin.f32 v16, v18  }
0x216: {  	v18 =	vperm.xlane v16, v3;
	_ =	sdelay $0x1  }
0x217: {  	v16 =	vmin.f32 v16, v18  }
0x218: {  	vm14 =	veq.f32 v17, v16  }
0x219: {  	v51 =	vnsel vm14, $0x10, v4  }
0x21a: {  	v52 =	vperm.xlane v51, v0;
	_ =	sdelay $0x1  }
0x21b: {  	vm14 =	vlt.s32 v51, v52  }
0x21c: {  	v18 =	vsel vm14, v51, v52  }
0x21d: {  	v20 =	vperm.xlane v18, v1;
	_ =	sdelay $0x1  }
0x21e: {  	vm14 =	vlt.s32 v18, v20  }
0x21f: {  	v18 =	vsel vm14, v18, v20  }
0x220: {  	v20 =	vperm.xlane v18, v2;
	_ =	sdelay $0x1  }
0x221: {  	s4 =	ssub.s32 s4, s6;
	vm14 =	vlt.s32 v18, v20  }
0x222: {  	s4 =	sadd.s32 s4, s25;
	v18 =	vsel vm14, v18, v20  }
0x223: {  	v53 =	vadd.s32 s4, v4;
	v54 =	vperm.xlane v18, v3  }
0x224: {  	v19 =	vperm.xlane v40, v53  }
0x225: {  	vm14 =	vlt.s32 v18, v54  }
0x226: {  	(v2sf) =	vpush v19, $0x0;
	v18 =	vsel vm14, v18, v54  }
0x227: {  	(v2sf) =	vpush v18, $0x0;
	_ =	sdelay $0xd  }
0x228: {  	s10 =	spop (v2sf)  }
0x229: {  	s8 =	spop (v2sf)  }
0x22a: {  	s11 =	sadd.s32 s25, s8  }
0x22b: {  	s15 =	sshll.u32 s11, $0x9  }
0x22c: {  	s5 =	sshra.s32 s15, $0x2  }
0x22d: {  	v55 =	vld [tilespmem:s5+$0x370]  }
0x22e: {  	v56 =	vld [tilespmem:s5+$0x360]  }
0x22f: {  	v57 =	vld [tilespmem:s5+$0x350]  }
0x230: {  	v58 =	vld [tilespmem:s5+$0x340]  }
0x231: {  	v59 =	vld [tilespmem:s5+$0x330]  }
0x232: {  	v60 =	vld [tilespmem:s5+$0x320];
	vm14 =	veq.f32 v55, v16  }
0x233: {  	v61 =	vld [tilespmem:s5+$0x310];
	v62 =	vnsel vm14, $0x400, v5;
	vm14 =	veq.f32 v56, v16  }
0x234: {  	v63 =	vld [tilespmem:s5+$0x300];
	v25 =	vsel vm14, v6, v62;
	vm14 =	veq.f32 v57, v16  }
0x235: {  	v21 =	vsel vm14, v7, v25;
	vm14 =	veq.f32 v58, v16  }
0x236: {  	v21 =	vsel vm14, v8, v21;
	vm14 =	veq.f32 v59, v16  }
0x237: {  	v21 =	vsel vm14, v9, v21;
	vm14 =	veq.f32 v60, v16  }
0x238: {  	v21 =	vsel vm14, v10, v21;
	vm14 =	veq.f32 v61, v16  }
0x239: {  	v19 =	vsel vm14, v11, v21;
	vm14 =	veq.f32 v63, v16  }
0x23a: {  	v19 =	vsel vm14, v4, v19  }
0x23b: {  	v26 =	vperm.xlane v19, v0;
	_ =	sdelay $0x1  }
0x23c: {  	vm14 =	vlt.s32 v19, v26  }
0x23d: {  	v19 =	vsel vm14, v19, v26  }
0x23e: {  	v20 =	vperm.xlane v19, v1;
	_ =	sdelay $0x1  }
0x23f: {  	vm14 =	vlt.s32 v19, v20  }
0x240: {  	v19 =	vsel vm14, v19, v20  }
0x241: {  	v20 =	vperm.xlane v19, v2;
	_ =	sdelay $0x1  }
0x242: {  	vm14 =	vlt.s32 v19, v20  }
0x243: {  	v19 =	vsel vm14, v19, v20  }
0x244: {  	v20 =	vperm.xlane v19, v3;
	_ =	sdelay $0x1  }
0x245: {  	vm14 =	vlt.s32 v19, v20  }
0x246: {  	v19 =	vsel vm14, v19, v20  }
0x247: {  	(v2sf) =	vpush v19, $0x0;
	_ =	sdelay $0xe  }
0x248: {  	s12 =	spop (v2sf)  }
0x249: {  	s16 =	sand.u32 $0xF, s12  }
0x24a: {  	s17 =	sshra.s32 s12, $0x1F;
	p1 =	slt.s32 s12, $0x1;
	p2 =	sne.s32 s16, $0x0  }
0x24b: {  	s19 =	sshrl.u32 s17, $0x1C;
	p0 =	por !p1, !p2  }
0x24c: {  	s13 =	simm.s32 $0x1;
	s7 =	sadd.s32 s19, s12;
	p0 =	por !p0, !p0  }
0x24d: {  	s7 =	sshrl.u32 s7, $0x4;
	s13 =	simm.s32 @!p0 $0x0  }
0x24e: {  	s7 =	ssub.s32 s7, s13  }
0x24f: {  	s7 =	sshll.u32 s7, $0x4  }
0x250: {  	s20 =	sadd.s32 $0x300, s5;
	s3 =	sand.u32 $0xFFFFFF80, s7  }
0x251: {  	s17 =	sand.u32 $0x70, s7;
	s13 =	sadd.s32 s3, s20  }
0x252: {  	s2 =	sshra.s32 s11, $0x1F;
	s16 =	sand.u32 $0xF, s11;
	s13 =	sor.u32 s17, s13  }
0x253: {  	p3 =	slt.s32 s11, $0x1;
	s14 =	sshrl.u32 s2, $0x1C;
	p4 =	sne.s32 s16, $0x0;
	v27 =	vld [tilespmem:s13+$0x0]  }
0x254: {  	s6 =	sadd.s32 s14, s11;
	p0 =	por !p3, !p4  }
0x255: {  	s14 =	simm.s32 $0x1;
	p0 =	por !p0, !p0;
	s7 =	ssub.s32 s12, s7  }
0x256: {  	s6 =	sshrl.u32 s6, $0x4;
	s14 =	simm.s32 @!p0 $0x0;
	v28 =	vmov s7  }
0x257: {  	s6 =	ssub.s32 s6, s14;
	vm14 =	veq.s32 v28, v4  }
0x258: {  	s6 =	sshll.u32 s6, $0x4;
	v19 =	vsel vm14, $0x7F800000, v27  }
0x259: {  	v29 =	vld [tilespmem:s6+$0x180];
	[tilespmem:s13+$0x0] =	vst v19  }
0x25a: {  	v19 =	vld [tilespmem:s5+$0x300]  }
0x25b: {  	v30 =	vld [tilespmem:s5+$0x310]  }
0x25c: {  	v31 =	vld [tilespmem:s5+$0x320]  }
0x25d: {  	v32 =	vld [tilespmem:s5+$0x330]  }
0x25e: {  	v33 =	vld [tilespmem:s5+$0x340]  }
0x25f: {  	v34 =	vld [tilespmem:s5+$0x350]  }
0x260: {  	v35 =	vld [tilespmem:s5+$0x360];
	v19 =	vmin.f32 v19, v30  }
0x261: {  	v36 =	vld [tilespmem:s5+$0x370];
	v19 =	vmin.f32 v19, v31  }
0x262: {  	v19 =	vmin.f32 v19, v32  }
0x263: {  	v19 =	vmin.f32 v19, v33  }
0x264: {  	v19 =	vmin.f32 v19, v34  }
0x265: {  	v19 =	vmin.f32 v19, v35  }
0x266: {  	v19 =	vmin.f32 v19, v36  }
0x267: {  	v37 =	vperm.xlane v19, v0;
	_ =	sdelay $0x1  }
0x268: {  	v19 =	vmin.f32 v19, v37  }
0x269: {  	v21 =	vperm.xlane v19, v1;
	_ =	sdelay $0x1  }
0x26a: {  	v19 =	vmin.f32 v19, v21  }
0x26b: {  	v21 =	vperm.xlane v19, v2;
	_ =	sdelay $0x1  }
0x26c: {  	v19 =	vmin.f32 v19, v21  }
0x26d: {  	v21 =	vperm.xlane v19, v3;
	_ =	sdelay $0x1  }
0x26e: {  	vm14 =	veq.s32 v18, v4;
	v38 =	vmin.f32 v19, v21  }
0x26f: {  	v18 =	vsel vm14, v38, v17  }
0x270: {  	v17 =	vperm.xlane v18, v0;
	_ =	sdelay $0x1  }
0x271: {  	v17 =	vmin.f32 v18, v17  }
0x272: {  	v39 =	vperm.xlane v17, v1;
	_ =	sdelay $0x1  }
0x273: {  	v17 =	vmin.f32 v17, v39  }
0x274: {  	v19 =	vperm.xlane v17, v2;
	_ =	sdelay $0x1  }
0x275: {  	v17 =	vmin.f32 v17, v19  }
0x276: {  	v19 =	vperm.xlane v17, v3;
	_ =	sdelay $0x1  }
0x277: {  	v17 =	vmin.f32 v17, v19  }
0x278: {  	vm14 =	veq.f32 v18, v17  }
0x279: {  	v40 =	vnsel vm14, $0x10, v4  }
0x27a: {  	v41 =	vperm.xlane v40, v0;
	_ =	sdelay $0x1  }
0x27b: {  	vm14 =	vlt.s32 v40, v41  }
0x27c: {  	v19 =	vsel vm14, v40, v41  }
0x27d: {  	v21 =	vperm.xlane v19, v1;
	_ =	sdelay $0x1  }
0x27e: {  	vm14 =	vlt.s32 v19, v21  }
0x27f: {  	v19 =	vsel vm14, v19, v21  }
0x280: {  	v21 =	vperm.xlane v19, v2;
	_ =	sdelay $0x1  }
0x281: {  	s4 =	ssub.s32 s8, s6;
	vm14 =	vlt.s32 v19, v21  }
0x282: {  	s4 =	sadd.s32 s4, s25;
	v19 =	vsel vm14, v19, v21  }
0x283: {  	v42 =	vadd.s32 s4, v4;
	v43 =	vperm.xlane v19, v3  }
0x284: {  	v20 =	vperm.xlane v29, v42  }
0x285: {  	vm14 =	vlt.s32 v19, v43  }
0x286: {  	(v2sf) =	vpush v20, $0x0;
	v19 =	vsel vm14, v19, v43  }
0x287: {  	(v2sf) =	vpush v19, $0x0;
	_ =	sdelay $0xd  }
0x288: {  	s13 =	spop (v2sf)  }
0x289: {  	s4 =	spop (v2sf)  }
0x28a: {  	s6 =	sadd.s32 s25, s4  }
0x28b: {  	s7 =	sshll.u32 s6, $0x9  }
0x28c: {  	s5 =	sshra.s32 s7, $0x2  }
0x28d: {  	v44 =	vld [tilespmem:s5+$0x370]  }
0x28e: {  	v45 =	vld [tilespmem:s5+$0x360]  }
0x28f: {  	v46 =	vld [tilespmem:s5+$0x350]  }
0x290: {  	v47 =	vld [tilespmem:s5+$0x340]  }
0x291: {  	v48 =	vld [tilespmem:s5+$0x330]  }
0x292: {  	v49 =	vld [tilespmem:s5+$0x320];
	vm14 =	veq.f32 v44, v17  }
0x293: {  	v50 =	vld [tilespmem:s5+$0x310];
	v51 =	vnsel vm14, $0x400, v5;
	vm14 =	veq.f32 v45, v17  }
0x294: {  	v52 =	vld [tilespmem:s5+$0x300];
	v26 =	vsel vm14, v6, v51;
	vm14 =	veq.f32 v46, v17  }
0x295: {  	v22 =	vsel vm14, v7, v26;
	vm14 =	veq.f32 v47, v17  }
0x296: {  	v22 =	vsel vm14, v8, v22;
	vm14 =	veq.f32 v48, v17  }
0x297: {  	v22 =	vsel vm14, v9, v22;
	vm14 =	veq.f32 v49, v17  }
0x298: {  	v22 =	vsel vm14, v10, v22;
	vm14 =	veq.f32 v50, v17  }
0x299: {  	v20 =	vsel vm14, v11, v22;
	vm14 =	veq.f32 v52, v17  }
0x29a: {  	v20 =	vsel vm14, v4, v20  }
0x29b: {  	v53 =	vperm.xlane v20, v0;
	_ =	sdelay $0x1  }
0x29c: {  	vm14 =	vlt.s32 v20, v53  }
0x29d: {  	v20 =	vsel vm14, v20, v53  }
0x29e: {  	v21 =	vperm.xlane v20, v1;
	_ =	sdelay $0x1  }
0x29f: {  	vm14 =	vlt.s32 v20, v21  }
0x2a0: {  	v20 =	vsel vm14, v20, v21  }
0x2a1: {  	v21 =	vperm.xlane v20, v2;
	_ =	sdelay $0x1  }
0x2a2: {  	vm14 =	vlt.s32 v20, v21  }
0x2a3: {  	v20 =	vsel vm14, v20, v21  }
0x2a4: {  	v21 =	vperm.xlane v20, v3;
	_ =	sdelay $0x1  }
0x2a5: {  	vm14 =	vlt.s32 v20, v21  }
0x2a6: {  	v20 =	vsel vm14, v20, v21  }
0x2a7: {  	(v2sf) =	vpush v20, $0x0;
	_ =	sdelay $0xe  }
0x2a8: {  	s14 =	spop (v2sf)  }
0x2a9: {  	s8 =	sand.u32 $0xF, s14  }
0x2aa: {  	s11 =	sshra.s32 s14, $0x1F;
	p5 =	slt.s32 s14, $0x1;
	p6 =	sne.s32 s8, $0x0  }
0x2ab: {  	s16 =	sshrl.u32 s11, $0x1C;
	p0 =	por !p5, !p6  }
0x2ac: {  	s15 =	simm.s32 $0x1;
	s7 =	sadd.s32 s16, s14;
	p0 =	por !p0, !p0  }
0x2ad: {  	s7 =	sshrl.u32 s7, $0x4;
	s15 =	simm.s32 @!p0 $0x0  }
0x2ae: {  	s7 =	ssub.s32 s7, s15  }
0x2af: {  	s7 =	sshll.u32 s7, $0x4  }
0x2b0: {  	s17 =	sadd.s32 $0x300, s5;
	s3 =	sand.u32 $0xFFFFFF80, s7  }
0x2b1: {  	s20 =	sand.u32 $0x70, s7;
	s15 =	sadd.s32 s3, s17  }
0x2b2: {  	s2 =	sshra.s32 s6, $0x1F;
	s19 =	sand.u32 $0xF, s6;
	s15 =	sor.u32 s20, s15  }
0x2b3: {  	p1 =	slt.s32 s6, $0x1;
	p2 =	sne.s32 s19, $0x0;
	s16 =	sshrl.u32 s2, $0x1C;
	v54 =	vld [tilespmem:s15+$0x0]  }
0x2b4: {  	s6 =	sadd.s32 s16, s6;
	p0 =	por !p1, !p2  }
0x2b5: {  	s16 =	simm.s32 $0x1;
	p0 =	por !p0, !p0;
	s7 =	ssub.s32 s14, s7  }
0x2b6: {  	s6 =	sshrl.u32 s6, $0x4;
	s16 =	simm.s32 @!p0 $0x0;
	v55 =	vmov s7  }
0x2b7: {  	s6 =	ssub.s32 s6, s16;
	vm14 =	veq.s32 v55, v4  }
0x2b8: {  	s6 =	sshll.u32 s6, $0x4;
	v20 =	vsel vm14, $0x7F800000, v54  }
0x2b9: {  	v56 =	vld [tilespmem:s6+$0x180];
	[tilespmem:s15+$0x0] =	vst v20  }
0x2ba: {  	v20 =	vld [tilespmem:s5+$0x300]  }
0x2bb: {  	v57 =	vld [tilespmem:s5+$0x310]  }
0x2bc: {  	v58 =	vld [tilespmem:s5+$0x320]  }
0x2bd: {  	v59 =	vld [tilespmem:s5+$0x330]  }
0x2be: {  	v60 =	vld [tilespmem:s5+$0x340]  }
0x2bf: {  	v61 =	vld [tilespmem:s5+$0x350]  }
0x2c0: {  	v62 =	vld [tilespmem:s5+$0x360];
	v20 =	vmin.f32 v20, v57  }
0x2c1: {  	v63 =	vld [tilespmem:s5+$0x370];
	v20 =	vmin.f32 v20, v58  }
0x2c2: {  	v20 =	vmin.f32 v20, v59  }
0x2c3: {  	v20 =	vmin.f32 v20, v60  }
0x2c4: {  	v20 =	vmin.f32 v20, v61  }
0x2c5: {  	v20 =	vmin.f32 v20, v62  }
0x2c6: {  	v20 =	vmin.f32 v20, v63  }
0x2c7: {  	v26 =	vperm.xlane v20, v0;
	_ =	sdelay $0x1  }
0x2c8: {  	v20 =	vmin.f32 v20, v26  }
0x2c9: {  	v22 =	vperm.xlane v20, v1;
	_ =	sdelay $0x1  }
0x2ca: {  	v20 =	vmin.f32 v20, v22  }
0x2cb: {  	v22 =	vperm.xlane v20, v2;
	_ =	sdelay $0x1  }
0x2cc: {  	v20 =	vmin.f32 v20, v22  }
0x2cd: {  	v22 =	vperm.xlane v20, v3;
	_ =	sdelay $0x1  }
0x2ce: {  	vm14 =	veq.s32 v19, v4;
	v27 =	vmin.f32 v20, v22  }
0x2cf: {  	v19 =	vsel vm14, v27, v18  }
0x2d0: {  	v18 =	vperm.xlane v19, v0;
	_ =	sdelay $0x1  }
0x2d1: {  	v18 =	vmin.f32 v19, v18  }
0x2d2: {  	v28 =	vperm.xlane v18, v1;
	_ =	sdelay $0x1  }
0x2d3: {  	v18 =	vmin.f32 v18, v28  }
0x2d4: {  	v20 =	vperm.xlane v18, v2;
	_ =	sdelay $0x1  }
0x2d5: {  	v18 =	vmin.f32 v18, v20  }
0x2d6: {  	v20 =	vperm.xlane v18, v3;
	_ =	sdelay $0x1  }
0x2d7: {  	v18 =	vmin.f32 v18, v20  }
0x2d8: {  	vm14 =	veq.f32 v19, v18  }
0x2d9: {  	v29 =	vnsel vm14, $0x10, v4  }
0x2da: {  	v30 =	vperm.xlane v29, v0;
	_ =	sdelay $0x1  }
0x2db: {  	vm14 =	vlt.s32 v29, v30  }
0x2dc: {  	v20 =	vsel vm14, v29, v30  }
0x2dd: {  	v22 =	vperm.xlane v20, v1;
	_ =	sdelay $0x1  }
0x2de: {  	vm14 =	vlt.s32 v20, v22  }
0x2df: {  	v20 =	vsel vm14, v20, v22  }
0x2e0: {  	v22 =	vperm.xlane v20, v2;
	_ =	sdelay $0x1  }
0x2e1: {  	s4 =	ssub.s32 s4, s6;
	vm14 =	vlt.s32 v20, v22  }
0x2e2: {  	s4 =	sadd.s32 s4, s25;
	v20 =	vsel vm14, v20, v22  }
0x2e3: {  	v31 =	vadd.s32 s4, v4;
	v32 =	vperm.xlane v20, v3  }
0x2e4: {  	v21 =	vperm.xlane v56, v31  }
0x2e5: {  	vm14 =	vlt.s32 v20, v32  }
0x2e6: {  	(v2sf) =	vpush v21, $0x0;
	v20 =	vsel vm14, v20, v32  }
0x2e7: {  	(v2sf) =	vpush v20, $0x0;
	_ =	sdelay $0xd  }
0x2e8: {  	s15 =	spop (v2sf)  }
0x2e9: {  	s4 =	spop (v2sf)  }
0x2ea: {  	s6 =	sadd.s32 s25, s4  }
0x2eb: {  	s7 =	sshll.u32 s6, $0x9  }
0x2ec: {  	s5 =	sshra.s32 s7, $0x2  }
0x2ed: {  	v33 =	vld [tilespmem:s5+$0x370]  }
0x2ee: {  	v34 =	vld [tilespmem:s5+$0x360]  }
0x2ef: {  	v35 =	vld [tilespmem:s5+$0x350]  }
0x2f0: {  	v36 =	vld [tilespmem:s5+$0x340]  }
0x2f1: {  	v37 =	vld [tilespmem:s5+$0x330]  }
0x2f2: {  	v38 =	vld [tilespmem:s5+$0x320];
	vm14 =	veq.f32 v33, v18  }
0x2f3: {  	v39 =	vld [tilespmem:s5+$0x310];
	v40 =	vnsel vm14, $0x400, v5;
	vm14 =	veq.f32 v34, v18  }
0x2f4: {  	v41 =	vld [tilespmem:s5+$0x300];
	v27 =	vsel vm14, v6, v40;
	vm14 =	veq.f32 v35, v18  }
0x2f5: {  	v23 =	vsel vm14, v7, v27;
	vm14 =	veq.f32 v36, v18  }
0x2f6: {  	v23 =	vsel vm14, v8, v23;
	vm14 =	veq.f32 v37, v18  }
0x2f7: {  	v23 =	vsel vm14, v9, v23;
	vm14 =	veq.f32 v38, v18  }
0x2f8: {  	v23 =	vsel vm14, v10, v23;
	vm14 =	veq.f32 v39, v18  }
0x2f9: {  	v21 =	vsel vm14, v11, v23;
	vm14 =	veq.f32 v41, v18  }
0x2fa: {  	v21 =	vsel vm14, v4, v21  }
0x2fb: {  	v42 =	vperm.xlane v21, v0;
	_ =	sdelay $0x1  }
0x2fc: {  	vm14 =	vlt.s32 v21, v42  }
0x2fd: {  	v21 =	vsel vm14, v21, v42  }
0x2fe: {  	v22 =	vperm.xlane v21, v1;
	_ =	sdelay $0x1  }
0x2ff: {  	vm14 =	vlt.s32 v21, v22  }
0x300: {  	v21 =	vsel vm14, v21, v22  }
0x301: {  	v22 =	vperm.xlane v21, v2;
	_ =	sdelay $0x1  }
0x302: {  	vm14 =	vlt.s32 v21, v22  }
0x303: {  	v21 =	vsel vm14, v21, v22  }
0x304: {  	v22 =	vperm.xlane v21, v3;
	_ =	sdelay $0x1  }
0x305: {  	vm14 =	vlt.s32 v21, v22  }
0x306: {  	v21 =	vsel vm14, v21, v22  }
0x307: {  	(v2sf) =	vpush v21, $0x0;
	_ =	sdelay $0xe  }
0x308: {  	s16 =	spop (v2sf)  }
0x309: {  	s8 =	sand.u32 $0xF, s16  }
0x30a: {  	s11 =	sshra.s32 s16, $0x1F;
	p3 =	slt.s32 s16, $0x1;
	p4 =	sne.s32 s8, $0x0  }
0x30b: {  	s19 =	sshrl.u32 s11, $0x1C;
	p0 =	por !p3, !p4  }
0x30c: {  	s17 =	simm.s32 $0x1;
	s7 =	sadd.s32 s19, s16;
	p0 =	por !p0, !p0  }
0x30d: {  	s7 =	sshrl.u32 s7, $0x4;
	s17 =	simm.s32 @!p0 $0x0  }
0x30e: {  	s7 =	ssub.s32 s7, s17  }
0x30f: {  	s7 =	sshll.u32 s7, $0x4  }
0x310: {  	s20 =	sadd.s32 $0x300, s5;
	s2 =	sand.u32 $0xFFFFFF80, s7  }
0x311: {  	s8 =	sand.u32 $0xF, s6;
	s11 =	sand.u32 $0x70, s7;
	s17 =	sadd.s32 s2, s20  }
0x312: {  	p5 =	slt.s32 s6, $0x1;
	p6 =	sne.s32 s8, $0x0;
	s3 =	sor.u32 s11, s17  }
0x313: {  	s19 =	sshra.s32 s6, $0x1F;
	p0 =	por !p5, !p6;
	v43 =	vld [tilespmem:s3+$0x0]  }
0x314: {  	p0 =	por !p0, !p0;
	s17 =	sshrl.u32 s19, $0x1C  }
0x315: {  	s7 =	ssub.s32 s16, s7;
	s11 =	simm.s32 $0x1;
	s6 =	sadd.s32 s17, s6  }
0x316: {  	v44 =	vmov s7;
	s11 =	simm.s32 @!p0 $0x0;
	s6 =	sshrl.u32 s6, $0x4  }
0x317: {  	vm14 =	veq.s32 v44, v4;
	s6 =	ssub.s32 s6, s11  }
0x318: {  	s6 =	sshll.u32 s6, $0x4;
	v21 =	vsel vm14, $0x7F800000, v43  }
0x319: {  	v45 =	vld [tilespmem:s6+$0x180];
	[tilespmem:s3+$0x0] =	vst v21  }
0x31a: {  	v21 =	vld [tilespmem:s5+$0x300]  }
0x31b: {  	v46 =	vld [tilespmem:s5+$0x310]  }
0x31c: {  	v47 =	vld [tilespmem:s5+$0x320]  }
0x31d: {  	v48 =	vld [tilespmem:s5+$0x330]  }
0x31e: {  	v49 =	vld [tilespmem:s5+$0x340]  }
0x31f: {  	v50 =	vld [tilespmem:s5+$0x350]  }
0x320: {  	v51 =	vld [tilespmem:s5+$0x360];
	v21 =	vmin.f32 v21, v46  }
0x321: {  	v52 =	vld [tilespmem:s5+$0x370];
	v21 =	vmin.f32 v21, v47  }
0x322: {  	v21 =	vmin.f32 v21, v48  }
0x323: {  	v21 =	vmin.f32 v21, v49  }
0x324: {  	v21 =	vmin.f32 v21, v50  }
0x325: {  	v21 =	vmin.f32 v21, v51  }
0x326: {  	v21 =	vmin.f32 v21, v52  }
0x327: {  	v53 =	vperm.xlane v21, v0;
	_ =	sdelay $0x1  }
0x328: {  	v21 =	vmin.f32 v21, v53  }
0x329: {  	v23 =	vperm.xlane v21, v1;
	_ =	sdelay $0x1  }
0x32a: {  	v21 =	vmin.f32 v21, v23  }
0x32b: {  	v23 =	vperm.xlane v21, v2;
	_ =	sdelay $0x1  }
0x32c: {  	v21 =	vmin.f32 v21, v23  }
0x32d: {  	v23 =	vperm.xlane v21, v3;
	_ =	sdelay $0x1  }
0x32e: {  	vm14 =	veq.s32 v20, v4;
	v54 =	vmin.f32 v21, v23  }
0x32f: {  	v20 =	vsel vm14, v54, v19  }
0x330: {  	v19 =	vperm.xlane v20, v0;
	_ =	sdelay $0x1  }
0x331: {  	v19 =	vmin.f32 v20, v19  }
0x332: {  	v55 =	vperm.xlane v19, v1;
	_ =	sdelay $0x1  }
0x333: {  	v19 =	vmin.f32 v19, v55  }
0x334: {  	v21 =	vperm.xlane v19, v2;
	_ =	sdelay $0x1  }
0x335: {  	v19 =	vmin.f32 v19, v21  }
0x336: {  	v21 =	vperm.xlane v19, v3;
	_ =	sdelay $0x1  }
0x337: {  	v19 =	vmin.f32 v19, v21  }
0x338: {  	vm14 =	veq.f32 v20, v19  }
0x339: {  	v56 =	vnsel vm14, $0x10, v4  }
0x33a: {  	v57 =	vperm.xlane v56, v0;
	_ =	sdelay $0x1  }
0x33b: {  	vm14 =	vlt.s32 v56, v57  }
0x33c: {  	v21 =	vsel vm14, v56, v57  }
0x33d: {  	v23 =	vperm.xlane v21, v1;
	_ =	sdelay $0x1  }
0x33e: {  	vm14 =	vlt.s32 v21, v23  }
0x33f: {  	v21 =	vsel vm14, v21, v23  }
0x340: {  	v23 =	vperm.xlane v21, v2;
	_ =	sdelay $0x1  }
0x341: {  	s4 =	ssub.s32 s4, s6;
	vm14 =	vlt.s32 v21, v23  }
0x342: {  	s4 =	sadd.s32 s4, s25;
	v21 =	vsel vm14, v21, v23  }
0x343: {  	v58 =	vadd.s32 s4, v4;
	v59 =	vperm.xlane v21, v3  }
0x344: {  	v22 =	vperm.xlane v45, v58  }
0x345: {  	vm14 =	vlt.s32 v21, v59  }
0x346: {  	(v2sf) =	vpush v22, $0x0;
	v21 =	vsel vm14, v21, v59  }
0x347: {  	(v2sf) =	vpush v21, $0x0;
	_ =	sdelay $0xd  }
0x348: {  	s17 =	spop (v2sf)  }
0x349: {  	s4 =	spop (v2sf)  }
0x34a: {  	s6 =	sadd.s32 s25, s4  }
0x34b: {  	s19 =	sshll.u32 s6, $0x9  }
0x34c: {  	s5 =	sshra.s32 s19, $0x2  }
0x34d: {  	v60 =	vld [tilespmem:s5+$0x370]  }
0x34e: {  	v61 =	vld [tilespmem:s5+$0x360]  }
0x34f: {  	v62 =	vld [tilespmem:s5+$0x350]  }
0x350: {  	v63 =	vld [tilespmem:s5+$0x340]  }
0x351: {  	v32 =	vld [tilespmem:s5+$0x330]  }
0x352: {  	v33 =	vld [tilespmem:s5+$0x320];
	vm14 =	veq.f32 v60, v19  }
0x353: {  	v34 =	vld [tilespmem:s5+$0x310];
	v35 =	vnsel vm14, $0x400, v5;
	vm14 =	veq.f32 v61, v19  }
0x354: {  	v36 =	vld [tilespmem:s5+$0x300];
	v28 =	vsel vm14, v6, v35;
	vm14 =	veq.f32 v62, v19  }
0x355: {  	v24 =	vsel vm14, v7, v28;
	vm14 =	veq.f32 v63, v19  }
0x356: {  	v24 =	vsel vm14, v8, v24;
	vm14 =	veq.f32 v32, v19  }
0x357: {  	v24 =	vsel vm14, v9, v24;
	vm14 =	veq.f32 v33, v19  }
0x358: {  	v24 =	vsel vm14, v10, v24;
	vm14 =	veq.f32 v34, v19  }
0x359: {  	v22 =	vsel vm14, v11, v24;
	vm14 =	veq.f32 v36, v19  }
0x35a: {  	v22 =	vsel vm14, v4, v22  }
0x35b: {  	v37 =	vperm.xlane v22, v0;
	_ =	sdelay $0x1  }
0x35c: {  	vm14 =	vlt.s32 v22, v37  }
0x35d: {  	v22 =	vsel vm14, v22, v37  }
0x35e: {  	v23 =	vperm.xlane v22, v1;
	_ =	sdelay $0x1  }
0x35f: {  	vm14 =	vlt.s32 v22, v23  }
0x360: {  	v22 =	vsel vm14, v22, v23  }
0x361: {  	v23 =	vperm.xlane v22, v2;
	_ =	sdelay $0x1  }
0x362: {  	vm14 =	vlt.s32 v22, v23  }
0x363: {  	v22 =	vsel vm14, v22, v23  }
0x364: {  	v23 =	vperm.xlane v22, v3;
	_ =	sdelay $0x1  }
0x365: {  	vm14 =	vlt.s32 v22, v23  }
0x366: {  	v22 =	vsel vm14, v22, v23  }
0x367: {  	(v2sf) =	vpush v22, $0x0;
	_ =	sdelay $0xe  }
0x368: {  	s19 =	spop (v2sf)  }
0x369: {  	s20 =	sand.u32 $0xF, s19  }
0x36a: {  	s2 =	sshra.s32 s19, $0x1F;
	p1 =	slt.s32 s19, $0x1;
	p2 =	sne.s32 s20, $0x0  }
0x36b: {  	s3 =	sshrl.u32 s2, $0x1C;
	p0 =	por !p1, !p2  }
0x36c: {  	s8 =	simm.s32 $0x1;
	s7 =	sadd.s32 s3, s19;
	p0 =	por !p0, !p0  }
0x36d: {  	s7 =	sshrl.u32 s7, $0x4;
	s8 =	simm.s32 @!p0 $0x0  }
0x36e: {  	s7 =	ssub.s32 s7, s8  }
0x36f: {  	s7 =	sshll.u32 s7, $0x4  }
0x370: {  	s8 =	sadd.s32 $0x300, s5;
	s20 =	sand.u32 $0xFFFFFF80, s7  }
0x371: {  	s2 =	sand.u32 $0xF, s6;
	s3 =	sand.u32 $0x70, s7;
	s8 =	sadd.s32 s20, s8  }
0x372: {  	p3 =	slt.s32 s6, $0x1;
	p4 =	sne.s32 s2, $0x0;
	s8 =	sor.u32 s3, s8  }
0x373: {  	s11 =	sshra.s32 s6, $0x1F;
	p0 =	por !p3, !p4;
	v38 =	vld [tilespmem:s8+$0x0]  }
0x374: {  	p0 =	por !p0, !p0;
	s20 =	sshrl.u32 s11, $0x1C  }
0x375: {  	s7 =	ssub.s32 s19, s7;
	s3 =	sadd.s32 s20, s6;
	s6 =	simm.s32 $0x1  }
0x376: {  	v39 =	vmov s7;
	s3 =	sshrl.u32 s3, $0x4;
	s6 =	simm.s32 @!p0 $0x0  }
0x377: {  	vm14 =	veq.s32 v39, v4;
	s3 =	ssub.s32 s3, s6  }
0x378: {  	s3 =	sshll.u32 s3, $0x4;
	v22 =	vsel vm14, $0x7F800000, v38  }
0x379: {  	v40 =	vld [tilespmem:s3+$0x180];
	[tilespmem:s8+$0x0] =	vst v22  }
0x37a: {  	v22 =	vld [tilespmem:s5+$0x300]  }
0x37b: {  	v41 =	vld [tilespmem:s5+$0x310]  }
0x37c: {  	v42 =	vld [tilespmem:s5+$0x320]  }
0x37d: {  	v43 =	vld [tilespmem:s5+$0x330]  }
0x37e: {  	v44 =	vld [tilespmem:s5+$0x340]  }
0x37f: {  	v45 =	vld [tilespmem:s5+$0x350]  }
0x380: {  	v46 =	vld [tilespmem:s5+$0x360];
	v22 =	vmin.f32 v22, v41  }
0x381: {  	v47 =	vld [tilespmem:s5+$0x370];
	v22 =	vmin.f32 v22, v42  }
0x382: {  	v22 =	vmin.f32 v22, v43  }
0x383: {  	v22 =	vmin.f32 v22, v44  }
0x384: {  	v22 =	vmin.f32 v22, v45  }
0x385: {  	v22 =	vmin.f32 v22, v46  }
0x386: {  	v22 =	vmin.f32 v22, v47  }
0x387: {  	v48 =	vperm.xlane v22, v0;
	_ =	sdelay $0x1  }
0x388: {  	v22 =	vmin.f32 v22, v48  }
0x389: {  	v24 =	vperm.xlane v22, v1;
	_ =	sdelay $0x1  }
0x38a: {  	v22 =	vmin.f32 v22, v24  }
0x38b: {  	v24 =	vperm.xlane v22, v2;
	_ =	sdelay $0x1  }
0x38c: {  	v22 =	vmin.f32 v22, v24  }
0x38d: {  	v24 =	vperm.xlane v22, v3;
	_ =	sdelay $0x1  }
0x38e: {  	vm14 =	veq.s32 v21, v4;
	v49 =	vmin.f32 v22, v24  }
0x38f: {  	v21 =	vsel vm14, v49, v20  }
0x390: {  	v20 =	vperm.xlane v21, v0;
	_ =	sdelay $0x1  }
0x391: {  	v20 =	vmin.f32 v21, v20  }
0x392: {  	v50 =	vperm.xlane v20, v1;
	_ =	sdelay $0x1  }
0x393: {  	v20 =	vmin.f32 v20, v50  }
0x394: {  	v22 =	vperm.xlane v20, v2;
	_ =	sdelay $0x1  }
0x395: {  	v20 =	vmin.f32 v20, v22  }
0x396: {  	v22 =	vperm.xlane v20, v3;
	_ =	sdelay $0x1  }
0x397: {  	v20 =	vmin.f32 v20, v22  }
0x398: {  	vm14 =	veq.f32 v21, v20  }
0x399: {  	v51 =	vnsel vm14, $0x10, v4  }
0x39a: {  	v52 =	vperm.xlane v51, v0;
	_ =	sdelay $0x1  }
0x39b: {  	vm14 =	vlt.s32 v51, v52  }
0x39c: {  	v22 =	vsel vm14, v51, v52  }
0x39d: {  	v24 =	vperm.xlane v22, v1;
	_ =	sdelay $0x1  }
0x39e: {  	vm14 =	vlt.s32 v22, v24  }
0x39f: {  	v22 =	vsel vm14, v22, v24  }
0x3a0: {  	v24 =	vperm.xlane v22, v2;
	_ =	sdelay $0x1  }
0x3a1: {  	s5 =	ssub.s32 s4, s3;
	vm14 =	vlt.s32 v22, v24  }
0x3a2: {  	s2 =	sadd.s32 s5, s25;
	v22 =	vsel vm14, v22, v24  }
0x3a3: {  	v53 =	vadd.s32 s2, v4;
	v54 =	vperm.xlane v22, v3  }
0x3a4: {  	v23 =	vperm.xlane v40, v53  }
0x3a5: {  	vm14 =	vlt.s32 v22, v54  }
0x3a6: {  	(v2sf) =	vpush v23, $0x0;
	v22 =	vsel vm14, v22, v54  }
0x3a7: {  	(v2sf) =	vpush v22, $0x0;
	_ =	sdelay $0xd  }
0x3a8: {  	s20 =	spop (v2sf)  }
0x3a9: {  	s5 =	spop (v2sf)  }
0x3aa: {  	s7 =	sadd.s32 s25, s5  }
0x3ab: {  	s6 =	sshll.u32 s7, $0x9  }
0x3ac: {  	s6 =	sshra.s32 s6, $0x2  }
0x3ad: {  	v55 =	vld [tilespmem:s6+$0x370]  }
0x3ae: {  	v56 =	vld [tilespmem:s6+$0x360]  }
0x3af: {  	v57 =	vld [tilespmem:s6+$0x350]  }
0x3b0: {  	v58 =	vld [tilespmem:s6+$0x340]  }
0x3b1: {  	v59 =	vld [tilespmem:s6+$0x330]  }
0x3b2: {  	v60 =	vld [tilespmem:s6+$0x320];
	vm14 =	veq.f32 v55, v20  }
0x3b3: {  	v61 =	vld [tilespmem:s6+$0x310];
	v62 =	vnsel vm14, $0x400, v5;
	vm14 =	veq.f32 v56, v20  }
0x3b4: {  	v63 =	vld [tilespmem:s6+$0x300];
	v24 =	vsel vm14, v6, v62;
	vm14 =	veq.f32 v57, v20  }
0x3b5: {  	v24 =	vsel vm14, v7, v24;
	vm14 =	veq.f32 v58, v20  }
0x3b6: {  	v24 =	vsel vm14, v8, v24;
	vm14 =	veq.f32 v59, v20  }
0x3b7: {  	v24 =	vsel vm14, v9, v24;
	vm14 =	veq.f32 v60, v20  }
0x3b8: {  	v24 =	vsel vm14, v10, v24;
	vm14 =	veq.f32 v61, v20  }
0x3b9: {  	v23 =	vsel vm14, v11, v24;
	vm14 =	veq.f32 v63, v20  }
0x3ba: {  	v23 =	vsel vm14, v4, v23  }
0x3bb: {  	v32 =	vperm.xlane v23, v0;
	_ =	sdelay $0x1  }
0x3bc: {  	vm14 =	vlt.s32 v23, v32  }
0x3bd: {  	v23 =	vsel vm14, v23, v32  }
0x3be: {  	v24 =	vperm.xlane v23, v1;
	_ =	sdelay $0x1  }
0x3bf: {  	vm14 =	vlt.s32 v23, v24  }
0x3c0: {  	v23 =	vsel vm14, v23, v24  }
0x3c1: {  	v24 =	vperm.xlane v23, v2;
	_ =	sdelay $0x1  }
0x3c2: {  	vm14 =	vlt.s32 v23, v24  }
0x3c3: {  	v23 =	vsel vm14, v23, v24  }
0x3c4: {  	v24 =	vperm.xlane v23, v3;
	_ =	sdelay $0x1  }
0x3c5: {  	vm14 =	vlt.s32 v23, v24  }
0x3c6: {  	v23 =	vsel vm14, v23, v24  }
0x3c7: {  	(v2sf) =	vpush v23, $0x0;
	_ =	sdelay $0xe  }
0x3c8: {  	s4 =	spop (v2sf)  }
0x3c9: {  	s8 =	sand.u32 $0xF, s4  }
0x3ca: {  	s11 =	sshra.s32 s4, $0x1F;
	p5 =	slt.s32 s4, $0x1;
	p6 =	sne.s32 s8, $0x0  }
0x3cb: {  	s8 =	sshrl.u32 s11, $0x1C;
	p0 =	por !p5, !p6  }
0x3cc: {  	s3 =	simm.s32 $0x1;
	s2 =	sadd.s32 s8, s4;
	p0 =	por !p0, !p0  }
0x3cd: {  	s2 =	sshrl.u32 s2, $0x4;
	s3 =	simm.s32 @!p0 $0x0  }
0x3ce: {  	s2 =	ssub.s32 s2, s3  }
0x3cf: {  	s2 =	sshll.u32 s2, $0x4  }
0x3d0: {  	s3 =	sadd.s32 $0x300, s6;
	s11 =	sand.u32 $0xFFFFFF80, s2  }
0x3d1: {  	s8 =	sand.u32 $0xF, s7;
	s3 =	sadd.s32 s11, s3;
	s11 =	sand.u32 $0x70, s2  }
0x3d2: {  	p2 =	slt.s32 s7, $0x1;
	p1 =	sne.s32 s8, $0x0;
	s3 =	sor.u32 s11, s3  }
0x3d3: {  	p0 =	por !p2, !p1;
	s11 =	sshra.s32 s7, $0x1F;
	v33 =	vld [tilespmem:s3+$0x0]  }
0x3d4: {  	p0 =	por !p0, !p0;
	s8 =	sshrl.u32 s11, $0x1C  }
0x3d5: {  	s2 =	ssub.s32 s4, s2;
	s7 =	sadd.s32 s8, s7;
	s8 =	simm.s32 $0x1  }
0x3d6: {  	v34 =	vmov s2;
	s7 =	sshrl.u32 s7, $0x4;
	s8 =	simm.s32 @!p0 $0x0  }
0x3d7: {  	vm14 =	veq.s32 v34, v4;
	s7 =	ssub.s32 s7, s8  }
0x3d8: {  	s11 =	sshll.u32 s7, $0x4;
	v23 =	vsel vm14, $0x7F800000, v33  }
0x3d9: {  	v35 =	vld [tilespmem:s11+$0x180];
	[tilespmem:s3+$0x0] =	vst v23  }
0x3da: {  	v23 =	vld [tilespmem:s6+$0x300]  }
0x3db: {  	v36 =	vld [tilespmem:s6+$0x310]  }
0x3dc: {  	v37 =	vld [tilespmem:s6+$0x320]  }
0x3dd: {  	v38 =	vld [tilespmem:s6+$0x330]  }
0x3de: {  	v39 =	vld [tilespmem:s6+$0x340]  }
0x3df: {  	v40 =	vld [tilespmem:s6+$0x350]  }
0x3e0: {  	v41 =	vld [tilespmem:s6+$0x360];
	v23 =	vmin.f32 v23, v36  }
0x3e1: {  	v42 =	vld [tilespmem:s6+$0x370];
	v23 =	vmin.f32 v23, v37  }
0x3e2: {  	v23 =	vmin.f32 v23, v38  }
0x3e3: {  	v23 =	vmin.f32 v23, v39  }
0x3e4: {  	v23 =	vmin.f32 v23, v40  }
0x3e5: {  	v23 =	vmin.f32 v23, v41  }
0x3e6: {  	v23 =	vmin.f32 v23, v42  }
0x3e7: {  	v43 =	vperm.xlane v23, v0;
	_ =	sdelay $0x1  }
0x3e8: {  	v23 =	vmin.f32 v23, v43  }
0x3e9: {  	v25 =	vperm.xlane v23, v1;
	_ =	sdelay $0x1  }
0x3ea: {  	v23 =	vmin.f32 v23, v25  }
0x3eb: {  	v25 =	vperm.xlane v23, v2;
	_ =	sdelay $0x1  }
0x3ec: {  	v23 =	vmin.f32 v23, v25  }
0x3ed: {  	v25 =	vperm.xlane v23, v3;
	_ =	sdelay $0x1  }
0x3ee: {  	vm14 =	veq.s32 v22, v4;
	v44 =	vmin.f32 v23, v25  }
0x3ef: {  	v22 =	vsel vm14, v44, v21  }
0x3f0: {  	v21 =	vperm.xlane v22, v0;
	_ =	sdelay $0x1  }
0x3f1: {  	v21 =	vmin.f32 v22, v21  }
0x3f2: {  	v45 =	vperm.xlane v21, v1;
	_ =	sdelay $0x1  }
0x3f3: {  	v21 =	vmin.f32 v21, v45  }
0x3f4: {  	v23 =	vperm.xlane v21, v2;
	_ =	sdelay $0x1  }
0x3f5: {  	v21 =	vmin.f32 v21, v23  }
0x3f6: {  	v23 =	vperm.xlane v21, v3;
	_ =	sdelay $0x1  }
0x3f7: {  	v21 =	vmin.f32 v21, v23  }
0x3f8: {  	vm14 =	veq.f32 v22, v21  }
0x3f9: {  	v22 =	vnsel vm14, $0x10, v4  }
0x3fa: {  	v46 =	vperm.xlane v22, v0;
	_ =	sdelay $0x1  }
0x3fb: {  	vm14 =	vlt.s32 v22, v46  }
0x3fc: {  	v22 =	vsel vm14, v22, v46  }
0x3fd: {  	v23 =	vperm.xlane v22, v1;
	_ =	sdelay $0x1  }
0x3fe: {  	vm14 =	vlt.s32 v22, v23  }
0x3ff: {  	v22 =	vsel vm14, v22, v23  }
0x400: {  	v23 =	vperm.xlane v22, v2;
	_ =	sdelay $0x1  }
0x401: {  	s2 =	ssub.s32 s5, s11;
	vm14 =	vlt.s32 v22, v23  }
0x402: {  	s2 =	sadd.s32 s2, s25;
	v22 =	vsel vm14, v22, v23  }
0x403: {  	v47 =	vadd.s32 s2, v4;
	v48 =	vperm.xlane v22, v3  }
0x404: {  	v23 =	vperm.xlane v35, v47  }
0x405: {  	vm14 =	vlt.s32 v22, v48  }
0x406: {  	(v2sf) =	vpush v23, $0x0;
	v22 =	vsel vm14, v22, v48  }
0x407: {  	(v2sf) =	vpush v22, $0x0;
	_ =	sdelay $0xd  }
0x408: {  	s5 =	spop (v2sf)  }
0x409: {  	s2 =	spop (v2sf)  }
0x40a: {  	s3 =	sadd.s32 s25, s2  }
0x40b: {  	s7 =	sshll.u32 s3, $0x9  }
0x40c: {  	s6 =	sshra.s32 s7, $0x2  }
0x40d: {  	v49 =	vld [tilespmem:s6+$0x370]  }
0x40e: {  	v50 =	vld [tilespmem:s6+$0x360]  }
0x40f: {  	v51 =	vld [tilespmem:s6+$0x350]  }
0x410: {  	v52 =	vld [tilespmem:s6+$0x340]  }
0x411: {  	v53 =	vld [tilespmem:s6+$0x330]  }
0x412: {  	v54 =	vld [tilespmem:s6+$0x320];
	vm14 =	veq.f32 v49, v21  }
0x413: {  	v55 =	vld [tilespmem:s6+$0x310];
	v22 =	vnsel vm14, $0x400, v5;
	vm14 =	veq.f32 v50, v21  }
0x414: {  	v56 =	vld [tilespmem:s6+$0x300];
	v22 =	vsel vm14, v6, v22;
	vm14 =	veq.f32 v51, v21  }
0x415: {  	v22 =	vsel vm14, v7, v22;
	vm14 =	veq.f32 v52, v21  }
0x416: {  	v22 =	vsel vm14, v8, v22;
	vm14 =	veq.f32 v53, v21  }
0x417: {  	v22 =	vsel vm14, v9, v22;
	vm14 =	veq.f32 v54, v21  }
0x418: {  	v22 =	vsel vm14, v10, v22;
	vm14 =	veq.f32 v55, v21  }
0x419: {  	v22 =	vsel vm14, v11, v22;
	vm14 =	veq.f32 v56, v21  }
0x41a: {  	v22 =	vsel vm14, v4, v22  }
0x41b: {  	v57 =	vperm.xlane v22, v0;
	_ =	sdelay $0x1  }
0x41c: {  	vm14 =	vlt.s32 v22, v57  }
0x41d: {  	v22 =	vsel vm14, v22, v57  }
0x41e: {  	v23 =	vperm.xlane v22, v1;
	_ =	sdelay $0x1  }
0x41f: {  	vm14 =	vlt.s32 v22, v23  }
0x420: {  	v22 =	vsel vm14, v22, v23  }
0x421: {  	v23 =	vperm.xlane v22, v2;
	_ =	sdelay $0x1  }
0x422: {  	vm14 =	vlt.s32 v22, v23  }
0x423: {  	v22 =	vsel vm14, v22, v23  }
0x424: {  	v23 =	vperm.xlane v22, v3;
	_ =	sdelay $0x1  }
0x425: {  	vm14 =	vlt.s32 v22, v23  }
0x426: {  	v22 =	vsel vm14, v22, v23  }
0x427: {  	(v2sf) =	vpush v22, $0x0;
	_ =	sdelay $0x1  }
0x428: {  	s8 =	sand.u32 $0xF, s3  }
0x429: {  	s11 =	sshra.s32 s3, $0x1F;
	p4 =	slt.s32 s3, $0x1;
	p3 =	sne.s32 s8, $0x0  }
0x42a: {  	s7 =	sshrl.u32 s11, $0x1C;
	p0 =	por !p4, !p3  }
0x42b: {  	s3 =	sadd.s32 s7, s3;
	s7 =	simm.s32 $0x1;
	p0 =	por !p0, !p0  }
0x42c: {  	s3 =	sshrl.u32 s3, $0x4;
	s7 =	simm.s32 @!p0 $0x0  }
0x42d: {  	s3 =	ssub.s32 s3, s7  }
0x42e: {  	s3 =	sshll.u32 s3, $0x4  }
0x42f: {  	v58 =	vld [tilespmem:s3+$0x180];
	_ =	sdelay $0x1  }
0x430: {  	s2 =	ssub.s32 s2, s3  }
0x431: {  	s2 =	sadd.s32 s2, s25  }
0x432: {  	v59 =	vadd.s32 s2, v4  }
0x433: {  	v22 =	vperm.xlane v58, v59  }
0x434: {  	s2 =	spop (v2sf)  }
0x435: {  	(v2sf) =	vpush v22, $0x0;
	s7 =	sand.u32 $0xF, s2  }
0x436: {  	s8 =	sshra.s32 s2, $0x1F;
	p5 =	slt.s32 s2, $0x1;
	p6 =	sne.s32 s7, $0x0  }
0x437: {  	s11 =	sshrl.u32 s8, $0x1C;
	p0 =	por !p5, !p6  }
0x438: {  	s7 =	simm.s32 $0x1;
	s3 =	sadd.s32 s11, s2;
	p0 =	por !p0, !p0  }
0x439: {  	s3 =	sshrl.u32 s3, $0x4;
	s7 =	simm.s32 @!p0 $0x0  }
0x43a: {  	s3 =	ssub.s32 s3, s7  }
0x43b: {  	s26 =	sadd.s32 s28, s26;
	s3 =	sshll.u32 s3, $0x4  }
0x43c: {  	v12 =	vnsel vm0, $0x7F800000, v12;
	v60 =	vmov s26;
	s6 =	sadd.s32 $0x300, s6;
	vm14 =	vcmask $0x300;
	s28 =	sand.u32 $0xFFFFFF80, s3  }
0x43d: {  	v12 =	vsel vm1, v12, v13;
	s30 =	sadd.s32 s30, s29;
	v61 =	vnsel vm14, $0x0, v60;
	vm14 =	vcmask $0x704;
	s11 =	sand.u32 $0x70, s3;
	s6 =	sadd.s32 s28, s6  }
0x43e: {  	v12 =	vsel vm2, v12, v14;
	s0 =	sadd.s32 s0, s31;
	v13 =	vsel vm14, s30, v61;
	vm14 =	vcmask $0xB08;
	s6 =	sor.u32 s11, s6  }
0x43f: {  	v12 =	vsel vm3, v12, v15;
	s1 =	sadd.s32 s10, s1;
	v13 =	vsel vm14, s0, v13;
	vm14 =	vcmask $0xF0C;
	v62 =	vld [tilespmem:s6+$0x0]  }
0x440: {  	v12 =	vsel vm4, v12, v16;
	s13 =	sadd.s32 s13, s12;
	v13 =	vsel vm14, s1, v13;
	vm14 =	vcmask $0x1310  }
0x441: {  	v12 =	vsel vm5, v12, v17;
	s14 =	sadd.s32 s15, s14;
	v13 =	vsel vm14, s13, v13;
	s15 =	ssub.s32 s2, s3  }
0x442: {  	v12 =	vsel vm6, v12, v18;
	s26 =	sadd.s32 s17, s16;
	v13 =	vsel vm15, s14, v13;
	p0 =	sne.s32 s25, $0x136;
	v63 =	vmov s15  }
.Ltmp0:
0x443: {  	v12 =	vsel vm7, v12, v19;
	v13 =	vsel vm10, s26, v13;
	s28 =	sadd.s32 s20, s19;
	vm14 =	veq.s32 v63, v4;
	(pc) =	sbr.rel @p0 .LBB2_2-.Ltmp0, $4  }
0x444: {  	v12 =	vsel vm8, v12, v20;
	s29 =	sadd.s32 s5, s4;
	v13 =	vsel vm11, s28, v13;
	s30 =	spop (v2sf);
	v14 =	vsel vm14, $0x7F800000, v62  }
0x445: {  	v12 =	vsel vm9, v12, v21;
	v13 =	vsel vm12, s29, v13;
	s31 =	sadd.s32 s30, s2;
	[tilespmem:s6+$0x0] =	vst v14  }
0x446: {  	s22 =	sadd.s32 $0x500, s22;
	v13 =	vsel vm13, s31, v13;
	[tilespmem:s24+$0x0] =	vst v12  }
0x447: {  	s25 =	sadd.s32 $0xA, s25;
	s24 =	sadd.s32 $0x80, s24;
	[tilespmem:s23+$0x0] =	vst v13;
	s23 =	sadd.s32 $0x80, s23  }
0x448: {  	s10 =	simm.s32 $0x0;
	s0 =	rddreg [dreg:$0x7];
	s1 =	simm.s32 $0xA300  }
0x449: {  	[hbm4b:s0+s10] =	stream.linear.scatter [tilespmem:s1], [sflag:$0x2], $0x1000, $0x38;
	[tilespmem:$0xC300] =	vst v63  }
0x44a: {  	_ =	swait.ge [sflag:s9], $0x1000  }
0x44b: {  	[sflag:s9] =	ssyncset.done $0x0  }
0x44c: {  	s30 =	simm.s32 $0xB300;
	s29 =	rddreg [dreg:$0x8];
	[sflag:s9] =	ssyncadd.s32 $0xFFFFF000  }
0x44d: {  	[hbm4b:s29+s10] =	stream.linear.scatter [tilespmem:s30], [sflag:$0x2], $0x1000, $0x38;
	[tilespmem:$0xC300] =	vst v63  }
0x44e: {  	_ =	swait.ge [sflag:s9], $0x1000  }
0x44f: {  	s21 =	sadd.s32 $0x1, s21;
	s31 =	rddreg [dreg:$0x9]  }
0x450: {  	p0 =	sne.s32 s21, s31  }
.Ltmp1:
0x451: {  	_ = 	snop;
	(pc) =	sbr.rel @p0 .LBB2_1-.Ltmp1, $3  }
0x452: {  	_ =	sdelay $0x1  }
0x453: {  	[sflag:s9] =	ssyncset.done $0x0  }
0x454: {  	[sflag:s9] =	ssyncadd.s32 $0xFFFFF000  }
0x455: {  	_ =	sfence.sel $0x180000  }
0x456: {  	[bflag:$0x0] =	sbarrier.arrive $0xFFFF  }
0x457: {  	_ =	strace $0x90000047  }
0x458: {  	s0 =	stileid.u32;
	[bflag:$0x2] =	sbarrier.arrive $0xFFFF  }
0x459: {  	p0 =	sne.s32 s0, $0x0;
	s0 =	rddreg [dreg:$0x3]  }
0x45a: {  	s0 =	sadd.s32 @!p0 $0x100000, s0  }
0x45b: {  	[sflag:s0] =	ssyncadd.tile.s32 @!p0 $0x1;
	_ =	shalt  }
.Lfunc_end2:
_tile_overlayer_lowered:
.L_overlay_start_2:
0x45c: {  	(tag) =	ssettag $0x2  }
0x45d: {  	s0 =	rddreg [dreg:$0x0];
	s2 =	stileid.u32  }
0x45e: {  	s1 =	rddreg [dreg:$0x1];
	p0 =	sne.s32 s2, $0x0  }
0x45f: {  	s3 =	rddreg [dreg:$0x2];
	[bflag:$0x3] =	sbarrier.arrive $0xFFFF;
	s2 =	simm.s32 @!p0 $0x1C02  }
0x460: {  	[timem:s3], [sflag:s2] =	dma.local @!p0 [hbm:s0], s1  }
0x461: {  	s0 =	simm.s32 @!p0 $0x2  }
0x462: {  	_ =	swait.ge @!p0 [sflag:s0], s1  }
0x463: {  	s1 =	ssub.s32 @!p0 $0x0, s1;
	[sflag:s0] =	ssyncset.done @!p0 $0x0  }
0x464: {  	[sflag:s0] =	ssyncadd.s32 @!p0 s1  }
0x465: {  	[bflag:$0x3] =	sbarrier.arrive $0xFFFF  }
0x466: {  	_ =	shalt  }

</sc_bundles>
